<compile_context>
chip_gen: v7x
topology: tpu7x:2x2x1
jax: 0.10.2.dev20260603
libtpu: 0.0.44.dev20260713+nightly
codegen_flags: <defaults>
</compile_context>

<pallas_src>
import functools
import jax
import jax.numpy as jnp
from jax import lax
from jax.experimental import pallas as pl
from jax.experimental.pallas import tpu as pltpu
from jax.experimental.pallas import tpu_sc as plsc

_H, _W, _NH = 32, 32, 16
_L = _H * _W
_KH = 2 * _H - 1
_KW = 2 * _W - 1
_NC = 2
_KPAD = 64
_SPLIT = 12
_SC_HEADS = _NH - _SPLIT
_CHUNKS_PER_WORKER = _SC_HEADS



def _tc_kernel(rh_ref, rw_ref, out_ref):
    u = rh_ref[0, 0, :]
    v = rw_ref[0, 0, :]

    r = lax.broadcasted_iota(jnp.int32, (_H, _H, _KH), 0)
    rp = lax.broadcasted_iota(jnp.int32, (_H, _H, _KH), 1)
    k = lax.broadcasted_iota(jnp.int32, (_H, _H, _KH), 2)
    oh = (r - rp + (_H - 1) == k).astype(jnp.float32)
    A = jnp.sum(oh * u[None, None, :], axis=-1)
    B = jnp.sum(oh * v[None, None, :], axis=-1)

    i = lax.broadcasted_iota(jnp.int32, (_L, _H), 0)
    g = lax.broadcasted_iota(jnp.int32, (_L, _H), 1)
    E = (i // _W == g).astype(jnp.float32)
    F = (i % _W == g).astype(jnp.float32)
    g2 = lax.broadcasted_iota(jnp.int32, (_H, _L), 0)
    j = lax.broadcasted_iota(jnp.int32, (_H, _L), 1)
    Et = (j // _W == g2).astype(jnp.float32)
    Ft = (j % _W == g2).astype(jnp.float32)

    xa = jnp.dot(E, A, preferred_element_type=jnp.float32)
    xb = jnp.dot(F, B, preferred_element_type=jnp.float32)
    out_ref[0, :, :] = (
        jnp.dot(xa, Et, preferred_element_type=jnp.float32)
        + jnp.dot(xb, Ft, preferred_element_type=jnp.float32)
    )


def _tc_part(rel_height, rel_width):
    rh = rel_height.T[:_SPLIT].reshape(_SPLIT, 1, _KH)
    rw = rel_width.T[:_SPLIT].reshape(_SPLIT, 1, _KW)
    return pl.pallas_call(
        _tc_kernel,
        grid=(_SPLIT,),
        in_specs=[
            pl.BlockSpec((1, 1, _KH), lambda h: (h, 0, 0)),
            pl.BlockSpec((1, 1, _KW), lambda h: (h, 0, 0)),
        ],
        out_specs=pl.BlockSpec((1, _L, _L), lambda h: (h, 0, 0)),
        out_shape=jax.ShapeDtypeStruct((_SPLIT, _L, _L), jnp.float32),
    )(rh, rw)



def _sc_body(rh_hbm, rw_hbm, out_hbm, u_v, v_v, abuf, buf0, buf1, sem0, sem1):
    wid = lax.axis_index("s") * _NC + lax.axis_index("c")
    c0 = wid * _CHUNKS_PER_WORKER
    h = c0 // _H
    ri0 = c0 % _H

    pltpu.sync_copy(rh_hbm.at[h], u_v)
    pltpu.sync_copy(rw_hbm.at[h], v_v)

    lane = lax.broadcasted_iota(jnp.int32, (16,), 0)
    zeros16 = jnp.zeros((16,), jnp.int32)

    def fill_chunk(ri, buf, sem):
        for g in range(_H):
            abuf[g, :] = plsc.load_gather(u_v, [zeros16 + (ri + 31 - g)])

        @plsc.parallel_loop(0, _W, unroll=2)
        def ci_body(ci):
            b_lo = plsc.load_gather(v_v, [(ci + 31) - lane])
            b_hi = plsc.load_gather(v_v, [(ci + 15) - lane])
            for g in range(_H):
                a = abuf[g, :]
                buf[ci, pl.ds(32 * g, 16)] = b_lo + a
                buf[ci, pl.ds(32 * g + 16, 16)] = b_hi + a

        pltpu.async_copy(buf, out_hbm.at[h, pl.ds(ri * 32, 32)], sem)

    def body(k, carry):
        ri = ri0 + 2 * k

        @pl.when(k > 0)
        def _():
            pltpu.make_async_copy(
                buf0, out_hbm.at[h, pl.ds((ri - 2) * 32, 32)], sem0
            ).wait()

        fill_chunk(ri, buf0, sem0)

        @pl.when(k > 0)
        def _():
            pltpu.make_async_copy(
                buf1, out_hbm.at[h, pl.ds((ri - 1) * 32, 32)], sem1
            ).wait()

        fill_chunk(ri + 1, buf1, sem1)
        return carry

    lax.fori_loop(0, _CHUNKS_PER_WORKER // 2, body, 0)

    last = ri0 + _CHUNKS_PER_WORKER - 2
    pltpu.make_async_copy(buf0, out_hbm.at[h, pl.ds(last * 32, 32)], sem0).wait()
    pltpu.make_async_copy(
        buf1, out_hbm.at[h, pl.ds((last + 1) * 32, 32)], sem1
    ).wait()


def _sc_part(rel_height, rel_width):
    rh = (
        jnp.zeros((_SC_HEADS, _KPAD), jnp.float32)
        .at[:, :_KH]
        .set(rel_height.T[_SPLIT:])
    )
    rw = (
        jnp.zeros((_SC_HEADS, _KPAD), jnp.float32)
        .at[:, :_KW]
        .set(rel_width.T[_SPLIT:])
    )
    mesh = plsc.VectorSubcoreMesh(core_axis_name="c", subcore_axis_name="s")
    f = pl.kernel(
        _sc_body,
        out_type=jax.ShapeDtypeStruct((_SC_HEADS, _L, _L), jnp.float32),
        mesh=mesh,
        scratch_types=[
            pltpu.VMEM((_KPAD,), jnp.float32),
            pltpu.VMEM((_KPAD,), jnp.float32),
            pltpu.VMEM((_H, 16), jnp.float32),
            pltpu.VMEM((_H, _L), jnp.float32),
            pltpu.VMEM((_H, _L), jnp.float32),
            pltpu.SemaphoreType.DMA,
            pltpu.SemaphoreType.DMA,
        ],
        compiler_params=pltpu.CompilerParams(needs_layout_passes=False),
    )
    return f(rh, rw)


def kernel(rel_height, rel_width):
    tc_out = _tc_part(rel_height, rel_width)
    sc_out = _sc_part(rel_height, rel_width)
    return jnp.concatenate([tc_out, sc_out], axis=0)

# --- scband reference (transcript-rebuilt; emitter-appended) ---
"""Pipeline reference for scband-relative-position-bias2-d-70712341561474 (READ-ONLY COPY).

The authoritative reference and input builder live on the scoring server;
editing this copy changes nothing except your own understanding.
"""

import jax, jax.numpy as jnp
import numpy as np

H, W, N_HEADS = 32, 32, 16

def setup_inputs(seed: int = 0) -> dict:
    key = jax.random.key(seed)
    k1, k2 = jax.random.split(key)
    rel_height = jax.random.normal(k1, (2 * H - 1, N_HEADS), dtype=jnp.float32) * 0.02
    rel_width = jax.random.normal(k2, (2 * W - 1, N_HEADS), dtype=jnp.float32) * 0.02
    return {"rel_height": rel_height, "rel_width": rel_width}

def reference(rel_height, rel_width):
    positions = jnp.arange(H * W, dtype=jnp.int32)
    row = positions // W
    col = positions % W
    delta_x_index = row[:, None] - row[None, :] + (H - 1)   # (L, L) in [0, 2H-2]
    delta_y_index = col[:, None] - col[None, :] + (W - 1)   # (L, L) in [0, 2W-2]
    bias_x = jnp.take(rel_height, delta_x_index, axis=0)    # (L, L, n_heads)
    bias_y = jnp.take(rel_width, delta_y_index, axis=0)     # (L, L, n_heads)
    bias = bias_x + bias_y
    bias = jnp.transpose(bias, (2, 0, 1))                   # (n_heads, L, L)
    return bias

if __name__ == "__main__":
    import jax
    _d = setup_inputs()
    print(jax.jit(kernel)(*tuple(_d.values())))

</pallas_src>

<mosaic_0001>
#map = affine_map<(d0, d1) -> (0, 0)>
#map1 = affine_map<(d0, d1) -> (0, 0, 0)>
module attributes {stable_mosaic.version = 14 : i64} {
  func.func @_sc_body(%arg0: i32, %arg1: i32, %arg2: memref<4x64xf32, #tpu.memory_space<hbm>>, %arg3: memref<4x64xf32, #tpu.memory_space<hbm>>, %arg4: memref<4x1024x1024xf32, #tpu.memory_space<hbm>>, %arg5: memref<64xf32, #tpu.memory_space<vmem>>, %arg6: memref<64xf32, #tpu.memory_space<vmem>>, %arg7: memref<32x16xf32, #tpu.memory_space<vmem>>, %arg8: memref<32x1024xf32, #tpu.memory_space<vmem>>, %arg9: memref<32x1024xf32, #tpu.memory_space<vmem>>, %arg10: memref<!tpu.dma_semaphore, #tpu.memory_space<semaphore_mem>>, %arg11: memref<!tpu.dma_semaphore, #tpu.memory_space<semaphore_mem>>) attributes {dimension_semantics = [#tpu.dimension_semantics<core_parallel>, #tpu.dimension_semantics<subcore_parallel>], iteration_bounds = array<i64: 2, 16>, scalar_prefetch = 0 : i64, scratch_operands = 7 : i64, tpu.core_type = #tpu.core_type<sc_vector_subcore>, window_params = [{transform_indices = #map}, {transform_indices = #map}, {transform_indices = #map1}]} {
    %mul3A = arith.constant 2 : i32
    %mul3A_0 = arith.muli %arg1, %mul3A : i32
    %add3A = arith.addi %mul3A_0, %arg0 : i32
    %mul3A_1 = arith.constant 4 : i32
    %mul3A_2 = arith.muli %add3A, %mul3A_1 : i32
    %jit3A = arith.constant 32 : i32
    %div3A = arith.divsi %mul3A_2, %jit3A : i32
    %sign3A = arith.constant 0 : i32
    %sign3A_3 = arith.cmpi sgt, %mul3A_2, %sign3A : i32
    %sign3A_4 = arith.extui %sign3A_3 : i1 to i32
    %sign3A_5 = arith.constant 0 : i32
    %sign3A_6 = arith.cmpi slt, %mul3A_2, %sign3A_5 : i32
    %sign3A_7 = arith.extui %sign3A_6 : i1 to i32
    %sign3A_8 = arith.subi %sign3A_4, %sign3A_7 : i32
    %sign3A_9 = arith.constant 0 : i32
    %sign3A_10 = arith.cmpi sgt, %jit3A, %sign3A_9 : i32
    %sign3A_11 = arith.extui %sign3A_10 : i1 to i32
    %sign3A_12 = arith.constant 0 : i32
    %sign3A_13 = arith.cmpi slt, %jit3A, %sign3A_12 : i32
    %sign3A_14 = arith.extui %sign3A_13 : i1 to i32
    %sign3A_15 = arith.subi %sign3A_11, %sign3A_14 : i32
    %ne3A = arith.cmpi ne, %sign3A_8, %sign3A_15 : i32
    %rem3A = arith.remsi %mul3A_2, %jit3A : i32
    %ne3A_16 = arith.constant 0 : i32
    %ne3A_17 = arith.cmpi ne, %rem3A, %ne3A_16 : i32
    %and3A = arith.andi %ne3A, %ne3A_17 : i1
    %sub3A = arith.constant 1 : i32
    %sub3A_18 = arith.subi %div3A, %sub3A : i32
    %select_n3A = arith.select %and3A, %sub3A_18, %div3A : i32
    %jit3A_19 = arith.constant 32 : i32
    %eq3A = arith.constant 0 : i32
    %eq3A_20 = arith.cmpi eq, %jit3A_19, %eq3A : i32
    %jit3A_21 = arith.constant 1 : i32
    %select_n3A_22 = arith.select %eq3A_20, %jit3A_21, %jit3A_19 : i32
    %rem3A_23 = arith.remsi %mul3A_2, %select_n3A_22 : i32
    %ne3A_24 = arith.constant 0 : i32
    %ne3A_25 = arith.cmpi ne, %rem3A_23, %ne3A_24 : i32
    %lt3A = arith.constant 0 : i32
    %lt3A_26 = arith.cmpi slt, %rem3A_23, %lt3A : i32
    %lt3A_27 = arith.constant 0 : i32
    %lt3A_28 = arith.cmpi slt, %select_n3A_22, %lt3A_27 : i32
    %ne3A_29 = arith.xori %lt3A_26, %lt3A_28 : i1
    %and3A_30 = arith.andi %ne3A_29, %ne3A_25 : i1
    %add3A_31 = arith.addi %rem3A_23, %select_n3A_22 : i32
    %select_n3A_32 = arith.select %and3A_30, %add3A_31, %rem3A_23 : i32
    "tpu.region"() ({
      %run_scoped3A = tpu.sem_alloc : memref<!tpu.dma_semaphore, #tpu.memory_space<semaphore_mem>>
      %dma_start3A = arith.constant 0 : i32
      %dma_start3A_60 = tpu.memref_slice %arg2[%select_n3A, %dma_start3A] : memref<4x64xf32, #tpu.memory_space<hbm>> -> memref<1x64xf32, #tpu.memory_space<hbm>>
      %dma_start3A_61 = tpu.memref_squeeze %dma_start3A_60 : memref<1x64xf32, #tpu.memory_space<hbm>> -> memref<64xf32, #tpu.memory_space<hbm>>
      %dma_start3A_62 = arith.constant 0 : i32
      %dma_start3A_63 = tpu.memref_slice %arg2[%select_n3A, %dma_start3A_62] : memref<4x64xf32, #tpu.memory_space<hbm>> -> memref<1x64xf32, #tpu.memory_space<hbm>>
      %dma_start3A_64 = tpu.memref_squeeze %dma_start3A_63 : memref<1x64xf32, #tpu.memory_space<hbm>> -> memref<64xf32, #tpu.memory_space<hbm>>
      tpu.enqueue_dma source(%dma_start3A_64 : memref<64xf32, #tpu.memory_space<hbm>>) target(%arg5 : memref<64xf32, #tpu.memory_space<vmem>>) target_semaphore(%run_scoped3A : memref<!tpu.dma_semaphore, #tpu.memory_space<semaphore_mem>>)
      %dma_wait3A_65 = arith.constant 0 : i32
      %dma_wait3A_66 = tpu.memref_slice %arg2[%select_n3A, %dma_wait3A_65] : memref<4x64xf32, #tpu.memory_space<hbm>> -> memref<1x64xf32, #tpu.memory_space<hbm>>
      %dma_wait3A_67 = tpu.memref_squeeze %dma_wait3A_66 : memref<1x64xf32, #tpu.memory_space<hbm>> -> memref<64xf32, #tpu.memory_space<hbm>>
      %dma_wait3A_68 = arith.constant 0 : i32
      %dma_wait3A_69 = tpu.memref_slice %arg2[%select_n3A, %dma_wait3A_68] : memref<4x64xf32, #tpu.memory_space<hbm>> -> memref<1x64xf32, #tpu.memory_space<hbm>>
      %dma_wait3A_70 = tpu.memref_squeeze %dma_wait3A_69 : memref<1x64xf32, #tpu.memory_space<hbm>> -> memref<64xf32, #tpu.memory_space<hbm>>
      tpu.wait_dma2 semaphore(%run_scoped3A : memref<!tpu.dma_semaphore, #tpu.memory_space<semaphore_mem>>) src(%dma_wait3A_70 : memref<64xf32, #tpu.memory_space<hbm>>) dst(%arg5 : memref<64xf32, #tpu.memory_space<vmem>>)
      tpu.yield
    }) : () -> ()
    "tpu.region"() ({
      %run_scoped3A = tpu.sem_alloc : memref<!tpu.dma_semaphore, #tpu.memory_space<semaphore_mem>>
      %dma_start3A = arith.constant 0 : i32
      %dma_start3A_60 = tpu.memref_slice %arg3[%select_n3A, %dma_start3A] : memref<4x64xf32, #tpu.memory_space<hbm>> -> memref<1x64xf32, #tpu.memory_space<hbm>>
      %dma_start3A_61 = tpu.memref_squeeze %dma_start3A_60 : memref<1x64xf32, #tpu.memory_space<hbm>> -> memref<64xf32, #tpu.memory_space<hbm>>
      %dma_start3A_62 = arith.constant 0 : i32
      %dma_start3A_63 = tpu.memref_slice %arg3[%select_n3A, %dma_start3A_62] : memref<4x64xf32, #tpu.memory_space<hbm>> -> memref<1x64xf32, #tpu.memory_space<hbm>>
      %dma_start3A_64 = tpu.memref_squeeze %dma_start3A_63 : memref<1x64xf32, #tpu.memory_space<hbm>> -> memref<64xf32, #tpu.memory_space<hbm>>
      tpu.enqueue_dma source(%dma_start3A_64 : memref<64xf32, #tpu.memory_space<hbm>>) target(%arg6 : memref<64xf32, #tpu.memory_space<vmem>>) target_semaphore(%run_scoped3A : memref<!tpu.dma_semaphore, #tpu.memory_space<semaphore_mem>>)
      %dma_wait3A_65 = arith.constant 0 : i32
      %dma_wait3A_66 = tpu.memref_slice %arg3[%select_n3A, %dma_wait3A_65] : memref<4x64xf32, #tpu.memory_space<hbm>> -> memref<1x64xf32, #tpu.memory_space<hbm>>
      %dma_wait3A_67 = tpu.memref_squeeze %dma_wait3A_66 : memref<1x64xf32, #tpu.memory_space<hbm>> -> memref<64xf32, #tpu.memory_space<hbm>>
      %dma_wait3A_68 = arith.constant 0 : i32
      %dma_wait3A_69 = tpu.memref_slice %arg3[%select_n3A, %dma_wait3A_68] : memref<4x64xf32, #tpu.memory_space<hbm>> -> memref<1x64xf32, #tpu.memory_space<hbm>>
      %dma_wait3A_70 = tpu.memref_squeeze %dma_wait3A_69 : memref<1x64xf32, #tpu.memory_space<hbm>> -> memref<64xf32, #tpu.memory_space<hbm>>
      tpu.wait_dma2 semaphore(%run_scoped3A : memref<!tpu.dma_semaphore, #tpu.memory_space<semaphore_mem>>) src(%dma_wait3A_70 : memref<64xf32, #tpu.memory_space<hbm>>) dst(%arg6 : memref<64xf32, #tpu.memory_space<vmem>>)
      tpu.yield
    }) : () -> ()
    %iota3A = tpu.iota {dimensions = array<i32: 0>} : vector<16xi32>
    %broadcast_in_dim3A = arith.constant 0 : i32
    %broadcast_in_dim3A_33 = vector.broadcast %broadcast_in_dim3A : i32 to vector<16xi32>
    %scan3A = arith.constant 0 : i32
    %scan3A_34 = arith.constant 0 : i32
    %scan3A_35 = arith.constant 2 : i32
    %scan3A_36 = arith.addi %scan3A_34, %scan3A_35 : i32
    %scan3A_37 = arith.constant 1 : i32
    scf.for %scan3A_60 = %scan3A_34 to %scan3A_36 step %scan3A_37  : i32 {
      %mul3A_61 = arith.constant 2 : i32
      %mul3A_62 = arith.muli %mul3A_61, %scan3A_60 : i32
      %add3A_63 = arith.addi %select_n3A_32, %mul3A_62 : i32
      %gt3A = arith.constant 0 : i32
      %gt3A_64 = arith.cmpi sgt, %scan3A_60, %gt3A : i32
      %convert_element_type3A = arith.extui %gt3A_64 : i1 to i32
      %cond3A = arith.constant 0 : i32
      %cond3A_65 = arith.cmpi ne, %convert_element_type3A, %cond3A : i32
      scf.if %cond3A_65 {
        %sub3A_795 = arith.constant 2 : i32
        %sub3A_796 = arith.subi %add3A_63, %sub3A_795 : i32
        %mul3A_797 = arith.constant 32 : i32
        %mul3A_798 = arith.muli %sub3A_796, %mul3A_797 : i32
        %dma_wait3A_799 = arith.constant 0 : i32
        %dma_wait3A_800 = tpu.memref_slice %arg4[%select_n3A, %mul3A_798, %dma_wait3A_799] : memref<4x1024x1024xf32, #tpu.memory_space<hbm>> -> memref<1x32x1024xf32, #tpu.memory_space<hbm>>
        %dma_wait3A_801 = tpu.memref_squeeze %dma_wait3A_800 : memref<1x32x1024xf32, #tpu.memory_space<hbm>> -> memref<32x1024xf32, #tpu.memory_space<hbm>>
        %dma_wait3A_802 = arith.constant 0 : i32
        %dma_wait3A_803 = tpu.memref_slice %arg4[%select_n3A, %mul3A_798, %dma_wait3A_802] : memref<4x1024x1024xf32, #tpu.memory_space<hbm>> -> memref<1x32x1024xf32, #tpu.memory_space<hbm>>
        %dma_wait3A_804 = tpu.memref_squeeze %dma_wait3A_803 : memref<1x32x1024xf32, #tpu.memory_space<hbm>> -> memref<32x1024xf32, #tpu.memory_space<hbm>>
        tpu.wait_dma2 semaphore(%arg10 : memref<!tpu.dma_semaphore, #tpu.memory_space<semaphore_mem>>) src(%arg8 : memref<32x1024xf32, #tpu.memory_space<vmem>>) dst(%dma_wait3A_804 : memref<32x1024xf32, #tpu.memory_space<hbm>>)
      } else {
      }
      %add3A_66 = arith.constant 31 : i32
      %add3A_67 = arith.addi %add3A_63, %add3A_66 : i32
      %sub3A_68 = arith.constant 0 : i32
      %sub3A_69 = arith.subi %add3A_67, %sub3A_68 : i32
      %add3A_70 = vector.broadcast %sub3A_69 : i32 to vector<16xi32>
      %add3A_71 = arith.addi %broadcast_in_dim3A_33, %add3A_70 : vector<16xi32>
      %gather3A = tpu.vector_load_idx %arg5[%add3A_71] : memref<64xf32, #tpu.memory_space<vmem>>[vector<16xi32>], vector<16xf32>,
      %swap3A = arith.constant 0 : i32
      %swap3A_72 = arith.index_cast %swap3A : i32 to index
      %swap3A_73 = arith.constant 0 : index
      %swap3A_74 = tpu.vector_load %arg7[%swap3A_72, %swap3A_73] {strides = array<i32>} : memref<32x16xf32, #tpu.memory_space<vmem>>, vector<16xf32>,
      tpu.vector_store %arg7[%swap3A_72, %swap3A_73], %gather3A {strides = array<i32>} : memref<32x16xf32, #tpu.memory_space<vmem>>, vector<16xf32>,
      %add3A_75 = arith.constant 31 : i32
      %add3A_76 = arith.addi %add3A_63, %add3A_75 : i32
      %sub3A_77 = arith.constant 1 : i32
      %sub3A_78 = arith.subi %add3A_76, %sub3A_77 : i32
      %add3A_79 = vector.broadcast %sub3A_78 : i32 to vector<16xi32>
      %add3A_80 = arith.addi %broadcast_in_dim3A_33, %add3A_79 : vector<16xi32>
      %gather3A_81 = tpu.vector_load_idx %arg5[%add3A_80] : memref<64xf32, #tpu.memory_space<vmem>>[vector<16xi32>], vector<16xf32>,
      %swap3A_82 = arith.constant 1 : i32
      %swap3A_83 = arith.index_cast %swap3A_82 : i32 to index
      %swap3A_84 = arith.constant 0 : index
      %swap3A_85 = tpu.vector_load %arg7[%swap3A_83, %swap3A_84] {strides = array<i32>} : memref<32x16xf32, #tpu.memory_space<vmem>>, vector<16xf32>,
      tpu.vector_store %arg7[%swap3A_83, %swap3A_84], %gather3A_81 {strides = array<i32>} : memref<32x16xf32, #tpu.memory_space<vmem>>, vector<16xf32>,
      %add3A_86 = arith.constant 31 : i32
      %add3A_87 = arith.addi %add3A_63, %add3A_86 : i32
      %sub3A_88 = arith.constant 2 : i32
      %sub3A_89 = arith.subi %add3A_87, %sub3A_88 : i32
      %add3A_90 = vector.broadcast %sub3A_89 : i32 to vector<16xi32>
      %add3A_91 = arith.addi %broadcast_in_dim3A_33, %add3A_90 : vector<16xi32>
      %gather3A_92 = tpu.vector_load_idx %arg5[%add3A_91] : memref<64xf32, #tpu.memory_space<vmem>>[vector<16xi32>], vector<16xf32>,
      %swap3A_93 = arith.constant 2 : i32
      %swap3A_94 = arith.index_cast %swap3A_93 : i32 to index
      %swap3A_95 = arith.constant 0 : index
      %swap3A_96 = tpu.vector_load %arg7[%swap3A_94, %swap3A_95] {strides = array<i32>} : memref<32x16xf32, #tpu.memory_space<vmem>>, vector<16xf32>,
      tpu.vector_store %arg7[%swap3A_94, %swap3A_95], %gather3A_92 {strides = array<i32>} : memref<32x16xf32, #tpu.memory_space<vmem>>, vector<16xf32>,
      %add3A_97 = arith.constant 31 : i32
      %add3A_98 = arith.addi %add3A_63, %add3A_97 : i32
      %sub3A_99 = arith.constant 3 : i32
      %sub3A_100 = arith.subi %add3A_98, %sub3A_99 : i32
      %add3A_101 = vector.broadcast %sub3A_100 : i32 to vector<16xi32>
      %add3A_102 = arith.addi %broadcast_in_dim3A_33, %add3A_101 : vector<16xi32>
      %gather3A_103 = tpu.vector_load_idx %arg5[%add3A_102] : memref<64xf32, #tpu.memory_space<vmem>>[vector<16xi32>], vector<16xf32>,
      %swap3A_104 = arith.constant 3 : i32
      %swap3A_105 = arith.index_cast %swap3A_104 : i32 to index
      %swap3A_106 = arith.constant 0 : index
      %swap3A_107 = tpu.vector_load %arg7[%swap3A_105, %swap3A_106] {strides = array<i32>} : memref<32x16xf32, #tpu.memory_space<vmem>>, vector<16xf32>,
      tpu.vector_store %arg7[%swap3A_105, %swap3A_106], %gather3A_103 {strides = array<i32>} : memref<32x16xf32, #tpu.memory_space<vmem>>, vector<16xf32>,
      %add3A_108 = arith.constant 31 : i32
      %add3A_109 = arith.addi %add3A_63, %add3A_108 : i32
      %sub3A_110 = arith.constant 4 : i32
      %sub3A_111 = arith.subi %add3A_109, %sub3A_110 : i32
      %add3A_112 = vector.broadcast %sub3A_111 : i32 to vector<16xi32>
      %add3A_113 = arith.addi %broadcast_in_dim3A_33, %add3A_112 : vector<16xi32>
      %gather3A_114 = tpu.vector_load_idx %arg5[%add3A_113] : memref<64xf32, #tpu.memory_space<vmem>>[vector<16xi32>], vector<16xf32>,
      %swap3A_115 = arith.constant 4 : i32
      %swap3A_116 = arith.index_cast %swap3A_115 : i32 to index
      %swap3A_117 = arith.constant 0 : index
      %swap3A_118 = tpu.vector_load %arg7[%swap3A_116, %swap3A_117] {strides = array<i32>} : memref<32x16xf32, #tpu.memory_space<vmem>>, vector<16xf32>,
      tpu.vector_store %arg7[%swap3A_116, %swap3A_117], %gather3A_114 {strides = array<i32>} : memref<32x16xf32, #tpu.memory_space<vmem>>, vector<16xf32>,
      %add3A_119 = arith.constant 31 : i32
      %add3A_120 = arith.addi %add3A_63, %add3A_119 : i32
      %sub3A_121 = arith.constant 5 : i32
      %sub3A_122 = arith.subi %add3A_120, %sub3A_121 : i32
      %add3A_123 = vector.broadcast %sub3A_122 : i32 to vector<16xi32>
      %add3A_124 = arith.addi %broadcast_in_dim3A_33, %add3A_123 : vector<16xi32>
      %gather3A_125 = tpu.vector_load_idx %arg5[%add3A_124] : memref<64xf32, #tpu.memory_space<vmem>>[vector<16xi32>], vector<16xf32>,
      %swap3A_126 = arith.constant 5 : i32
      %swap3A_127 = arith.index_cast %swap3A_126 : i32 to index
      %swap3A_128 = arith.constant 0 : index
      %swap3A_129 = tpu.vector_load %arg7[%swap3A_127, %swap3A_128] {strides = array<i32>} : memref<32x16xf32, #tpu.memory_space<vmem>>, vector<16xf32>,
      tpu.vector_store %arg7[%swap3A_127, %swap3A_128], %gather3A_125 {strides = array<i32>} : memref<32x16xf32, #tpu.memory_space<vmem>>, vector<16xf32>,
      %add3A_130 = arith.constant 31 : i32
      %add3A_131 = arith.addi %add3A_63, %add3A_130 : i32
      %sub3A_132 = arith.constant 6 : i32
      %sub3A_133 = arith.subi %add3A_131, %sub3A_132 : i32
      %add3A_134 = vector.broadcast %sub3A_133 : i32 to vector<16xi32>
      %add3A_135 = arith.addi %broadcast_in_dim3A_33, %add3A_134 : vector<16xi32>
      %gather3A_136 = tpu.vector_load_idx %arg5[%add3A_135] : memref<64xf32, #tpu.memory_space<vmem>>[vector<16xi32>], vector<16xf32>,
      %swap3A_137 = arith.constant 6 : i32
      %swap3A_138 = arith.index_cast %swap3A_137 : i32 to index
      %swap3A_139 = arith.constant 0 : index
      %swap3A_140 = tpu.vector_load %arg7[%swap3A_138, %swap3A_139] {strides = array<i32>} : memref<32x16xf32, #tpu.memory_space<vmem>>, vector<16xf32>,
      tpu.vector_store %arg7[%swap3A_138, %swap3A_139], %gather3A_136 {strides = array<i32>} : memref<32x16xf32, #tpu.memory_space<vmem>>, vector<16xf32>,
      %add3A_141 = arith.constant 31 : i32
      %add3A_142 = arith.addi %add3A_63, %add3A_141 : i32
      %sub3A_143 = arith.constant 7 : i32
      %sub3A_144 = arith.subi %add3A_142, %sub3A_143 : i32
      %add3A_145 = vector.broadcast %sub3A_144 : i32 to vector<16xi32>
      %add3A_146 = arith.addi %broadcast_in_dim3A_33, %add3A_145 : vector<16xi32>
      %gather3A_147 = tpu.vector_load_idx %arg5[%add3A_146] : memref<64xf32, #tpu.memory_space<vmem>>[vector<16xi32>], vector<16xf32>,
      %swap3A_148 = arith.constant 7 : i32
      %swap3A_149 = arith.index_cast %swap3A_148 : i32 to index
      %swap3A_150 = arith.constant 0 : index
      %swap3A_151 = tpu.vector_load %arg7[%swap3A_149, %swap3A_150] {strides = array<i32>} : memref<32x16xf32, #tpu.memory_space<vmem>>, vector<16xf32>,
      tpu.vector_store %arg7[%swap3A_149, %swap3A_150], %gather3A_147 {strides = array<i32>} : memref<32x16xf32, #tpu.memory_space<vmem>>, vector<16xf32>,
      %add3A_152 = arith.constant 31 : i32
      %add3A_153 = arith.addi %add3A_63, %add3A_152 : i32
      %sub3A_154 = arith.constant 8 : i32
      %sub3A_155 = arith.subi %add3A_153, %sub3A_154 : i32
      %add3A_156 = vector.broadcast %sub3A_155 : i32 to vector<16xi32>
      %add3A_157 = arith.addi %broadcast_in_dim3A_33, %add3A_156 : vector<16xi32>
      %gather3A_158 = tpu.vector_load_idx %arg5[%add3A_157] : memref<64xf32, #tpu.memory_space<vmem>>[vector<16xi32>], vector<16xf32>,
      %swap3A_159 = arith.constant 8 : i32
      %swap3A_160 = arith.index_cast %swap3A_159 : i32 to index
      %swap3A_161 = arith.constant 0 : index
      %swap3A_162 = tpu.vector_load %arg7[%swap3A_160, %swap3A_161] {strides = array<i32>} : memref<32x16xf32, #tpu.memory_space<vmem>>, vector<16xf32>,
      tpu.vector_store %arg7[%swap3A_160, %swap3A_161], %gather3A_158 {strides = array<i32>} : memref<32x16xf32, #tpu.memory_space<vmem>>, vector<16xf32>,
      %add3A_163 = arith.constant 31 : i32
      %add3A_164 = arith.addi %add3A_63, %add3A_163 : i32
      %sub3A_165 = arith.constant 9 : i32
      %sub3A_166 = arith.subi %add3A_164, %sub3A_165 : i32
      %add3A_167 = vector.broadcast %sub3A_166 : i32 to vector<16xi32>
      %add3A_168 = arith.addi %broadcast_in_dim3A_33, %add3A_167 : vector<16xi32>
      %gather3A_169 = tpu.vector_load_idx %arg5[%add3A_168] : memref<64xf32, #tpu.memory_space<vmem>>[vector<16xi32>], vector<16xf32>,
      %swap3A_170 = arith.constant 9 : i32
      %swap3A_171 = arith.index_cast %swap3A_170 : i32 to index
      %swap3A_172 = arith.constant 0 : index
      %swap3A_173 = tpu.vector_load %arg7[%swap3A_171, %swap3A_172] {strides = array<i32>} : memref<32x16xf32, #tpu.memory_space<vmem>>, vector<16xf32>,
      tpu.vector_store %arg7[%swap3A_171, %swap3A_172], %gather3A_169 {strides = array<i32>} : memref<32x16xf32, #tpu.memory_space<vmem>>, vector<16xf32>,
      %add3A_174 = arith.constant 31 : i32
      %add3A_175 = arith.addi %add3A_63, %add3A_174 : i32
      %sub3A_176 = arith.constant 10 : i32
      %sub3A_177 = arith.subi %add3A_175, %sub3A_176 : i32
      %add3A_178 = vector.broadcast %sub3A_177 : i32 to vector<16xi32>
      %add3A_179 = arith.addi %broadcast_in_dim3A_33, %add3A_178 : vector<16xi32>
      %gather3A_180 = tpu.vector_load_idx %arg5[%add3A_179] : memref<64xf32, #tpu.memory_space<vmem>>[vector<16xi32>], vector<16xf32>,
      %swap3A_181 = arith.constant 10 : i32
      %swap3A_182 = arith.index_cast %swap3A_181 : i32 to index
      %swap3A_183 = arith.constant 0 : index
      %swap3A_184 = tpu.vector_load %arg7[%swap3A_182, %swap3A_183] {strides = array<i32>} : memref<32x16xf32, #tpu.memory_space<vmem>>, vector<16xf32>,
      tpu.vector_store %arg7[%swap3A_182, %swap3A_183], %gather3A_180 {strides = array<i32>} : memref<32x16xf32, #tpu.memory_space<vmem>>, vector<16xf32>,
      %add3A_185 = arith.constant 31 : i32
      %add3A_186 = arith.addi %add3A_63, %add3A_185 : i32
      %sub3A_187 = arith.constant 11 : i32
      %sub3A_188 = arith.subi %add3A_186, %sub3A_187 : i32
      %add3A_189 = vector.broadcast %sub3A_188 : i32 to vector<16xi32>
      %add3A_190 = arith.addi %broadcast_in_dim3A_33, %add3A_189 : vector<16xi32>
      %gather3A_191 = tpu.vector_load_idx %arg5[%add3A_190] : memref<64xf32, #tpu.memory_space<vmem>>[vector<16xi32>], vector<16xf32>,
      %swap3A_192 = arith.constant 11 : i32
      %swap3A_193 = arith.index_cast %swap3A_192 : i32 to index
      %swap3A_194 = arith.constant 0 : index
      %swap3A_195 = tpu.vector_load %arg7[%swap3A_193, %swap3A_194] {strides = array<i32>} : memref<32x16xf32, #tpu.memory_space<vmem>>, vector<16xf32>,
      tpu.vector_store %arg7[%swap3A_193, %swap3A_194], %gather3A_191 {strides = array<i32>} : memref<32x16xf32, #tpu.memory_space<vmem>>, vector<16xf32>,
      %add3A_196 = arith.constant 31 : i32
      %add3A_197 = arith.addi %add3A_63, %add3A_196 : i32
      %sub3A_198 = arith.constant 12 : i32
      %sub3A_199 = arith.subi %add3A_197, %sub3A_198 : i32
      %add3A_200 = vector.broadcast %sub3A_199 : i32 to vector<16xi32>
      %add3A_201 = arith.addi %broadcast_in_dim3A_33, %add3A_200 : vector<16xi32>
      %gather3A_202 = tpu.vector_load_idx %arg5[%add3A_201] : memref<64xf32, #tpu.memory_space<vmem>>[vector<16xi32>], vector<16xf32>,
      %swap3A_203 = arith.constant 12 : i32
      %swap3A_204 = arith.index_cast %swap3A_203 : i32 to index
      %swap3A_205 = arith.constant 0 : index
      %swap3A_206 = tpu.vector_load %arg7[%swap3A_204, %swap3A_205] {strides = array<i32>} : memref<32x16xf32, #tpu.memory_space<vmem>>, vector<16xf32>,
      tpu.vector_store %arg7[%swap3A_204, %swap3A_205], %gather3A_202 {strides = array<i32>} : memref<32x16xf32, #tpu.memory_space<vmem>>, vector<16xf32>,
      %add3A_207 = arith.constant 31 : i32
      %add3A_208 = arith.addi %add3A_63, %add3A_207 : i32
      %sub3A_209 = arith.constant 13 : i32
      %sub3A_210 = arith.subi %add3A_208, %sub3A_209 : i32
      %add3A_211 = vector.broadcast %sub3A_210 : i32 to vector<16xi32>
      %add3A_212 = arith.addi %broadcast_in_dim3A_33, %add3A_211 : vector<16xi32>
      %gather3A_213 = tpu.vector_load_idx %arg5[%add3A_212] : memref<64xf32, #tpu.memory_space<vmem>>[vector<16xi32>], vector<16xf32>,
      %swap3A_214 = arith.constant 13 : i32
      %swap3A_215 = arith.index_cast %swap3A_214 : i32 to index
      %swap3A_216 = arith.constant 0 : index
      %swap3A_217 = tpu.vector_load %arg7[%swap3A_215, %swap3A_216] {strides = array<i32>} : memref<32x16xf32, #tpu.memory_space<vmem>>, vector<16xf32>,
      tpu.vector_store %arg7[%swap3A_215, %swap3A_216], %gather3A_213 {strides = array<i32>} : memref<32x16xf32, #tpu.memory_space<vmem>>, vector<16xf32>,
      %add3A_218 = arith.constant 31 : i32
      %add3A_219 = arith.addi %add3A_63, %add3A_218 : i32
      %sub3A_220 = arith.constant 14 : i32
      %sub3A_221 = arith.subi %add3A_219, %sub3A_220 : i32
      %add3A_222 = vector.broadcast %sub3A_221 : i32 to vector<16xi32>
      %add3A_223 = arith.addi %broadcast_in_dim3A_33, %add3A_222 : vector<16xi32>
      %gather3A_224 = tpu.vector_load_idx %arg5[%add3A_223] : memref<64xf32, #tpu.memory_space<vmem>>[vector<16xi32>], vector<16xf32>,
      %swap3A_225 = arith.constant 14 : i32
      %swap3A_226 = arith.index_cast %swap3A_225 : i32 to index
      %swap3A_227 = arith.constant 0 : index
      %swap3A_228 = tpu.vector_load %arg7[%swap3A_226, %swap3A_227] {strides = array<i32>} : memref<32x16xf32, #tpu.memory_space<vmem>>, vector<16xf32>,
      tpu.vector_store %arg7[%swap3A_226, %swap3A_227], %gather3A_224 {strides = array<i32>} : memref<32x16xf32, #tpu.memory_space<vmem>>, vector<16xf32>,
      %add3A_229 = arith.constant 31 : i32
      %add3A_230 = arith.addi %add3A_63, %add3A_229 : i32
      %sub3A_231 = arith.constant 15 : i32
      %sub3A_232 = arith.subi %add3A_230, %sub3A_231 : i32
      %add3A_233 = vector.broadcast %sub3A_232 : i32 to vector<16xi32>
      %add3A_234 = arith.addi %broadcast_in_dim3A_33, %add3A_233 : vector<16xi32>
      %gather3A_235 = tpu.vector_load_idx %arg5[%add3A_234] : memref<64xf32, #tpu.memory_space<vmem>>[vector<16xi32>], vector<16xf32>,
      %swap3A_236 = arith.constant 15 : i32
      %swap3A_237 = arith.index_cast %swap3A_236 : i32 to index
      %swap3A_238 = arith.constant 0 : index
      %swap3A_239 = tpu.vector_load %arg7[%swap3A_237, %swap3A_238] {strides = array<i32>} : memref<32x16xf32, #tpu.memory_space<vmem>>, vector<16xf32>,
      tpu.vector_store %arg7[%swap3A_237, %swap3A_238], %gather3A_235 {strides = array<i32>} : memref<32x16xf32, #tpu.memory_space<vmem>>, vector<16xf32>,
      %add3A_240 = arith.constant 31 : i32
      %add3A_241 = arith.addi %add3A_63, %add3A_240 : i32
      %sub3A_242 = arith.constant 16 : i32
      %sub3A_243 = arith.subi %add3A_241, %sub3A_242 : i32
      %add3A_244 = vector.broadcast %sub3A_243 : i32 to vector<16xi32>
      %add3A_245 = arith.addi %broadcast_in_dim3A_33, %add3A_244 : vector<16xi32>
      %gather3A_246 = tpu.vector_load_idx %arg5[%add3A_245] : memref<64xf32, #tpu.memory_space<vmem>>[vector<16xi32>], vector<16xf32>,
      %swap3A_247 = arith.constant 16 : i32
      %swap3A_248 = arith.index_cast %swap3A_247 : i32 to index
      %swap3A_249 = arith.constant 0 : index
      %swap3A_250 = tpu.vector_load %arg7[%swap3A_248, %swap3A_249] {strides = array<i32>} : memref<32x16xf32, #tpu.memory_space<vmem>>, vector<16xf32>,
      tpu.vector_store %arg7[%swap3A_248, %swap3A_249], %gather3A_246 {strides = array<i32>} : memref<32x16xf32, #tpu.memory_space<vmem>>, vector<16xf32>,
      %add3A_251 = arith.constant 31 : i32
      %add3A_252 = arith.addi %add3A_63, %add3A_251 : i32
      %sub3A_253 = arith.constant 17 : i32
      %sub3A_254 = arith.subi %add3A_252, %sub3A_253 : i32
      %add3A_255 = vector.broadcast %sub3A_254 : i32 to vector<16xi32>
      %add3A_256 = arith.addi %broadcast_in_dim3A_33, %add3A_255 : vector<16xi32>
      %gather3A_257 = tpu.vector_load_idx %arg5[%add3A_256] : memref<64xf32, #tpu.memory_space<vmem>>[vector<16xi32>], vector<16xf32>,
      %swap3A_258 = arith.constant 17 : i32
      %swap3A_259 = arith.index_cast %swap3A_258 : i32 to index
      %swap3A_260 = arith.constant 0 : index
      %swap3A_261 = tpu.vector_load %arg7[%swap3A_259, %swap3A_260] {strides = array<i32>} : memref<32x16xf32, #tpu.memory_space<vmem>>, vector<16xf32>,
      tpu.vector_store %arg7[%swap3A_259, %swap3A_260], %gather3A_257 {strides = array<i32>} : memref<32x16xf32, #tpu.memory_space<vmem>>, vector<16xf32>,
      %add3A_262 = arith.constant 31 : i32
      %add3A_263 = arith.addi %add3A_63, %add3A_262 : i32
      %sub3A_264 = arith.constant 18 : i32
      %sub3A_265 = arith.subi %add3A_263, %sub3A_264 : i32
      %add3A_266 = vector.broadcast %sub3A_265 : i32 to vector<16xi32>
      %add3A_267 = arith.addi %broadcast_in_dim3A_33, %add3A_266 : vector<16xi32>
      %gather3A_268 = tpu.vector_load_idx %arg5[%add3A_267] : memref<64xf32, #tpu.memory_space<vmem>>[vector<16xi32>], vector<16xf32>,
      %swap3A_269 = arith.constant 18 : i32
      %swap3A_270 = arith.index_cast %swap3A_269 : i32 to index
      %swap3A_271 = arith.constant 0 : index
      %swap3A_272 = tpu.vector_load %arg7[%swap3A_270, %swap3A_271] {strides = array<i32>} : memref<32x16xf32, #tpu.memory_space<vmem>>, vector<16xf32>,
      tpu.vector_store %arg7[%swap3A_270, %swap3A_271], %gather3A_268 {strides = array<i32>} : memref<32x16xf32, #tpu.memory_space<vmem>>, vector<16xf32>,
      %add3A_273 = arith.constant 31 : i32
      %add3A_274 = arith.addi %add3A_63, %add3A_273 : i32
      %sub3A_275 = arith.constant 19 : i32
      %sub3A_276 = arith.subi %add3A_274, %sub3A_275 : i32
      %add3A_277 = vector.broadcast %sub3A_276 : i32 to vector<16xi32>
      %add3A_278 = arith.addi %broadcast_in_dim3A_33, %add3A_277 : vector<16xi32>
      %gather3A_279 = tpu.vector_load_idx %arg5[%add3A_278] : memref<64xf32, #tpu.memory_space<vmem>>[vector<16xi32>], vector<16xf32>,
      %swap3A_280 = arith.constant 19 : i32
      %swap3A_281 = arith.index_cast %swap3A_280 : i32 to index
      %swap3A_282 = arith.constant 0 : index
      %swap3A_283 = tpu.vector_load %arg7[%swap3A_281, %swap3A_282] {strides = array<i32>} : memref<32x16xf32, #tpu.memory_space<vmem>>, vector<16xf32>,
      tpu.vector_store %arg7[%swap3A_281, %swap3A_282], %gather3A_279 {strides = array<i32>} : memref<32x16xf32, #tpu.memory_space<vmem>>, vector<16xf32>,
      %add3A_284 = arith.constant 31 : i32
      %add3A_285 = arith.addi %add3A_63, %add3A_284 : i32
      %sub3A_286 = arith.constant 20 : i32
      %sub3A_287 = arith.subi %add3A_285, %sub3A_286 : i32
      %add3A_288 = vector.broadcast %sub3A_287 : i32 to vector<16xi32>
      %add3A_289 = arith.addi %broadcast_in_dim3A_33, %add3A_288 : vector<16xi32>
      %gather3A_290 = tpu.vector_load_idx %arg5[%add3A_289] : memref<64xf32, #tpu.memory_space<vmem>>[vector<16xi32>], vector<16xf32>,
      %swap3A_291 = arith.constant 20 : i32
      %swap3A_292 = arith.index_cast %swap3A_291 : i32 to index
      %swap3A_293 = arith.constant 0 : index
      %swap3A_294 = tpu.vector_load %arg7[%swap3A_292, %swap3A_293] {strides = array<i32>} : memref<32x16xf32, #tpu.memory_space<vmem>>, vector<16xf32>,
      tpu.vector_store %arg7[%swap3A_292, %swap3A_293], %gather3A_290 {strides = array<i32>} : memref<32x16xf32, #tpu.memory_space<vmem>>, vector<16xf32>,
      %add3A_295 = arith.constant 31 : i32
      %add3A_296 = arith.addi %add3A_63, %add3A_295 : i32
      %sub3A_297 = arith.constant 21 : i32
      %sub3A_298 = arith.subi %add3A_296, %sub3A_297 : i32
      %add3A_299 = vector.broadcast %sub3A_298 : i32 to vector<16xi32>
      %add3A_300 = arith.addi %broadcast_in_dim3A_33, %add3A_299 : vector<16xi32>
      %gather3A_301 = tpu.vector_load_idx %arg5[%add3A_300] : memref<64xf32, #tpu.memory_space<vmem>>[vector<16xi32>], vector<16xf32>,
      %swap3A_302 = arith.constant 21 : i32
      %swap3A_303 = arith.index_cast %swap3A_302 : i32 to index
      %swap3A_304 = arith.constant 0 : index
      %swap3A_305 = tpu.vector_load %arg7[%swap3A_303, %swap3A_304] {strides = array<i32>} : memref<32x16xf32, #tpu.memory_space<vmem>>, vector<16xf32>,
      tpu.vector_store %arg7[%swap3A_303, %swap3A_304], %gather3A_301 {strides = array<i32>} : memref<32x16xf32, #tpu.memory_space<vmem>>, vector<16xf32>,
      %add3A_306 = arith.constant 31 : i32
      %add3A_307 = arith.addi %add3A_63, %add3A_306 : i32
      %sub3A_308 = arith.constant 22 : i32
      %sub3A_309 = arith.subi %add3A_307, %sub3A_308 : i32
      %add3A_310 = vector.broadcast %sub3A_309 : i32 to vector<16xi32>
      %add3A_311 = arith.addi %broadcast_in_dim3A_33, %add3A_310 : vector<16xi32>
      %gather3A_312 = tpu.vector_load_idx %arg5[%add3A_311] : memref<64xf32, #tpu.memory_space<vmem>>[vector<16xi32>], vector<16xf32>,
      %swap3A_313 = arith.constant 22 : i32
      %swap3A_314 = arith.index_cast %swap3A_313 : i32 to index
      %swap3A_315 = arith.constant 0 : index
      %swap3A_316 = tpu.vector_load %arg7[%swap3A_314, %swap3A_315] {strides = array<i32>} : memref<32x16xf32, #tpu.memory_space<vmem>>, vector<16xf32>,
      tpu.vector_store %arg7[%swap3A_314, %swap3A_315], %gather3A_312 {strides = array<i32>} : memref<32x16xf32, #tpu.memory_space<vmem>>, vector<16xf32>,
      %add3A_317 = arith.constant 31 : i32
      %add3A_318 = arith.addi %add3A_63, %add3A_317 : i32
      %sub3A_319 = arith.constant 23 : i32
      %sub3A_320 = arith.subi %add3A_318, %sub3A_319 : i32
      %add3A_321 = vector.broadcast %sub3A_320 : i32 to vector<16xi32>
      %add3A_322 = arith.addi %broadcast_in_dim3A_33, %add3A_321 : vector<16xi32>
      %gather3A_323 = tpu.vector_load_idx %arg5[%add3A_322] : memref<64xf32, #tpu.memory_space<vmem>>[vector<16xi32>], vector<16xf32>,
      %swap3A_324 = arith.constant 23 : i32
      %swap3A_325 = arith.index_cast %swap3A_324 : i32 to index
      %swap3A_326 = arith.constant 0 : index
      %swap3A_327 = tpu.vector_load %arg7[%swap3A_325, %swap3A_326] {strides = array<i32>} : memref<32x16xf32, #tpu.memory_space<vmem>>, vector<16xf32>,
      tpu.vector_store %arg7[%swap3A_325, %swap3A_326], %gather3A_323 {strides = array<i32>} : memref<32x16xf32, #tpu.memory_space<vmem>>, vector<16xf32>,
      %add3A_328 = arith.constant 31 : i32
      %add3A_329 = arith.addi %add3A_63, %add3A_328 : i32
      %sub3A_330 = arith.constant 24 : i32
      %sub3A_331 = arith.subi %add3A_329, %sub3A_330 : i32
      %add3A_332 = vector.broadcast %sub3A_331 : i32 to vector<16xi32>
      %add3A_333 = arith.addi %broadcast_in_dim3A_33, %add3A_332 : vector<16xi32>
      %gather3A_334 = tpu.vector_load_idx %arg5[%add3A_333] : memref<64xf32, #tpu.memory_space<vmem>>[vector<16xi32>], vector<16xf32>,
      %swap3A_335 = arith.constant 24 : i32
      %swap3A_336 = arith.index_cast %swap3A_335 : i32 to index
      %swap3A_337 = arith.constant 0 : index
      %swap3A_338 = tpu.vector_load %arg7[%swap3A_336, %swap3A_337] {strides = array<i32>} : memref<32x16xf32, #tpu.memory_space<vmem>>, vector<16xf32>,
      tpu.vector_store %arg7[%swap3A_336, %swap3A_337], %gather3A_334 {strides = array<i32>} : memref<32x16xf32, #tpu.memory_space<vmem>>, vector<16xf32>,
      %add3A_339 = arith.constant 31 : i32
      %add3A_340 = arith.addi %add3A_63, %add3A_339 : i32
      %sub3A_341 = arith.constant 25 : i32
      %sub3A_342 = arith.subi %add3A_340, %sub3A_341 : i32
      %add3A_343 = vector.broadcast %sub3A_342 : i32 to vector<16xi32>
      %add3A_344 = arith.addi %broadcast_in_dim3A_33, %add3A_343 : vector<16xi32>
      %gather3A_345 = tpu.vector_load_idx %arg5[%add3A_344] : memref<64xf32, #tpu.memory_space<vmem>>[vector<16xi32>], vector<16xf32>,
      %swap3A_346 = arith.constant 25 : i32
      %swap3A_347 = arith.index_cast %swap3A_346 : i32 to index
      %swap3A_348 = arith.constant 0 : index
      %swap3A_349 = tpu.vector_load %arg7[%swap3A_347, %swap3A_348] {strides = array<i32>} : memref<32x16xf32, #tpu.memory_space<vmem>>, vector<16xf32>,
      tpu.vector_store %arg7[%swap3A_347, %swap3A_348], %gather3A_345 {strides = array<i32>} : memref<32x16xf32, #tpu.memory_space<vmem>>, vector<16xf32>,
      %add3A_350 = arith.constant 31 : i32
      %add3A_351 = arith.addi %add3A_63, %add3A_350 : i32
      %sub3A_352 = arith.constant 26 : i32
      %sub3A_353 = arith.subi %add3A_351, %sub3A_352 : i32
      %add3A_354 = vector.broadcast %sub3A_353 : i32 to vector<16xi32>
      %add3A_355 = arith.addi %broadcast_in_dim3A_33, %add3A_354 : vector<16xi32>
      %gather3A_356 = tpu.vector_load_idx %arg5[%add3A_355] : memref<64xf32, #tpu.memory_space<vmem>>[vector<16xi32>], vector<16xf32>,
      %swap3A_357 = arith.constant 26 : i32
      %swap3A_358 = arith.index_cast %swap3A_357 : i32 to index
      %swap3A_359 = arith.constant 0 : index
      %swap3A_360 = tpu.vector_load %arg7[%swap3A_358, %swap3A_359] {strides = array<i32>} : memref<32x16xf32, #tpu.memory_space<vmem>>, vector<16xf32>,
      tpu.vector_store %arg7[%swap3A_358, %swap3A_359], %gather3A_356 {strides = array<i32>} : memref<32x16xf32, #tpu.memory_space<vmem>>, vector<16xf32>,
      %add3A_361 = arith.constant 31 : i32
      %add3A_362 = arith.addi %add3A_63, %add3A_361 : i32
      %sub3A_363 = arith.constant 27 : i32
      %sub3A_364 = arith.subi %add3A_362, %sub3A_363 : i32
      %add3A_365 = vector.broadcast %sub3A_364 : i32 to vector<16xi32>
      %add3A_366 = arith.addi %broadcast_in_dim3A_33, %add3A_365 : vector<16xi32>
      %gather3A_367 = tpu.vector_load_idx %arg5[%add3A_366] : memref<64xf32, #tpu.memory_space<vmem>>[vector<16xi32>], vector<16xf32>,
      %swap3A_368 = arith.constant 27 : i32
      %swap3A_369 = arith.index_cast %swap3A_368 : i32 to index
      %swap3A_370 = arith.constant 0 : index
      %swap3A_371 = tpu.vector_load %arg7[%swap3A_369, %swap3A_370] {strides = array<i32>} : memref<32x16xf32, #tpu.memory_space<vmem>>, vector<16xf32>,
      tpu.vector_store %arg7[%swap3A_369, %swap3A_370], %gather3A_367 {strides = array<i32>} : memref<32x16xf32, #tpu.memory_space<vmem>>, vector<16xf32>,
      %add3A_372 = arith.constant 31 : i32
      %add3A_373 = arith.addi %add3A_63, %add3A_372 : i32
      %sub3A_374 = arith.constant 28 : i32
      %sub3A_375 = arith.subi %add3A_373, %sub3A_374 : i32
      %add3A_376 = vector.broadcast %sub3A_375 : i32 to vector<16xi32>
      %add3A_377 = arith.addi %broadcast_in_dim3A_33, %add3A_376 : vector<16xi32>
      %gather3A_378 = tpu.vector_load_idx %arg5[%add3A_377] : memref<64xf32, #tpu.memory_space<vmem>>[vector<16xi32>], vector<16xf32>,
      %swap3A_379 = arith.constant 28 : i32
      %swap3A_380 = arith.index_cast %swap3A_379 : i32 to index
      %swap3A_381 = arith.constant 0 : index
      %swap3A_382 = tpu.vector_load %arg7[%swap3A_380, %swap3A_381] {strides = array<i32>} : memref<32x16xf32, #tpu.memory_space<vmem>>, vector<16xf32>,
      tpu.vector_store %arg7[%swap3A_380, %swap3A_381], %gather3A_378 {strides = array<i32>} : memref<32x16xf32, #tpu.memory_space<vmem>>, vector<16xf32>,
      %add3A_383 = arith.constant 31 : i32
      %add3A_384 = arith.addi %add3A_63, %add3A_383 : i32
      %sub3A_385 = arith.constant 29 : i32
      %sub3A_386 = arith.subi %add3A_384, %sub3A_385 : i32
      %add3A_387 = vector.broadcast %sub3A_386 : i32 to vector<16xi32>
      %add3A_388 = arith.addi %broadcast_in_dim3A_33, %add3A_387 : vector<16xi32>
      %gather3A_389 = tpu.vector_load_idx %arg5[%add3A_388] : memref<64xf32, #tpu.memory_space<vmem>>[vector<16xi32>], vector<16xf32>,
      %swap3A_390 = arith.constant 29 : i32
      %swap3A_391 = arith.index_cast %swap3A_390 : i32 to index
      %swap3A_392 = arith.constant 0 : index
      %swap3A_393 = tpu.vector_load %arg7[%swap3A_391, %swap3A_392] {strides = array<i32>} : memref<32x16xf32, #tpu.memory_space<vmem>>, vector<16xf32>,
      tpu.vector_store %arg7[%swap3A_391, %swap3A_392], %gather3A_389 {strides = array<i32>} : memref<32x16xf32, #tpu.memory_space<vmem>>, vector<16xf32>,
      %add3A_394 = arith.constant 31 : i32
      %add3A_395 = arith.addi %add3A_63, %add3A_394 : i32
      %sub3A_396 = arith.constant 30 : i32
      %sub3A_397 = arith.subi %add3A_395, %sub3A_396 : i32
      %add3A_398 = vector.broadcast %sub3A_397 : i32 to vector<16xi32>
      %add3A_399 = arith.addi %broadcast_in_dim3A_33, %add3A_398 : vector<16xi32>
      %gather3A_400 = tpu.vector_load_idx %arg5[%add3A_399] : memref<64xf32, #tpu.memory_space<vmem>>[vector<16xi32>], vector<16xf32>,
      %swap3A_401 = arith.constant 30 : i32
      %swap3A_402 = arith.index_cast %swap3A_401 : i32 to index
      %swap3A_403 = arith.constant 0 : index
      %swap3A_404 = tpu.vector_load %arg7[%swap3A_402, %swap3A_403] {strides = array<i32>} : memref<32x16xf32, #tpu.memory_space<vmem>>, vector<16xf32>,
      tpu.vector_store %arg7[%swap3A_402, %swap3A_403], %gather3A_400 {strides = array<i32>} : memref<32x16xf32, #tpu.memory_space<vmem>>, vector<16xf32>,
      %add3A_405 = arith.constant 31 : i32
      %add3A_406 = arith.addi %add3A_63, %add3A_405 : i32
      %sub3A_407 = arith.constant 31 : i32
      %sub3A_408 = arith.subi %add3A_406, %sub3A_407 : i32
      %add3A_409 = vector.broadcast %sub3A_408 : i32 to vector<16xi32>
      %add3A_410 = arith.addi %broadcast_in_dim3A_33, %add3A_409 : vector<16xi32>
      %gather3A_411 = tpu.vector_load_idx %arg5[%add3A_410] : memref<64xf32, #tpu.memory_space<vmem>>[vector<16xi32>], vector<16xf32>,
      %swap3A_412 = arith.constant 31 : i32
      %swap3A_413 = arith.index_cast %swap3A_412 : i32 to index
      %swap3A_414 = arith.constant 0 : index
      %swap3A_415 = tpu.vector_load %arg7[%swap3A_413, %swap3A_414] {strides = array<i32>} : memref<32x16xf32, #tpu.memory_space<vmem>>, vector<16xf32>,
      tpu.vector_store %arg7[%swap3A_413, %swap3A_414], %gather3A_411 {strides = array<i32>} : memref<32x16xf32, #tpu.memory_space<vmem>>, vector<16xf32>,
      %parallel_loop3A = arith.constant 0 : i32
      %parallel_loop3A_416 = arith.constant 32 : i32
      %parallel_loop3A_417 = arith.constant 1 : i32
      scf.for %parallel_loop3A_795 = %parallel_loop3A to %parallel_loop3A_416 step %parallel_loop3A_417  : i32 {
        %parallel_loop3A_796 = arith.constant 31 : i32
        %parallel_loop3A_797 = arith.addi %parallel_loop3A_795, %parallel_loop3A_796 : i32
        %parallel_loop3A_798 = vector.broadcast %parallel_loop3A_797 : i32 to vector<16xi32>
        %parallel_loop3A_799 = arith.subi %parallel_loop3A_798, %iota3A : vector<16xi32>
        %parallel_loop3A_800 = tpu.vector_load_idx %arg6[%parallel_loop3A_799] : memref<64xf32, #tpu.memory_space<vmem>>[vector<16xi32>], vector<16xf32>,
        %parallel_loop3A_801 = arith.constant 15 : i32
        %parallel_loop3A_802 = arith.addi %parallel_loop3A_795, %parallel_loop3A_801 : i32
        %parallel_loop3A_803 = vector.broadcast %parallel_loop3A_802 : i32 to vector<16xi32>
        %parallel_loop3A_804 = arith.subi %parallel_loop3A_803, %iota3A : vector<16xi32>
        %parallel_loop3A_805 = tpu.vector_load_idx %arg6[%parallel_loop3A_804] : memref<64xf32, #tpu.memory_space<vmem>>[vector<16xi32>], vector<16xf32>,
        %parallel_loop3A_806 = arith.constant 0 : i32
        %parallel_loop3A_807 = arith.index_cast %parallel_loop3A_806 : i32 to index
        %parallel_loop3A_808 = arith.constant 0 : index
        %parallel_loop3A_809 = tpu.vector_load %arg7[%parallel_loop3A_807, %parallel_loop3A_808] {strides = array<i32>} : memref<32x16xf32, #tpu.memory_space<vmem>>, vector<16xf32>,
        %parallel_loop3A_810 = arith.addf %parallel_loop3A_800, %parallel_loop3A_809 : vector<16xf32>
        %parallel_loop3A_811 = arith.index_cast %parallel_loop3A_795 : i32 to index
        %parallel_loop3A_812 = arith.constant 0 : index
        %parallel_loop3A_813 = tpu.vector_load %arg8[%parallel_loop3A_811, %parallel_loop3A_812] {strides = array<i32>} : memref<32x1024xf32, #tpu.memory_space<vmem>>, vector<16xf32>,
        tpu.vector_store %arg8[%parallel_loop3A_811, %parallel_loop3A_812], %parallel_loop3A_810 {strides = array<i32>} : memref<32x1024xf32, #tpu.memory_space<vmem>>, vector<16xf32>,
        %parallel_loop3A_814 = arith.addf %parallel_loop3A_805, %parallel_loop3A_809 : vector<16xf32>
        %parallel_loop3A_815 = arith.index_cast %parallel_loop3A_795 : i32 to index
        %parallel_loop3A_816 = arith.constant 16 : index
        %parallel_loop3A_817 = tpu.vector_load %arg8[%parallel_loop3A_815, %parallel_loop3A_816] {strides = array<i32>} : memref<32x1024xf32, #tpu.memory_space<vmem>>, vector<16xf32>,
        tpu.vector_store %arg8[%parallel_loop3A_815, %parallel_loop3A_816], %parallel_loop3A_814 {strides = array<i32>} : memref<32x1024xf32, #tpu.memory_space<vmem>>, vector<16xf32>,
        %parallel_loop3A_818 = arith.constant 1 : i32
        %parallel_loop3A_819 = arith.index_cast %parallel_loop3A_818 : i32 to index
        %parallel_loop3A_820 = arith.constant 0 : index
        %parallel_loop3A_821 = tpu.vector_load %arg7[%parallel_loop3A_819, %parallel_loop3A_820] {strides = array<i32>} : memref<32x16xf32, #tpu.memory_space<vmem>>, vector<16xf32>,
        %parallel_loop3A_822 = arith.addf %parallel_loop3A_800, %parallel_loop3A_821 : vector<16xf32>
        %parallel_loop3A_823 = arith.index_cast %parallel_loop3A_795 : i32 to index
        %parallel_loop3A_824 = arith.constant 32 : index
        %parallel_loop3A_825 = tpu.vector_load %arg8[%parallel_loop3A_823, %parallel_loop3A_824] {strides = array<i32>} : memref<32x1024xf32, #tpu.memory_space<vmem>>, vector<16xf32>,
        tpu.vector_store %arg8[%parallel_loop3A_823, %parallel_loop3A_824], %parallel_loop3A_822 {strides = array<i32>} : memref<32x1024xf32, #tpu.memory_space<vmem>>, vector<16xf32>,
        %parallel_loop3A_826 = arith.addf %parallel_loop3A_805, %parallel_loop3A_821 : vector<16xf32>
        %parallel_loop3A_827 = arith.index_cast %parallel_loop3A_795 : i32 to index
        %parallel_loop3A_828 = arith.constant 48 : index
        %parallel_loop3A_829 = tpu.vector_load %arg8[%parallel_loop3A_827, %parallel_loop3A_828] {strides = array<i32>} : memref<32x1024xf32, #tpu.memory_space<vmem>>, vector<16xf32>,
        tpu.vector_store %arg8[%parallel_loop3A_827, %parallel_loop3A_828], %parallel_loop3A_826 {strides = array<i32>} : memref<32x1024xf32, #tpu.memory_space<vmem>>, vector<16xf32>,
        %parallel_loop3A_830 = arith.constant 2 : i32
        %parallel_loop3A_831 = arith.index_cast %parallel_loop3A_830 : i32 to index
        %parallel_loop3A_832 = arith.constant 0 : index
        %parallel_loop3A_833 = tpu.vector_load %arg7[%parallel_loop3A_831, %parallel_loop3A_832] {strides = array<i32>} : memref<32x16xf32, #tpu.memory_space<vmem>>, vector<16xf32>,
        %parallel_loop3A_834 = arith.addf %parallel_loop3A_800, %parallel_loop3A_833 : vector<16xf32>
        %parallel_loop3A_835 = arith.index_cast %parallel_loop3A_795 : i32 to index
        %parallel_loop3A_836 = arith.constant 64 : index
        %parallel_loop3A_837 = tpu.vector_load %arg8[%parallel_loop3A_835, %parallel_loop3A_836] {strides = array<i32>} : memref<32x1024xf32, #tpu.memory_space<vmem>>, vector<16xf32>,
        tpu.vector_store %arg8[%parallel_loop3A_835, %parallel_loop3A_836], %parallel_loop3A_834 {strides = array<i32>} : memref<32x1024xf32, #tpu.memory_space<vmem>>, vector<16xf32>,
        %parallel_loop3A_838 = arith.addf %parallel_loop3A_805, %parallel_loop3A_833 : vector<16xf32>
        %parallel_loop3A_839 = arith.index_cast %parallel_loop3A_795 : i32 to index
        %parallel_loop3A_840 = arith.constant 80 : index
        %parallel_loop3A_841 = tpu.vector_load %arg8[%parallel_loop3A_839, %parallel_loop3A_840] {strides = array<i32>} : memref<32x1024xf32, #tpu.memory_space<vmem>>, vector<16xf32>,
        tpu.vector_store %arg8[%parallel_loop3A_839, %parallel_loop3A_840], %parallel_loop3A_838 {strides = array<i32>} : memref<32x1024xf32, #tpu.memory_space<vmem>>, vector<16xf32>,
        %parallel_loop3A_842 = arith.constant 3 : i32
        %parallel_loop3A_843 = arith.index_cast %parallel_loop3A_842 : i32 to index
        %parallel_loop3A_844 = arith.constant 0 : index
        %parallel_loop3A_845 = tpu.vector_load %arg7[%parallel_loop3A_843, %parallel_loop3A_844] {strides = array<i32>} : memref<32x16xf32, #tpu.memory_space<vmem>>, vector<16xf32>,
        %parallel_loop3A_846 = arith.addf %parallel_loop3A_800, %parallel_loop3A_845 : vector<16xf32>
        %parallel_loop3A_847 = arith.index_cast %parallel_loop3A_795 : i32 to index
        %parallel_loop3A_848 = arith.constant 96 : index
        %parallel_loop3A_849 = tpu.vector_load %arg8[%parallel_loop3A_847, %parallel_loop3A_848] {strides = array<i32>} : memref<32x1024xf32, #tpu.memory_space<vmem>>, vector<16xf32>,
        tpu.vector_store %arg8[%parallel_loop3A_847, %parallel_loop3A_848], %parallel_loop3A_846 {strides = array<i32>} : memref<32x1024xf32, #tpu.memory_space<vmem>>, vector<16xf32>,
        %parallel_loop3A_850 = arith.addf %parallel_loop3A_805, %parallel_loop3A_845 : vector<16xf32>
        %parallel_loop3A_851 = arith.index_cast %parallel_loop3A_795 : i32 to index
        %parallel_loop3A_852 = arith.constant 112 : index
        %parallel_loop3A_853 = tpu.vector_load %arg8[%parallel_loop3A_851, %parallel_loop3A_852] {strides = array<i32>} : memref<32x1024xf32, #tpu.memory_space<vmem>>, vector<16xf32>,
        tpu.vector_store %arg8[%parallel_loop3A_851, %parallel_loop3A_852], %parallel_loop3A_850 {strides = array<i32>} : memref<32x1024xf32, #tpu.memory_space<vmem>>, vector<16xf32>,
        %parallel_loop3A_854 = arith.constant 4 : i32
        %parallel_loop3A_855 = arith.index_cast %parallel_loop3A_854 : i32 to index
        %parallel_loop3A_856 = arith.constant 0 : index
        %parallel_loop3A_857 = tpu.vector_load %arg7[%parallel_loop3A_855, %parallel_loop3A_856] {strides = array<i32>} : memref<32x16xf32, #tpu.memory_space<vmem>>, vector<16xf32>,
        %parallel_loop3A_858 = arith.addf %parallel_loop3A_800, %parallel_loop3A_857 : vector<16xf32>
        %parallel_loop3A_859 = arith.index_cast %parallel_loop3A_795 : i32 to index
        %parallel_loop3A_860 = arith.constant 128 : index
        %parallel_loop3A_861 = tpu.vector_load %arg8[%parallel_loop3A_859, %parallel_loop3A_860] {strides = array<i32>} : memref<32x1024xf32, #tpu.memory_space<vmem>>, vector<16xf32>,
        tpu.vector_store %arg8[%parallel_loop3A_859, %parallel_loop3A_860], %parallel_loop3A_858 {strides = array<i32>} : memref<32x1024xf32, #tpu.memory_space<vmem>>, vector<16xf32>,
        %parallel_loop3A_862 = arith.addf %parallel_loop3A_805, %parallel_loop3A_857 : vector<16xf32>
        %parallel_loop3A_863 = arith.index_cast %parallel_loop3A_795 : i32 to index
        %parallel_loop3A_864 = arith.constant 144 : index
        %parallel_loop3A_865 = tpu.vector_load %arg8[%parallel_loop3A_863, %parallel_loop3A_864] {strides = array<i32>} : memref<32x1024xf32, #tpu.memory_space<vmem>>, vector<16xf32>,
        tpu.vector_store %arg8[%parallel_loop3A_863, %parallel_loop3A_864], %parallel_loop3A_862 {strides = array<i32>} : memref<32x1024xf32, #tpu.memory_space<vmem>>, vector<16xf32>,
        %parallel_loop3A_866 = arith.constant 5 : i32
        %parallel_loop3A_867 = arith.index_cast %parallel_loop3A_866 : i32 to index
        %parallel_loop3A_868 = arith.constant 0 : index
        %parallel_loop3A_869 = tpu.vector_load %arg7[%parallel_loop3A_867, %parallel_loop3A_868] {strides = array<i32>} : memref<32x16xf32, #tpu.memory_space<vmem>>, vector<16xf32>,
        %parallel_loop3A_870 = arith.addf %parallel_loop3A_800, %parallel_loop3A_869 : vector<16xf32>
        %parallel_loop3A_871 = arith.index_cast %parallel_loop3A_795 : i32 to index
        %parallel_loop3A_872 = arith.constant 160 : index
        %parallel_loop3A_873 = tpu.vector_load %arg8[%parallel_loop3A_871, %parallel_loop3A_872] {strides = array<i32>} : memref<32x1024xf32, #tpu.memory_space<vmem>>, vector<16xf32>,
        tpu.vector_store %arg8[%parallel_loop3A_871, %parallel_loop3A_872], %parallel_loop3A_870 {strides = array<i32>} : memref<32x1024xf32, #tpu.memory_space<vmem>>, vector<16xf32>,
        %parallel_loop3A_874 = arith.addf %parallel_loop3A_805, %parallel_loop3A_869 : vector<16xf32>
        %parallel_loop3A_875 = arith.index_cast %parallel_loop3A_795 : i32 to index
        %parallel_loop3A_876 = arith.constant 176 : index
        %parallel_loop3A_877 = tpu.vector_load %arg8[%parallel_loop3A_875, %parallel_loop3A_876] {strides = array<i32>} : memref<32x1024xf32, #tpu.memory_space<vmem>>, vector<16xf32>,
        tpu.vector_store %arg8[%parallel_loop3A_875, %parallel_loop3A_876], %parallel_loop3A_874 {strides = array<i32>} : memref<32x1024xf32, #tpu.memory_space<vmem>>, vector<16xf32>,
        %parallel_loop3A_878 = arith.constant 6 : i32
        %parallel_loop3A_879 = arith.index_cast %parallel_loop3A_878 : i32 to index
        %parallel_loop3A_880 = arith.constant 0 : index
        %parallel_loop3A_881 = tpu.vector_load %arg7[%parallel_loop3A_879, %parallel_loop3A_880] {strides = array<i32>} : memref<32x16xf32, #tpu.memory_space<vmem>>, vector<16xf32>,
        %parallel_loop3A_882 = arith.addf %parallel_loop3A_800, %parallel_loop3A_881 : vector<16xf32>
        %parallel_loop3A_883 = arith.index_cast %parallel_loop3A_795 : i32 to index
        %parallel_loop3A_884 = arith.constant 192 : index
        %parallel_loop3A_885 = tpu.vector_load %arg8[%parallel_loop3A_883, %parallel_loop3A_884] {strides = array<i32>} : memref<32x1024xf32, #tpu.memory_space<vmem>>, vector<16xf32>,
        tpu.vector_store %arg8[%parallel_loop3A_883, %parallel_loop3A_884], %parallel_loop3A_882 {strides = array<i32>} : memref<32x1024xf32, #tpu.memory_space<vmem>>, vector<16xf32>,
        %parallel_loop3A_886 = arith.addf %parallel_loop3A_805, %parallel_loop3A_881 : vector<16xf32>
        %parallel_loop3A_887 = arith.index_cast %parallel_loop3A_795 : i32 to index
        %parallel_loop3A_888 = arith.constant 208 : index
        %parallel_loop3A_889 = tpu.vector_load %arg8[%parallel_loop3A_887, %parallel_loop3A_888] {strides = array<i32>} : memref<32x1024xf32, #tpu.memory_space<vmem>>, vector<16xf32>,
        tpu.vector_store %arg8[%parallel_loop3A_887, %parallel_loop3A_888], %parallel_loop3A_886 {strides = array<i32>} : memref<32x1024xf32, #tpu.memory_space<vmem>>, vector<16xf32>,
        %parallel_loop3A_890 = arith.constant 7 : i32
        %parallel_loop3A_891 = arith.index_cast %parallel_loop3A_890 : i32 to index
        %parallel_loop3A_892 = arith.constant 0 : index
        %parallel_loop3A_893 = tpu.vector_load %arg7[%parallel_loop3A_891, %parallel_loop3A_892] {strides = array<i32>} : memref<32x16xf32, #tpu.memory_space<vmem>>, vector<16xf32>,
        %parallel_loop3A_894 = arith.addf %parallel_loop3A_800, %parallel_loop3A_893 : vector<16xf32>
        %parallel_loop3A_895 = arith.index_cast %parallel_loop3A_795 : i32 to index
        %parallel_loop3A_896 = arith.constant 224 : index
        %parallel_loop3A_897 = tpu.vector_load %arg8[%parallel_loop3A_895, %parallel_loop3A_896] {strides = array<i32>} : memref<32x1024xf32, #tpu.memory_space<vmem>>, vector<16xf32>,
        tpu.vector_store %arg8[%parallel_loop3A_895, %parallel_loop3A_896], %parallel_loop3A_894 {strides = array<i32>} : memref<32x1024xf32, #tpu.memory_space<vmem>>, vector<16xf32>,
        %parallel_loop3A_898 = arith.addf %parallel_loop3A_805, %parallel_loop3A_893 : vector<16xf32>
        %parallel_loop3A_899 = arith.index_cast %parallel_loop3A_795 : i32 to index
        %parallel_loop3A_900 = arith.constant 240 : index
        %parallel_loop3A_901 = tpu.vector_load %arg8[%parallel_loop3A_899, %parallel_loop3A_900] {strides = array<i32>} : memref<32x1024xf32, #tpu.memory_space<vmem>>, vector<16xf32>,
        tpu.vector_store %arg8[%parallel_loop3A_899, %parallel_loop3A_900], %parallel_loop3A_898 {strides = array<i32>} : memref<32x1024xf32, #tpu.memory_space<vmem>>, vector<16xf32>,
        %parallel_loop3A_902 = arith.constant 8 : i32
        %parallel_loop3A_903 = arith.index_cast %parallel_loop3A_902 : i32 to index
        %parallel_loop3A_904 = arith.constant 0 : index
        %parallel_loop3A_905 = tpu.vector_load %arg7[%parallel_loop3A_903, %parallel_loop3A_904] {strides = array<i32>} : memref<32x16xf32, #tpu.memory_space<vmem>>, vector<16xf32>,
        %parallel_loop3A_906 = arith.addf %parallel_loop3A_800, %parallel_loop3A_905 : vector<16xf32>
        %parallel_loop3A_907 = arith.index_cast %parallel_loop3A_795 : i32 to index
        %parallel_loop3A_908 = arith.constant 256 : index
        %parallel_loop3A_909 = tpu.vector_load %arg8[%parallel_loop3A_907, %parallel_loop3A_908] {strides = array<i32>} : memref<32x1024xf32, #tpu.memory_space<vmem>>, vector<16xf32>,
        tpu.vector_store %arg8[%parallel_loop3A_907, %parallel_loop3A_908], %parallel_loop3A_906 {strides = array<i32>} : memref<32x1024xf32, #tpu.memory_space<vmem>>, vector<16xf32>,
        %parallel_loop3A_910 = arith.addf %parallel_loop3A_805, %parallel_loop3A_905 : vector<16xf32>
        %parallel_loop3A_911 = arith.index_cast %parallel_loop3A_795 : i32 to index
        %parallel_loop3A_912 = arith.constant 272 : index
        %parallel_loop3A_913 = tpu.vector_load %arg8[%parallel_loop3A_911, %parallel_loop3A_912] {strides = array<i32>} : memref<32x1024xf32, #tpu.memory_space<vmem>>, vector<16xf32>,
        tpu.vector_store %arg8[%parallel_loop3A_911, %parallel_loop3A_912], %parallel_loop3A_910 {strides = array<i32>} : memref<32x1024xf32, #tpu.memory_space<vmem>>, vector<16xf32>,
        %parallel_loop3A_914 = arith.constant 9 : i32
        %parallel_loop3A_915 = arith.index_cast %parallel_loop3A_914 : i32 to index
        %parallel_loop3A_916 = arith.constant 0 : index
        %parallel_loop3A_917 = tpu.vector_load %arg7[%parallel_loop3A_915, %parallel_loop3A_916] {strides = array<i32>} : memref<32x16xf32, #tpu.memory_space<vmem>>, vector<16xf32>,
        %parallel_loop3A_918 = arith.addf %parallel_loop3A_800, %parallel_loop3A_917 : vector<16xf32>
        %parallel_loop3A_919 = arith.index_cast %parallel_loop3A_795 : i32 to index
        %parallel_loop3A_920 = arith.constant 288 : index
        %parallel_loop3A_921 = tpu.vector_load %arg8[%parallel_loop3A_919, %parallel_loop3A_920] {strides = array<i32>} : memref<32x1024xf32, #tpu.memory_space<vmem>>, vector<16xf32>,
        tpu.vector_store %arg8[%parallel_loop3A_919, %parallel_loop3A_920], %parallel_loop3A_918 {strides = array<i32>} : memref<32x1024xf32, #tpu.memory_space<vmem>>, vector<16xf32>,
        %parallel_loop3A_922 = arith.addf %parallel_loop3A_805, %parallel_loop3A_917 : vector<16xf32>
        %parallel_loop3A_923 = arith.index_cast %parallel_loop3A_795 : i32 to index
        %parallel_loop3A_924 = arith.constant 304 : index
        %parallel_loop3A_925 = tpu.vector_load %arg8[%parallel_loop3A_923, %parallel_loop3A_924] {strides = array<i32>} : memref<32x1024xf32, #tpu.memory_space<vmem>>, vector<16xf32>,
        tpu.vector_store %arg8[%parallel_loop3A_923, %parallel_loop3A_924], %parallel_loop3A_922 {strides = array<i32>} : memref<32x1024xf32, #tpu.memory_space<vmem>>, vector<16xf32>,
        %parallel_loop3A_926 = arith.constant 10 : i32
        %parallel_loop3A_927 = arith.index_cast %parallel_loop3A_926 : i32 to index
        %parallel_loop3A_928 = arith.constant 0 : index
        %parallel_loop3A_929 = tpu.vector_load %arg7[%parallel_loop3A_927, %parallel_loop3A_928] {strides = array<i32>} : memref<32x16xf32, #tpu.memory_space<vmem>>, vector<16xf32>,
        %parallel_loop3A_930 = arith.addf %parallel_loop3A_800, %parallel_loop3A_929 : vector<16xf32>
        %parallel_loop3A_931 = arith.index_cast %parallel_loop3A_795 : i32 to index
        %parallel_loop3A_932 = arith.constant 320 : index
        %parallel_loop3A_933 = tpu.vector_load %arg8[%parallel_loop3A_931, %parallel_loop3A_932] {strides = array<i32>} : memref<32x1024xf32, #tpu.memory_space<vmem>>, vector<16xf32>,
        tpu.vector_store %arg8[%parallel_loop3A_931, %parallel_loop3A_932], %parallel_loop3A_930 {strides = array<i32>} : memref<32x1024xf32, #tpu.memory_space<vmem>>, vector<16xf32>,
        %parallel_loop3A_934 = arith.addf %parallel_loop3A_805, %parallel_loop3A_929 : vector<16xf32>
        %parallel_loop3A_935 = arith.index_cast %parallel_loop3A_795 : i32 to index
        %parallel_loop3A_936 = arith.constant 336 : index
        %parallel_loop3A_937 = tpu.vector_load %arg8[%parallel_loop3A_935, %parallel_loop3A_936] {strides = array<i32>} : memref<32x1024xf32, #tpu.memory_space<vmem>>, vector<16xf32>,
        tpu.vector_store %arg8[%parallel_loop3A_935, %parallel_loop3A_936], %parallel_loop3A_934 {strides = array<i32>} : memref<32x1024xf32, #tpu.memory_space<vmem>>, vector<16xf32>,
        %parallel_loop3A_938 = arith.constant 11 : i32
        %parallel_loop3A_939 = arith.index_cast %parallel_loop3A_938 : i32 to index
        %parallel_loop3A_940 = arith.constant 0 : index
        %parallel_loop3A_941 = tpu.vector_load %arg7[%parallel_loop3A_939, %parallel_loop3A_940] {strides = array<i32>} : memref<32x16xf32, #tpu.memory_space<vmem>>, vector<16xf32>,
        %parallel_loop3A_942 = arith.addf %parallel_loop3A_800, %parallel_loop3A_941 : vector<16xf32>
        %parallel_loop3A_943 = arith.index_cast %parallel_loop3A_795 : i32 to index
        %parallel_loop3A_944 = arith.constant 352 : index
        %parallel_loop3A_945 = tpu.vector_load %arg8[%parallel_loop3A_943, %parallel_loop3A_944] {strides = array<i32>} : memref<32x1024xf32, #tpu.memory_space<vmem>>, vector<16xf32>,
        tpu.vector_store %arg8[%parallel_loop3A_943, %parallel_loop3A_944], %parallel_loop3A_942 {strides = array<i32>} : memref<32x1024xf32, #tpu.memory_space<vmem>>, vector<16xf32>,
        %parallel_loop3A_946 = arith.addf %parallel_loop3A_805, %parallel_loop3A_941 : vector<16xf32>
        %parallel_loop3A_947 = arith.index_cast %parallel_loop3A_795 : i32 to index
        %parallel_loop3A_948 = arith.constant 368 : index
        %parallel_loop3A_949 = tpu.vector_load %arg8[%parallel_loop3A_947, %parallel_loop3A_948] {strides = array<i32>} : memref<32x1024xf32, #tpu.memory_space<vmem>>, vector<16xf32>,
        tpu.vector_store %arg8[%parallel_loop3A_947, %parallel_loop3A_948], %parallel_loop3A_946 {strides = array<i32>} : memref<32x1024xf32, #tpu.memory_space<vmem>>, vector<16xf32>,
        %parallel_loop3A_950 = arith.constant 12 : i32
        %parallel_loop3A_951 = arith.index_cast %parallel_loop3A_950 : i32 to index
        %parallel_loop3A_952 = arith.constant 0 : index
        %parallel_loop3A_953 = tpu.vector_load %arg7[%parallel_loop3A_951, %parallel_loop3A_952] {strides = array<i32>} : memref<32x16xf32, #tpu.memory_space<vmem>>, vector<16xf32>,
        %parallel_loop3A_954 = arith.addf %parallel_loop3A_800, %parallel_loop3A_953 : vector<16xf32>
        %parallel_loop3A_955 = arith.index_cast %parallel_loop3A_795 : i32 to index
        %parallel_loop3A_956 = arith.constant 384 : index
        %parallel_loop3A_957 = tpu.vector_load %arg8[%parallel_loop3A_955, %parallel_loop3A_956] {strides = array<i32>} : memref<32x1024xf32, #tpu.memory_space<vmem>>, vector<16xf32>,
        tpu.vector_store %arg8[%parallel_loop3A_955, %parallel_loop3A_956], %parallel_loop3A_954 {strides = array<i32>} : memref<32x1024xf32, #tpu.memory_space<vmem>>, vector<16xf32>,
        %parallel_loop3A_958 = arith.addf %parallel_loop3A_805, %parallel_loop3A_953 : vector<16xf32>
        %parallel_loop3A_959 = arith.index_cast %parallel_loop3A_795 : i32 to index
        %parallel_loop3A_960 = arith.constant 400 : index
        %parallel_loop3A_961 = tpu.vector_load %arg8[%parallel_loop3A_959, %parallel_loop3A_960] {strides = array<i32>} : memref<32x1024xf32, #tpu.memory_space<vmem>>, vector<16xf32>,
        tpu.vector_store %arg8[%parallel_loop3A_959, %parallel_loop3A_960], %parallel_loop3A_958 {strides = array<i32>} : memref<32x1024xf32, #tpu.memory_space<vmem>>, vector<16xf32>,
        %parallel_loop3A_962 = arith.constant 13 : i32
        %parallel_loop3A_963 = arith.index_cast %parallel_loop3A_962 : i32 to index
        %parallel_loop3A_964 = arith.constant 0 : index
        %parallel_loop3A_965 = tpu.vector_load %arg7[%parallel_loop3A_963, %parallel_loop3A_964] {strides = array<i32>} : memref<32x16xf32, #tpu.memory_space<vmem>>, vector<16xf32>,
        %parallel_loop3A_966 = arith.addf %parallel_loop3A_800, %parallel_loop3A_965 : vector<16xf32>
        %parallel_loop3A_967 = arith.index_cast %parallel_loop3A_795 : i32 to index
        %parallel_loop3A_968 = arith.constant 416 : index
        %parallel_loop3A_969 = tpu.vector_load %arg8[%parallel_loop3A_967, %parallel_loop3A_968] {strides = array<i32>} : memref<32x1024xf32, #tpu.memory_space<vmem>>, vector<16xf32>,
        tpu.vector_store %arg8[%parallel_loop3A_967, %parallel_loop3A_968], %parallel_loop3A_966 {strides = array<i32>} : memref<32x1024xf32, #tpu.memory_space<vmem>>, vector<16xf32>,
        %parallel_loop3A_970 = arith.addf %parallel_loop3A_805, %parallel_loop3A_965 : vector<16xf32>
        %parallel_loop3A_971 = arith.index_cast %parallel_loop3A_795 : i32 to index
        %parallel_loop3A_972 = arith.constant 432 : index
        %parallel_loop3A_973 = tpu.vector_load %arg8[%parallel_loop3A_971, %parallel_loop3A_972] {strides = array<i32>} : memref<32x1024xf32, #tpu.memory_space<vmem>>, vector<16xf32>,
        tpu.vector_store %arg8[%parallel_loop3A_971, %parallel_loop3A_972], %parallel_loop3A_970 {strides = array<i32>} : memref<32x1024xf32, #tpu.memory_space<vmem>>, vector<16xf32>,
        %parallel_loop3A_974 = arith.constant 14 : i32
        %parallel_loop3A_975 = arith.index_cast %parallel_loop3A_974 : i32 to index
        %parallel_loop3A_976 = arith.constant 0 : index
        %parallel_loop3A_977 = tpu.vector_load %arg7[%parallel_loop3A_975, %parallel_loop3A_976] {strides = array<i32>} : memref<32x16xf32, #tpu.memory_space<vmem>>, vector<16xf32>,
        %parallel_loop3A_978 = arith.addf %parallel_loop3A_800, %parallel_loop3A_977 : vector<16xf32>
        %parallel_loop3A_979 = arith.index_cast %parallel_loop3A_795 : i32 to index
        %parallel_loop3A_980 = arith.constant 448 : index
        %parallel_loop3A_981 = tpu.vector_load %arg8[%parallel_loop3A_979, %parallel_loop3A_980] {strides = array<i32>} : memref<32x1024xf32, #tpu.memory_space<vmem>>, vector<16xf32>,
        tpu.vector_store %arg8[%parallel_loop3A_979, %parallel_loop3A_980], %parallel_loop3A_978 {strides = array<i32>} : memref<32x1024xf32, #tpu.memory_space<vmem>>, vector<16xf32>,
        %parallel_loop3A_982 = arith.addf %parallel_loop3A_805, %parallel_loop3A_977 : vector<16xf32>
        %parallel_loop3A_983 = arith.index_cast %parallel_loop3A_795 : i32 to index
        %parallel_loop3A_984 = arith.constant 464 : index
        %parallel_loop3A_985 = tpu.vector_load %arg8[%parallel_loop3A_983, %parallel_loop3A_984] {strides = array<i32>} : memref<32x1024xf32, #tpu.memory_space<vmem>>, vector<16xf32>,
        tpu.vector_store %arg8[%parallel_loop3A_983, %parallel_loop3A_984], %parallel_loop3A_982 {strides = array<i32>} : memref<32x1024xf32, #tpu.memory_space<vmem>>, vector<16xf32>,
        %parallel_loop3A_986 = arith.constant 15 : i32
        %parallel_loop3A_987 = arith.index_cast %parallel_loop3A_986 : i32 to index
        %parallel_loop3A_988 = arith.constant 0 : index
        %parallel_loop3A_989 = tpu.vector_load %arg7[%parallel_loop3A_987, %parallel_loop3A_988] {strides = array<i32>} : memref<32x16xf32, #tpu.memory_space<vmem>>, vector<16xf32>,
        %parallel_loop3A_990 = arith.addf %parallel_loop3A_800, %parallel_loop3A_989 : vector<16xf32>
        %parallel_loop3A_991 = arith.index_cast %parallel_loop3A_795 : i32 to index
        %parallel_loop3A_992 = arith.constant 480 : index
        %parallel_loop3A_993 = tpu.vector_load %arg8[%parallel_loop3A_991, %parallel_loop3A_992] {strides = array<i32>} : memref<32x1024xf32, #tpu.memory_space<vmem>>, vector<16xf32>,
        tpu.vector_store %arg8[%parallel_loop3A_991, %parallel_loop3A_992], %parallel_loop3A_990 {strides = array<i32>} : memref<32x1024xf32, #tpu.memory_space<vmem>>, vector<16xf32>,
        %parallel_loop3A_994 = arith.addf %parallel_loop3A_805, %parallel_loop3A_989 : vector<16xf32>
        %parallel_loop3A_995 = arith.index_cast %parallel_loop3A_795 : i32 to index
        %parallel_loop3A_996 = arith.constant 496 : index
        %parallel_loop3A_997 = tpu.vector_load %arg8[%parallel_loop3A_995, %parallel_loop3A_996] {strides = array<i32>} : memref<32x1024xf32, #tpu.memory_space<vmem>>, vector<16xf32>,
        tpu.vector_store %arg8[%parallel_loop3A_995, %parallel_loop3A_996], %parallel_loop3A_994 {strides = array<i32>} : memref<32x1024xf32, #tpu.memory_space<vmem>>, vector<16xf32>,
        %parallel_loop3A_998 = arith.constant 16 : i32
        %parallel_loop3A_999 = arith.index_cast %parallel_loop3A_998 : i32 to index
        %parallel_loop3A_1000 = arith.constant 0 : index
        %parallel_loop3A_1001 = tpu.vector_load %arg7[%parallel_loop3A_999, %parallel_loop3A_1000] {strides = array<i32>} : memref<32x16xf32, #tpu.memory_space<vmem>>, vector<16xf32>,
        %parallel_loop3A_1002 = arith.addf %parallel_loop3A_800, %parallel_loop3A_1001 : vector<16xf32>
        %parallel_loop3A_1003 = arith.index_cast %parallel_loop3A_795 : i32 to index
        %parallel_loop3A_1004 = arith.constant 512 : index
        %parallel_loop3A_1005 = tpu.vector_load %arg8[%parallel_loop3A_1003, %parallel_loop3A_1004] {strides = array<i32>} : memref<32x1024xf32, #tpu.memory_space<vmem>>, vector<16xf32>,
        tpu.vector_store %arg8[%parallel_loop3A_1003, %parallel_loop3A_1004], %parallel_loop3A_1002 {strides = array<i32>} : memref<32x1024xf32, #tpu.memory_space<vmem>>, vector<16xf32>,
        %parallel_loop3A_1006 = arith.addf %parallel_loop3A_805, %parallel_loop3A_1001 : vector<16xf32>
        %parallel_loop3A_1007 = arith.index_cast %parallel_loop3A_795 : i32 to index
        %parallel_loop3A_1008 = arith.constant 528 : index
        %parallel_loop3A_1009 = tpu.vector_load %arg8[%parallel_loop3A_1007, %parallel_loop3A_1008] {strides = array<i32>} : memref<32x1024xf32, #tpu.memory_space<vmem>>, vector<16xf32>,
        tpu.vector_store %arg8[%parallel_loop3A_1007, %parallel_loop3A_1008], %parallel_loop3A_1006 {strides = array<i32>} : memref<32x1024xf32, #tpu.memory_space<vmem>>, vector<16xf32>,
        %parallel_loop3A_1010 = arith.constant 17 : i32
        %parallel_loop3A_1011 = arith.index_cast %parallel_loop3A_1010 : i32 to index
        %parallel_loop3A_1012 = arith.constant 0 : index
        %parallel_loop3A_1013 = tpu.vector_load %arg7[%parallel_loop3A_1011, %parallel_loop3A_1012] {strides = array<i32>} : memref<32x16xf32, #tpu.memory_space<vmem>>, vector<16xf32>,
        %parallel_loop3A_1014 = arith.addf %parallel_loop3A_800, %parallel_loop3A_1013 : vector<16xf32>
        %parallel_loop3A_1015 = arith.index_cast %parallel_loop3A_795 : i32 to index
        %parallel_loop3A_1016 = arith.constant 544 : index
        %parallel_loop3A_1017 = tpu.vector_load %arg8[%parallel_loop3A_1015, %parallel_loop3A_1016] {strides = array<i32>} : memref<32x1024xf32, #tpu.memory_space<vmem>>, vector<16xf32>,
        tpu.vector_store %arg8[%parallel_loop3A_1015, %parallel_loop3A_1016], %parallel_loop3A_1014 {strides = array<i32>} : memref<32x1024xf32, #tpu.memory_space<vmem>>, vector<16xf32>,
        %parallel_loop3A_1018 = arith.addf %parallel_loop3A_805, %parallel_loop3A_1013 : vector<16xf32>
        %parallel_loop3A_1019 = arith.index_cast %parallel_loop3A_795 : i32 to index
        %parallel_loop3A_1020 = arith.constant 560 : index
        %parallel_loop3A_1021 = tpu.vector_load %arg8[%parallel_loop3A_1019, %parallel_loop3A_1020] {strides = array<i32>} : memref<32x1024xf32, #tpu.memory_space<vmem>>, vector<16xf32>,
        tpu.vector_store %arg8[%parallel_loop3A_1019, %parallel_loop3A_1020], %parallel_loop3A_1018 {strides = array<i32>} : memref<32x1024xf32, #tpu.memory_space<vmem>>, vector<16xf32>,
        %parallel_loop3A_1022 = arith.constant 18 : i32
        %parallel_loop3A_1023 = arith.index_cast %parallel_loop3A_1022 : i32 to index
        %parallel_loop3A_1024 = arith.constant 0 : index
        %parallel_loop3A_1025 = tpu.vector_load %arg7[%parallel_loop3A_1023, %parallel_loop3A_1024] {strides = array<i32>} : memref<32x16xf32, #tpu.memory_space<vmem>>, vector<16xf32>,
        %parallel_loop3A_1026 = arith.addf %parallel_loop3A_800, %parallel_loop3A_1025 : vector<16xf32>
        %parallel_loop3A_1027 = arith.index_cast %parallel_loop3A_795 : i32 to index
        %parallel_loop3A_1028 = arith.constant 576 : index
        %parallel_loop3A_1029 = tpu.vector_load %arg8[%parallel_loop3A_1027, %parallel_loop3A_1028] {strides = array<i32>} : memref<32x1024xf32, #tpu.memory_space<vmem>>, vector<16xf32>,
        tpu.vector_store %arg8[%parallel_loop3A_1027, %parallel_loop3A_1028], %parallel_loop3A_1026 {strides = array<i32>} : memref<32x1024xf32, #tpu.memory_space<vmem>>, vector<16xf32>,
        %parallel_loop3A_1030 = arith.addf %parallel_loop3A_805, %parallel_loop3A_1025 : vector<16xf32>
        %parallel_loop3A_1031 = arith.index_cast %parallel_loop3A_795 : i32 to index
        %parallel_loop3A_1032 = arith.constant 592 : index
        %parallel_loop3A_1033 = tpu.vector_load %arg8[%parallel_loop3A_1031, %parallel_loop3A_1032] {strides = array<i32>} : memref<32x1024xf32, #tpu.memory_space<vmem>>, vector<16xf32>,
        tpu.vector_store %arg8[%parallel_loop3A_1031, %parallel_loop3A_1032], %parallel_loop3A_1030 {strides = array<i32>} : memref<32x1024xf32, #tpu.memory_space<vmem>>, vector<16xf32>,
        %parallel_loop3A_1034 = arith.constant 19 : i32
        %parallel_loop3A_1035 = arith.index_cast %parallel_loop3A_1034 : i32 to index
        %parallel_loop3A_1036 = arith.constant 0 : index
        %parallel_loop3A_1037 = tpu.vector_load %arg7[%parallel_loop3A_1035, %parallel_loop3A_1036] {strides = array<i32>} : memref<32x16xf32, #tpu.memory_space<vmem>>, vector<16xf32>,
        %parallel_loop3A_1038 = arith.addf %parallel_loop3A_800, %parallel_loop3A_1037 : vector<16xf32>
        %parallel_loop3A_1039 = arith.index_cast %parallel_loop3A_795 : i32 to index
        %parallel_loop3A_1040 = arith.constant 608 : index
        %parallel_loop3A_1041 = tpu.vector_load %arg8[%parallel_loop3A_1039, %parallel_loop3A_1040] {strides = array<i32>} : memref<32x1024xf32, #tpu.memory_space<vmem>>, vector<16xf32>,
        tpu.vector_store %arg8[%parallel_loop3A_1039, %parallel_loop3A_1040], %parallel_loop3A_1038 {strides = array<i32>} : memref<32x1024xf32, #tpu.memory_space<vmem>>, vector<16xf32>,
        %parallel_loop3A_1042 = arith.addf %parallel_loop3A_805, %parallel_loop3A_1037 : vector<16xf32>
        %parallel_loop3A_1043 = arith.index_cast %parallel_loop3A_795 : i32 to index
        %parallel_loop3A_1044 = arith.constant 624 : index
        %parallel_loop3A_1045 = tpu.vector_load %arg8[%parallel_loop3A_1043, %parallel_loop3A_1044] {strides = array<i32>} : memref<32x1024xf32, #tpu.memory_space<vmem>>, vector<16xf32>,
        tpu.vector_store %arg8[%parallel_loop3A_1043, %parallel_loop3A_1044], %parallel_loop3A_1042 {strides = array<i32>} : memref<32x1024xf32, #tpu.memory_space<vmem>>, vector<16xf32>,
        %parallel_loop3A_1046 = arith.constant 20 : i32
        %parallel_loop3A_1047 = arith.index_cast %parallel_loop3A_1046 : i32 to index
        %parallel_loop3A_1048 = arith.constant 0 : index
        %parallel_loop3A_1049 = tpu.vector_load %arg7[%parallel_loop3A_1047, %parallel_loop3A_1048] {strides = array<i32>} : memref<32x16xf32, #tpu.memory_space<vmem>>, vector<16xf32>,
        %parallel_loop3A_1050 = arith.addf %parallel_loop3A_800, %parallel_loop3A_1049 : vector<16xf32>
        %parallel_loop3A_1051 = arith.index_cast %parallel_loop3A_795 : i32 to index
        %parallel_loop3A_1052 = arith.constant 640 : index
        %parallel_loop3A_1053 = tpu.vector_load %arg8[%parallel_loop3A_1051, %parallel_loop3A_1052] {strides = array<i32>} : memref<32x1024xf32, #tpu.memory_space<vmem>>, vector<16xf32>,
        tpu.vector_store %arg8[%parallel_loop3A_1051, %parallel_loop3A_1052], %parallel_loop3A_1050 {strides = array<i32>} : memref<32x1024xf32, #tpu.memory_space<vmem>>, vector<16xf32>,
        %parallel_loop3A_1054 = arith.addf %parallel_loop3A_805, %parallel_loop3A_1049 : vector<16xf32>
        %parallel_loop3A_1055 = arith.index_cast %parallel_loop3A_795 : i32 to index
        %parallel_loop3A_1056 = arith.constant 656 : index
        %parallel_loop3A_1057 = tpu.vector_load %arg8[%parallel_loop3A_1055, %parallel_loop3A_1056] {strides = array<i32>} : memref<32x1024xf32, #tpu.memory_space<vmem>>, vector<16xf32>,
        tpu.vector_store %arg8[%parallel_loop3A_1055, %parallel_loop3A_1056], %parallel_loop3A_1054 {strides = array<i32>} : memref<32x1024xf32, #tpu.memory_space<vmem>>, vector<16xf32>,
        %parallel_loop3A_1058 = arith.constant 21 : i32
        %parallel_loop3A_1059 = arith.index_cast %parallel_loop3A_1058 : i32 to index
        %parallel_loop3A_1060 = arith.constant 0 : index
        %parallel_loop3A_1061 = tpu.vector_load %arg7[%parallel_loop3A_1059, %parallel_loop3A_1060] {strides = array<i32>} : memref<32x16xf32, #tpu.memory_space<vmem>>, vector<16xf32>,
        %parallel_loop3A_1062 = arith.addf %parallel_loop3A_800, %parallel_loop3A_1061 : vector<16xf32>
        %parallel_loop3A_1063 = arith.index_cast %parallel_loop3A_795 : i32 to index
        %parallel_loop3A_1064 = arith.constant 672 : index
        %parallel_loop3A_1065 = tpu.vector_load %arg8[%parallel_loop3A_1063, %parallel_loop3A_1064] {strides = array<i32>} : memref<32x1024xf32, #tpu.memory_space<vmem>>, vector<16xf32>,
        tpu.vector_store %arg8[%parallel_loop3A_1063, %parallel_loop3A_1064], %parallel_loop3A_1062 {strides = array<i32>} : memref<32x1024xf32, #tpu.memory_space<vmem>>, vector<16xf32>,
        %parallel_loop3A_1066 = arith.addf %parallel_loop3A_805, %parallel_loop3A_1061 : vector<16xf32>
        %parallel_loop3A_1067 = arith.index_cast %parallel_loop3A_795 : i32 to index
        %parallel_loop3A_1068 = arith.constant 688 : index
        %parallel_loop3A_1069 = tpu.vector_load %arg8[%parallel_loop3A_1067, %parallel_loop3A_1068] {strides = array<i32>} : memref<32x1024xf32, #tpu.memory_space<vmem>>, vector<16xf32>,
        tpu.vector_store %arg8[%parallel_loop3A_1067, %parallel_loop3A_1068], %parallel_loop3A_1066 {strides = array<i32>} : memref<32x1024xf32, #tpu.memory_space<vmem>>, vector<16xf32>,
        %parallel_loop3A_1070 = arith.constant 22 : i32
        %parallel_loop3A_1071 = arith.index_cast %parallel_loop3A_1070 : i32 to index
        %parallel_loop3A_1072 = arith.constant 0 : index
        %parallel_loop3A_1073 = tpu.vector_load %arg7[%parallel_loop3A_1071, %parallel_loop3A_1072] {strides = array<i32>} : memref<32x16xf32, #tpu.memory_space<vmem>>, vector<16xf32>,
        %parallel_loop3A_1074 = arith.addf %parallel_loop3A_800, %parallel_loop3A_1073 : vector<16xf32>
        %parallel_loop3A_1075 = arith.index_cast %parallel_loop3A_795 : i32 to index
        %parallel_loop3A_1076 = arith.constant 704 : index
        %parallel_loop3A_1077 = tpu.vector_load %arg8[%parallel_loop3A_1075, %parallel_loop3A_1076] {strides = array<i32>} : memref<32x1024xf32, #tpu.memory_space<vmem>>, vector<16xf32>,
        tpu.vector_store %arg8[%parallel_loop3A_1075, %parallel_loop3A_1076], %parallel_loop3A_1074 {strides = array<i32>} : memref<32x1024xf32, #tpu.memory_space<vmem>>, vector<16xf32>,
        %parallel_loop3A_1078 = arith.addf %parallel_loop3A_805, %parallel_loop3A_1073 : vector<16xf32>
        %parallel_loop3A_1079 = arith.index_cast %parallel_loop3A_795 : i32 to index
        %parallel_loop3A_1080 = arith.constant 720 : index
        %parallel_loop3A_1081 = tpu.vector_load %arg8[%parallel_loop3A_1079, %parallel_loop3A_1080] {strides = array<i32>} : memref<32x1024xf32, #tpu.memory_space<vmem>>, vector<16xf32>,
        tpu.vector_store %arg8[%parallel_loop3A_1079, %parallel_loop3A_1080], %parallel_loop3A_1078 {strides = array<i32>} : memref<32x1024xf32, #tpu.memory_space<vmem>>, vector<16xf32>,
        %parallel_loop3A_1082 = arith.constant 23 : i32
        %parallel_loop3A_1083 = arith.index_cast %parallel_loop3A_1082 : i32 to index
        %parallel_loop3A_1084 = arith.constant 0 : index
        %parallel_loop3A_1085 = tpu.vector_load %arg7[%parallel_loop3A_1083, %parallel_loop3A_1084] {strides = array<i32>} : memref<32x16xf32, #tpu.memory_space<vmem>>, vector<16xf32>,
        %parallel_loop3A_1086 = arith.addf %parallel_loop3A_800, %parallel_loop3A_1085 : vector<16xf32>
        %parallel_loop3A_1087 = arith.index_cast %parallel_loop3A_795 : i32 to index
        %parallel_loop3A_1088 = arith.constant 736 : index
        %parallel_loop3A_1089 = tpu.vector_load %arg8[%parallel_loop3A_1087, %parallel_loop3A_1088] {strides = array<i32>} : memref<32x1024xf32, #tpu.memory_space<vmem>>, vector<16xf32>,
        tpu.vector_store %arg8[%parallel_loop3A_1087, %parallel_loop3A_1088], %parallel_loop3A_1086 {strides = array<i32>} : memref<32x1024xf32, #tpu.memory_space<vmem>>, vector<16xf32>,
        %parallel_loop3A_1090 = arith.addf %parallel_loop3A_805, %parallel_loop3A_1085 : vector<16xf32>
        %parallel_loop3A_1091 = arith.index_cast %parallel_loop3A_795 : i32 to index
        %parallel_loop3A_1092 = arith.constant 752 : index
        %parallel_loop3A_1093 = tpu.vector_load %arg8[%parallel_loop3A_1091, %parallel_loop3A_1092] {strides = array<i32>} : memref<32x1024xf32, #tpu.memory_space<vmem>>, vector<16xf32>,
        tpu.vector_store %arg8[%parallel_loop3A_1091, %parallel_loop3A_1092], %parallel_loop3A_1090 {strides = array<i32>} : memref<32x1024xf32, #tpu.memory_space<vmem>>, vector<16xf32>,
        %parallel_loop3A_1094 = arith.constant 24 : i32
        %parallel_loop3A_1095 = arith.index_cast %parallel_loop3A_1094 : i32 to index
        %parallel_loop3A_1096 = arith.constant 0 : index
        %parallel_loop3A_1097 = tpu.vector_load %arg7[%parallel_loop3A_1095, %parallel_loop3A_1096] {strides = array<i32>} : memref<32x16xf32, #tpu.memory_space<vmem>>, vector<16xf32>,
        %parallel_loop3A_1098 = arith.addf %parallel_loop3A_800, %parallel_loop3A_1097 : vector<16xf32>
        %parallel_loop3A_1099 = arith.index_cast %parallel_loop3A_795 : i32 to index
        %parallel_loop3A_1100 = arith.constant 768 : index
        %parallel_loop3A_1101 = tpu.vector_load %arg8[%parallel_loop3A_1099, %parallel_loop3A_1100] {strides = array<i32>} : memref<32x1024xf32, #tpu.memory_space<vmem>>, vector<16xf32>,
        tpu.vector_store %arg8[%parallel_loop3A_1099, %parallel_loop3A_1100], %parallel_loop3A_1098 {strides = array<i32>} : memref<32x1024xf32, #tpu.memory_space<vmem>>, vector<16xf32>,
        %parallel_loop3A_1102 = arith.addf %parallel_loop3A_805, %parallel_loop3A_1097 : vector<16xf32>
        %parallel_loop3A_1103 = arith.index_cast %parallel_loop3A_795 : i32 to index
        %parallel_loop3A_1104 = arith.constant 784 : index
        %parallel_loop3A_1105 = tpu.vector_load %arg8[%parallel_loop3A_1103, %parallel_loop3A_1104] {strides = array<i32>} : memref<32x1024xf32, #tpu.memory_space<vmem>>, vector<16xf32>,
        tpu.vector_store %arg8[%parallel_loop3A_1103, %parallel_loop3A_1104], %parallel_loop3A_1102 {strides = array<i32>} : memref<32x1024xf32, #tpu.memory_space<vmem>>, vector<16xf32>,
        %parallel_loop3A_1106 = arith.constant 25 : i32
        %parallel_loop3A_1107 = arith.index_cast %parallel_loop3A_1106 : i32 to index
        %parallel_loop3A_1108 = arith.constant 0 : index
        %parallel_loop3A_1109 = tpu.vector_load %arg7[%parallel_loop3A_1107, %parallel_loop3A_1108] {strides = array<i32>} : memref<32x16xf32, #tpu.memory_space<vmem>>, vector<16xf32>,
        %parallel_loop3A_1110 = arith.addf %parallel_loop3A_800, %parallel_loop3A_1109 : vector<16xf32>
        %parallel_loop3A_1111 = arith.index_cast %parallel_loop3A_795 : i32 to index
        %parallel_loop3A_1112 = arith.constant 800 : index
        %parallel_loop3A_1113 = tpu.vector_load %arg8[%parallel_loop3A_1111, %parallel_loop3A_1112] {strides = array<i32>} : memref<32x1024xf32, #tpu.memory_space<vmem>>, vector<16xf32>,
        tpu.vector_store %arg8[%parallel_loop3A_1111, %parallel_loop3A_1112], %parallel_loop3A_1110 {strides = array<i32>} : memref<32x1024xf32, #tpu.memory_space<vmem>>, vector<16xf32>,
        %parallel_loop3A_1114 = arith.addf %parallel_loop3A_805, %parallel_loop3A_1109 : vector<16xf32>
        %parallel_loop3A_1115 = arith.index_cast %parallel_loop3A_795 : i32 to index
        %parallel_loop3A_1116 = arith.constant 816 : index
        %parallel_loop3A_1117 = tpu.vector_load %arg8[%parallel_loop3A_1115, %parallel_loop3A_1116] {strides = array<i32>} : memref<32x1024xf32, #tpu.memory_space<vmem>>, vector<16xf32>,
        tpu.vector_store %arg8[%parallel_loop3A_1115, %parallel_loop3A_1116], %parallel_loop3A_1114 {strides = array<i32>} : memref<32x1024xf32, #tpu.memory_space<vmem>>, vector<16xf32>,
        %parallel_loop3A_1118 = arith.constant 26 : i32
        %parallel_loop3A_1119 = arith.index_cast %parallel_loop3A_1118 : i32 to index
        %parallel_loop3A_1120 = arith.constant 0 : index
        %parallel_loop3A_1121 = tpu.vector_load %arg7[%parallel_loop3A_1119, %parallel_loop3A_1120] {strides = array<i32>} : memref<32x16xf32, #tpu.memory_space<vmem>>, vector<16xf32>,
        %parallel_loop3A_1122 = arith.addf %parallel_loop3A_800, %parallel_loop3A_1121 : vector<16xf32>
        %parallel_loop3A_1123 = arith.index_cast %parallel_loop3A_795 : i32 to index
        %parallel_loop3A_1124 = arith.constant 832 : index
        %parallel_loop3A_1125 = tpu.vector_load %arg8[%parallel_loop3A_1123, %parallel_loop3A_1124] {strides = array<i32>} : memref<32x1024xf32, #tpu.memory_space<vmem>>, vector<16xf32>,
        tpu.vector_store %arg8[%parallel_loop3A_1123, %parallel_loop3A_1124], %parallel_loop3A_1122 {strides = array<i32>} : memref<32x1024xf32, #tpu.memory_space<vmem>>, vector<16xf32>,
        %parallel_loop3A_1126 = arith.addf %parallel_loop3A_805, %parallel_loop3A_1121 : vector<16xf32>
        %parallel_loop3A_1127 = arith.index_cast %parallel_loop3A_795 : i32 to index
        %parallel_loop3A_1128 = arith.constant 848 : index
        %parallel_loop3A_1129 = tpu.vector_load %arg8[%parallel_loop3A_1127, %parallel_loop3A_1128] {strides = array<i32>} : memref<32x1024xf32, #tpu.memory_space<vmem>>, vector<16xf32>,
        tpu.vector_store %arg8[%parallel_loop3A_1127, %parallel_loop3A_1128], %parallel_loop3A_1126 {strides = array<i32>} : memref<32x1024xf32, #tpu.memory_space<vmem>>, vector<16xf32>,
        %parallel_loop3A_1130 = arith.constant 27 : i32
        %parallel_loop3A_1131 = arith.index_cast %parallel_loop3A_1130 : i32 to index
        %parallel_loop3A_1132 = arith.constant 0 : index
        %parallel_loop3A_1133 = tpu.vector_load %arg7[%parallel_loop3A_1131, %parallel_loop3A_1132] {strides = array<i32>} : memref<32x16xf32, #tpu.memory_space<vmem>>, vector<16xf32>,
        %parallel_loop3A_1134 = arith.addf %parallel_loop3A_800, %parallel_loop3A_1133 : vector<16xf32>
        %parallel_loop3A_1135 = arith.index_cast %parallel_loop3A_795 : i32 to index
        %parallel_loop3A_1136 = arith.constant 864 : index
        %parallel_loop3A_1137 = tpu.vector_load %arg8[%parallel_loop3A_1135, %parallel_loop3A_1136] {strides = array<i32>} : memref<32x1024xf32, #tpu.memory_space<vmem>>, vector<16xf32>,
        tpu.vector_store %arg8[%parallel_loop3A_1135, %parallel_loop3A_1136], %parallel_loop3A_1134 {strides = array<i32>} : memref<32x1024xf32, #tpu.memory_space<vmem>>, vector<16xf32>,
        %parallel_loop3A_1138 = arith.addf %parallel_loop3A_805, %parallel_loop3A_1133 : vector<16xf32>
        %parallel_loop3A_1139 = arith.index_cast %parallel_loop3A_795 : i32 to index
        %parallel_loop3A_1140 = arith.constant 880 : index
        %parallel_loop3A_1141 = tpu.vector_load %arg8[%parallel_loop3A_1139, %parallel_loop3A_1140] {strides = array<i32>} : memref<32x1024xf32, #tpu.memory_space<vmem>>, vector<16xf32>,
        tpu.vector_store %arg8[%parallel_loop3A_1139, %parallel_loop3A_1140], %parallel_loop3A_1138 {strides = array<i32>} : memref<32x1024xf32, #tpu.memory_space<vmem>>, vector<16xf32>,
        %parallel_loop3A_1142 = arith.constant 28 : i32
        %parallel_loop3A_1143 = arith.index_cast %parallel_loop3A_1142 : i32 to index
        %parallel_loop3A_1144 = arith.constant 0 : index
        %parallel_loop3A_1145 = tpu.vector_load %arg7[%parallel_loop3A_1143, %parallel_loop3A_1144] {strides = array<i32>} : memref<32x16xf32, #tpu.memory_space<vmem>>, vector<16xf32>,
        %parallel_loop3A_1146 = arith.addf %parallel_loop3A_800, %parallel_loop3A_1145 : vector<16xf32>
        %parallel_loop3A_1147 = arith.index_cast %parallel_loop3A_795 : i32 to index
        %parallel_loop3A_1148 = arith.constant 896 : index
        %parallel_loop3A_1149 = tpu.vector_load %arg8[%parallel_loop3A_1147, %parallel_loop3A_1148] {strides = array<i32>} : memref<32x1024xf32, #tpu.memory_space<vmem>>, vector<16xf32>,
        tpu.vector_store %arg8[%parallel_loop3A_1147, %parallel_loop3A_1148], %parallel_loop3A_1146 {strides = array<i32>} : memref<32x1024xf32, #tpu.memory_space<vmem>>, vector<16xf32>,
        %parallel_loop3A_1150 = arith.addf %parallel_loop3A_805, %parallel_loop3A_1145 : vector<16xf32>
        %parallel_loop3A_1151 = arith.index_cast %parallel_loop3A_795 : i32 to index
        %parallel_loop3A_1152 = arith.constant 912 : index
        %parallel_loop3A_1153 = tpu.vector_load %arg8[%parallel_loop3A_1151, %parallel_loop3A_1152] {strides = array<i32>} : memref<32x1024xf32, #tpu.memory_space<vmem>>, vector<16xf32>,
        tpu.vector_store %arg8[%parallel_loop3A_1151, %parallel_loop3A_1152], %parallel_loop3A_1150 {strides = array<i32>} : memref<32x1024xf32, #tpu.memory_space<vmem>>, vector<16xf32>,
        %parallel_loop3A_1154 = arith.constant 29 : i32
        %parallel_loop3A_1155 = arith.index_cast %parallel_loop3A_1154 : i32 to index
        %parallel_loop3A_1156 = arith.constant 0 : index
        %parallel_loop3A_1157 = tpu.vector_load %arg7[%parallel_loop3A_1155, %parallel_loop3A_1156] {strides = array<i32>} : memref<32x16xf32, #tpu.memory_space<vmem>>, vector<16xf32>,
        %parallel_loop3A_1158 = arith.addf %parallel_loop3A_800, %parallel_loop3A_1157 : vector<16xf32>
        %parallel_loop3A_1159 = arith.index_cast %parallel_loop3A_795 : i32 to index
        %parallel_loop3A_1160 = arith.constant 928 : index
        %parallel_loop3A_1161 = tpu.vector_load %arg8[%parallel_loop3A_1159, %parallel_loop3A_1160] {strides = array<i32>} : memref<32x1024xf32, #tpu.memory_space<vmem>>, vector<16xf32>,
        tpu.vector_store %arg8[%parallel_loop3A_1159, %parallel_loop3A_1160], %parallel_loop3A_1158 {strides = array<i32>} : memref<32x1024xf32, #tpu.memory_space<vmem>>, vector<16xf32>,
        %parallel_loop3A_1162 = arith.addf %parallel_loop3A_805, %parallel_loop3A_1157 : vector<16xf32>
        %parallel_loop3A_1163 = arith.index_cast %parallel_loop3A_795 : i32 to index
        %parallel_loop3A_1164 = arith.constant 944 : index
        %parallel_loop3A_1165 = tpu.vector_load %arg8[%parallel_loop3A_1163, %parallel_loop3A_1164] {strides = array<i32>} : memref<32x1024xf32, #tpu.memory_space<vmem>>, vector<16xf32>,
        tpu.vector_store %arg8[%parallel_loop3A_1163, %parallel_loop3A_1164], %parallel_loop3A_1162 {strides = array<i32>} : memref<32x1024xf32, #tpu.memory_space<vmem>>, vector<16xf32>,
        %parallel_loop3A_1166 = arith.constant 30 : i32
        %parallel_loop3A_1167 = arith.index_cast %parallel_loop3A_1166 : i32 to index
        %parallel_loop3A_1168 = arith.constant 0 : index
        %parallel_loop3A_1169 = tpu.vector_load %arg7[%parallel_loop3A_1167, %parallel_loop3A_1168] {strides = array<i32>} : memref<32x16xf32, #tpu.memory_space<vmem>>, vector<16xf32>,
        %parallel_loop3A_1170 = arith.addf %parallel_loop3A_800, %parallel_loop3A_1169 : vector<16xf32>
        %parallel_loop3A_1171 = arith.index_cast %parallel_loop3A_795 : i32 to index
        %parallel_loop3A_1172 = arith.constant 960 : index
        %parallel_loop3A_1173 = tpu.vector_load %arg8[%parallel_loop3A_1171, %parallel_loop3A_1172] {strides = array<i32>} : memref<32x1024xf32, #tpu.memory_space<vmem>>, vector<16xf32>,
        tpu.vector_store %arg8[%parallel_loop3A_1171, %parallel_loop3A_1172], %parallel_loop3A_1170 {strides = array<i32>} : memref<32x1024xf32, #tpu.memory_space<vmem>>, vector<16xf32>,
        %parallel_loop3A_1174 = arith.addf %parallel_loop3A_805, %parallel_loop3A_1169 : vector<16xf32>
        %parallel_loop3A_1175 = arith.index_cast %parallel_loop3A_795 : i32 to index
        %parallel_loop3A_1176 = arith.constant 976 : index
        %parallel_loop3A_1177 = tpu.vector_load %arg8[%parallel_loop3A_1175, %parallel_loop3A_1176] {strides = array<i32>} : memref<32x1024xf32, #tpu.memory_space<vmem>>, vector<16xf32>,
        tpu.vector_store %arg8[%parallel_loop3A_1175, %parallel_loop3A_1176], %parallel_loop3A_1174 {strides = array<i32>} : memref<32x1024xf32, #tpu.memory_space<vmem>>, vector<16xf32>,
        %parallel_loop3A_1178 = arith.constant 31 : i32
        %parallel_loop3A_1179 = arith.index_cast %parallel_loop3A_1178 : i32 to index
        %parallel_loop3A_1180 = arith.constant 0 : index
        %parallel_loop3A_1181 = tpu.vector_load %arg7[%parallel_loop3A_1179, %parallel_loop3A_1180] {strides = array<i32>} : memref<32x16xf32, #tpu.memory_space<vmem>>, vector<16xf32>,
        %parallel_loop3A_1182 = arith.addf %parallel_loop3A_800, %parallel_loop3A_1181 : vector<16xf32>
        %parallel_loop3A_1183 = arith.index_cast %parallel_loop3A_795 : i32 to index
        %parallel_loop3A_1184 = arith.constant 992 : index
        %parallel_loop3A_1185 = tpu.vector_load %arg8[%parallel_loop3A_1183, %parallel_loop3A_1184] {strides = array<i32>} : memref<32x1024xf32, #tpu.memory_space<vmem>>, vector<16xf32>,
        tpu.vector_store %arg8[%parallel_loop3A_1183, %parallel_loop3A_1184], %parallel_loop3A_1182 {strides = array<i32>} : memref<32x1024xf32, #tpu.memory_space<vmem>>, vector<16xf32>,
        %parallel_loop3A_1186 = arith.addf %parallel_loop3A_805, %parallel_loop3A_1181 : vector<16xf32>
        %parallel_loop3A_1187 = arith.index_cast %parallel_loop3A_795 : i32 to index
        %parallel_loop3A_1188 = arith.constant 1008 : index
        %parallel_loop3A_1189 = tpu.vector_load %arg8[%parallel_loop3A_1187, %parallel_loop3A_1188] {strides = array<i32>} : memref<32x1024xf32, #tpu.memory_space<vmem>>, vector<16xf32>,
        tpu.vector_store %arg8[%parallel_loop3A_1187, %parallel_loop3A_1188], %parallel_loop3A_1186 {strides = array<i32>} : memref<32x1024xf32, #tpu.memory_space<vmem>>, vector<16xf32>,
      } {sc.loop_unroll_factor = 2 : i64, sc.parallel_access}
      %mul3A_418 = arith.constant 32 : i32
      %mul3A_419 = arith.muli %add3A_63, %mul3A_418 : i32
      %dma_start3A = arith.constant 0 : i32
      %dma_start3A_420 = tpu.memref_slice %arg4[%select_n3A, %mul3A_419, %dma_start3A] : memref<4x1024x1024xf32, #tpu.memory_space<hbm>> -> memref<1x32x1024xf32, #tpu.memory_space<hbm>>
      %dma_start3A_421 = tpu.memref_squeeze %dma_start3A_420 : memref<1x32x1024xf32, #tpu.memory_space<hbm>> -> memref<32x1024xf32, #tpu.memory_space<hbm>>
      %dma_start3A_422 = arith.constant 0 : i32
      %dma_start3A_423 = tpu.memref_slice %arg4[%select_n3A, %mul3A_419, %dma_start3A_422] : memref<4x1024x1024xf32, #tpu.memory_space<hbm>> -> memref<1x32x1024xf32, #tpu.memory_space<hbm>>
      %dma_start3A_424 = tpu.memref_squeeze %dma_start3A_423 : memref<1x32x1024xf32, #tpu.memory_space<hbm>> -> memref<32x1024xf32, #tpu.memory_space<hbm>>
      tpu.enqueue_dma source(%arg8 : memref<32x1024xf32, #tpu.memory_space<vmem>>) target(%dma_start3A_424 : memref<32x1024xf32, #tpu.memory_space<hbm>>) target_semaphore(%arg10 : memref<!tpu.dma_semaphore, #tpu.memory_space<semaphore_mem>>)
      %gt3A_425 = arith.constant 0 : i32
      %gt3A_426 = arith.cmpi sgt, %scan3A_60, %gt3A_425 : i32
      %convert_element_type3A_427 = arith.extui %gt3A_426 : i1 to i32
      %cond3A_428 = arith.constant 0 : i32
      %cond3A_429 = arith.cmpi ne, %convert_element_type3A_427, %cond3A_428 : i32
      scf.if %cond3A_429 {
        %sub3A_795 = arith.constant 1 : i32
        %sub3A_796 = arith.subi %add3A_63, %sub3A_795 : i32
        %mul3A_797 = arith.constant 32 : i32
        %mul3A_798 = arith.muli %sub3A_796, %mul3A_797 : i32
        %dma_wait3A_799 = arith.constant 0 : i32
        %dma_wait3A_800 = tpu.memref_slice %arg4[%select_n3A, %mul3A_798, %dma_wait3A_799] : memref<4x1024x1024xf32, #tpu.memory_space<hbm>> -> memref<1x32x1024xf32, #tpu.memory_space<hbm>>
        %dma_wait3A_801 = tpu.memref_squeeze %dma_wait3A_800 : memref<1x32x1024xf32, #tpu.memory_space<hbm>> -> memref<32x1024xf32, #tpu.memory_space<hbm>>
        %dma_wait3A_802 = arith.constant 0 : i32
        %dma_wait3A_803 = tpu.memref_slice %arg4[%select_n3A, %mul3A_798, %dma_wait3A_802] : memref<4x1024x1024xf32, #tpu.memory_space<hbm>> -> memref<1x32x1024xf32, #tpu.memory_space<hbm>>
        %dma_wait3A_804 = tpu.memref_squeeze %dma_wait3A_803 : memref<1x32x1024xf32, #tpu.memory_space<hbm>> -> memref<32x1024xf32, #tpu.memory_space<hbm>>
        tpu.wait_dma2 semaphore(%arg11 : memref<!tpu.dma_semaphore, #tpu.memory_space<semaphore_mem>>) src(%arg9 : memref<32x1024xf32, #tpu.memory_space<vmem>>) dst(%dma_wait3A_804 : memref<32x1024xf32, #tpu.memory_space<hbm>>)
      } else {
      }
      %add3A_430 = arith.constant 1 : i32
      %add3A_431 = arith.addi %add3A_63, %add3A_430 : i32
      %add3A_432 = arith.constant 31 : i32
      %add3A_433 = arith.addi %add3A_431, %add3A_432 : i32
      %sub3A_434 = arith.constant 0 : i32
      %sub3A_435 = arith.subi %add3A_433, %sub3A_434 : i32
      %add3A_436 = vector.broadcast %sub3A_435 : i32 to vector<16xi32>
      %add3A_437 = arith.addi %broadcast_in_dim3A_33, %add3A_436 : vector<16xi32>
      %gather3A_438 = tpu.vector_load_idx %arg5[%add3A_437] : memref<64xf32, #tpu.memory_space<vmem>>[vector<16xi32>], vector<16xf32>,
      %swap3A_439 = arith.constant 0 : i32
      %swap3A_440 = arith.index_cast %swap3A_439 : i32 to index
      %swap3A_441 = arith.constant 0 : index
      %swap3A_442 = tpu.vector_load %arg7[%swap3A_440, %swap3A_441] {strides = array<i32>} : memref<32x16xf32, #tpu.memory_space<vmem>>, vector<16xf32>,
      tpu.vector_store %arg7[%swap3A_440, %swap3A_441], %gather3A_438 {strides = array<i32>} : memref<32x16xf32, #tpu.memory_space<vmem>>, vector<16xf32>,
      %add3A_443 = arith.constant 31 : i32
      %add3A_444 = arith.addi %add3A_431, %add3A_443 : i32
      %sub3A_445 = arith.constant 1 : i32
      %sub3A_446 = arith.subi %add3A_444, %sub3A_445 : i32
      %add3A_447 = vector.broadcast %sub3A_446 : i32 to vector<16xi32>
      %add3A_448 = arith.addi %broadcast_in_dim3A_33, %add3A_447 : vector<16xi32>
      %gather3A_449 = tpu.vector_load_idx %arg5[%add3A_448] : memref<64xf32, #tpu.memory_space<vmem>>[vector<16xi32>], vector<16xf32>,
      %swap3A_450 = arith.constant 1 : i32
      %swap3A_451 = arith.index_cast %swap3A_450 : i32 to index
      %swap3A_452 = arith.constant 0 : index
      %swap3A_453 = tpu.vector_load %arg7[%swap3A_451, %swap3A_452] {strides = array<i32>} : memref<32x16xf32, #tpu.memory_space<vmem>>, vector<16xf32>,
      tpu.vector_store %arg7[%swap3A_451, %swap3A_452], %gather3A_449 {strides = array<i32>} : memref<32x16xf32, #tpu.memory_space<vmem>>, vector<16xf32>,
      %add3A_454 = arith.constant 31 : i32
      %add3A_455 = arith.addi %add3A_431, %add3A_454 : i32
      %sub3A_456 = arith.constant 2 : i32
      %sub3A_457 = arith.subi %add3A_455, %sub3A_456 : i32
      %add3A_458 = vector.broadcast %sub3A_457 : i32 to vector<16xi32>
      %add3A_459 = arith.addi %broadcast_in_dim3A_33, %add3A_458 : vector<16xi32>
      %gather3A_460 = tpu.vector_load_idx %arg5[%add3A_459] : memref<64xf32, #tpu.memory_space<vmem>>[vector<16xi32>], vector<16xf32>,
      %swap3A_461 = arith.constant 2 : i32
      %swap3A_462 = arith.index_cast %swap3A_461 : i32 to index
      %swap3A_463 = arith.constant 0 : index
      %swap3A_464 = tpu.vector_load %arg7[%swap3A_462, %swap3A_463] {strides = array<i32>} : memref<32x16xf32, #tpu.memory_space<vmem>>, vector<16xf32>,
      tpu.vector_store %arg7[%swap3A_462, %swap3A_463], %gather3A_460 {strides = array<i32>} : memref<32x16xf32, #tpu.memory_space<vmem>>, vector<16xf32>,
      %add3A_465 = arith.constant 31 : i32
      %add3A_466 = arith.addi %add3A_431, %add3A_465 : i32
      %sub3A_467 = arith.constant 3 : i32
      %sub3A_468 = arith.subi %add3A_466, %sub3A_467 : i32
      %add3A_469 = vector.broadcast %sub3A_468 : i32 to vector<16xi32>
      %add3A_470 = arith.addi %broadcast_in_dim3A_33, %add3A_469 : vector<16xi32>
      %gather3A_471 = tpu.vector_load_idx %arg5[%add3A_470] : memref<64xf32, #tpu.memory_space<vmem>>[vector<16xi32>], vector<16xf32>,
      %swap3A_472 = arith.constant 3 : i32
      %swap3A_473 = arith.index_cast %swap3A_472 : i32 to index
      %swap3A_474 = arith.constant 0 : index
      %swap3A_475 = tpu.vector_load %arg7[%swap3A_473, %swap3A_474] {strides = array<i32>} : memref<32x16xf32, #tpu.memory_space<vmem>>, vector<16xf32>,
      tpu.vector_store %arg7[%swap3A_473, %swap3A_474], %gather3A_471 {strides = array<i32>} : memref<32x16xf32, #tpu.memory_space<vmem>>, vector<16xf32>,
      %add3A_476 = arith.constant 31 : i32
      %add3A_477 = arith.addi %add3A_431, %add3A_476 : i32
      %sub3A_478 = arith.constant 4 : i32
      %sub3A_479 = arith.subi %add3A_477, %sub3A_478 : i32
      %add3A_480 = vector.broadcast %sub3A_479 : i32 to vector<16xi32>
      %add3A_481 = arith.addi %broadcast_in_dim3A_33, %add3A_480 : vector<16xi32>
      %gather3A_482 = tpu.vector_load_idx %arg5[%add3A_481] : memref<64xf32, #tpu.memory_space<vmem>>[vector<16xi32>], vector<16xf32>,
      %swap3A_483 = arith.constant 4 : i32
      %swap3A_484 = arith.index_cast %swap3A_483 : i32 to index
      %swap3A_485 = arith.constant 0 : index
      %swap3A_486 = tpu.vector_load %arg7[%swap3A_484, %swap3A_485] {strides = array<i32>} : memref<32x16xf32, #tpu.memory_space<vmem>>, vector<16xf32>,
      tpu.vector_store %arg7[%swap3A_484, %swap3A_485], %gather3A_482 {strides = array<i32>} : memref<32x16xf32, #tpu.memory_space<vmem>>, vector<16xf32>,
      %add3A_487 = arith.constant 31 : i32
      %add3A_488 = arith.addi %add3A_431, %add3A_487 : i32
      %sub3A_489 = arith.constant 5 : i32
      %sub3A_490 = arith.subi %add3A_488, %sub3A_489 : i32
      %add3A_491 = vector.broadcast %sub3A_490 : i32 to vector<16xi32>
      %add3A_492 = arith.addi %broadcast_in_dim3A_33, %add3A_491 : vector<16xi32>
      %gather3A_493 = tpu.vector_load_idx %arg5[%add3A_492] : memref<64xf32, #tpu.memory_space<vmem>>[vector<16xi32>], vector<16xf32>,
      %swap3A_494 = arith.constant 5 : i32
      %swap3A_495 = arith.index_cast %swap3A_494 : i32 to index
      %swap3A_496 = arith.constant 0 : index
      %swap3A_497 = tpu.vector_load %arg7[%swap3A_495, %swap3A_496] {strides = array<i32>} : memref<32x16xf32, #tpu.memory_space<vmem>>, vector<16xf32>,
      tpu.vector_store %arg7[%swap3A_495, %swap3A_496], %gather3A_493 {strides = array<i32>} : memref<32x16xf32, #tpu.memory_space<vmem>>, vector<16xf32>,
      %add3A_498 = arith.constant 31 : i32
      %add3A_499 = arith.addi %add3A_431, %add3A_498 : i32
      %sub3A_500 = arith.constant 6 : i32
      %sub3A_501 = arith.subi %add3A_499, %sub3A_500 : i32
      %add3A_502 = vector.broadcast %sub3A_501 : i32 to vector<16xi32>
      %add3A_503 = arith.addi %broadcast_in_dim3A_33, %add3A_502 : vector<16xi32>
      %gather3A_504 = tpu.vector_load_idx %arg5[%add3A_503] : memref<64xf32, #tpu.memory_space<vmem>>[vector<16xi32>], vector<16xf32>,
      %swap3A_505 = arith.constant 6 : i32
      %swap3A_506 = arith.index_cast %swap3A_505 : i32 to index
      %swap3A_507 = arith.constant 0 : index
      %swap3A_508 = tpu.vector_load %arg7[%swap3A_506, %swap3A_507] {strides = array<i32>} : memref<32x16xf32, #tpu.memory_space<vmem>>, vector<16xf32>,
      tpu.vector_store %arg7[%swap3A_506, %swap3A_507], %gather3A_504 {strides = array<i32>} : memref<32x16xf32, #tpu.memory_space<vmem>>, vector<16xf32>,
      %add3A_509 = arith.constant 31 : i32
      %add3A_510 = arith.addi %add3A_431, %add3A_509 : i32
      %sub3A_511 = arith.constant 7 : i32
      %sub3A_512 = arith.subi %add3A_510, %sub3A_511 : i32
      %add3A_513 = vector.broadcast %sub3A_512 : i32 to vector<16xi32>
      %add3A_514 = arith.addi %broadcast_in_dim3A_33, %add3A_513 : vector<16xi32>
      %gather3A_515 = tpu.vector_load_idx %arg5[%add3A_514] : memref<64xf32, #tpu.memory_space<vmem>>[vector<16xi32>], vector<16xf32>,
      %swap3A_516 = arith.constant 7 : i32
      %swap3A_517 = arith.index_cast %swap3A_516 : i32 to index
      %swap3A_518 = arith.constant 0 : index
      %swap3A_519 = tpu.vector_load %arg7[%swap3A_517, %swap3A_518] {strides = array<i32>} : memref<32x16xf32, #tpu.memory_space<vmem>>, vector<16xf32>,
      tpu.vector_store %arg7[%swap3A_517, %swap3A_518], %gather3A_515 {strides = array<i32>} : memref<32x16xf32, #tpu.memory_space<vmem>>, vector<16xf32>,
      %add3A_520 = arith.constant 31 : i32
      %add3A_521 = arith.addi %add3A_431, %add3A_520 : i32
      %sub3A_522 = arith.constant 8 : i32
      %sub3A_523 = arith.subi %add3A_521, %sub3A_522 : i32
      %add3A_524 = vector.broadcast %sub3A_523 : i32 to vector<16xi32>
      %add3A_525 = arith.addi %broadcast_in_dim3A_33, %add3A_524 : vector<16xi32>
      %gather3A_526 = tpu.vector_load_idx %arg5[%add3A_525] : memref<64xf32, #tpu.memory_space<vmem>>[vector<16xi32>], vector<16xf32>,
      %swap3A_527 = arith.constant 8 : i32
      %swap3A_528 = arith.index_cast %swap3A_527 : i32 to index
      %swap3A_529 = arith.constant 0 : index
      %swap3A_530 = tpu.vector_load %arg7[%swap3A_528, %swap3A_529] {strides = array<i32>} : memref<32x16xf32, #tpu.memory_space<vmem>>, vector<16xf32>,
      tpu.vector_store %arg7[%swap3A_528, %swap3A_529], %gather3A_526 {strides = array<i32>} : memref<32x16xf32, #tpu.memory_space<vmem>>, vector<16xf32>,
      %add3A_531 = arith.constant 31 : i32
      %add3A_532 = arith.addi %add3A_431, %add3A_531 : i32
      %sub3A_533 = arith.constant 9 : i32
      %sub3A_534 = arith.subi %add3A_532, %sub3A_533 : i32
      %add3A_535 = vector.broadcast %sub3A_534 : i32 to vector<16xi32>
      %add3A_536 = arith.addi %broadcast_in_dim3A_33, %add3A_535 : vector<16xi32>
      %gather3A_537 = tpu.vector_load_idx %arg5[%add3A_536] : memref<64xf32, #tpu.memory_space<vmem>>[vector<16xi32>], vector<16xf32>,
      %swap3A_538 = arith.constant 9 : i32
      %swap3A_539 = arith.index_cast %swap3A_538 : i32 to index
      %swap3A_540 = arith.constant 0 : index
      %swap3A_541 = tpu.vector_load %arg7[%swap3A_539, %swap3A_540] {strides = array<i32>} : memref<32x16xf32, #tpu.memory_space<vmem>>, vector<16xf32>,
      tpu.vector_store %arg7[%swap3A_539, %swap3A_540], %gather3A_537 {strides = array<i32>} : memref<32x16xf32, #tpu.memory_space<vmem>>, vector<16xf32>,
      %add3A_542 = arith.constant 31 : i32
      %add3A_543 = arith.addi %add3A_431, %add3A_542 : i32
      %sub3A_544 = arith.constant 10 : i32
      %sub3A_545 = arith.subi %add3A_543, %sub3A_544 : i32
      %add3A_546 = vector.broadcast %sub3A_545 : i32 to vector<16xi32>
      %add3A_547 = arith.addi %broadcast_in_dim3A_33, %add3A_546 : vector<16xi32>
      %gather3A_548 = tpu.vector_load_idx %arg5[%add3A_547] : memref<64xf32, #tpu.memory_space<vmem>>[vector<16xi32>], vector<16xf32>,
      %swap3A_549 = arith.constant 10 : i32
      %swap3A_550 = arith.index_cast %swap3A_549 : i32 to index
      %swap3A_551 = arith.constant 0 : index
      %swap3A_552 = tpu.vector_load %arg7[%swap3A_550, %swap3A_551] {strides = array<i32>} : memref<32x16xf32, #tpu.memory_space<vmem>>, vector<16xf32>,
      tpu.vector_store %arg7[%swap3A_550, %swap3A_551], %gather3A_548 {strides = array<i32>} : memref<32x16xf32, #tpu.memory_space<vmem>>, vector<16xf32>,
      %add3A_553 = arith.constant 31 : i32
      %add3A_554 = arith.addi %add3A_431, %add3A_553 : i32
      %sub3A_555 = arith.constant 11 : i32
      %sub3A_556 = arith.subi %add3A_554, %sub3A_555 : i32
      %add3A_557 = vector.broadcast %sub3A_556 : i32 to vector<16xi32>
      %add3A_558 = arith.addi %broadcast_in_dim3A_33, %add3A_557 : vector<16xi32>
      %gather3A_559 = tpu.vector_load_idx %arg5[%add3A_558] : memref<64xf32, #tpu.memory_space<vmem>>[vector<16xi32>], vector<16xf32>,
      %swap3A_560 = arith.constant 11 : i32
      %swap3A_561 = arith.index_cast %swap3A_560 : i32 to index
      %swap3A_562 = arith.constant 0 : index
      %swap3A_563 = tpu.vector_load %arg7[%swap3A_561, %swap3A_562] {strides = array<i32>} : memref<32x16xf32, #tpu.memory_space<vmem>>, vector<16xf32>,
      tpu.vector_store %arg7[%swap3A_561, %swap3A_562], %gather3A_559 {strides = array<i32>} : memref<32x16xf32, #tpu.memory_space<vmem>>, vector<16xf32>,
      %add3A_564 = arith.constant 31 : i32
      %add3A_565 = arith.addi %add3A_431, %add3A_564 : i32
      %sub3A_566 = arith.constant 12 : i32
      %sub3A_567 = arith.subi %add3A_565, %sub3A_566 : i32
      %add3A_568 = vector.broadcast %sub3A_567 : i32 to vector<16xi32>
      %add3A_569 = arith.addi %broadcast_in_dim3A_33, %add3A_568 : vector<16xi32>
      %gather3A_570 = tpu.vector_load_idx %arg5[%add3A_569] : memref<64xf32, #tpu.memory_space<vmem>>[vector<16xi32>], vector<16xf32>,
      %swap3A_571 = arith.constant 12 : i32
      %swap3A_572 = arith.index_cast %swap3A_571 : i32 to index
      %swap3A_573 = arith.constant 0 : index
      %swap3A_574 = tpu.vector_load %arg7[%swap3A_572, %swap3A_573] {strides = array<i32>} : memref<32x16xf32, #tpu.memory_space<vmem>>, vector<16xf32>,
      tpu.vector_store %arg7[%swap3A_572, %swap3A_573], %gather3A_570 {strides = array<i32>} : memref<32x16xf32, #tpu.memory_space<vmem>>, vector<16xf32>,
      %add3A_575 = arith.constant 31 : i32
      %add3A_576 = arith.addi %add3A_431, %add3A_575 : i32
      %sub3A_577 = arith.constant 13 : i32
      %sub3A_578 = arith.subi %add3A_576, %sub3A_577 : i32
      %add3A_579 = vector.broadcast %sub3A_578 : i32 to vector<16xi32>
      %add3A_580 = arith.addi %broadcast_in_dim3A_33, %add3A_579 : vector<16xi32>
      %gather3A_581 = tpu.vector_load_idx %arg5[%add3A_580] : memref<64xf32, #tpu.memory_space<vmem>>[vector<16xi32>], vector<16xf32>,
      %swap3A_582 = arith.constant 13 : i32
      %swap3A_583 = arith.index_cast %swap3A_582 : i32 to index
      %swap3A_584 = arith.constant 0 : index
      %swap3A_585 = tpu.vector_load %arg7[%swap3A_583, %swap3A_584] {strides = array<i32>} : memref<32x16xf32, #tpu.memory_space<vmem>>, vector<16xf32>,
      tpu.vector_store %arg7[%swap3A_583, %swap3A_584], %gather3A_581 {strides = array<i32>} : memref<32x16xf32, #tpu.memory_space<vmem>>, vector<16xf32>,
      %add3A_586 = arith.constant 31 : i32
      %add3A_587 = arith.addi %add3A_431, %add3A_586 : i32
      %sub3A_588 = arith.constant 14 : i32
      %sub3A_589 = arith.subi %add3A_587, %sub3A_588 : i32
      %add3A_590 = vector.broadcast %sub3A_589 : i32 to vector<16xi32>
      %add3A_591 = arith.addi %broadcast_in_dim3A_33, %add3A_590 : vector<16xi32>
      %gather3A_592 = tpu.vector_load_idx %arg5[%add3A_591] : memref<64xf32, #tpu.memory_space<vmem>>[vector<16xi32>], vector<16xf32>,
      %swap3A_593 = arith.constant 14 : i32
      %swap3A_594 = arith.index_cast %swap3A_593 : i32 to index
      %swap3A_595 = arith.constant 0 : index
      %swap3A_596 = tpu.vector_load %arg7[%swap3A_594, %swap3A_595] {strides = array<i32>} : memref<32x16xf32, #tpu.memory_space<vmem>>, vector<16xf32>,
      tpu.vector_store %arg7[%swap3A_594, %swap3A_595], %gather3A_592 {strides = array<i32>} : memref<32x16xf32, #tpu.memory_space<vmem>>, vector<16xf32>,
      %add3A_597 = arith.constant 31 : i32
      %add3A_598 = arith.addi %add3A_431, %add3A_597 : i32
      %sub3A_599 = arith.constant 15 : i32
      %sub3A_600 = arith.subi %add3A_598, %sub3A_599 : i32
      %add3A_601 = vector.broadcast %sub3A_600 : i32 to vector<16xi32>
      %add3A_602 = arith.addi %broadcast_in_dim3A_33, %add3A_601 : vector<16xi32>
      %gather3A_603 = tpu.vector_load_idx %arg5[%add3A_602] : memref<64xf32, #tpu.memory_space<vmem>>[vector<16xi32>], vector<16xf32>,
      %swap3A_604 = arith.constant 15 : i32
      %swap3A_605 = arith.index_cast %swap3A_604 : i32 to index
      %swap3A_606 = arith.constant 0 : index
      %swap3A_607 = tpu.vector_load %arg7[%swap3A_605, %swap3A_606] {strides = array<i32>} : memref<32x16xf32, #tpu.memory_space<vmem>>, vector<16xf32>,
      tpu.vector_store %arg7[%swap3A_605, %swap3A_606], %gather3A_603 {strides = array<i32>} : memref<32x16xf32, #tpu.memory_space<vmem>>, vector<16xf32>,
      %add3A_608 = arith.constant 31 : i32
      %add3A_609 = arith.addi %add3A_431, %add3A_608 : i32
      %sub3A_610 = arith.constant 16 : i32
      %sub3A_611 = arith.subi %add3A_609, %sub3A_610 : i32
      %add3A_612 = vector.broadcast %sub3A_611 : i32 to vector<16xi32>
      %add3A_613 = arith.addi %broadcast_in_dim3A_33, %add3A_612 : vector<16xi32>
      %gather3A_614 = tpu.vector_load_idx %arg5[%add3A_613] : memref<64xf32, #tpu.memory_space<vmem>>[vector<16xi32>], vector<16xf32>,
      %swap3A_615 = arith.constant 16 : i32
      %swap3A_616 = arith.index_cast %swap3A_615 : i32 to index
      %swap3A_617 = arith.constant 0 : index
      %swap3A_618 = tpu.vector_load %arg7[%swap3A_616, %swap3A_617] {strides = array<i32>} : memref<32x16xf32, #tpu.memory_space<vmem>>, vector<16xf32>,
      tpu.vector_store %arg7[%swap3A_616, %swap3A_617], %gather3A_614 {strides = array<i32>} : memref<32x16xf32, #tpu.memory_space<vmem>>, vector<16xf32>,
      %add3A_619 = arith.constant 31 : i32
      %add3A_620 = arith.addi %add3A_431, %add3A_619 : i32
      %sub3A_621 = arith.constant 17 : i32
      %sub3A_622 = arith.subi %add3A_620, %sub3A_621 : i32
      %add3A_623 = vector.broadcast %sub3A_622 : i32 to vector<16xi32>
      %add3A_624 = arith.addi %broadcast_in_dim3A_33, %add3A_623 : vector<16xi32>
      %gather3A_625 = tpu.vector_load_idx %arg5[%add3A_624] : memref<64xf32, #tpu.memory_space<vmem>>[vector<16xi32>], vector<16xf32>,
      %swap3A_626 = arith.constant 17 : i32
      %swap3A_627 = arith.index_cast %swap3A_626 : i32 to index
      %swap3A_628 = arith.constant 0 : index
      %swap3A_629 = tpu.vector_load %arg7[%swap3A_627, %swap3A_628] {strides = array<i32>} : memref<32x16xf32, #tpu.memory_space<vmem>>, vector<16xf32>,
      tpu.vector_store %arg7[%swap3A_627, %swap3A_628], %gather3A_625 {strides = array<i32>} : memref<32x16xf32, #tpu.memory_space<vmem>>, vector<16xf32>,
      %add3A_630 = arith.constant 31 : i32
      %add3A_631 = arith.addi %add3A_431, %add3A_630 : i32
      %sub3A_632 = arith.constant 18 : i32
      %sub3A_633 = arith.subi %add3A_631, %sub3A_632 : i32
      %add3A_634 = vector.broadcast %sub3A_633 : i32 to vector<16xi32>
      %add3A_635 = arith.addi %broadcast_in_dim3A_33, %add3A_634 : vector<16xi32>
      %gather3A_636 = tpu.vector_load_idx %arg5[%add3A_635] : memref<64xf32, #tpu.memory_space<vmem>>[vector<16xi32>], vector<16xf32>,
      %swap3A_637 = arith.constant 18 : i32
      %swap3A_638 = arith.index_cast %swap3A_637 : i32 to index
      %swap3A_639 = arith.constant 0 : index
      %swap3A_640 = tpu.vector_load %arg7[%swap3A_638, %swap3A_639] {strides = array<i32>} : memref<32x16xf32, #tpu.memory_space<vmem>>, vector<16xf32>,
      tpu.vector_store %arg7[%swap3A_638, %swap3A_639], %gather3A_636 {strides = array<i32>} : memref<32x16xf32, #tpu.memory_space<vmem>>, vector<16xf32>,
      %add3A_641 = arith.constant 31 : i32
      %add3A_642 = arith.addi %add3A_431, %add3A_641 : i32
      %sub3A_643 = arith.constant 19 : i32
      %sub3A_644 = arith.subi %add3A_642, %sub3A_643 : i32
      %add3A_645 = vector.broadcast %sub3A_644 : i32 to vector<16xi32>
      %add3A_646 = arith.addi %broadcast_in_dim3A_33, %add3A_645 : vector<16xi32>
      %gather3A_647 = tpu.vector_load_idx %arg5[%add3A_646] : memref<64xf32, #tpu.memory_space<vmem>>[vector<16xi32>], vector<16xf32>,
      %swap3A_648 = arith.constant 19 : i32
      %swap3A_649 = arith.index_cast %swap3A_648 : i32 to index
      %swap3A_650 = arith.constant 0 : index
      %swap3A_651 = tpu.vector_load %arg7[%swap3A_649, %swap3A_650] {strides = array<i32>} : memref<32x16xf32, #tpu.memory_space<vmem>>, vector<16xf32>,
      tpu.vector_store %arg7[%swap3A_649, %swap3A_650], %gather3A_647 {strides = array<i32>} : memref<32x16xf32, #tpu.memory_space<vmem>>, vector<16xf32>,
      %add3A_652 = arith.constant 31 : i32
      %add3A_653 = arith.addi %add3A_431, %add3A_652 : i32
      %sub3A_654 = arith.constant 20 : i32
      %sub3A_655 = arith.subi %add3A_653, %sub3A_654 : i32
      %add3A_656 = vector.broadcast %sub3A_655 : i32 to vector<16xi32>
      %add3A_657 = arith.addi %broadcast_in_dim3A_33, %add3A_656 : vector<16xi32>
      %gather3A_658 = tpu.vector_load_idx %arg5[%add3A_657] : memref<64xf32, #tpu.memory_space<vmem>>[vector<16xi32>], vector<16xf32>,
      %swap3A_659 = arith.constant 20 : i32
      %swap3A_660 = arith.index_cast %swap3A_659 : i32 to index
      %swap3A_661 = arith.constant 0 : index
      %swap3A_662 = tpu.vector_load %arg7[%swap3A_660, %swap3A_661] {strides = array<i32>} : memref<32x16xf32, #tpu.memory_space<vmem>>, vector<16xf32>,
      tpu.vector_store %arg7[%swap3A_660, %swap3A_661], %gather3A_658 {strides = array<i32>} : memref<32x16xf32, #tpu.memory_space<vmem>>, vector<16xf32>,
      %add3A_663 = arith.constant 31 : i32
      %add3A_664 = arith.addi %add3A_431, %add3A_663 : i32
      %sub3A_665 = arith.constant 21 : i32
      %sub3A_666 = arith.subi %add3A_664, %sub3A_665 : i32
      %add3A_667 = vector.broadcast %sub3A_666 : i32 to vector<16xi32>
      %add3A_668 = arith.addi %broadcast_in_dim3A_33, %add3A_667 : vector<16xi32>
      %gather3A_669 = tpu.vector_load_idx %arg5[%add3A_668] : memref<64xf32, #tpu.memory_space<vmem>>[vector<16xi32>], vector<16xf32>,
      %swap3A_670 = arith.constant 21 : i32
      %swap3A_671 = arith.index_cast %swap3A_670 : i32 to index
      %swap3A_672 = arith.constant 0 : index
      %swap3A_673 = tpu.vector_load %arg7[%swap3A_671, %swap3A_672] {strides = array<i32>} : memref<32x16xf32, #tpu.memory_space<vmem>>, vector<16xf32>,
      tpu.vector_store %arg7[%swap3A_671, %swap3A_672], %gather3A_669 {strides = array<i32>} : memref<32x16xf32, #tpu.memory_space<vmem>>, vector<16xf32>,
      %add3A_674 = arith.constant 31 : i32
      %add3A_675 = arith.addi %add3A_431, %add3A_674 : i32
      %sub3A_676 = arith.constant 22 : i32
      %sub3A_677 = arith.subi %add3A_675, %sub3A_676 : i32
      %add3A_678 = vector.broadcast %sub3A_677 : i32 to vector<16xi32>
      %add3A_679 = arith.addi %broadcast_in_dim3A_33, %add3A_678 : vector<16xi32>
      %gather3A_680 = tpu.vector_load_idx %arg5[%add3A_679] : memref<64xf32, #tpu.memory_space<vmem>>[vector<16xi32>], vector<16xf32>,
      %swap3A_681 = arith.constant 22 : i32
      %swap3A_682 = arith.index_cast %swap3A_681 : i32 to index
      %swap3A_683 = arith.constant 0 : index
      %swap3A_684 = tpu.vector_load %arg7[%swap3A_682, %swap3A_683] {strides = array<i32>} : memref<32x16xf32, #tpu.memory_space<vmem>>, vector<16xf32>,
      tpu.vector_store %arg7[%swap3A_682, %swap3A_683], %gather3A_680 {strides = array<i32>} : memref<32x16xf32, #tpu.memory_space<vmem>>, vector<16xf32>,
      %add3A_685 = arith.constant 31 : i32
      %add3A_686 = arith.addi %add3A_431, %add3A_685 : i32
      %sub3A_687 = arith.constant 23 : i32
      %sub3A_688 = arith.subi %add3A_686, %sub3A_687 : i32
      %add3A_689 = vector.broadcast %sub3A_688 : i32 to vector<16xi32>
      %add3A_690 = arith.addi %broadcast_in_dim3A_33, %add3A_689 : vector<16xi32>
      %gather3A_691 = tpu.vector_load_idx %arg5[%add3A_690] : memref<64xf32, #tpu.memory_space<vmem>>[vector<16xi32>], vector<16xf32>,
      %swap3A_692 = arith.constant 23 : i32
      %swap3A_693 = arith.index_cast %swap3A_692 : i32 to index
      %swap3A_694 = arith.constant 0 : index
      %swap3A_695 = tpu.vector_load %arg7[%swap3A_693, %swap3A_694] {strides = array<i32>} : memref<32x16xf32, #tpu.memory_space<vmem>>, vector<16xf32>,
      tpu.vector_store %arg7[%swap3A_693, %swap3A_694], %gather3A_691 {strides = array<i32>} : memref<32x16xf32, #tpu.memory_space<vmem>>, vector<16xf32>,
      %add3A_696 = arith.constant 31 : i32
      %add3A_697 = arith.addi %add3A_431, %add3A_696 : i32
      %sub3A_698 = arith.constant 24 : i32
      %sub3A_699 = arith.subi %add3A_697, %sub3A_698 : i32
      %add3A_700 = vector.broadcast %sub3A_699 : i32 to vector<16xi32>
      %add3A_701 = arith.addi %broadcast_in_dim3A_33, %add3A_700 : vector<16xi32>
      %gather3A_702 = tpu.vector_load_idx %arg5[%add3A_701] : memref<64xf32, #tpu.memory_space<vmem>>[vector<16xi32>], vector<16xf32>,
      %swap3A_703 = arith.constant 24 : i32
      %swap3A_704 = arith.index_cast %swap3A_703 : i32 to index
      %swap3A_705 = arith.constant 0 : index
      %swap3A_706 = tpu.vector_load %arg7[%swap3A_704, %swap3A_705] {strides = array<i32>} : memref<32x16xf32, #tpu.memory_space<vmem>>, vector<16xf32>,
      tpu.vector_store %arg7[%swap3A_704, %swap3A_705], %gather3A_702 {strides = array<i32>} : memref<32x16xf32, #tpu.memory_space<vmem>>, vector<16xf32>,
      %add3A_707 = arith.constant 31 : i32
      %add3A_708 = arith.addi %add3A_431, %add3A_707 : i32
      %sub3A_709 = arith.constant 25 : i32
      %sub3A_710 = arith.subi %add3A_708, %sub3A_709 : i32
      %add3A_711 = vector.broadcast %sub3A_710 : i32 to vector<16xi32>
      %add3A_712 = arith.addi %broadcast_in_dim3A_33, %add3A_711 : vector<16xi32>
      %gather3A_713 = tpu.vector_load_idx %arg5[%add3A_712] : memref<64xf32, #tpu.memory_space<vmem>>[vector<16xi32>], vector<16xf32>,
      %swap3A_714 = arith.constant 25 : i32
      %swap3A_715 = arith.index_cast %swap3A_714 : i32 to index
      %swap3A_716 = arith.constant 0 : index
      %swap3A_717 = tpu.vector_load %arg7[%swap3A_715, %swap3A_716] {strides = array<i32>} : memref<32x16xf32, #tpu.memory_space<vmem>>, vector<16xf32>,
      tpu.vector_store %arg7[%swap3A_715, %swap3A_716], %gather3A_713 {strides = array<i32>} : memref<32x16xf32, #tpu.memory_space<vmem>>, vector<16xf32>,
      %add3A_718 = arith.constant 31 : i32
      %add3A_719 = arith.addi %add3A_431, %add3A_718 : i32
      %sub3A_720 = arith.constant 26 : i32
      %sub3A_721 = arith.subi %add3A_719, %sub3A_720 : i32
      %add3A_722 = vector.broadcast %sub3A_721 : i32 to vector<16xi32>
      %add3A_723 = arith.addi %broadcast_in_dim3A_33, %add3A_722 : vector<16xi32>
      %gather3A_724 = tpu.vector_load_idx %arg5[%add3A_723] : memref<64xf32, #tpu.memory_space<vmem>>[vector<16xi32>], vector<16xf32>,
      %swap3A_725 = arith.constant 26 : i32
      %swap3A_726 = arith.index_cast %swap3A_725 : i32 to index
      %swap3A_727 = arith.constant 0 : index
      %swap3A_728 = tpu.vector_load %arg7[%swap3A_726, %swap3A_727] {strides = array<i32>} : memref<32x16xf32, #tpu.memory_space<vmem>>, vector<16xf32>,
      tpu.vector_store %arg7[%swap3A_726, %swap3A_727], %gather3A_724 {strides = array<i32>} : memref<32x16xf32, #tpu.memory_space<vmem>>, vector<16xf32>,
      %add3A_729 = arith.constant 31 : i32
      %add3A_730 = arith.addi %add3A_431, %add3A_729 : i32
      %sub3A_731 = arith.constant 27 : i32
      %sub3A_732 = arith.subi %add3A_730, %sub3A_731 : i32
      %add3A_733 = vector.broadcast %sub3A_732 : i32 to vector<16xi32>
      %add3A_734 = arith.addi %broadcast_in_dim3A_33, %add3A_733 : vector<16xi32>
      %gather3A_735 = tpu.vector_load_idx %arg5[%add3A_734] : memref<64xf32, #tpu.memory_space<vmem>>[vector<16xi32>], vector<16xf32>,
      %swap3A_736 = arith.constant 27 : i32
      %swap3A_737 = arith.index_cast %swap3A_736 : i32 to index
      %swap3A_738 = arith.constant 0 : index
      %swap3A_739 = tpu.vector_load %arg7[%swap3A_737, %swap3A_738] {strides = array<i32>} : memref<32x16xf32, #tpu.memory_space<vmem>>, vector<16xf32>,
      tpu.vector_store %arg7[%swap3A_737, %swap3A_738], %gather3A_735 {strides = array<i32>} : memref<32x16xf32, #tpu.memory_space<vmem>>, vector<16xf32>,
      %add3A_740 = arith.constant 31 : i32
      %add3A_741 = arith.addi %add3A_431, %add3A_740 : i32
      %sub3A_742 = arith.constant 28 : i32
      %sub3A_743 = arith.subi %add3A_741, %sub3A_742 : i32
      %add3A_744 = vector.broadcast %sub3A_743 : i32 to vector<16xi32>
      %add3A_745 = arith.addi %broadcast_in_dim3A_33, %add3A_744 : vector<16xi32>
      %gather3A_746 = tpu.vector_load_idx %arg5[%add3A_745] : memref<64xf32, #tpu.memory_space<vmem>>[vector<16xi32>], vector<16xf32>,
      %swap3A_747 = arith.constant 28 : i32
      %swap3A_748 = arith.index_cast %swap3A_747 : i32 to index
      %swap3A_749 = arith.constant 0 : index
      %swap3A_750 = tpu.vector_load %arg7[%swap3A_748, %swap3A_749] {strides = array<i32>} : memref<32x16xf32, #tpu.memory_space<vmem>>, vector<16xf32>,
      tpu.vector_store %arg7[%swap3A_748, %swap3A_749], %gather3A_746 {strides = array<i32>} : memref<32x16xf32, #tpu.memory_space<vmem>>, vector<16xf32>,
      %add3A_751 = arith.constant 31 : i32
      %add3A_752 = arith.addi %add3A_431, %add3A_751 : i32
      %sub3A_753 = arith.constant 29 : i32
      %sub3A_754 = arith.subi %add3A_752, %sub3A_753 : i32
      %add3A_755 = vector.broadcast %sub3A_754 : i32 to vector<16xi32>
      %add3A_756 = arith.addi %broadcast_in_dim3A_33, %add3A_755 : vector<16xi32>
      %gather3A_757 = tpu.vector_load_idx %arg5[%add3A_756] : memref<64xf32, #tpu.memory_space<vmem>>[vector<16xi32>], vector<16xf32>,
      %swap3A_758 = arith.constant 29 : i32
      %swap3A_759 = arith.index_cast %swap3A_758 : i32 to index
      %swap3A_760 = arith.constant 0 : index
      %swap3A_761 = tpu.vector_load %arg7[%swap3A_759, %swap3A_760] {strides = array<i32>} : memref<32x16xf32, #tpu.memory_space<vmem>>, vector<16xf32>,
      tpu.vector_store %arg7[%swap3A_759, %swap3A_760], %gather3A_757 {strides = array<i32>} : memref<32x16xf32, #tpu.memory_space<vmem>>, vector<16xf32>,
      %add3A_762 = arith.constant 31 : i32
      %add3A_763 = arith.addi %add3A_431, %add3A_762 : i32
      %sub3A_764 = arith.constant 30 : i32
      %sub3A_765 = arith.subi %add3A_763, %sub3A_764 : i32
      %add3A_766 = vector.broadcast %sub3A_765 : i32 to vector<16xi32>
      %add3A_767 = arith.addi %broadcast_in_dim3A_33, %add3A_766 : vector<16xi32>
      %gather3A_768 = tpu.vector_load_idx %arg5[%add3A_767] : memref<64xf32, #tpu.memory_space<vmem>>[vector<16xi32>], vector<16xf32>,
      %swap3A_769 = arith.constant 30 : i32
      %swap3A_770 = arith.index_cast %swap3A_769 : i32 to index
      %swap3A_771 = arith.constant 0 : index
      %swap3A_772 = tpu.vector_load %arg7[%swap3A_770, %swap3A_771] {strides = array<i32>} : memref<32x16xf32, #tpu.memory_space<vmem>>, vector<16xf32>,
      tpu.vector_store %arg7[%swap3A_770, %swap3A_771], %gather3A_768 {strides = array<i32>} : memref<32x16xf32, #tpu.memory_space<vmem>>, vector<16xf32>,
      %add3A_773 = arith.constant 31 : i32
      %add3A_774 = arith.addi %add3A_431, %add3A_773 : i32
      %sub3A_775 = arith.constant 31 : i32
      %sub3A_776 = arith.subi %add3A_774, %sub3A_775 : i32
      %add3A_777 = vector.broadcast %sub3A_776 : i32 to vector<16xi32>
      %add3A_778 = arith.addi %broadcast_in_dim3A_33, %add3A_777 : vector<16xi32>
      %gather3A_779 = tpu.vector_load_idx %arg5[%add3A_778] : memref<64xf32, #tpu.memory_space<vmem>>[vector<16xi32>], vector<16xf32>,
      %swap3A_780 = arith.constant 31 : i32
      %swap3A_781 = arith.index_cast %swap3A_780 : i32 to index
      %swap3A_782 = arith.constant 0 : index
      %swap3A_783 = tpu.vector_load %arg7[%swap3A_781, %swap3A_782] {strides = array<i32>} : memref<32x16xf32, #tpu.memory_space<vmem>>, vector<16xf32>,
      tpu.vector_store %arg7[%swap3A_781, %swap3A_782], %gather3A_779 {strides = array<i32>} : memref<32x16xf32, #tpu.memory_space<vmem>>, vector<16xf32>,
      %parallel_loop3A_784 = arith.constant 0 : i32
      %parallel_loop3A_785 = arith.constant 32 : i32
      %parallel_loop3A_786 = arith.constant 1 : i32
      scf.for %parallel_loop3A_795 = %parallel_loop3A_784 to %parallel_loop3A_785 step %parallel_loop3A_786  : i32 {
        %parallel_loop3A_796 = arith.constant 31 : i32
        %parallel_loop3A_797 = arith.addi %parallel_loop3A_795, %parallel_loop3A_796 : i32
        %parallel_loop3A_798 = vector.broadcast %parallel_loop3A_797 : i32 to vector<16xi32>
        %parallel_loop3A_799 = arith.subi %parallel_loop3A_798, %iota3A : vector<16xi32>
        %parallel_loop3A_800 = tpu.vector_load_idx %arg6[%parallel_loop3A_799] : memref<64xf32, #tpu.memory_space<vmem>>[vector<16xi32>], vector<16xf32>,
        %parallel_loop3A_801 = arith.constant 15 : i32
        %parallel_loop3A_802 = arith.addi %parallel_loop3A_795, %parallel_loop3A_801 : i32
        %parallel_loop3A_803 = vector.broadcast %parallel_loop3A_802 : i32 to vector<16xi32>
        %parallel_loop3A_804 = arith.subi %parallel_loop3A_803, %iota3A : vector<16xi32>
        %parallel_loop3A_805 = tpu.vector_load_idx %arg6[%parallel_loop3A_804] : memref<64xf32, #tpu.memory_space<vmem>>[vector<16xi32>], vector<16xf32>,
        %parallel_loop3A_806 = arith.constant 0 : i32
        %parallel_loop3A_807 = arith.index_cast %parallel_loop3A_806 : i32 to index
        %parallel_loop3A_808 = arith.constant 0 : index
        %parallel_loop3A_809 = tpu.vector_load %arg7[%parallel_loop3A_807, %parallel_loop3A_808] {strides = array<i32>} : memref<32x16xf32, #tpu.memory_space<vmem>>, vector<16xf32>,
        %parallel_loop3A_810 = arith.addf %parallel_loop3A_800, %parallel_loop3A_809 : vector<16xf32>
        %parallel_loop3A_811 = arith.index_cast %parallel_loop3A_795 : i32 to index
        %parallel_loop3A_812 = arith.constant 0 : index
        %parallel_loop3A_813 = tpu.vector_load %arg9[%parallel_loop3A_811, %parallel_loop3A_812] {strides = array<i32>} : memref<32x1024xf32, #tpu.memory_space<vmem>>, vector<16xf32>,
        tpu.vector_store %arg9[%parallel_loop3A_811, %parallel_loop3A_812], %parallel_loop3A_810 {strides = array<i32>} : memref<32x1024xf32, #tpu.memory_space<vmem>>, vector<16xf32>,
        %parallel_loop3A_814 = arith.addf %parallel_loop3A_805, %parallel_loop3A_809 : vector<16xf32>
        %parallel_loop3A_815 = arith.index_cast %parallel_loop3A_795 : i32 to index
        %parallel_loop3A_816 = arith.constant 16 : index
        %parallel_loop3A_817 = tpu.vector_load %arg9[%parallel_loop3A_815, %parallel_loop3A_816] {strides = array<i32>} : memref<32x1024xf32, #tpu.memory_space<vmem>>, vector<16xf32>,
        tpu.vector_store %arg9[%parallel_loop3A_815, %parallel_loop3A_816], %parallel_loop3A_814 {strides = array<i32>} : memref<32x1024xf32, #tpu.memory_space<vmem>>, vector<16xf32>,
        %parallel_loop3A_818 = arith.constant 1 : i32
        %parallel_loop3A_819 = arith.index_cast %parallel_loop3A_818 : i32 to index
        %parallel_loop3A_820 = arith.constant 0 : index
        %parallel_loop3A_821 = tpu.vector_load %arg7[%parallel_loop3A_819, %parallel_loop3A_820] {strides = array<i32>} : memref<32x16xf32, #tpu.memory_space<vmem>>, vector<16xf32>,
        %parallel_loop3A_822 = arith.addf %parallel_loop3A_800, %parallel_loop3A_821 : vector<16xf32>
        %parallel_loop3A_823 = arith.index_cast %parallel_loop3A_795 : i32 to index
        %parallel_loop3A_824 = arith.constant 32 : index
        %parallel_loop3A_825 = tpu.vector_load %arg9[%parallel_loop3A_823, %parallel_loop3A_824] {strides = array<i32>} : memref<32x1024xf32, #tpu.memory_space<vmem>>, vector<16xf32>,
        tpu.vector_store %arg9[%parallel_loop3A_823, %parallel_loop3A_824], %parallel_loop3A_822 {strides = array<i32>} : memref<32x1024xf32, #tpu.memory_space<vmem>>, vector<16xf32>,
        %parallel_loop3A_826 = arith.addf %parallel_loop3A_805, %parallel_loop3A_821 : vector<16xf32>
        %parallel_loop3A_827 = arith.index_cast %parallel_loop3A_795 : i32 to index
        %parallel_loop3A_828 = arith.constant 48 : index
        %parallel_loop3A_829 = tpu.vector_load %arg9[%parallel_loop3A_827, %parallel_loop3A_828] {strides = array<i32>} : memref<32x1024xf32, #tpu.memory_space<vmem>>, vector<16xf32>,
        tpu.vector_store %arg9[%parallel_loop3A_827, %parallel_loop3A_828], %parallel_loop3A_826 {strides = array<i32>} : memref<32x1024xf32, #tpu.memory_space<vmem>>, vector<16xf32>,
        %parallel_loop3A_830 = arith.constant 2 : i32
        %parallel_loop3A_831 = arith.index_cast %parallel_loop3A_830 : i32 to index
        %parallel_loop3A_832 = arith.constant 0 : index
        %parallel_loop3A_833 = tpu.vector_load %arg7[%parallel_loop3A_831, %parallel_loop3A_832] {strides = array<i32>} : memref<32x16xf32, #tpu.memory_space<vmem>>, vector<16xf32>,
        %parallel_loop3A_834 = arith.addf %parallel_loop3A_800, %parallel_loop3A_833 : vector<16xf32>
        %parallel_loop3A_835 = arith.index_cast %parallel_loop3A_795 : i32 to index
        %parallel_loop3A_836 = arith.constant 64 : index
        %parallel_loop3A_837 = tpu.vector_load %arg9[%parallel_loop3A_835, %parallel_loop3A_836] {strides = array<i32>} : memref<32x1024xf32, #tpu.memory_space<vmem>>, vector<16xf32>,
        tpu.vector_store %arg9[%parallel_loop3A_835, %parallel_loop3A_836], %parallel_loop3A_834 {strides = array<i32>} : memref<32x1024xf32, #tpu.memory_space<vmem>>, vector<16xf32>,
        %parallel_loop3A_838 = arith.addf %parallel_loop3A_805, %parallel_loop3A_833 : vector<16xf32>
        %parallel_loop3A_839 = arith.index_cast %parallel_loop3A_795 : i32 to index
        %parallel_loop3A_840 = arith.constant 80 : index
        %parallel_loop3A_841 = tpu.vector_load %arg9[%parallel_loop3A_839, %parallel_loop3A_840] {strides = array<i32>} : memref<32x1024xf32, #tpu.memory_space<vmem>>, vector<16xf32>,
        tpu.vector_store %arg9[%parallel_loop3A_839, %parallel_loop3A_840], %parallel_loop3A_838 {strides = array<i32>} : memref<32x1024xf32, #tpu.memory_space<vmem>>, vector<16xf32>,
        %parallel_loop3A_842 = arith.constant 3 : i32
        %parallel_loop3A_843 = arith.index_cast %parallel_loop3A_842 : i32 to index
        %parallel_loop3A_844 = arith.constant 0 : index
        %parallel_loop3A_845 = tpu.vector_load %arg7[%parallel_loop3A_843, %parallel_loop3A_844] {strides = array<i32>} : memref<32x16xf32, #tpu.memory_space<vmem>>, vector<16xf32>,
        %parallel_loop3A_846 = arith.addf %parallel_loop3A_800, %parallel_loop3A_845 : vector<16xf32>
        %parallel_loop3A_847 = arith.index_cast %parallel_loop3A_795 : i32 to index
        %parallel_loop3A_848 = arith.constant 96 : index
        %parallel_loop3A_849 = tpu.vector_load %arg9[%parallel_loop3A_847, %parallel_loop3A_848] {strides = array<i32>} : memref<32x1024xf32, #tpu.memory_space<vmem>>, vector<16xf32>,
        tpu.vector_store %arg9[%parallel_loop3A_847, %parallel_loop3A_848], %parallel_loop3A_846 {strides = array<i32>} : memref<32x1024xf32, #tpu.memory_space<vmem>>, vector<16xf32>,
        %parallel_loop3A_850 = arith.addf %parallel_loop3A_805, %parallel_loop3A_845 : vector<16xf32>
        %parallel_loop3A_851 = arith.index_cast %parallel_loop3A_795 : i32 to index
        %parallel_loop3A_852 = arith.constant 112 : index
        %parallel_loop3A_853 = tpu.vector_load %arg9[%parallel_loop3A_851, %parallel_loop3A_852] {strides = array<i32>} : memref<32x1024xf32, #tpu.memory_space<vmem>>, vector<16xf32>,
        tpu.vector_store %arg9[%parallel_loop3A_851, %parallel_loop3A_852], %parallel_loop3A_850 {strides = array<i32>} : memref<32x1024xf32, #tpu.memory_space<vmem>>, vector<16xf32>,
        %parallel_loop3A_854 = arith.constant 4 : i32
        %parallel_loop3A_855 = arith.index_cast %parallel_loop3A_854 : i32 to index
        %parallel_loop3A_856 = arith.constant 0 : index
        %parallel_loop3A_857 = tpu.vector_load %arg7[%parallel_loop3A_855, %parallel_loop3A_856] {strides = array<i32>} : memref<32x16xf32, #tpu.memory_space<vmem>>, vector<16xf32>,
        %parallel_loop3A_858 = arith.addf %parallel_loop3A_800, %parallel_loop3A_857 : vector<16xf32>
        %parallel_loop3A_859 = arith.index_cast %parallel_loop3A_795 : i32 to index
        %parallel_loop3A_860 = arith.constant 128 : index
        %parallel_loop3A_861 = tpu.vector_load %arg9[%parallel_loop3A_859, %parallel_loop3A_860] {strides = array<i32>} : memref<32x1024xf32, #tpu.memory_space<vmem>>, vector<16xf32>,
        tpu.vector_store %arg9[%parallel_loop3A_859, %parallel_loop3A_860], %parallel_loop3A_858 {strides = array<i32>} : memref<32x1024xf32, #tpu.memory_space<vmem>>, vector<16xf32>,
        %parallel_loop3A_862 = arith.addf %parallel_loop3A_805, %parallel_loop3A_857 : vector<16xf32>
        %parallel_loop3A_863 = arith.index_cast %parallel_loop3A_795 : i32 to index
        %parallel_loop3A_864 = arith.constant 144 : index
        %parallel_loop3A_865 = tpu.vector_load %arg9[%parallel_loop3A_863, %parallel_loop3A_864] {strides = array<i32>} : memref<32x1024xf32, #tpu.memory_space<vmem>>, vector<16xf32>,
        tpu.vector_store %arg9[%parallel_loop3A_863, %parallel_loop3A_864], %parallel_loop3A_862 {strides = array<i32>} : memref<32x1024xf32, #tpu.memory_space<vmem>>, vector<16xf32>,
        %parallel_loop3A_866 = arith.constant 5 : i32
        %parallel_loop3A_867 = arith.index_cast %parallel_loop3A_866 : i32 to index
        %parallel_loop3A_868 = arith.constant 0 : index
        %parallel_loop3A_869 = tpu.vector_load %arg7[%parallel_loop3A_867, %parallel_loop3A_868] {strides = array<i32>} : memref<32x16xf32, #tpu.memory_space<vmem>>, vector<16xf32>,
        %parallel_loop3A_870 = arith.addf %parallel_loop3A_800, %parallel_loop3A_869 : vector<16xf32>
        %parallel_loop3A_871 = arith.index_cast %parallel_loop3A_795 : i32 to index
        %parallel_loop3A_872 = arith.constant 160 : index
        %parallel_loop3A_873 = tpu.vector_load %arg9[%parallel_loop3A_871, %parallel_loop3A_872] {strides = array<i32>} : memref<32x1024xf32, #tpu.memory_space<vmem>>, vector<16xf32>,
        tpu.vector_store %arg9[%parallel_loop3A_871, %parallel_loop3A_872], %parallel_loop3A_870 {strides = array<i32>} : memref<32x1024xf32, #tpu.memory_space<vmem>>, vector<16xf32>,
        %parallel_loop3A_874 = arith.addf %parallel_loop3A_805, %parallel_loop3A_869 : vector<16xf32>
        %parallel_loop3A_875 = arith.index_cast %parallel_loop3A_795 : i32 to index
        %parallel_loop3A_876 = arith.constant 176 : index
        %parallel_loop3A_877 = tpu.vector_load %arg9[%parallel_loop3A_875, %parallel_loop3A_876] {strides = array<i32>} : memref<32x1024xf32, #tpu.memory_space<vmem>>, vector<16xf32>,
        tpu.vector_store %arg9[%parallel_loop3A_875, %parallel_loop3A_876], %parallel_loop3A_874 {strides = array<i32>} : memref<32x1024xf32, #tpu.memory_space<vmem>>, vector<16xf32>,
        %parallel_loop3A_878 = arith.constant 6 : i32
        %parallel_loop3A_879 = arith.index_cast %parallel_loop3A_878 : i32 to index
        %parallel_loop3A_880 = arith.constant 0 : index
        %parallel_loop3A_881 = tpu.vector_load %arg7[%parallel_loop3A_879, %parallel_loop3A_880] {strides = array<i32>} : memref<32x16xf32, #tpu.memory_space<vmem>>, vector<16xf32>,
        %parallel_loop3A_882 = arith.addf %parallel_loop3A_800, %parallel_loop3A_881 : vector<16xf32>
        %parallel_loop3A_883 = arith.index_cast %parallel_loop3A_795 : i32 to index
        %parallel_loop3A_884 = arith.constant 192 : index
        %parallel_loop3A_885 = tpu.vector_load %arg9[%parallel_loop3A_883, %parallel_loop3A_884] {strides = array<i32>} : memref<32x1024xf32, #tpu.memory_space<vmem>>, vector<16xf32>,
        tpu.vector_store %arg9[%parallel_loop3A_883, %parallel_loop3A_884], %parallel_loop3A_882 {strides = array<i32>} : memref<32x1024xf32, #tpu.memory_space<vmem>>, vector<16xf32>,
        %parallel_loop3A_886 = arith.addf %parallel_loop3A_805, %parallel_loop3A_881 : vector<16xf32>
        %parallel_loop3A_887 = arith.index_cast %parallel_loop3A_795 : i32 to index
        %parallel_loop3A_888 = arith.constant 208 : index
        %parallel_loop3A_889 = tpu.vector_load %arg9[%parallel_loop3A_887, %parallel_loop3A_888] {strides = array<i32>} : memref<32x1024xf32, #tpu.memory_space<vmem>>, vector<16xf32>,
        tpu.vector_store %arg9[%parallel_loop3A_887, %parallel_loop3A_888], %parallel_loop3A_886 {strides = array<i32>} : memref<32x1024xf32, #tpu.memory_space<vmem>>, vector<16xf32>,
        %parallel_loop3A_890 = arith.constant 7 : i32
        %parallel_loop3A_891 = arith.index_cast %parallel_loop3A_890 : i32 to index
        %parallel_loop3A_892 = arith.constant 0 : index
        %parallel_loop3A_893 = tpu.vector_load %arg7[%parallel_loop3A_891, %parallel_loop3A_892] {strides = array<i32>} : memref<32x16xf32, #tpu.memory_space<vmem>>, vector<16xf32>,
        %parallel_loop3A_894 = arith.addf %parallel_loop3A_800, %parallel_loop3A_893 : vector<16xf32>
        %parallel_loop3A_895 = arith.index_cast %parallel_loop3A_795 : i32 to index
        %parallel_loop3A_896 = arith.constant 224 : index
        %parallel_loop3A_897 = tpu.vector_load %arg9[%parallel_loop3A_895, %parallel_loop3A_896] {strides = array<i32>} : memref<32x1024xf32, #tpu.memory_space<vmem>>, vector<16xf32>,
        tpu.vector_store %arg9[%parallel_loop3A_895, %parallel_loop3A_896], %parallel_loop3A_894 {strides = array<i32>} : memref<32x1024xf32, #tpu.memory_space<vmem>>, vector<16xf32>,
        %parallel_loop3A_898 = arith.addf %parallel_loop3A_805, %parallel_loop3A_893 : vector<16xf32>
        %parallel_loop3A_899 = arith.index_cast %parallel_loop3A_795 : i32 to index
        %parallel_loop3A_900 = arith.constant 240 : index
        %parallel_loop3A_901 = tpu.vector_load %arg9[%parallel_loop3A_899, %parallel_loop3A_900] {strides = array<i32>} : memref<32x1024xf32, #tpu.memory_space<vmem>>, vector<16xf32>,
        tpu.vector_store %arg9[%parallel_loop3A_899, %parallel_loop3A_900], %parallel_loop3A_898 {strides = array<i32>} : memref<32x1024xf32, #tpu.memory_space<vmem>>, vector<16xf32>,
        %parallel_loop3A_902 = arith.constant 8 : i32
        %parallel_loop3A_903 = arith.index_cast %parallel_loop3A_902 : i32 to index
        %parallel_loop3A_904 = arith.constant 0 : index
        %parallel_loop3A_905 = tpu.vector_load %arg7[%parallel_loop3A_903, %parallel_loop3A_904] {strides = array<i32>} : memref<32x16xf32, #tpu.memory_space<vmem>>, vector<16xf32>,
        %parallel_loop3A_906 = arith.addf %parallel_loop3A_800, %parallel_loop3A_905 : vector<16xf32>
        %parallel_loop3A_907 = arith.index_cast %parallel_loop3A_795 : i32 to index
        %parallel_loop3A_908 = arith.constant 256 : index
        %parallel_loop3A_909 = tpu.vector_load %arg9[%parallel_loop3A_907, %parallel_loop3A_908] {strides = array<i32>} : memref<32x1024xf32, #tpu.memory_space<vmem>>, vector<16xf32>,
        tpu.vector_store %arg9[%parallel_loop3A_907, %parallel_loop3A_908], %parallel_loop3A_906 {strides = array<i32>} : memref<32x1024xf32, #tpu.memory_space<vmem>>, vector<16xf32>,
        %parallel_loop3A_910 = arith.addf %parallel_loop3A_805, %parallel_loop3A_905 : vector<16xf32>
        %parallel_loop3A_911 = arith.index_cast %parallel_loop3A_795 : i32 to index
        %parallel_loop3A_912 = arith.constant 272 : index
        %parallel_loop3A_913 = tpu.vector_load %arg9[%parallel_loop3A_911, %parallel_loop3A_912] {strides = array<i32>} : memref<32x1024xf32, #tpu.memory_space<vmem>>, vector<16xf32>,
        tpu.vector_store %arg9[%parallel_loop3A_911, %parallel_loop3A_912], %parallel_loop3A_910 {strides = array<i32>} : memref<32x1024xf32, #tpu.memory_space<vmem>>, vector<16xf32>,
        %parallel_loop3A_914 = arith.constant 9 : i32
        %parallel_loop3A_915 = arith.index_cast %parallel_loop3A_914 : i32 to index
        %parallel_loop3A_916 = arith.constant 0 : index
        %parallel_loop3A_917 = tpu.vector_load %arg7[%parallel_loop3A_915, %parallel_loop3A_916] {strides = array<i32>} : memref<32x16xf32, #tpu.memory_space<vmem>>, vector<16xf32>,
        %parallel_loop3A_918 = arith.addf %parallel_loop3A_800, %parallel_loop3A_917 : vector<16xf32>
        %parallel_loop3A_919 = arith.index_cast %parallel_loop3A_795 : i32 to index
        %parallel_loop3A_920 = arith.constant 288 : index
        %parallel_loop3A_921 = tpu.vector_load %arg9[%parallel_loop3A_919, %parallel_loop3A_920] {strides = array<i32>} : memref<32x1024xf32, #tpu.memory_space<vmem>>, vector<16xf32>,
        tpu.vector_store %arg9[%parallel_loop3A_919, %parallel_loop3A_920], %parallel_loop3A_918 {strides = array<i32>} : memref<32x1024xf32, #tpu.memory_space<vmem>>, vector<16xf32>,
        %parallel_loop3A_922 = arith.addf %parallel_loop3A_805, %parallel_loop3A_917 : vector<16xf32>
        %parallel_loop3A_923 = arith.index_cast %parallel_loop3A_795 : i32 to index
        %parallel_loop3A_924 = arith.constant 304 : index
        %parallel_loop3A_925 = tpu.vector_load %arg9[%parallel_loop3A_923, %parallel_loop3A_924] {strides = array<i32>} : memref<32x1024xf32, #tpu.memory_space<vmem>>, vector<16xf32>,
        tpu.vector_store %arg9[%parallel_loop3A_923, %parallel_loop3A_924], %parallel_loop3A_922 {strides = array<i32>} : memref<32x1024xf32, #tpu.memory_space<vmem>>, vector<16xf32>,
        %parallel_loop3A_926 = arith.constant 10 : i32
        %parallel_loop3A_927 = arith.index_cast %parallel_loop3A_926 : i32 to index
        %parallel_loop3A_928 = arith.constant 0 : index
        %parallel_loop3A_929 = tpu.vector_load %arg7[%parallel_loop3A_927, %parallel_loop3A_928] {strides = array<i32>} : memref<32x16xf32, #tpu.memory_space<vmem>>, vector<16xf32>,
        %parallel_loop3A_930 = arith.addf %parallel_loop3A_800, %parallel_loop3A_929 : vector<16xf32>
        %parallel_loop3A_931 = arith.index_cast %parallel_loop3A_795 : i32 to index
        %parallel_loop3A_932 = arith.constant 320 : index
        %parallel_loop3A_933 = tpu.vector_load %arg9[%parallel_loop3A_931, %parallel_loop3A_932] {strides = array<i32>} : memref<32x1024xf32, #tpu.memory_space<vmem>>, vector<16xf32>,
        tpu.vector_store %arg9[%parallel_loop3A_931, %parallel_loop3A_932], %parallel_loop3A_930 {strides = array<i32>} : memref<32x1024xf32, #tpu.memory_space<vmem>>, vector<16xf32>,
        %parallel_loop3A_934 = arith.addf %parallel_loop3A_805, %parallel_loop3A_929 : vector<16xf32>
        %parallel_loop3A_935 = arith.index_cast %parallel_loop3A_795 : i32 to index
        %parallel_loop3A_936 = arith.constant 336 : index
        %parallel_loop3A_937 = tpu.vector_load %arg9[%parallel_loop3A_935, %parallel_loop3A_936] {strides = array<i32>} : memref<32x1024xf32, #tpu.memory_space<vmem>>, vector<16xf32>,
        tpu.vector_store %arg9[%parallel_loop3A_935, %parallel_loop3A_936], %parallel_loop3A_934 {strides = array<i32>} : memref<32x1024xf32, #tpu.memory_space<vmem>>, vector<16xf32>,
        %parallel_loop3A_938 = arith.constant 11 : i32
        %parallel_loop3A_939 = arith.index_cast %parallel_loop3A_938 : i32 to index
        %parallel_loop3A_940 = arith.constant 0 : index
        %parallel_loop3A_941 = tpu.vector_load %arg7[%parallel_loop3A_939, %parallel_loop3A_940] {strides = array<i32>} : memref<32x16xf32, #tpu.memory_space<vmem>>, vector<16xf32>,
        %parallel_loop3A_942 = arith.addf %parallel_loop3A_800, %parallel_loop3A_941 : vector<16xf32>
        %parallel_loop3A_943 = arith.index_cast %parallel_loop3A_795 : i32 to index
        %parallel_loop3A_944 = arith.constant 352 : index
        %parallel_loop3A_945 = tpu.vector_load %arg9[%parallel_loop3A_943, %parallel_loop3A_944] {strides = array<i32>} : memref<32x1024xf32, #tpu.memory_space<vmem>>, vector<16xf32>,
        tpu.vector_store %arg9[%parallel_loop3A_943, %parallel_loop3A_944], %parallel_loop3A_942 {strides = array<i32>} : memref<32x1024xf32, #tpu.memory_space<vmem>>, vector<16xf32>,
        %parallel_loop3A_946 = arith.addf %parallel_loop3A_805, %parallel_loop3A_941 : vector<16xf32>
        %parallel_loop3A_947 = arith.index_cast %parallel_loop3A_795 : i32 to index
        %parallel_loop3A_948 = arith.constant 368 : index
        %parallel_loop3A_949 = tpu.vector_load %arg9[%parallel_loop3A_947, %parallel_loop3A_948] {strides = array<i32>} : memref<32x1024xf32, #tpu.memory_space<vmem>>, vector<16xf32>,
        tpu.vector_store %arg9[%parallel_loop3A_947, %parallel_loop3A_948], %parallel_loop3A_946 {strides = array<i32>} : memref<32x1024xf32, #tpu.memory_space<vmem>>, vector<16xf32>,
        %parallel_loop3A_950 = arith.constant 12 : i32
        %parallel_loop3A_951 = arith.index_cast %parallel_loop3A_950 : i32 to index
        %parallel_loop3A_952 = arith.constant 0 : index
        %parallel_loop3A_953 = tpu.vector_load %arg7[%parallel_loop3A_951, %parallel_loop3A_952] {strides = array<i32>} : memref<32x16xf32, #tpu.memory_space<vmem>>, vector<16xf32>,
        %parallel_loop3A_954 = arith.addf %parallel_loop3A_800, %parallel_loop3A_953 : vector<16xf32>
        %parallel_loop3A_955 = arith.index_cast %parallel_loop3A_795 : i32 to index
        %parallel_loop3A_956 = arith.constant 384 : index
        %parallel_loop3A_957 = tpu.vector_load %arg9[%parallel_loop3A_955, %parallel_loop3A_956] {strides = array<i32>} : memref<32x1024xf32, #tpu.memory_space<vmem>>, vector<16xf32>,
        tpu.vector_store %arg9[%parallel_loop3A_955, %parallel_loop3A_956], %parallel_loop3A_954 {strides = array<i32>} : memref<32x1024xf32, #tpu.memory_space<vmem>>, vector<16xf32>,
        %parallel_loop3A_958 = arith.addf %parallel_loop3A_805, %parallel_loop3A_953 : vector<16xf32>
        %parallel_loop3A_959 = arith.index_cast %parallel_loop3A_795 : i32 to index
        %parallel_loop3A_960 = arith.constant 400 : index
        %parallel_loop3A_961 = tpu.vector_load %arg9[%parallel_loop3A_959, %parallel_loop3A_960] {strides = array<i32>} : memref<32x1024xf32, #tpu.memory_space<vmem>>, vector<16xf32>,
        tpu.vector_store %arg9[%parallel_loop3A_959, %parallel_loop3A_960], %parallel_loop3A_958 {strides = array<i32>} : memref<32x1024xf32, #tpu.memory_space<vmem>>, vector<16xf32>,
        %parallel_loop3A_962 = arith.constant 13 : i32
        %parallel_loop3A_963 = arith.index_cast %parallel_loop3A_962 : i32 to index
        %parallel_loop3A_964 = arith.constant 0 : index
        %parallel_loop3A_965 = tpu.vector_load %arg7[%parallel_loop3A_963, %parallel_loop3A_964] {strides = array<i32>} : memref<32x16xf32, #tpu.memory_space<vmem>>, vector<16xf32>,
        %parallel_loop3A_966 = arith.addf %parallel_loop3A_800, %parallel_loop3A_965 : vector<16xf32>
        %parallel_loop3A_967 = arith.index_cast %parallel_loop3A_795 : i32 to index
        %parallel_loop3A_968 = arith.constant 416 : index
        %parallel_loop3A_969 = tpu.vector_load %arg9[%parallel_loop3A_967, %parallel_loop3A_968] {strides = array<i32>} : memref<32x1024xf32, #tpu.memory_space<vmem>>, vector<16xf32>,
        tpu.vector_store %arg9[%parallel_loop3A_967, %parallel_loop3A_968], %parallel_loop3A_966 {strides = array<i32>} : memref<32x1024xf32, #tpu.memory_space<vmem>>, vector<16xf32>,
        %parallel_loop3A_970 = arith.addf %parallel_loop3A_805, %parallel_loop3A_965 : vector<16xf32>
        %parallel_loop3A_971 = arith.index_cast %parallel_loop3A_795 : i32 to index
        %parallel_loop3A_972 = arith.constant 432 : index
        %parallel_loop3A_973 = tpu.vector_load %arg9[%parallel_loop3A_971, %parallel_loop3A_972] {strides = array<i32>} : memref<32x1024xf32, #tpu.memory_space<vmem>>, vector<16xf32>,
        tpu.vector_store %arg9[%parallel_loop3A_971, %parallel_loop3A_972], %parallel_loop3A_970 {strides = array<i32>} : memref<32x1024xf32, #tpu.memory_space<vmem>>, vector<16xf32>,
        %parallel_loop3A_974 = arith.constant 14 : i32
        %parallel_loop3A_975 = arith.index_cast %parallel_loop3A_974 : i32 to index
        %parallel_loop3A_976 = arith.constant 0 : index
        %parallel_loop3A_977 = tpu.vector_load %arg7[%parallel_loop3A_975, %parallel_loop3A_976] {strides = array<i32>} : memref<32x16xf32, #tpu.memory_space<vmem>>, vector<16xf32>,
        %parallel_loop3A_978 = arith.addf %parallel_loop3A_800, %parallel_loop3A_977 : vector<16xf32>
        %parallel_loop3A_979 = arith.index_cast %parallel_loop3A_795 : i32 to index
        %parallel_loop3A_980 = arith.constant 448 : index
        %parallel_loop3A_981 = tpu.vector_load %arg9[%parallel_loop3A_979, %parallel_loop3A_980] {strides = array<i32>} : memref<32x1024xf32, #tpu.memory_space<vmem>>, vector<16xf32>,
        tpu.vector_store %arg9[%parallel_loop3A_979, %parallel_loop3A_980], %parallel_loop3A_978 {strides = array<i32>} : memref<32x1024xf32, #tpu.memory_space<vmem>>, vector<16xf32>,
        %parallel_loop3A_982 = arith.addf %parallel_loop3A_805, %parallel_loop3A_977 : vector<16xf32>
        %parallel_loop3A_983 = arith.index_cast %parallel_loop3A_795 : i32 to index
        %parallel_loop3A_984 = arith.constant 464 : index
        %parallel_loop3A_985 = tpu.vector_load %arg9[%parallel_loop3A_983, %parallel_loop3A_984] {strides = array<i32>} : memref<32x1024xf32, #tpu.memory_space<vmem>>, vector<16xf32>,
        tpu.vector_store %arg9[%parallel_loop3A_983, %parallel_loop3A_984], %parallel_loop3A_982 {strides = array<i32>} : memref<32x1024xf32, #tpu.memory_space<vmem>>, vector<16xf32>,
        %parallel_loop3A_986 = arith.constant 15 : i32
        %parallel_loop3A_987 = arith.index_cast %parallel_loop3A_986 : i32 to index
        %parallel_loop3A_988 = arith.constant 0 : index
        %parallel_loop3A_989 = tpu.vector_load %arg7[%parallel_loop3A_987, %parallel_loop3A_988] {strides = array<i32>} : memref<32x16xf32, #tpu.memory_space<vmem>>, vector<16xf32>,
        %parallel_loop3A_990 = arith.addf %parallel_loop3A_800, %parallel_loop3A_989 : vector<16xf32>
        %parallel_loop3A_991 = arith.index_cast %parallel_loop3A_795 : i32 to index
        %parallel_loop3A_992 = arith.constant 480 : index
        %parallel_loop3A_993 = tpu.vector_load %arg9[%parallel_loop3A_991, %parallel_loop3A_992] {strides = array<i32>} : memref<32x1024xf32, #tpu.memory_space<vmem>>, vector<16xf32>,
        tpu.vector_store %arg9[%parallel_loop3A_991, %parallel_loop3A_992], %parallel_loop3A_990 {strides = array<i32>} : memref<32x1024xf32, #tpu.memory_space<vmem>>, vector<16xf32>,
        %parallel_loop3A_994 = arith.addf %parallel_loop3A_805, %parallel_loop3A_989 : vector<16xf32>
        %parallel_loop3A_995 = arith.index_cast %parallel_loop3A_795 : i32 to index
        %parallel_loop3A_996 = arith.constant 496 : index
        %parallel_loop3A_997 = tpu.vector_load %arg9[%parallel_loop3A_995, %parallel_loop3A_996] {strides = array<i32>} : memref<32x1024xf32, #tpu.memory_space<vmem>>, vector<16xf32>,
        tpu.vector_store %arg9[%parallel_loop3A_995, %parallel_loop3A_996], %parallel_loop3A_994 {strides = array<i32>} : memref<32x1024xf32, #tpu.memory_space<vmem>>, vector<16xf32>,
        %parallel_loop3A_998 = arith.constant 16 : i32
        %parallel_loop3A_999 = arith.index_cast %parallel_loop3A_998 : i32 to index
        %parallel_loop3A_1000 = arith.constant 0 : index
        %parallel_loop3A_1001 = tpu.vector_load %arg7[%parallel_loop3A_999, %parallel_loop3A_1000] {strides = array<i32>} : memref<32x16xf32, #tpu.memory_space<vmem>>, vector<16xf32>,
        %parallel_loop3A_1002 = arith.addf %parallel_loop3A_800, %parallel_loop3A_1001 : vector<16xf32>
        %parallel_loop3A_1003 = arith.index_cast %parallel_loop3A_795 : i32 to index
        %parallel_loop3A_1004 = arith.constant 512 : index
        %parallel_loop3A_1005 = tpu.vector_load %arg9[%parallel_loop3A_1003, %parallel_loop3A_1004] {strides = array<i32>} : memref<32x1024xf32, #tpu.memory_space<vmem>>, vector<16xf32>,
        tpu.vector_store %arg9[%parallel_loop3A_1003, %parallel_loop3A_1004], %parallel_loop3A_1002 {strides = array<i32>} : memref<32x1024xf32, #tpu.memory_space<vmem>>, vector<16xf32>,
        %parallel_loop3A_1006 = arith.addf %parallel_loop3A_805, %parallel_loop3A_1001 : vector<16xf32>
        %parallel_loop3A_1007 = arith.index_cast %parallel_loop3A_795 : i32 to index
        %parallel_loop3A_1008 = arith.constant 528 : index
        %parallel_loop3A_1009 = tpu.vector_load %arg9[%parallel_loop3A_1007, %parallel_loop3A_1008] {strides = array<i32>} : memref<32x1024xf32, #tpu.memory_space<vmem>>, vector<16xf32>,
        tpu.vector_store %arg9[%parallel_loop3A_1007, %parallel_loop3A_1008], %parallel_loop3A_1006 {strides = array<i32>} : memref<32x1024xf32, #tpu.memory_space<vmem>>, vector<16xf32>,
        %parallel_loop3A_1010 = arith.constant 17 : i32
        %parallel_loop3A_1011 = arith.index_cast %parallel_loop3A_1010 : i32 to index
        %parallel_loop3A_1012 = arith.constant 0 : index
        %parallel_loop3A_1013 = tpu.vector_load %arg7[%parallel_loop3A_1011, %parallel_loop3A_1012] {strides = array<i32>} : memref<32x16xf32, #tpu.memory_space<vmem>>, vector<16xf32>,
        %parallel_loop3A_1014 = arith.addf %parallel_loop3A_800, %parallel_loop3A_1013 : vector<16xf32>
        %parallel_loop3A_1015 = arith.index_cast %parallel_loop3A_795 : i32 to index
        %parallel_loop3A_1016 = arith.constant 544 : index
        %parallel_loop3A_1017 = tpu.vector_load %arg9[%parallel_loop3A_1015, %parallel_loop3A_1016] {strides = array<i32>} : memref<32x1024xf32, #tpu.memory_space<vmem>>, vector<16xf32>,
        tpu.vector_store %arg9[%parallel_loop3A_1015, %parallel_loop3A_1016], %parallel_loop3A_1014 {strides = array<i32>} : memref<32x1024xf32, #tpu.memory_space<vmem>>, vector<16xf32>,
        %parallel_loop3A_1018 = arith.addf %parallel_loop3A_805, %parallel_loop3A_1013 : vector<16xf32>
        %parallel_loop3A_1019 = arith.index_cast %parallel_loop3A_795 : i32 to index
        %parallel_loop3A_1020 = arith.constant 560 : index
        %parallel_loop3A_1021 = tpu.vector_load %arg9[%parallel_loop3A_1019, %parallel_loop3A_1020] {strides = array<i32>} : memref<32x1024xf32, #tpu.memory_space<vmem>>, vector<16xf32>,
        tpu.vector_store %arg9[%parallel_loop3A_1019, %parallel_loop3A_1020], %parallel_loop3A_1018 {strides = array<i32>} : memref<32x1024xf32, #tpu.memory_space<vmem>>, vector<16xf32>,
        %parallel_loop3A_1022 = arith.constant 18 : i32
        %parallel_loop3A_1023 = arith.index_cast %parallel_loop3A_1022 : i32 to index
        %parallel_loop3A_1024 = arith.constant 0 : index
        %parallel_loop3A_1025 = tpu.vector_load %arg7[%parallel_loop3A_1023, %parallel_loop3A_1024] {strides = array<i32>} : memref<32x16xf32, #tpu.memory_space<vmem>>, vector<16xf32>,
        %parallel_loop3A_1026 = arith.addf %parallel_loop3A_800, %parallel_loop3A_1025 : vector<16xf32>
        %parallel_loop3A_1027 = arith.index_cast %parallel_loop3A_795 : i32 to index
        %parallel_loop3A_1028 = arith.constant 576 : index
        %parallel_loop3A_1029 = tpu.vector_load %arg9[%parallel_loop3A_1027, %parallel_loop3A_1028] {strides = array<i32>} : memref<32x1024xf32, #tpu.memory_space<vmem>>, vector<16xf32>,
        tpu.vector_store %arg9[%parallel_loop3A_1027, %parallel_loop3A_1028], %parallel_loop3A_1026 {strides = array<i32>} : memref<32x1024xf32, #tpu.memory_space<vmem>>, vector<16xf32>,
        %parallel_loop3A_1030 = arith.addf %parallel_loop3A_805, %parallel_loop3A_1025 : vector<16xf32>
        %parallel_loop3A_1031 = arith.index_cast %parallel_loop3A_795 : i32 to index
        %parallel_loop3A_1032 = arith.constant 592 : index
        %parallel_loop3A_1033 = tpu.vector_load %arg9[%parallel_loop3A_1031, %parallel_loop3A_1032] {strides = array<i32>} : memref<32x1024xf32, #tpu.memory_space<vmem>>, vector<16xf32>,
        tpu.vector_store %arg9[%parallel_loop3A_1031, %parallel_loop3A_1032], %parallel_loop3A_1030 {strides = array<i32>} : memref<32x1024xf32, #tpu.memory_space<vmem>>, vector<16xf32>,
        %parallel_loop3A_1034 = arith.constant 19 : i32
        %parallel_loop3A_1035 = arith.index_cast %parallel_loop3A_1034 : i32 to index
        %parallel_loop3A_1036 = arith.constant 0 : index
        %parallel_loop3A_1037 = tpu.vector_load %arg7[%parallel_loop3A_1035, %parallel_loop3A_1036] {strides = array<i32>} : memref<32x16xf32, #tpu.memory_space<vmem>>, vector<16xf32>,
        %parallel_loop3A_1038 = arith.addf %parallel_loop3A_800, %parallel_loop3A_1037 : vector<16xf32>
        %parallel_loop3A_1039 = arith.index_cast %parallel_loop3A_795 : i32 to index
        %parallel_loop3A_1040 = arith.constant 608 : index
        %parallel_loop3A_1041 = tpu.vector_load %arg9[%parallel_loop3A_1039, %parallel_loop3A_1040] {strides = array<i32>} : memref<32x1024xf32, #tpu.memory_space<vmem>>, vector<16xf32>,
        tpu.vector_store %arg9[%parallel_loop3A_1039, %parallel_loop3A_1040], %parallel_loop3A_1038 {strides = array<i32>} : memref<32x1024xf32, #tpu.memory_space<vmem>>, vector<16xf32>,
        %parallel_loop3A_1042 = arith.addf %parallel_loop3A_805, %parallel_loop3A_1037 : vector<16xf32>
        %parallel_loop3A_1043 = arith.index_cast %parallel_loop3A_795 : i32 to index
        %parallel_loop3A_1044 = arith.constant 624 : index
        %parallel_loop3A_1045 = tpu.vector_load %arg9[%parallel_loop3A_1043, %parallel_loop3A_1044] {strides = array<i32>} : memref<32x1024xf32, #tpu.memory_space<vmem>>, vector<16xf32>,
        tpu.vector_store %arg9[%parallel_loop3A_1043, %parallel_loop3A_1044], %parallel_loop3A_1042 {strides = array<i32>} : memref<32x1024xf32, #tpu.memory_space<vmem>>, vector<16xf32>,
        %parallel_loop3A_1046 = arith.constant 20 : i32
        %parallel_loop3A_1047 = arith.index_cast %parallel_loop3A_1046 : i32 to index
        %parallel_loop3A_1048 = arith.constant 0 : index
        %parallel_loop3A_1049 = tpu.vector_load %arg7[%parallel_loop3A_1047, %parallel_loop3A_1048] {strides = array<i32>} : memref<32x16xf32, #tpu.memory_space<vmem>>, vector<16xf32>,
        %parallel_loop3A_1050 = arith.addf %parallel_loop3A_800, %parallel_loop3A_1049 : vector<16xf32>
        %parallel_loop3A_1051 = arith.index_cast %parallel_loop3A_795 : i32 to index
        %parallel_loop3A_1052 = arith.constant 640 : index
        %parallel_loop3A_1053 = tpu.vector_load %arg9[%parallel_loop3A_1051, %parallel_loop3A_1052] {strides = array<i32>} : memref<32x1024xf32, #tpu.memory_space<vmem>>, vector<16xf32>,
        tpu.vector_store %arg9[%parallel_loop3A_1051, %parallel_loop3A_1052], %parallel_loop3A_1050 {strides = array<i32>} : memref<32x1024xf32, #tpu.memory_space<vmem>>, vector<16xf32>,
        %parallel_loop3A_1054 = arith.addf %parallel_loop3A_805, %parallel_loop3A_1049 : vector<16xf32>
        %parallel_loop3A_1055 = arith.index_cast %parallel_loop3A_795 : i32 to index
        %parallel_loop3A_1056 = arith.constant 656 : index
        %parallel_loop3A_1057 = tpu.vector_load %arg9[%parallel_loop3A_1055, %parallel_loop3A_1056] {strides = array<i32>} : memref<32x1024xf32, #tpu.memory_space<vmem>>, vector<16xf32>,
        tpu.vector_store %arg9[%parallel_loop3A_1055, %parallel_loop3A_1056], %parallel_loop3A_1054 {strides = array<i32>} : memref<32x1024xf32, #tpu.memory_space<vmem>>, vector<16xf32>,
        %parallel_loop3A_1058 = arith.constant 21 : i32
        %parallel_loop3A_1059 = arith.index_cast %parallel_loop3A_1058 : i32 to index
        %parallel_loop3A_1060 = arith.constant 0 : index
        %parallel_loop3A_1061 = tpu.vector_load %arg7[%parallel_loop3A_1059, %parallel_loop3A_1060] {strides = array<i32>} : memref<32x16xf32, #tpu.memory_space<vmem>>, vector<16xf32>,
        %parallel_loop3A_1062 = arith.addf %parallel_loop3A_800, %parallel_loop3A_1061 : vector<16xf32>
        %parallel_loop3A_1063 = arith.index_cast %parallel_loop3A_795 : i32 to index
        %parallel_loop3A_1064 = arith.constant 672 : index
        %parallel_loop3A_1065 = tpu.vector_load %arg9[%parallel_loop3A_1063, %parallel_loop3A_1064] {strides = array<i32>} : memref<32x1024xf32, #tpu.memory_space<vmem>>, vector<16xf32>,
        tpu.vector_store %arg9[%parallel_loop3A_1063, %parallel_loop3A_1064], %parallel_loop3A_1062 {strides = array<i32>} : memref<32x1024xf32, #tpu.memory_space<vmem>>, vector<16xf32>,
        %parallel_loop3A_1066 = arith.addf %parallel_loop3A_805, %parallel_loop3A_1061 : vector<16xf32>
        %parallel_loop3A_1067 = arith.index_cast %parallel_loop3A_795 : i32 to index
        %parallel_loop3A_1068 = arith.constant 688 : index
        %parallel_loop3A_1069 = tpu.vector_load %arg9[%parallel_loop3A_1067, %parallel_loop3A_1068] {strides = array<i32>} : memref<32x1024xf32, #tpu.memory_space<vmem>>, vector<16xf32>,
        tpu.vector_store %arg9[%parallel_loop3A_1067, %parallel_loop3A_1068], %parallel_loop3A_1066 {strides = array<i32>} : memref<32x1024xf32, #tpu.memory_space<vmem>>, vector<16xf32>,
        %parallel_loop3A_1070 = arith.constant 22 : i32
        %parallel_loop3A_1071 = arith.index_cast %parallel_loop3A_1070 : i32 to index
        %parallel_loop3A_1072 = arith.constant 0 : index
        %parallel_loop3A_1073 = tpu.vector_load %arg7[%parallel_loop3A_1071, %parallel_loop3A_1072] {strides = array<i32>} : memref<32x16xf32, #tpu.memory_space<vmem>>, vector<16xf32>,
        %parallel_loop3A_1074 = arith.addf %parallel_loop3A_800, %parallel_loop3A_1073 : vector<16xf32>
        %parallel_loop3A_1075 = arith.index_cast %parallel_loop3A_795 : i32 to index
        %parallel_loop3A_1076 = arith.constant 704 : index
        %parallel_loop3A_1077 = tpu.vector_load %arg9[%parallel_loop3A_1075, %parallel_loop3A_1076] {strides = array<i32>} : memref<32x1024xf32, #tpu.memory_space<vmem>>, vector<16xf32>,
        tpu.vector_store %arg9[%parallel_loop3A_1075, %parallel_loop3A_1076], %parallel_loop3A_1074 {strides = array<i32>} : memref<32x1024xf32, #tpu.memory_space<vmem>>, vector<16xf32>,
        %parallel_loop3A_1078 = arith.addf %parallel_loop3A_805, %parallel_loop3A_1073 : vector<16xf32>
        %parallel_loop3A_1079 = arith.index_cast %parallel_loop3A_795 : i32 to index
        %parallel_loop3A_1080 = arith.constant 720 : index
        %parallel_loop3A_1081 = tpu.vector_load %arg9[%parallel_loop3A_1079, %parallel_loop3A_1080] {strides = array<i32>} : memref<32x1024xf32, #tpu.memory_space<vmem>>, vector<16xf32>,
        tpu.vector_store %arg9[%parallel_loop3A_1079, %parallel_loop3A_1080], %parallel_loop3A_1078 {strides = array<i32>} : memref<32x1024xf32, #tpu.memory_space<vmem>>, vector<16xf32>,
        %parallel_loop3A_1082 = arith.constant 23 : i32
        %parallel_loop3A_1083 = arith.index_cast %parallel_loop3A_1082 : i32 to index
        %parallel_loop3A_1084 = arith.constant 0 : index
        %parallel_loop3A_1085 = tpu.vector_load %arg7[%parallel_loop3A_1083, %parallel_loop3A_1084] {strides = array<i32>} : memref<32x16xf32, #tpu.memory_space<vmem>>, vector<16xf32>,
        %parallel_loop3A_1086 = arith.addf %parallel_loop3A_800, %parallel_loop3A_1085 : vector<16xf32>
        %parallel_loop3A_1087 = arith.index_cast %parallel_loop3A_795 : i32 to index
        %parallel_loop3A_1088 = arith.constant 736 : index
        %parallel_loop3A_1089 = tpu.vector_load %arg9[%parallel_loop3A_1087, %parallel_loop3A_1088] {strides = array<i32>} : memref<32x1024xf32, #tpu.memory_space<vmem>>, vector<16xf32>,
        tpu.vector_store %arg9[%parallel_loop3A_1087, %parallel_loop3A_1088], %parallel_loop3A_1086 {strides = array<i32>} : memref<32x1024xf32, #tpu.memory_space<vmem>>, vector<16xf32>,
        %parallel_loop3A_1090 = arith.addf %parallel_loop3A_805, %parallel_loop3A_1085 : vector<16xf32>
        %parallel_loop3A_1091 = arith.index_cast %parallel_loop3A_795 : i32 to index
        %parallel_loop3A_1092 = arith.constant 752 : index
        %parallel_loop3A_1093 = tpu.vector_load %arg9[%parallel_loop3A_1091, %parallel_loop3A_1092] {strides = array<i32>} : memref<32x1024xf32, #tpu.memory_space<vmem>>, vector<16xf32>,
        tpu.vector_store %arg9[%parallel_loop3A_1091, %parallel_loop3A_1092], %parallel_loop3A_1090 {strides = array<i32>} : memref<32x1024xf32, #tpu.memory_space<vmem>>, vector<16xf32>,
        %parallel_loop3A_1094 = arith.constant 24 : i32
        %parallel_loop3A_1095 = arith.index_cast %parallel_loop3A_1094 : i32 to index
        %parallel_loop3A_1096 = arith.constant 0 : index
        %parallel_loop3A_1097 = tpu.vector_load %arg7[%parallel_loop3A_1095, %parallel_loop3A_1096] {strides = array<i32>} : memref<32x16xf32, #tpu.memory_space<vmem>>, vector<16xf32>,
        %parallel_loop3A_1098 = arith.addf %parallel_loop3A_800, %parallel_loop3A_1097 : vector<16xf32>
        %parallel_loop3A_1099 = arith.index_cast %parallel_loop3A_795 : i32 to index
        %parallel_loop3A_1100 = arith.constant 768 : index
        %parallel_loop3A_1101 = tpu.vector_load %arg9[%parallel_loop3A_1099, %parallel_loop3A_1100] {strides = array<i32>} : memref<32x1024xf32, #tpu.memory_space<vmem>>, vector<16xf32>,
        tpu.vector_store %arg9[%parallel_loop3A_1099, %parallel_loop3A_1100], %parallel_loop3A_1098 {strides = array<i32>} : memref<32x1024xf32, #tpu.memory_space<vmem>>, vector<16xf32>,
        %parallel_loop3A_1102 = arith.addf %parallel_loop3A_805, %parallel_loop3A_1097 : vector<16xf32>
        %parallel_loop3A_1103 = arith.index_cast %parallel_loop3A_795 : i32 to index
        %parallel_loop3A_1104 = arith.constant 784 : index
        %parallel_loop3A_1105 = tpu.vector_load %arg9[%parallel_loop3A_1103, %parallel_loop3A_1104] {strides = array<i32>} : memref<32x1024xf32, #tpu.memory_space<vmem>>, vector<16xf32>,
        tpu.vector_store %arg9[%parallel_loop3A_1103, %parallel_loop3A_1104], %parallel_loop3A_1102 {strides = array<i32>} : memref<32x1024xf32, #tpu.memory_space<vmem>>, vector<16xf32>,
        %parallel_loop3A_1106 = arith.constant 25 : i32
        %parallel_loop3A_1107 = arith.index_cast %parallel_loop3A_1106 : i32 to index
        %parallel_loop3A_1108 = arith.constant 0 : index
        %parallel_loop3A_1109 = tpu.vector_load %arg7[%parallel_loop3A_1107, %parallel_loop3A_1108] {strides = array<i32>} : memref<32x16xf32, #tpu.memory_space<vmem>>, vector<16xf32>,
        %parallel_loop3A_1110 = arith.addf %parallel_loop3A_800, %parallel_loop3A_1109 : vector<16xf32>
        %parallel_loop3A_1111 = arith.index_cast %parallel_loop3A_795 : i32 to index
        %parallel_loop3A_1112 = arith.constant 800 : index
        %parallel_loop3A_1113 = tpu.vector_load %arg9[%parallel_loop3A_1111, %parallel_loop3A_1112] {strides = array<i32>} : memref<32x1024xf32, #tpu.memory_space<vmem>>, vector<16xf32>,
        tpu.vector_store %arg9[%parallel_loop3A_1111, %parallel_loop3A_1112], %parallel_loop3A_1110 {strides = array<i32>} : memref<32x1024xf32, #tpu.memory_space<vmem>>, vector<16xf32>,
        %parallel_loop3A_1114 = arith.addf %parallel_loop3A_805, %parallel_loop3A_1109 : vector<16xf32>
        %parallel_loop3A_1115 = arith.index_cast %parallel_loop3A_795 : i32 to index
        %parallel_loop3A_1116 = arith.constant 816 : index
        %parallel_loop3A_1117 = tpu.vector_load %arg9[%parallel_loop3A_1115, %parallel_loop3A_1116] {strides = array<i32>} : memref<32x1024xf32, #tpu.memory_space<vmem>>, vector<16xf32>,
        tpu.vector_store %arg9[%parallel_loop3A_1115, %parallel_loop3A_1116], %parallel_loop3A_1114 {strides = array<i32>} : memref<32x1024xf32, #tpu.memory_space<vmem>>, vector<16xf32>,
        %parallel_loop3A_1118 = arith.constant 26 : i32
        %parallel_loop3A_1119 = arith.index_cast %parallel_loop3A_1118 : i32 to index
        %parallel_loop3A_1120 = arith.constant 0 : index
        %parallel_loop3A_1121 = tpu.vector_load %arg7[%parallel_loop3A_1119, %parallel_loop3A_1120] {strides = array<i32>} : memref<32x16xf32, #tpu.memory_space<vmem>>, vector<16xf32>,
        %parallel_loop3A_1122 = arith.addf %parallel_loop3A_800, %parallel_loop3A_1121 : vector<16xf32>
        %parallel_loop3A_1123 = arith.index_cast %parallel_loop3A_795 : i32 to index
        %parallel_loop3A_1124 = arith.constant 832 : index
        %parallel_loop3A_1125 = tpu.vector_load %arg9[%parallel_loop3A_1123, %parallel_loop3A_1124] {strides = array<i32>} : memref<32x1024xf32, #tpu.memory_space<vmem>>, vector<16xf32>,
        tpu.vector_store %arg9[%parallel_loop3A_1123, %parallel_loop3A_1124], %parallel_loop3A_1122 {strides = array<i32>} : memref<32x1024xf32, #tpu.memory_space<vmem>>, vector<16xf32>,
        %parallel_loop3A_1126 = arith.addf %parallel_loop3A_805, %parallel_loop3A_1121 : vector<16xf32>
        %parallel_loop3A_1127 = arith.index_cast %parallel_loop3A_795 : i32 to index
        %parallel_loop3A_1128 = arith.constant 848 : index
        %parallel_loop3A_1129 = tpu.vector_load %arg9[%parallel_loop3A_1127, %parallel_loop3A_1128] {strides = array<i32>} : memref<32x1024xf32, #tpu.memory_space<vmem>>, vector<16xf32>,
        tpu.vector_store %arg9[%parallel_loop3A_1127, %parallel_loop3A_1128], %parallel_loop3A_1126 {strides = array<i32>} : memref<32x1024xf32, #tpu.memory_space<vmem>>, vector<16xf32>,
        %parallel_loop3A_1130 = arith.constant 27 : i32
        %parallel_loop3A_1131 = arith.index_cast %parallel_loop3A_1130 : i32 to index
        %parallel_loop3A_1132 = arith.constant 0 : index
        %parallel_loop3A_1133 = tpu.vector_load %arg7[%parallel_loop3A_1131, %parallel_loop3A_1132] {strides = array<i32>} : memref<32x16xf32, #tpu.memory_space<vmem>>, vector<16xf32>,
        %parallel_loop3A_1134 = arith.addf %parallel_loop3A_800, %parallel_loop3A_1133 : vector<16xf32>
        %parallel_loop3A_1135 = arith.index_cast %parallel_loop3A_795 : i32 to index
        %parallel_loop3A_1136 = arith.constant 864 : index
        %parallel_loop3A_1137 = tpu.vector_load %arg9[%parallel_loop3A_1135, %parallel_loop3A_1136] {strides = array<i32>} : memref<32x1024xf32, #tpu.memory_space<vmem>>, vector<16xf32>,
        tpu.vector_store %arg9[%parallel_loop3A_1135, %parallel_loop3A_1136], %parallel_loop3A_1134 {strides = array<i32>} : memref<32x1024xf32, #tpu.memory_space<vmem>>, vector<16xf32>,
        %parallel_loop3A_1138 = arith.addf %parallel_loop3A_805, %parallel_loop3A_1133 : vector<16xf32>
        %parallel_loop3A_1139 = arith.index_cast %parallel_loop3A_795 : i32 to index
        %parallel_loop3A_1140 = arith.constant 880 : index
        %parallel_loop3A_1141 = tpu.vector_load %arg9[%parallel_loop3A_1139, %parallel_loop3A_1140] {strides = array<i32>} : memref<32x1024xf32, #tpu.memory_space<vmem>>, vector<16xf32>,
        tpu.vector_store %arg9[%parallel_loop3A_1139, %parallel_loop3A_1140], %parallel_loop3A_1138 {strides = array<i32>} : memref<32x1024xf32, #tpu.memory_space<vmem>>, vector<16xf32>,
        %parallel_loop3A_1142 = arith.constant 28 : i32
        %parallel_loop3A_1143 = arith.index_cast %parallel_loop3A_1142 : i32 to index
        %parallel_loop3A_1144 = arith.constant 0 : index
        %parallel_loop3A_1145 = tpu.vector_load %arg7[%parallel_loop3A_1143, %parallel_loop3A_1144] {strides = array<i32>} : memref<32x16xf32, #tpu.memory_space<vmem>>, vector<16xf32>,
        %parallel_loop3A_1146 = arith.addf %parallel_loop3A_800, %parallel_loop3A_1145 : vector<16xf32>
        %parallel_loop3A_1147 = arith.index_cast %parallel_loop3A_795 : i32 to index
        %parallel_loop3A_1148 = arith.constant 896 : index
        %parallel_loop3A_1149 = tpu.vector_load %arg9[%parallel_loop3A_1147, %parallel_loop3A_1148] {strides = array<i32>} : memref<32x1024xf32, #tpu.memory_space<vmem>>, vector<16xf32>,
        tpu.vector_store %arg9[%parallel_loop3A_1147, %parallel_loop3A_1148], %parallel_loop3A_1146 {strides = array<i32>} : memref<32x1024xf32, #tpu.memory_space<vmem>>, vector<16xf32>,
        %parallel_loop3A_1150 = arith.addf %parallel_loop3A_805, %parallel_loop3A_1145 : vector<16xf32>
        %parallel_loop3A_1151 = arith.index_cast %parallel_loop3A_795 : i32 to index
        %parallel_loop3A_1152 = arith.constant 912 : index
        %parallel_loop3A_1153 = tpu.vector_load %arg9[%parallel_loop3A_1151, %parallel_loop3A_1152] {strides = array<i32>} : memref<32x1024xf32, #tpu.memory_space<vmem>>, vector<16xf32>,
        tpu.vector_store %arg9[%parallel_loop3A_1151, %parallel_loop3A_1152], %parallel_loop3A_1150 {strides = array<i32>} : memref<32x1024xf32, #tpu.memory_space<vmem>>, vector<16xf32>,
        %parallel_loop3A_1154 = arith.constant 29 : i32
        %parallel_loop3A_1155 = arith.index_cast %parallel_loop3A_1154 : i32 to index
        %parallel_loop3A_1156 = arith.constant 0 : index
        %parallel_loop3A_1157 = tpu.vector_load %arg7[%parallel_loop3A_1155, %parallel_loop3A_1156] {strides = array<i32>} : memref<32x16xf32, #tpu.memory_space<vmem>>, vector<16xf32>,
        %parallel_loop3A_1158 = arith.addf %parallel_loop3A_800, %parallel_loop3A_1157 : vector<16xf32>
        %parallel_loop3A_1159 = arith.index_cast %parallel_loop3A_795 : i32 to index
        %parallel_loop3A_1160 = arith.constant 928 : index
        %parallel_loop3A_1161 = tpu.vector_load %arg9[%parallel_loop3A_1159, %parallel_loop3A_1160] {strides = array<i32>} : memref<32x1024xf32, #tpu.memory_space<vmem>>, vector<16xf32>,
        tpu.vector_store %arg9[%parallel_loop3A_1159, %parallel_loop3A_1160], %parallel_loop3A_1158 {strides = array<i32>} : memref<32x1024xf32, #tpu.memory_space<vmem>>, vector<16xf32>,
        %parallel_loop3A_1162 = arith.addf %parallel_loop3A_805, %parallel_loop3A_1157 : vector<16xf32>
        %parallel_loop3A_1163 = arith.index_cast %parallel_loop3A_795 : i32 to index
        %parallel_loop3A_1164 = arith.constant 944 : index
        %parallel_loop3A_1165 = tpu.vector_load %arg9[%parallel_loop3A_1163, %parallel_loop3A_1164] {strides = array<i32>} : memref<32x1024xf32, #tpu.memory_space<vmem>>, vector<16xf32>,
        tpu.vector_store %arg9[%parallel_loop3A_1163, %parallel_loop3A_1164], %parallel_loop3A_1162 {strides = array<i32>} : memref<32x1024xf32, #tpu.memory_space<vmem>>, vector<16xf32>,
        %parallel_loop3A_1166 = arith.constant 30 : i32
        %parallel_loop3A_1167 = arith.index_cast %parallel_loop3A_1166 : i32 to index
        %parallel_loop3A_1168 = arith.constant 0 : index
        %parallel_loop3A_1169 = tpu.vector_load %arg7[%parallel_loop3A_1167, %parallel_loop3A_1168] {strides = array<i32>} : memref<32x16xf32, #tpu.memory_space<vmem>>, vector<16xf32>,
        %parallel_loop3A_1170 = arith.addf %parallel_loop3A_800, %parallel_loop3A_1169 : vector<16xf32>
        %parallel_loop3A_1171 = arith.index_cast %parallel_loop3A_795 : i32 to index
        %parallel_loop3A_1172 = arith.constant 960 : index
        %parallel_loop3A_1173 = tpu.vector_load %arg9[%parallel_loop3A_1171, %parallel_loop3A_1172] {strides = array<i32>} : memref<32x1024xf32, #tpu.memory_space<vmem>>, vector<16xf32>,
        tpu.vector_store %arg9[%parallel_loop3A_1171, %parallel_loop3A_1172], %parallel_loop3A_1170 {strides = array<i32>} : memref<32x1024xf32, #tpu.memory_space<vmem>>, vector<16xf32>,
        %parallel_loop3A_1174 = arith.addf %parallel_loop3A_805, %parallel_loop3A_1169 : vector<16xf32>
        %parallel_loop3A_1175 = arith.index_cast %parallel_loop3A_795 : i32 to index
        %parallel_loop3A_1176 = arith.constant 976 : index
        %parallel_loop3A_1177 = tpu.vector_load %arg9[%parallel_loop3A_1175, %parallel_loop3A_1176] {strides = array<i32>} : memref<32x1024xf32, #tpu.memory_space<vmem>>, vector<16xf32>,
        tpu.vector_store %arg9[%parallel_loop3A_1175, %parallel_loop3A_1176], %parallel_loop3A_1174 {strides = array<i32>} : memref<32x1024xf32, #tpu.memory_space<vmem>>, vector<16xf32>,
        %parallel_loop3A_1178 = arith.constant 31 : i32
        %parallel_loop3A_1179 = arith.index_cast %parallel_loop3A_1178 : i32 to index
        %parallel_loop3A_1180 = arith.constant 0 : index
        %parallel_loop3A_1181 = tpu.vector_load %arg7[%parallel_loop3A_1179, %parallel_loop3A_1180] {strides = array<i32>} : memref<32x16xf32, #tpu.memory_space<vmem>>, vector<16xf32>,
        %parallel_loop3A_1182 = arith.addf %parallel_loop3A_800, %parallel_loop3A_1181 : vector<16xf32>
        %parallel_loop3A_1183 = arith.index_cast %parallel_loop3A_795 : i32 to index
        %parallel_loop3A_1184 = arith.constant 992 : index
        %parallel_loop3A_1185 = tpu.vector_load %arg9[%parallel_loop3A_1183, %parallel_loop3A_1184] {strides = array<i32>} : memref<32x1024xf32, #tpu.memory_space<vmem>>, vector<16xf32>,
        tpu.vector_store %arg9[%parallel_loop3A_1183, %parallel_loop3A_1184], %parallel_loop3A_1182 {strides = array<i32>} : memref<32x1024xf32, #tpu.memory_space<vmem>>, vector<16xf32>,
        %parallel_loop3A_1186 = arith.addf %parallel_loop3A_805, %parallel_loop3A_1181 : vector<16xf32>
        %parallel_loop3A_1187 = arith.index_cast %parallel_loop3A_795 : i32 to index
        %parallel_loop3A_1188 = arith.constant 1008 : index
        %parallel_loop3A_1189 = tpu.vector_load %arg9[%parallel_loop3A_1187, %parallel_loop3A_1188] {strides = array<i32>} : memref<32x1024xf32, #tpu.memory_space<vmem>>, vector<16xf32>,
        tpu.vector_store %arg9[%parallel_loop3A_1187, %parallel_loop3A_1188], %parallel_loop3A_1186 {strides = array<i32>} : memref<32x1024xf32, #tpu.memory_space<vmem>>, vector<16xf32>,
      } {sc.loop_unroll_factor = 2 : i64, sc.parallel_access}
      %mul3A_787 = arith.constant 32 : i32
      %mul3A_788 = arith.muli %add3A_431, %mul3A_787 : i32
      %dma_start3A_789 = arith.constant 0 : i32
      %dma_start3A_790 = tpu.memref_slice %arg4[%select_n3A, %mul3A_788, %dma_start3A_789] : memref<4x1024x1024xf32, #tpu.memory_space<hbm>> -> memref<1x32x1024xf32, #tpu.memory_space<hbm>>
      %dma_start3A_791 = tpu.memref_squeeze %dma_start3A_790 : memref<1x32x1024xf32, #tpu.memory_space<hbm>> -> memref<32x1024xf32, #tpu.memory_space<hbm>>
      %dma_start3A_792 = arith.constant 0 : i32
      %dma_start3A_793 = tpu.memref_slice %arg4[%select_n3A, %mul3A_788, %dma_start3A_792] : memref<4x1024x1024xf32, #tpu.memory_space<hbm>> -> memref<1x32x1024xf32, #tpu.memory_space<hbm>>
      %dma_start3A_794 = tpu.memref_squeeze %dma_start3A_793 : memref<1x32x1024xf32, #tpu.memory_space<hbm>> -> memref<32x1024xf32, #tpu.memory_space<hbm>>
      tpu.enqueue_dma source(%arg9 : memref<32x1024xf32, #tpu.memory_space<vmem>>) target(%dma_start3A_794 : memref<32x1024xf32, #tpu.memory_space<hbm>>) target_semaphore(%arg11 : memref<!tpu.dma_semaphore, #tpu.memory_space<semaphore_mem>>)
    }
    %scan3A_38 = arith.constant 2 : i32
    %add3A_39 = arith.constant 4 : i32
    %add3A_40 = arith.addi %select_n3A_32, %add3A_39 : i32
    %sub3A_41 = arith.constant 2 : i32
    %sub3A_42 = arith.subi %add3A_40, %sub3A_41 : i32
    %mul3A_43 = arith.constant 32 : i32
    %mul3A_44 = arith.muli %sub3A_42, %mul3A_43 : i32
    %dma_wait3A = arith.constant 0 : i32
    %dma_wait3A_45 = tpu.memref_slice %arg4[%select_n3A, %mul3A_44, %dma_wait3A] : memref<4x1024x1024xf32, #tpu.memory_space<hbm>> -> memref<1x32x1024xf32, #tpu.memory_space<hbm>>
    %dma_wait3A_46 = tpu.memref_squeeze %dma_wait3A_45 : memref<1x32x1024xf32, #tpu.memory_space<hbm>> -> memref<32x1024xf32, #tpu.memory_space<hbm>>
    %dma_wait3A_47 = arith.constant 0 : i32
    %dma_wait3A_48 = tpu.memref_slice %arg4[%select_n3A, %mul3A_44, %dma_wait3A_47] : memref<4x1024x1024xf32, #tpu.memory_space<hbm>> -> memref<1x32x1024xf32, #tpu.memory_space<hbm>>
    %dma_wait3A_49 = tpu.memref_squeeze %dma_wait3A_48 : memref<1x32x1024xf32, #tpu.memory_space<hbm>> -> memref<32x1024xf32, #tpu.memory_space<hbm>>
    tpu.wait_dma2 semaphore(%arg10 : memref<!tpu.dma_semaphore, #tpu.memory_space<semaphore_mem>>) src(%arg8 : memref<32x1024xf32, #tpu.memory_space<vmem>>) dst(%dma_wait3A_49 : memref<32x1024xf32, #tpu.memory_space<hbm>>)
    %add3A_50 = arith.constant 1 : i32
    %add3A_51 = arith.addi %sub3A_42, %add3A_50 : i32
    %mul3A_52 = arith.constant 32 : i32
    %mul3A_53 = arith.muli %add3A_51, %mul3A_52 : i32
    %dma_wait3A_54 = arith.constant 0 : i32
    %dma_wait3A_55 = tpu.memref_slice %arg4[%select_n3A, %mul3A_53, %dma_wait3A_54] : memref<4x1024x1024xf32, #tpu.memory_space<hbm>> -> memref<1x32x1024xf32, #tpu.memory_space<hbm>>
    %dma_wait3A_56 = tpu.memref_squeeze %dma_wait3A_55 : memref<1x32x1024xf32, #tpu.memory_space<hbm>> -> memref<32x1024xf32, #tpu.memory_space<hbm>>
    %dma_wait3A_57 = arith.constant 0 : i32
    %dma_wait3A_58 = tpu.memref_slice %arg4[%select_n3A, %mul3A_53, %dma_wait3A_57] : memref<4x1024x1024xf32, #tpu.memory_space<hbm>> -> memref<1x32x1024xf32, #tpu.memory_space<hbm>>
    %dma_wait3A_59 = tpu.memref_squeeze %dma_wait3A_58 : memref<1x32x1024xf32, #tpu.memory_space<hbm>> -> memref<32x1024xf32, #tpu.memory_space<hbm>>
    tpu.wait_dma2 semaphore(%arg11 : memref<!tpu.dma_semaphore, #tpu.memory_space<semaphore_mem>>) src(%arg9 : memref<32x1024xf32, #tpu.memory_space<vmem>>) dst(%dma_wait3A_59 : memref<32x1024xf32, #tpu.memory_space<hbm>>)
    return
  }
}

module attributes {stable_mosaic.version = 14 : i64} {
  func.func @_tc_kernel(%arg0: i32, %arg1: memref<1x1x63xf32, #tpu.memory_space<vmem>>, %arg2: memref<1x1x63xf32, #tpu.memory_space<vmem>>, %arg3: memref<1x1024x1024xf32, #tpu.memory_space<vmem>>) attributes {dimension_semantics = [#tpu.dimension_semantics<arbitrary>], iteration_bounds = array<i64: 12>, scalar_prefetch = 0 : i64, scratch_operands = 0 : i64, tpu.core_type = #tpu.core_type<tc>, window_params = [{transform_indices = @transform_0, window_bounds = array<i64: 1, 1, 63>}, {transform_indices = @transform_1, window_bounds = array<i64: 1, 1, 63>}, {transform_indices = @transform_2, window_bounds = array<i64: 1, 1024, 1024>}]} {
    %get3A = arith.constant 0 : index
    %get3A_0 = arith.constant 0 : index
    %get3A_1 = arith.constant 0 : index
    %get3A_2 = vector.load %arg1[%get3A, %get3A_0, %get3A_1] : memref<1x1x63xf32, #tpu.memory_space<vmem>>, vector<1x1x63xf32>
    %get3A_3 = vector.shape_cast %get3A_2 : vector<1x1x63xf32> to vector<63xf32>
    %get3A_4 = arith.constant 0 : index
    %get3A_5 = arith.constant 0 : index
    %get3A_6 = arith.constant 0 : index
    %get3A_7 = vector.load %arg2[%get3A_4, %get3A_5, %get3A_6] : memref<1x1x63xf32, #tpu.memory_space<vmem>>, vector<1x1x63xf32>
    %get3A_8 = vector.shape_cast %get3A_7 : vector<1x1x63xf32> to vector<63xf32>
    %iota3A = tpu.iota {dimensions = array<i32: 0>} : vector<32x32x63xi32>
    %iota3A_9 = tpu.iota {dimensions = array<i32: 1>} : vector<32x32x63xi32>
    %iota3A_10 = tpu.iota {dimensions = array<i32: 2>} : vector<32x32x63xi32>
    %sub3A = arith.subi %iota3A, %iota3A_9 : vector<32x32x63xi32>
    %add3A = arith.constant 31 : i32
    %add3A_11 = vector.broadcast %add3A : i32 to vector<32x32x63xi32>
    %add3A_12 = arith.addi %sub3A, %add3A_11 : vector<32x32x63xi32>
    %eq3A = arith.cmpi eq, %add3A_12, %iota3A_10 : vector<32x32x63xi32>
    %convert_element_type3A = arith.extui %eq3A : vector<32x32x63xi1> to vector<32x32x63xi32>
    %convert_element_type3A_13 = arith.sitofp %convert_element_type3A : vector<32x32x63xi32> to vector<32x32x63xf32>
    %broadcast_in_dim3A = vector.shape_cast %get3A_3 : vector<63xf32> to vector<1x1x63xf32>
    %mul3A = vector.broadcast %broadcast_in_dim3A : vector<1x1x63xf32> to vector<32x32x63xf32>
    %mul3A_14 = arith.mulf %convert_element_type3A_13, %mul3A : vector<32x32x63xf32>
    %reduce_sum3A = arith.constant dense<0.000000e+00> : vector<32x32xf32>
    %reduce_sum3A_15 = vector.multi_reduction <add>, %mul3A_14, %reduce_sum3A [2] : vector<32x32x63xf32> to vector<32x32xf32>
    %broadcast_in_dim3A_16 = vector.shape_cast %get3A_8 : vector<63xf32> to vector<1x1x63xf32>
    %mul3A_17 = vector.broadcast %broadcast_in_dim3A_16 : vector<1x1x63xf32> to vector<32x32x63xf32>
    %mul3A_18 = arith.mulf %convert_element_type3A_13, %mul3A_17 : vector<32x32x63xf32>
    %reduce_sum3A_19 = arith.constant dense<0.000000e+00> : vector<32x32xf32>
    %reduce_sum3A_20 = vector.multi_reduction <add>, %mul3A_18, %reduce_sum3A_19 [2] : vector<32x32x63xf32> to vector<32x32xf32>
    %iota3A_21 = tpu.iota {dimensions = array<i32: 0>} : vector<1024x32xi32>
    %iota3A_22 = tpu.iota {dimensions = array<i32: 1>} : vector<1024x32xi32>
    %jit3A = arith.constant 32 : i32
    %div3A = vector.broadcast %jit3A : i32 to vector<1024x32xi32>
    %div3A_23 = arith.divsi %iota3A_21, %div3A : vector<1024x32xi32>
    %sign3A = arith.constant 0 : i32
    %sign3A_24 = vector.broadcast %sign3A : i32 to vector<1024x32xi32>
    %sign3A_25 = arith.cmpi sgt, %iota3A_21, %sign3A_24 : vector<1024x32xi32>
    %sign3A_26 = arith.extui %sign3A_25 : vector<1024x32xi1> to vector<1024x32xi32>
    %sign3A_27 = arith.constant 0 : i32
    %sign3A_28 = vector.broadcast %sign3A_27 : i32 to vector<1024x32xi32>
    %sign3A_29 = arith.cmpi slt, %iota3A_21, %sign3A_28 : vector<1024x32xi32>
    %sign3A_30 = arith.extui %sign3A_29 : vector<1024x32xi1> to vector<1024x32xi32>
    %sign3A_31 = arith.subi %sign3A_26, %sign3A_30 : vector<1024x32xi32>
    %sign3A_32 = arith.constant 0 : i32
    %sign3A_33 = arith.cmpi sgt, %jit3A, %sign3A_32 : i32
    %sign3A_34 = arith.extui %sign3A_33 : i1 to i32
    %sign3A_35 = arith.constant 0 : i32
    %sign3A_36 = arith.cmpi slt, %jit3A, %sign3A_35 : i32
    %sign3A_37 = arith.extui %sign3A_36 : i1 to i32
    %sign3A_38 = arith.subi %sign3A_34, %sign3A_37 : i32
    %ne3A = vector.broadcast %sign3A_38 : i32 to vector<1024x32xi32>
    %ne3A_39 = arith.cmpi ne, %sign3A_31, %ne3A : vector<1024x32xi32>
    %rem3A = vector.broadcast %jit3A : i32 to vector<1024x32xi32>
    %rem3A_40 = arith.remsi %iota3A_21, %rem3A : vector<1024x32xi32>
    %ne3A_41 = arith.constant 0 : i32
    %ne3A_42 = vector.broadcast %ne3A_41 : i32 to vector<1024x32xi32>
    %ne3A_43 = arith.cmpi ne, %rem3A_40, %ne3A_42 : vector<1024x32xi32>
    %and3A = arith.andi %ne3A_39, %ne3A_43 : vector<1024x32xi1>
    %sub3A_44 = arith.constant 1 : i32
    %sub3A_45 = vector.broadcast %sub3A_44 : i32 to vector<1024x32xi32>
    %sub3A_46 = arith.subi %div3A_23, %sub3A_45 : vector<1024x32xi32>
    %select_n3A = arith.select %and3A, %sub3A_46, %div3A_23 : vector<1024x32xi1>, vector<1024x32xi32>
    %eq3A_47 = arith.cmpi eq, %select_n3A, %iota3A_22 : vector<1024x32xi32>
    %convert_element_type3A_48 = arith.extui %eq3A_47 : vector<1024x32xi1> to vector<1024x32xi32>
    %convert_element_type3A_49 = arith.sitofp %convert_element_type3A_48 : vector<1024x32xi32> to vector<1024x32xf32>
    %jit3A_50 = arith.constant 32 : i32
    %eq3A_51 = arith.constant 0 : i32
    %eq3A_52 = arith.cmpi eq, %jit3A_50, %eq3A_51 : i32
    %jit3A_53 = arith.constant 1 : i32
    %select_n3A_54 = arith.select %eq3A_52, %jit3A_53, %jit3A_50 : i32
    %rem3A_55 = vector.broadcast %select_n3A_54 : i32 to vector<1024x32xi32>
    %rem3A_56 = arith.remsi %iota3A_21, %rem3A_55 : vector<1024x32xi32>
    %ne3A_57 = arith.constant 0 : i32
    %ne3A_58 = vector.broadcast %ne3A_57 : i32 to vector<1024x32xi32>
    %ne3A_59 = arith.cmpi ne, %rem3A_56, %ne3A_58 : vector<1024x32xi32>
    %lt3A = arith.constant 0 : i32
    %lt3A_60 = vector.broadcast %lt3A : i32 to vector<1024x32xi32>
    %lt3A_61 = arith.cmpi slt, %rem3A_56, %lt3A_60 : vector<1024x32xi32>
    %lt3A_62 = arith.constant 0 : i32
    %lt3A_63 = arith.cmpi slt, %select_n3A_54, %lt3A_62 : i32
    %ne3A_64 = vector.broadcast %lt3A_63 : i1 to vector<1024x32xi1>
    %ne3A_65 = vector.broadcast %ne3A_64 : vector<1024x32xi1> to vector<1024x32xi1>
    %ne3A_66 = arith.xori %lt3A_61, %ne3A_65 : vector<1024x32xi1>
    %and3A_67 = arith.andi %ne3A_66, %ne3A_59 : vector<1024x32xi1>
    %add3A_68 = vector.broadcast %select_n3A_54 : i32 to vector<1024x32xi32>
    %add3A_69 = arith.addi %rem3A_56, %add3A_68 : vector<1024x32xi32>
    %select_n3A_70 = arith.select %and3A_67, %add3A_69, %rem3A_56 : vector<1024x32xi1>, vector<1024x32xi32>
    %eq3A_71 = arith.cmpi eq, %select_n3A_70, %iota3A_22 : vector<1024x32xi32>
    %convert_element_type3A_72 = arith.extui %eq3A_71 : vector<1024x32xi1> to vector<1024x32xi32>
    %convert_element_type3A_73 = arith.sitofp %convert_element_type3A_72 : vector<1024x32xi32> to vector<1024x32xf32>
    %iota3A_74 = tpu.iota {dimensions = array<i32: 0>} : vector<32x1024xi32>
    %iota3A_75 = tpu.iota {dimensions = array<i32: 1>} : vector<32x1024xi32>
    %jit3A_76 = arith.constant 32 : i32
    %div3A_77 = vector.broadcast %jit3A_76 : i32 to vector<32x1024xi32>
    %div3A_78 = arith.divsi %iota3A_75, %div3A_77 : vector<32x1024xi32>
    %sign3A_79 = arith.constant 0 : i32
    %sign3A_80 = vector.broadcast %sign3A_79 : i32 to vector<32x1024xi32>
    %sign3A_81 = arith.cmpi sgt, %iota3A_75, %sign3A_80 : vector<32x1024xi32>
    %sign3A_82 = arith.extui %sign3A_81 : vector<32x1024xi1> to vector<32x1024xi32>
    %sign3A_83 = arith.constant 0 : i32
    %sign3A_84 = vector.broadcast %sign3A_83 : i32 to vector<32x1024xi32>
    %sign3A_85 = arith.cmpi slt, %iota3A_75, %sign3A_84 : vector<32x1024xi32>
    %sign3A_86 = arith.extui %sign3A_85 : vector<32x1024xi1> to vector<32x1024xi32>
    %sign3A_87 = arith.subi %sign3A_82, %sign3A_86 : vector<32x1024xi32>
    %sign3A_88 = arith.constant 0 : i32
    %sign3A_89 = arith.cmpi sgt, %jit3A_76, %sign3A_88 : i32
    %sign3A_90 = arith.extui %sign3A_89 : i1 to i32
    %sign3A_91 = arith.constant 0 : i32
    %sign3A_92 = arith.cmpi slt, %jit3A_76, %sign3A_91 : i32
    %sign3A_93 = arith.extui %sign3A_92 : i1 to i32
    %sign3A_94 = arith.subi %sign3A_90, %sign3A_93 : i32
    %ne3A_95 = vector.broadcast %sign3A_94 : i32 to vector<32x1024xi32>
    %ne3A_96 = arith.cmpi ne, %sign3A_87, %ne3A_95 : vector<32x1024xi32>
    %rem3A_97 = vector.broadcast %jit3A_76 : i32 to vector<32x1024xi32>
    %rem3A_98 = arith.remsi %iota3A_75, %rem3A_97 : vector<32x1024xi32>
    %ne3A_99 = arith.constant 0 : i32
    %ne3A_100 = vector.broadcast %ne3A_99 : i32 to vector<32x1024xi32>
    %ne3A_101 = arith.cmpi ne, %rem3A_98, %ne3A_100 : vector<32x1024xi32>
    %and3A_102 = arith.andi %ne3A_96, %ne3A_101 : vector<32x1024xi1>
    %sub3A_103 = arith.constant 1 : i32
    %sub3A_104 = vector.broadcast %sub3A_103 : i32 to vector<32x1024xi32>
    %sub3A_105 = arith.subi %div3A_78, %sub3A_104 : vector<32x1024xi32>
    %select_n3A_106 = arith.select %and3A_102, %sub3A_105, %div3A_78 : vector<32x1024xi1>, vector<32x1024xi32>
    %eq3A_107 = arith.cmpi eq, %select_n3A_106, %iota3A_74 : vector<32x1024xi32>
    %convert_element_type3A_108 = arith.extui %eq3A_107 : vector<32x1024xi1> to vector<32x1024xi32>
    %convert_element_type3A_109 = arith.sitofp %convert_element_type3A_108 : vector<32x1024xi32> to vector<32x1024xf32>
    %jit3A_110 = arith.constant 32 : i32
    %eq3A_111 = arith.constant 0 : i32
    %eq3A_112 = arith.cmpi eq, %jit3A_110, %eq3A_111 : i32
    %jit3A_113 = arith.constant 1 : i32
    %select_n3A_114 = arith.select %eq3A_112, %jit3A_113, %jit3A_110 : i32
    %rem3A_115 = vector.broadcast %select_n3A_114 : i32 to vector<32x1024xi32>
    %rem3A_116 = arith.remsi %iota3A_75, %rem3A_115 : vector<32x1024xi32>
    %ne3A_117 = arith.constant 0 : i32
    %ne3A_118 = vector.broadcast %ne3A_117 : i32 to vector<32x1024xi32>
    %ne3A_119 = arith.cmpi ne, %rem3A_116, %ne3A_118 : vector<32x1024xi32>
    %lt3A_120 = arith.constant 0 : i32
    %lt3A_121 = vector.broadcast %lt3A_120 : i32 to vector<32x1024xi32>
    %lt3A_122 = arith.cmpi slt, %rem3A_116, %lt3A_121 : vector<32x1024xi32>
    %lt3A_123 = arith.constant 0 : i32
    %lt3A_124 = arith.cmpi slt, %select_n3A_114, %lt3A_123 : i32
    %ne3A_125 = vector.broadcast %lt3A_124 : i1 to vector<32x1024xi1>
    %ne3A_126 = vector.broadcast %ne3A_125 : vector<32x1024xi1> to vector<32x1024xi1>
    %ne3A_127 = arith.xori %lt3A_122, %ne3A_126 : vector<32x1024xi1>
    %and3A_128 = arith.andi %ne3A_127, %ne3A_119 : vector<32x1024xi1>
    %add3A_129 = vector.broadcast %select_n3A_114 : i32 to vector<32x1024xi32>
    %add3A_130 = arith.addi %rem3A_116, %add3A_129 : vector<32x1024xi32>
    %select_n3A_131 = arith.select %and3A_128, %add3A_130, %rem3A_116 : vector<32x1024xi1>, vector<32x1024xi32>
    %eq3A_132 = arith.cmpi eq, %select_n3A_131, %iota3A_74 : vector<32x1024xi32>
    %convert_element_type3A_133 = arith.extui %eq3A_132 : vector<32x1024xi1> to vector<32x1024xi32>
    %convert_element_type3A_134 = arith.sitofp %convert_element_type3A_133 : vector<32x1024xi32> to vector<32x1024xf32>
    %dot_general3A = arith.constant dense<0.000000e+00> : vector<1024x32xf32>
    %dot_general3A_135 = tpu.matmul %convert_element_type3A_49, %reduce_sum3A_15, %dot_general3A {dimension_numbers = #tpu.dot_dimension_numbers<[1], [0], [0], [1], [0, 0, 1, 1], [], []>, transpose_lhs_hint = false} : vector<1024x32xf32>, vector<32x32xf32>, vector<1024x32xf32> -> vector<1024x32xf32>
    %dot_general3A_136 = arith.constant dense<0.000000e+00> : vector<1024x32xf32>
    %dot_general3A_137 = tpu.matmul %convert_element_type3A_73, %reduce_sum3A_20, %dot_general3A_136 {dimension_numbers = #tpu.dot_dimension_numbers<[1], [0], [0], [1], [0, 0, 1, 1], [], []>, transpose_lhs_hint = false} : vector<1024x32xf32>, vector<32x32xf32>, vector<1024x32xf32> -> vector<1024x32xf32>
    %dot_general3A_138 = arith.constant dense<0.000000e+00> : vector<1024x1024xf32>
    %dot_general3A_139 = tpu.matmul %dot_general3A_135, %convert_element_type3A_109, %dot_general3A_138 {dimension_numbers = #tpu.dot_dimension_numbers<[1], [0], [0], [1], [0, 0, 1, 1], [], []>, transpose_lhs_hint = false} : vector<1024x32xf32>, vector<32x1024xf32>, vector<1024x1024xf32> -> vector<1024x1024xf32>
    %dot_general3A_140 = arith.constant dense<0.000000e+00> : vector<1024x1024xf32>
    %dot_general3A_141 = tpu.matmul %dot_general3A_137, %convert_element_type3A_134, %dot_general3A_140 {dimension_numbers = #tpu.dot_dimension_numbers<[1], [0], [0], [1], [0, 0, 1, 1], [], []>, transpose_lhs_hint = false} : vector<1024x32xf32>, vector<32x1024xf32>, vector<1024x1024xf32> -> vector<1024x1024xf32>
    %add3A_142 = arith.addf %dot_general3A_139, %dot_general3A_141 : vector<1024x1024xf32>
    %swap3A = arith.constant 0 : index
    %swap3A_143 = arith.constant 0 : index
    %swap3A_144 = arith.constant 0 : index
    %swap3A_145 = vector.load %arg3[%swap3A, %swap3A_143, %swap3A_144] : memref<1x1024x1024xf32, #tpu.memory_space<vmem>>, vector<1x1024x1024xf32>
    %swap3A_146 = vector.shape_cast %swap3A_145 : vector<1x1024x1024xf32> to vector<1024x1024xf32>
    %swap3A_147 = vector.shape_cast %add3A_142 : vector<1024x1024xf32> to vector<1x1024x1024xf32>
    tpu.vector_store %arg3[%swap3A, %swap3A_143, %swap3A_144], %swap3A_147 {strides = array<i32>} : memref<1x1024x1024xf32, #tpu.memory_space<vmem>>, vector<1x1024x1024xf32>,
    return
  }
  func.func @transform_0(%arg0: i32) -> (i32, i32, i32) {
    %c0_i32 = arith.constant 0 : i32
    %c0_i32_0 = arith.constant 0 : i32
    %c0_i32_1 = arith.constant 0 : i32
    return %arg0, %c0_i32, %c0_i32_0 : i32, i32, i32
  }
  func.func @transform_1(%arg0: i32) -> (i32, i32, i32) {
    %c0_i32 = arith.constant 0 : i32
    %c0_i32_0 = arith.constant 0 : i32
    %c0_i32_1 = arith.constant 0 : i32
    return %arg0, %c0_i32, %c0_i32_0 : i32, i32, i32
  }
  func.func @transform_2(%arg0: i32) -> (i32, i32, i32) {
    %c0_i32 = arith.constant 0 : i32
    %c0_i32_0 = arith.constant 0 : i32
    %c0_i32_1 = arith.constant 0 : i32
    return %arg0, %c0_i32, %c0_i32_0 : i32, i32, i32
  }
}

</mosaic_0001>

<sc_bundles>
// kernel: kernel.4.cloned.1.call-start
scs
__scs_entry_jumppad:
0x0: {  	(pc) =	sbr.rel $0x88, $3  }
0x1: {  	(tag) =	ssettag $0x0;
	lr =	simm.s32 $0x1  }
0x2: {  	[smem:$0x3F9F] =	sst lr;
	_ =	strace $0xD0000000  }
0x3: {  	_ = 	snop  }
0x4: {  	_ = 	snop  }
0x5: {  	_ = 	snop  }
0x6: {  	_ = 	snop  }
0x7: {  	_ = 	snop  }
__scs_overlays_trampoline_lowered:
0x8: {  	[smem:$0x3FAE] =	sst s0  }
0x9: {  	[smem:$0x3FAF] =	sst s1  }
0xa: {  	[smem:$0x3FB0] =	sst s2  }
0xb: {  	[smem:$0x3FB1] =	sst s3  }
0xc: {  	[smem:$0x3FB2] =	sst s4  }
0xd: {  	[smem:$0x3FB3] =	sst s5  }
0xe: {  	[smem:$0x3FB4] =	sst s6  }
0xf: {  	[smem:$0x3FB5] =	sst s7  }
0x10: {  	[smem:$0x3FB6] =	sst s8  }
0x11: {  	[smem:$0x3FB7] =	sst s9;
	s0 =	simm.s32 @!p0 $0x0  }
0x12: {  	s1 =	sld [smem:$0x3F9D];
	s0 =	simm.s32 @p0 $0x1  }
0x13: {  	[smem:$0x3FB8] =	sst s0;
	s0 =	simm.s32 @!p1 $0x0  }
0x14: {  	s2 =	sld [smem:$0x3F9C];
	s0 =	simm.s32 @p1 $0x1  }
0x15: {  	[smem:$0x3FB9] =	sst s0;
	s0 =	simm.s32 @!p2 $0x0  }
0x16: {  	s3 =	sld [smem:$0x3FDB];
	s0 =	simm.s32 @p2 $0x1  }
0x17: {  	s4 =	simm.s32 $0x1BF5;
	[smem:$0x3FBB] =	sst s0  }
0x18: {  	s0 =	sld [smem:$0x3F9E];
	_ =	swait.ge [sflag:s4], $0x0  }
0x19: {  	s7 =	sld [smem:$0x3F9F]  }
0x1a: {  	s8 =	sadd.s32 $0xFFFFE003, lr  }
0x1b: {  	s9 =	sadd.s32 $0xFFFFFEF7, lr;
	s5 =	simm.s32 $0xFFFFFFFF;
	p2 =	slt.u32 s8, $0xFFFFF086  }
0x1c: {  	p1 =	slt.u32 s9, $0xF7A;
	s5 =	simm.s32 @!p2 $0x0  }
0x1d: {  	s5 =	simm.s32 @p1 $0x1;
	p0 =	seq.s32 s7, s2  }
0x1e: {  	s7 =	smul.u32 @!p0 $0xF7A, s2;
	p2 =	seq.s32 @!p0 s5, $0x0  }
0x1f: {  	s9 =	smul.u32 $0xF7A, s1;
	s8 =	simm.s32 @!p0 $0x1BF5;
	p2 =	por !p2, p0  }
0x20: {  	[sflag:s8] =	ssyncset.s32 @!p0 $0xFFFFF086;
	s6 =	sadd.s32 @!p0 s3, s7;
	s7 =	simm.s32 @!p0 $0x108  }
0x21: {  	s3 =	sadd.s32 s3, s9;
	s6 =	sadd.s32 @!p0 $0x88, s6;
	s7 =	simm.s32 @p2 $0x1082  }
0x22: {  	[simem:s7], [sflag:s8] =	dma.local @!p0 [hbm:s6], $0xF7A  }
0x23: {  	s9 =	sor.u32 $0xD0000000, s2;
	s6 =	simm.s32 $0x108;
	_ =	swait.ge @!p0 [sflag:s8], $0x0  }
0x24: {  	s3 =	sadd.s32 $0x88, s3;
	s6 =	simm.s32 @!p1 $0x1082;
	[sflag:s4] =	ssyncset.s32 $0xFFFFF086  }
0x25: {  	[simem:s6], [sflag:s4] =	dma.local [hbm:s3], $0xF7A  }
0x26: {  	[smem:$0x3F9F] =	sst s1;
	(tag) =	ssettag s2;
	_ =	strace s9  }
0x27: {  	s1 =	sld [smem:$0x3FAF]  }
0x28: {  	s2 =	sld [smem:$0x3FB0]  }
0x29: {  	s4 =	sld [smem:$0x3FB2]  }
0x2a: {  	p0 =	seq.s32 s5, $0x0;
	s5 =	sld [smem:$0x3FB3]  }
0x2b: {  	s6 =	sld [smem:$0x3FB4]  }
0x2c: {  	s7 =	sld [smem:$0x3FB5]  }
0x2d: {  	s3 =	simm.s32 $0x108;
	s8 =	sld [smem:$0x3FB6]  }
0x2e: {  	s3 =	simm.s32 @!p0 $0x1082;
	s9 =	sld [smem:$0x3FB7]  }
0x2f: {  	lr =	sadd.s32 s0, s3;
	s0 =	sld [smem:$0x3FAE]  }
0x30: {  	s3 =	sld [smem:$0x3FB1]  }
0x31: {  	[smem:$0x3FBA] =	sst s10  }
0x32: {  	s10 =	sld [smem:$0x3FB8];
	_ =	sdelay $0x3  }
0x33: {  	p0 =	seq.s32 s10, $0x1;
	s10 =	sld [smem:$0x3FBA];
	_ =	sdelay $0x3  }
0x34: {  	[smem:$0x3FBA] =	sst s10  }
0x35: {  	s10 =	sld [smem:$0x3FB9];
	_ =	sdelay $0x3  }
0x36: {  	p1 =	seq.s32 s10, $0x1;
	s10 =	sld [smem:$0x3FBA];
	_ =	sdelay $0x3  }
0x37: {  	[smem:$0x3FBA] =	sst s10  }
0x38: {  	s10 =	sld [smem:$0x3FBB]  }
0x39: {  	_ = 	snop;
	(pc) =	sbr.ind lr, $3  }
0x3a: {  	_ = 	snop  }
0x3b: {  	_ = 	snop  }
0x3c: {  	p2 =	seq.s32 s10, $0x1;
	s10 =	sld [smem:$0x3FBA]  }
0x3d: {  	_ =	shalt  }
0x3e: {  	_ =	shalt  }
0x3f: {  	_ =	shalt  }
0x40: {  	_ =	shalt  }
0x41: {  	_ =	shalt  }
0x42: {  	_ =	shalt  }
0x43: {  	_ =	shalt  }
0x44: {  	_ =	shalt  }
0x45: {  	_ =	shalt  }
0x46: {  	_ =	shalt  }
0x47: {  	_ =	shalt  }
0x48: {  	_ =	shalt  }
0x49: {  	_ =	shalt  }
0x4a: {  	_ =	shalt  }
0x4b: {  	_ =	shalt  }
0x4c: {  	_ =	shalt  }
0x4d: {  	_ =	shalt  }
0x4e: {  	_ =	shalt  }
0x4f: {  	_ =	shalt  }
0x50: {  	_ =	shalt  }
0x51: {  	_ =	shalt  }
0x52: {  	_ =	shalt  }
0x53: {  	_ =	shalt  }
0x54: {  	_ =	shalt  }
0x55: {  	_ =	shalt  }
0x56: {  	_ =	shalt  }
0x57: {  	_ =	shalt  }
0x58: {  	_ =	shalt  }
0x59: {  	_ =	shalt  }
0x5a: {  	_ =	shalt  }
0x5b: {  	_ =	shalt  }
0x5c: {  	_ =	shalt  }
0x5d: {  	_ =	shalt  }
0x5e: {  	_ =	shalt  }
0x5f: {  	_ =	shalt  }
0x60: {  	_ =	shalt  }
0x61: {  	_ =	shalt  }
0x62: {  	_ =	shalt  }
0x63: {  	_ =	shalt  }
0x64: {  	_ =	shalt  }
0x65: {  	_ =	shalt  }
0x66: {  	_ =	shalt  }
0x67: {  	_ =	shalt  }
0x68: {  	_ =	shalt  }
0x69: {  	_ =	shalt  }
0x6a: {  	_ =	shalt  }
0x6b: {  	_ =	shalt  }
0x6c: {  	_ =	shalt  }
0x6d: {  	_ =	shalt  }
0x6e: {  	_ =	shalt  }
0x6f: {  	_ =	shalt  }
0x70: {  	_ =	shalt  }
0x71: {  	_ =	shalt  }
0x72: {  	_ =	shalt  }
0x73: {  	_ =	shalt  }
0x74: {  	_ =	shalt  }
0x75: {  	_ =	shalt  }
0x76: {  	_ =	shalt  }
0x77: {  	_ =	shalt  }
0x78: {  	_ =	shalt  }
0x79: {  	_ =	shalt  }
0x7a: {  	_ =	shalt  }
0x7b: {  	_ =	shalt  }
0x7c: {  	_ =	shalt  }
0x7d: {  	_ =	shalt  }
0x7e: {  	_ =	shalt  }
0x7f: {  	_ =	shalt  }
0x80: {  	_ =	shalt  }
0x81: {  	_ =	shalt  }
0x82: {  	_ =	shalt  }
0x83: {  	_ =	shalt  }
0x84: {  	_ =	shalt  }
0x85: {  	_ =	shalt  }
0x86: {  	_ =	shalt  }
0x87: {  	_ =	shalt  }
.Lfunc_end0:
.L_simem_size_0:
called_computation_lowered:
.L_overlay_start_0:
0x88: {  	s2 =	sld [smem:$0x3FD9]  }
0x89: {  	s3 =	sld [smem:$0x3FFE];
	_ =	sdelay $0x1  }
0x8a: {  	s1 =	srdreg.scid  }
0x8b: {  	s0 =	sand.u32 $0x1, s1  }
0x8c: {  	s17 =	sshll.u32 s0, $0xA;
	s2 =	sadd.s32 s3, s2  }
0x8d: {  	s2 =	sadd.s32 s2, s17  }
0x8e: {  	[smem:$0x3FC6] =	sst s2  }
0x8f: {  	_ = 	snop  }
0x90: {  	s2 =	sld [smem:$0x3FD0];
	(tm) =	ssettm $0x1  }
0x91: {  	s18 =	sld [smem:$0x3FFB];
	_ =	sdelay $0x3  }
0x92: {  	_ =	strace s18  }
0x93: {  	s3 =	sld [smem:$0x3FFC];
	_ =	sdelay $0x3  }
0x94: {  	_ =	strace s3  }
0x95: {  	s3 =	sld [smem:$0x3FFD];
	_ =	sdelay $0x3  }
0x96: {  	_ =	strace s3  }
0x97: {  	_ =	strace $0x8FFFFFFF  }
0x98: {  	s19 =	sld [smem:$0x3FDB];
	_ =	sdelay $0x1  }
0x99: {  	s4 =	simm.s32 $_scs_section_size  }
0x9a: {  	s5 =	simm.s32 $_size__tile_overlayer_lowered;
	s6 =	simm.s32 $_tile_overlayer_lowered  }
0x9b: {  	s22 =	simm.s32 $0x1BFF;
	s21 =	sshll.u32 s6, $0x1;
	s3 =	sadd.s32 s4, s19  }
0x9c: {  	s7 =	simm.s32 $0x0;
	s20 =	sshll.u32 s5, $0x1;
	s5 =	sadd.s32 s21, s3  }
0x9d: {  	[timem:s7], [sflag:s22] =	dma.local [hbm:s5], s20  }
0x9e: {  	_ =	swait.ge [sflag:s22], s20  }
0x9f: {  	s4 =	ssub.s32 $0x0, s20;
	[sflag:s22] =	ssyncset.done $0x0  }
0xa0: {  	[sflag:s22] =	ssyncadd.s32 s4;
	_ =	sdelay $0x1  }
0xa1: {  	s23 =	simm.s32 $0x1B8B  }
0xa2: {  	_ =	swait.ge [sflag:s23], $0x1  }
0xa3: {  	[sflag:s23] =	ssyncset.done $0x0  }
0xa4: {  	s25 =	simm.s32 $0x1B8E;
	s24 =	sld [smem:$0x3FFE];
	[sflag:s23] =	ssyncadd.s32 $0xFFFFFFFF  }
0xa5: {  	s26 =	simm.s32 $execute0_lowered;
	[smem:$0x3FD2] =	sst s25  }
0xa6: {  	s5 =	sshll.u32 s26, $0x1;
	_ =	strace $0x80000046;
	[dreg:$0x1] =	wrdreg $0xFFFFFFFF  }
0xa7: {  	s28 =	simm.s32 $_size_execute0_lowered;
	s3 =	sadd.s32 s3, s5;
	[dreg:$0x0] =	wrdreg $0x0  }
0xa8: {  	s5 =	sshll.u32 s28, $0x1;
	[dreg:$0x2] =	wrdreg s3  }
0xa9: {  	[dreg:$0x3] =	wrdreg s5  }
0xaa: {  	[dreg:$0x4] =	wrdreg $0xC0  }
0xab: {  	_ =	task [dreg:s7], $0x5FFFF  }
0xac: {  	[dreg:$0x1] =	wrdreg $0xFFFFFFFF  }
0xad: {  	[dreg:$0x0] =	wrdreg $0x60  }
0xae: {  	[dreg:$0x2] =	wrdreg s2  }
0xaf: {  	[dreg:$0x3] =	wrdreg s24  }
0xb0: {  	[dreg:$0x4] =	wrdreg $0x9  }
0xb1: {  	_ =	task.clear_ibuf [dreg:s7], $0x5FFFF;
	_ =	strace $0x90000046  }
0xb2: {  	s29 =	simm.s32 $0x9;
	_ =	strace $0x80000048  }
0xb3: {  	_ =	swait.ge [sflag:s29], $0x1  }
0xb4: {  	[sflag:s29] =	ssyncadd.s32 $0xFFFFFFFF  }
0xb5: {  	_ =	strace $0x90000048  }
0xb6: {  	_ =	sfence  }
0xb7: {  	s30 =	sld [smem:$0x0];
	_ =	sdelay $0x2  }
0xb8: {  	s31 =	sshll.u32 s1, $0xD;
	s1 =	sshrl.u32 s1, $0x2  }
0xb9: {  	s3 =	sand.u32 $0x4000, s31;
	s1 =	sadd.s32 s1, s30  }
0xba: {  	s0 =	sor.u32 s3, s0;
	s1 =	sshll.u32 s1, $0x11  }
0xbb: {  	s0 =	sor.u32 s1, s0  }
0xbc: {  	s0 =	sadd.s32 $0x8F2B, s0  }
0xbd: {  	[sflag:s0] =	ssyncadd.remote.s32 $0x1  }
0xbe: {  	_ =	sfence.sel $0xFFFF  }
0xbf: {  	[dreg:$0x0] =	wrdreg $0xFFFFFFFF;
	(pc) =	sbr.abs _section_cstart, $3  }
0xc0: {  	[dreg:$0x1] =	wrdreg $0xFFFFFFFF  }
0xc1: {  	_ =	task.clear_ibuf [dreg:s7], $0x2FFFF;
	_ =	strace $0x9FFFFFFF  }
0xc2: {  	(tm) =	ssettm $0x7FFFFFFF  }
0xc3: {  	_ =	shalt  }
tec
execute0_lowered:
.L_overlay_start_1:
0x0: {  	(tag) =	ssettag $0x1  }
0x1: {  	s0 =	rddreg [dreg:$0x0]  }
0x2: {  	s1 =	rddreg [dreg:$0x1];
	s8 =	stileid.u32  }
0x3: {  	s16 =	simm.s32 $0x0;
	s3 =	srdreg.scid;
	s2 =	sshrl.u32 s8, $0x2  }
0x4: {  	[smem:$0x7FF] =	sst s16;
	s5 =	sand.u32 $0x1, s3;
	s8 =	sshll.u32 s8, $0x3  }
0x5: {  	s4 =	sshll.u32 s2, $0x4;
	_ =	strace $0x80000047;
	s7 =	ssub.s32 $0x2, s5  }
0x6: {  	s5 =	sshll.u32 s5, $0x2;
	s26 =	sand.u32 $0x18, s8;
	s30 =	sshll.u32 s2, $0x14  }
0x7: {  	s6 =	sadd.s32 s4, s1;
	s1 =	sadd.s32 $0xA00, s1;
	[dreg:$0x7] =	wrdreg s30  }
0x8: {  	s28 =	sor.u32 s5, s26;
	[dreg:$0x3] =	wrdreg s1  }
0x9: {  	s25 =	sshrl.u32 s7, $0x1;
	s0 =	sadd.s32 s0, s4;
	[dreg:$0x4] =	wrdreg s28  }
0xa: {  	s1 =	ssub.s32 s7, s25;
	[dreg:$0x5] =	wrdreg s0;
	s29 =	sadd.s32 $0x800, s6  }
0xb: {  	v0 =	vlaneseq.u32;
	[dreg:$0x6] =	wrdreg s29;
	s31 =	smax.u32 s1, $0x1  }
0xc: {  	s10 =	simm.s32 $0x80;
	v0 =	vmul.u32 $0xFFFFFFFF, v0;
	s2 =	simm.s32 $0x0;
	[dreg:$0x8] =	wrdreg s31  }
.LBB2_1:
0xd: {  	[dreg:$0x9] =	wrdreg s2  }
0xe: {  	s0 =	rddreg [dreg:$0x5];
	s1 =	simm.s32 $0x3  }
0xf: {  	[tilespmem:s16], [sflag:$0x3] =	stream.linear.gather [hbm4b:s0+s16], $0x80, $0x38;
	[tilespmem:$0x11100] =	vst v63  }
0x10: {  	_ =	swait.ge [sflag:s1], $0x80  }
0x11: {  	[sflag:s1] =	ssyncset.done $0x0  }
0x12: {  	s31 =	rddreg [dreg:$0x6];
	[sflag:s1] =	ssyncadd.s32 $0xFFFFFF80  }
0x13: {  	[tilespmem:s10], [sflag:$0x3] =	stream.linear.gather [hbm4b:s31+s16], $0x80, $0x38;
	[tilespmem:$0x11100] =	vst v63  }
0x14: {  	_ =	swait.ge [sflag:s1], $0x80  }
0x15: {  	p2 =	por $0x1, $0x1;
	[sflag:s1] =	ssyncset.done $0x0  }
0x16: {  	p1 =	por $0x0, $0x0;
	s0 =	simm.s32 $0x0;
	[sflag:s1] =	ssyncadd.s32 $0xFFFFFF80  }
.LBB2_2:
0x17: {  	s1 =	rddreg [dreg:$0x4]  }
0x18: {  	s17 =	sor.u32 s1, s0  }
0x19: {  	s0 =	sadd.s32 $0x1F, s17  }
0x1a: {  	v1 =	vmov s0  }
0x1b: {  	s0 =	simm.s32 @p1 $0x1  }
0x1c: {  	s1 =	sadd.s32 $0x1E, s17;
	_ =	swait.ge @p1 [sflag:s0], $0x8000  }
0x1d: {  	v2 =	vmov s1;
	[sflag:s0] =	ssyncset.done @p1 $0x0  }
0x1e: {  	s1 =	simm.s32 $0x0;
	v2 =	vand.u32 $0xFFFFFFFE, v2;
	[sflag:s0] =	ssyncadd.s32 @p1 $0xFFFF8000  }
0x1f: {  	v2 =	vbroadcast v2, $0x0;
	v3 =	vld.idx.msk [tilespmem:v1+s1+$0x0], $0xffff;
	_ =	sdelay $0x4  }
0x20: {  	[tilespmem:$0x100] =	vst v3  }
0x21: {  	s23 =	sadd.s32 $0x1D, s17;
	v4 =	vld.idx.msk [tilespmem:v2+s1+$0x0], $0xffff  }
0x22: {  	v3 =	vmov s23;
	_ =	sdelay $0x1  }
0x23: {  	s24 =	sadd.s32 $0x1C, s17  }
0x24: {  	v5 =	vmov s24  }
0x25: {  	[tilespmem:$0x180] =	vst v4;
	v4 =	vand.u32 $0xFFFFFFFE, v5  }
0x26: {  	v5 =	vld.idx.msk [tilespmem:v3+s1+$0x0], $0xffff;
	v4 =	vbroadcast v4, $0x0;
	_ =	sdelay $0x4  }
0x27: {  	[tilespmem:$0x200] =	vst v5  }
0x28: {  	s25 =	sadd.s32 $0x1B, s17;
	v6 =	vld.idx.msk [tilespmem:v4+s1+$0x0], $0xffff  }
0x29: {  	v5 =	vmov s25;
	_ =	sdelay $0x1  }
0x2a: {  	s26 =	sadd.s32 $0x1A, s17  }
0x2b: {  	v7 =	vmov s26  }
0x2c: {  	[tilespmem:$0x280] =	vst v6;
	v6 =	vand.u32 $0xFFFFFFFE, v7  }
0x2d: {  	v7 =	vld.idx.msk [tilespmem:v5+s1+$0x0], $0xffff;
	v6 =	vbroadcast v6, $0x0;
	_ =	sdelay $0x4  }
0x2e: {  	[tilespmem:$0x300] =	vst v7  }
0x2f: {  	s2 =	sadd.s32 $0x19, s17;
	v8 =	vld.idx.msk [tilespmem:v6+s1+$0x0], $0xffff  }
0x30: {  	v7 =	vmov s2;
	_ =	sdelay $0x1  }
0x31: {  	s3 =	sadd.s32 $0x18, s17  }
0x32: {  	v9 =	vmov s3  }
0x33: {  	[tilespmem:$0x380] =	vst v8;
	v8 =	vand.u32 $0xFFFFFFFE, v9  }
0x34: {  	v9 =	vld.idx.msk [tilespmem:v7+s1+$0x0], $0xffff;
	v8 =	vbroadcast v8, $0x0;
	_ =	sdelay $0x4  }
0x35: {  	[tilespmem:$0x400] =	vst v9  }
0x36: {  	s4 =	sadd.s32 $0x17, s17;
	v10 =	vld.idx.msk [tilespmem:v8+s1+$0x0], $0xffff  }
0x37: {  	v9 =	vmov s4;
	_ =	sdelay $0x1  }
0x38: {  	s5 =	sadd.s32 $0x16, s17  }
0x39: {  	v11 =	vmov s5  }
0x3a: {  	[tilespmem:$0x480] =	vst v10;
	v10 =	vand.u32 $0xFFFFFFFE, v11  }
0x3b: {  	v11 =	vld.idx.msk [tilespmem:v9+s1+$0x0], $0xffff;
	v10 =	vbroadcast v10, $0x0;
	_ =	sdelay $0x4  }
0x3c: {  	[tilespmem:$0x500] =	vst v11  }
0x3d: {  	s6 =	sadd.s32 $0x15, s17;
	v12 =	vld.idx.msk [tilespmem:v10+s1+$0x0], $0xffff  }
0x3e: {  	v11 =	vmov s6;
	_ =	sdelay $0x1  }
0x3f: {  	s7 =	sadd.s32 $0x14, s17  }
0x40: {  	v13 =	vmov s7  }
0x41: {  	[tilespmem:$0x580] =	vst v12;
	v12 =	vand.u32 $0xFFFFFFFE, v13  }
0x42: {  	v13 =	vld.idx.msk [tilespmem:v11+s1+$0x0], $0xffff;
	v12 =	vbroadcast v12, $0x0;
	_ =	sdelay $0x4  }
0x43: {  	[tilespmem:$0x600] =	vst v13  }
0x44: {  	s8 =	sadd.s32 $0x13, s17;
	v14 =	vld.idx.msk [tilespmem:v12+s1+$0x0], $0xffff  }
0x45: {  	v13 =	vmov s8;
	_ =	sdelay $0x1  }
0x46: {  	s9 =	sadd.s32 $0x12, s17  }
0x47: {  	v15 =	vmov s9  }
0x48: {  	[tilespmem:$0x680] =	vst v14;
	v14 =	vand.u32 $0xFFFFFFFE, v15  }
0x49: {  	v15 =	vld.idx.msk [tilespmem:v13+s1+$0x0], $0xffff;
	v14 =	vbroadcast v14, $0x0;
	_ =	sdelay $0x4  }
0x4a: {  	[tilespmem:$0x700] =	vst v15  }
0x4b: {  	s11 =	sadd.s32 $0x11, s17;
	v16 =	vld.idx.msk [tilespmem:v14+s1+$0x0], $0xffff  }
0x4c: {  	v15 =	vmov s11;
	_ =	sdelay $0x1  }
0x4d: {  	s12 =	sadd.s32 $0x10, s17  }
0x4e: {  	v17 =	vmov s12  }
0x4f: {  	[tilespmem:$0x780] =	vst v16;
	v16 =	vand.u32 $0xFFFFFFFE, v17  }
0x50: {  	v17 =	vld.idx.msk [tilespmem:v15+s1+$0x0], $0xffff;
	v16 =	vbroadcast v16, $0x0;
	_ =	sdelay $0x4  }
0x51: {  	[tilespmem:$0x800] =	vst v17  }
0x52: {  	s13 =	sadd.s32 $0xF, s17;
	v18 =	vld.idx.msk [tilespmem:v16+s1+$0x0], $0xffff  }
0x53: {  	v17 =	vmov s13;
	_ =	sdelay $0x1  }
0x54: {  	s14 =	sadd.s32 $0xE, s17  }
0x55: {  	v19 =	vmov s14  }
0x56: {  	[tilespmem:$0x880] =	vst v18;
	v18 =	vand.u32 $0xFFFFFFFE, v19  }
0x57: {  	v19 =	vld.idx.msk [tilespmem:v17+s1+$0x0], $0xffff;
	v18 =	vbroadcast v18, $0x0;
	_ =	sdelay $0x4  }
0x58: {  	[tilespmem:$0x900] =	vst v19  }
0x59: {  	s15 =	sadd.s32 $0xD, s17;
	v20 =	vld.idx.msk [tilespmem:v18+s1+$0x0], $0xffff  }
0x5a: {  	v19 =	vmov s15;
	_ =	sdelay $0x1  }
0x5b: {  	s16 =	sadd.s32 $0xC, s17  }
0x5c: {  	v21 =	vmov s16  }
0x5d: {  	[tilespmem:$0x980] =	vst v20;
	v20 =	vand.u32 $0xFFFFFFFE, v21  }
0x5e: {  	v21 =	vld.idx.msk [tilespmem:v19+s1+$0x0], $0xffff;
	v20 =	vbroadcast v20, $0x0;
	_ =	sdelay $0x4  }
0x5f: {  	[tilespmem:$0xA00] =	vst v21  }
0x60: {  	s18 =	sadd.s32 $0xB, s17;
	v22 =	vld.idx.msk [tilespmem:v20+s1+$0x0], $0xffff  }
0x61: {  	v21 =	vmov s18;
	_ =	sdelay $0x1  }
0x62: {  	s19 =	sadd.s32 $0xA, s17  }
0x63: {  	v23 =	vmov s19  }
0x64: {  	[tilespmem:$0xA80] =	vst v22;
	v22 =	vand.u32 $0xFFFFFFFE, v23  }
0x65: {  	v23 =	vld.idx.msk [tilespmem:v21+s1+$0x0], $0xffff;
	v22 =	vbroadcast v22, $0x0;
	_ =	sdelay $0x4  }
0x66: {  	[tilespmem:$0xB00] =	vst v23  }
0x67: {  	s20 =	sadd.s32 $0x9, s17;
	v24 =	vld.idx.msk [tilespmem:v22+s1+$0x0], $0xffff  }
0x68: {  	v23 =	vmov s20;
	_ =	sdelay $0x1  }
0x69: {  	s21 =	sadd.s32 $0x8, s17  }
0x6a: {  	v25 =	vmov s21  }
0x6b: {  	[tilespmem:$0xB80] =	vst v24;
	v24 =	vand.u32 $0xFFFFFFFE, v25  }
0x6c: {  	v25 =	vld.idx.msk [tilespmem:v23+s1+$0x0], $0xffff;
	v24 =	vbroadcast v24, $0x0;
	_ =	sdelay $0x4  }
0x6d: {  	[tilespmem:$0xC00] =	vst v25  }
0x6e: {  	s22 =	sadd.s32 $0x7, s17;
	v26 =	vld.idx.msk [tilespmem:v24+s1+$0x0], $0xffff  }
0x6f: {  	v25 =	vmov s22;
	_ =	sdelay $0x1  }
0x70: {  	s23 =	sadd.s32 $0x6, s17  }
0x71: {  	v27 =	vmov s23  }
0x72: {  	[tilespmem:$0xC80] =	vst v26;
	v26 =	vand.u32 $0xFFFFFFFE, v27  }
0x73: {  	v27 =	vld.idx.msk [tilespmem:v25+s1+$0x0], $0xffff;
	v26 =	vbroadcast v26, $0x0;
	_ =	sdelay $0x4  }
0x74: {  	[tilespmem:$0xD00] =	vst v27  }
0x75: {  	s24 =	sadd.s32 $0x5, s17;
	v28 =	vld.idx.msk [tilespmem:v26+s1+$0x0], $0xffff  }
0x76: {  	v27 =	vmov s24;
	_ =	sdelay $0x1  }
0x77: {  	s25 =	sadd.s32 $0x4, s17  }
0x78: {  	v29 =	vmov s25  }
0x79: {  	[tilespmem:$0xD80] =	vst v28;
	v28 =	vand.u32 $0xFFFFFFFE, v29  }
0x7a: {  	v29 =	vld.idx.msk [tilespmem:v27+s1+$0x0], $0xffff;
	v28 =	vbroadcast v28, $0x0;
	_ =	sdelay $0x4  }
0x7b: {  	[tilespmem:$0xE00] =	vst v29  }
0x7c: {  	s26 =	sadd.s32 $0x3, s17;
	v30 =	vld.idx.msk [tilespmem:v28+s1+$0x0], $0xffff  }
0x7d: {  	v29 =	vmov s26;
	_ =	sdelay $0x1  }
0x7e: {  	s2 =	sadd.s32 $0x2, s17  }
0x7f: {  	v31 =	vmov s2  }
0x80: {  	[tilespmem:$0xE80] =	vst v30;
	v30 =	vand.u32 $0xFFFFFFFE, v31  }
0x81: {  	v31 =	vld.idx.msk [tilespmem:v29+s1+$0x0], $0xffff;
	v30 =	vbroadcast v30, $0x0;
	_ =	sdelay $0x4  }
0x82: {  	[tilespmem:$0xF00] =	vst v31  }
0x83: {  	s3 =	sor.u32 $0x1, s17;
	v32 =	vld.idx.msk [tilespmem:v30+s1+$0x0], $0xffff  }
0x84: {  	v31 =	vmov s3;
	_ =	sdelay $0x2  }
0x85: {  	v33 =	vmov s17  }
0x86: {  	v53 =	vand.u32 $0xFFFFFFFE, v33;
	[tilespmem:$0xF80] =	vst v32  }
0x87: {  	v32 =	vbroadcast v53, $0x0;
	v54 =	vld.idx.msk [tilespmem:v31+s1+$0x0], $0xffff;
	_ =	sdelay $0x4  }
0x88: {  	[tilespmem:$0x1000] =	vst v54  }
0x89: {  	s4 =	simm.s32 $0x20;
	v32 =	vld.idx.msk [tilespmem:v32+s1+$0x0], $0xffff  }
0x8a: {  	s5 =	simm.s32 $0x10;
	v55 =	vadd.s32 s4, v0  }
0x8b: {  	v34 =	vadd.s32 s5, v0;
	_ =	sdelay $0x1  }
0x8c: {  	[dreg:$0xa] =	wrdreg s3  }
0x8d: {  	v35 =	vld [tilespmem:$0x100];
	[tilespmem:$0x1080] =	vst v32  }
0x8e: {  	v43 =	vld.idx.msk [tilespmem:v55+s10+$0x0], $0xffff  }
0x8f: {  	v42 =	vld.idx.msk [tilespmem:v34+s10+$0x0], $0xffff;
	_ =	sdelay $0x3  }
0x90: {  	s2 =	sand.u32 $0x300, s1;
	s6 =	sand.u32 $0x6000, s1;
	v56 =	vadd.f32 v43, v35  }
0x91: {  	s5 =	sor.u32 s2, s6;
	v57 =	vadd.f32 v42, v35  }
0x92: {  	[tilespmem:s5+$0x1180] =	vst v56  }
0x93: {  	[tilespmem:s5+$0x1190] =	vst v57  }
0x94: {  	v32 =	vld [tilespmem:$0x180];
	_ =	sdelay $0x4  }
0x95: {  	v58 =	vadd.f32 v32, v43  }
0x96: {  	v32 =	vadd.f32 v32, v42  }
0x97: {  	s7 =	simm.s32 $0x1F;
	[tilespmem:s5+$0x11A0] =	vst v58  }
0x98: {  	v59 =	vadd.s32 s7, v0;
	s8 =	simm.s32 $0xF;
	[tilespmem:s5+$0x11B0] =	vst v32  }
0x99: {  	v60 =	vadd.s32 s8, v0;
	v32 =	vld [tilespmem:$0x200];
	_ =	sdelay $0x3  }
0x9a: {  	v33 =	vld.idx.msk [tilespmem:v59+s10+$0x0], $0xffff  }
0x9b: {  	v36 =	vadd.f32 v32, v43;
	v37 =	vadd.f32 v32, v42;
	v32 =	vld.idx.msk [tilespmem:v60+s10+$0x0], $0xffff;
	_ =	sdelay $0x1  }
0x9c: {  	[tilespmem:s5+$0x11C0] =	vst v36  }
0x9d: {  	[tilespmem:s5+$0x11D0] =	vst v37  }
0x9e: {  	v62 =	vadd.f32 v35, v33;
	v61 =	vld [tilespmem:$0x280]  }
0x9f: {  	v35 =	vadd.f32 v35, v32  }
0xa0: {  	[tilespmem:s5+$0x1100] =	vst v62  }
0xa1: {  	[tilespmem:s5+$0x1110] =	vst v35  }
0xa2: {  	v35 =	vld [tilespmem:$0x180]  }
0xa3: {  	v63 =	vadd.f32 v61, v43  }
0xa4: {  	v34 =	vadd.f32 v61, v42  }
0xa5: {  	[tilespmem:s5+$0x11E0] =	vst v63  }
0xa6: {  	[tilespmem:s5+$0x11F0] =	vst v34  }
0xa7: {  	v34 =	vld [tilespmem:$0x300];
	v40 =	vadd.f32 v35, v33  }
0xa8: {  	v35 =	vadd.f32 v35, v32  }
0xa9: {  	[tilespmem:s5+$0x1120] =	vst v40  }
0xaa: {  	[tilespmem:s5+$0x1130] =	vst v35  }
0xab: {  	v35 =	vld [tilespmem:$0x200]  }
0xac: {  	v41 =	vadd.f32 v34, v43  }
0xad: {  	v34 =	vadd.f32 v34, v42  }
0xae: {  	[tilespmem:s5+$0x1580] =	vst v41  }
0xaf: {  	[tilespmem:s5+$0x1590] =	vst v34  }
0xb0: {  	v34 =	vld [tilespmem:$0x380];
	v44 =	vadd.f32 v35, v33  }
0xb1: {  	v35 =	vadd.f32 v35, v32  }
0xb2: {  	[tilespmem:s5+$0x1140] =	vst v44  }
0xb3: {  	[tilespmem:s5+$0x1150] =	vst v35  }
0xb4: {  	v35 =	vld [tilespmem:$0x280]  }
0xb5: {  	v45 =	vadd.f32 v34, v43  }
0xb6: {  	v34 =	vadd.f32 v34, v42  }
0xb7: {  	[tilespmem:s5+$0x15A0] =	vst v45  }
0xb8: {  	[tilespmem:s5+$0x15B0] =	vst v34  }
0xb9: {  	v34 =	vld [tilespmem:$0x400];
	v46 =	vadd.f32 v35, v33  }
0xba: {  	v35 =	vadd.f32 v35, v32  }
0xbb: {  	[tilespmem:s5+$0x1160] =	vst v46  }
0xbc: {  	[tilespmem:s5+$0x1170] =	vst v35  }
0xbd: {  	v35 =	vld [tilespmem:$0x300]  }
0xbe: {  	v47 =	vadd.f32 v34, v43  }
0xbf: {  	v34 =	vadd.f32 v34, v42  }
0xc0: {  	[tilespmem:s5+$0x15C0] =	vst v47  }
0xc1: {  	[tilespmem:s5+$0x15D0] =	vst v34  }
0xc2: {  	v34 =	vld [tilespmem:$0x480];
	v48 =	vadd.f32 v35, v33  }
0xc3: {  	v35 =	vadd.f32 v35, v32  }
0xc4: {  	[tilespmem:s5+$0x1500] =	vst v48  }
0xc5: {  	[tilespmem:s5+$0x1510] =	vst v35  }
0xc6: {  	v35 =	vld [tilespmem:$0x380]  }
0xc7: {  	v49 =	vadd.f32 v34, v43  }
0xc8: {  	v34 =	vadd.f32 v34, v42  }
0xc9: {  	[tilespmem:s5+$0x15E0] =	vst v49  }
0xca: {  	[tilespmem:s5+$0x15F0] =	vst v34  }
0xcb: {  	v34 =	vld [tilespmem:$0x500];
	v50 =	vadd.f32 v35, v33  }
0xcc: {  	v35 =	vadd.f32 v35, v32  }
0xcd: {  	[tilespmem:s5+$0x1520] =	vst v50  }
0xce: {  	[tilespmem:s5+$0x1530] =	vst v35  }
0xcf: {  	v35 =	vld [tilespmem:$0x400]  }
0xd0: {  	v51 =	vadd.f32 v34, v43  }
0xd1: {  	v34 =	vadd.f32 v34, v42  }
0xd2: {  	[tilespmem:s5+$0x1980] =	vst v51  }
0xd3: {  	[tilespmem:s5+$0x1990] =	vst v34  }
0xd4: {  	v34 =	vld [tilespmem:$0x580];
	v52 =	vadd.f32 v35, v33  }
0xd5: {  	v35 =	vadd.f32 v35, v32  }
0xd6: {  	[tilespmem:s5+$0x1540] =	vst v52  }
0xd7: {  	[tilespmem:s5+$0x1550] =	vst v35  }
0xd8: {  	v35 =	vld [tilespmem:$0x480]  }
0xd9: {  	v53 =	vadd.f32 v34, v43  }
0xda: {  	v34 =	vadd.f32 v34, v42  }
0xdb: {  	[tilespmem:s5+$0x19A0] =	vst v53  }
0xdc: {  	[tilespmem:s5+$0x19B0] =	vst v34  }
0xdd: {  	v34 =	vld [tilespmem:$0x600];
	v54 =	vadd.f32 v35, v33  }
0xde: {  	v35 =	vadd.f32 v35, v32  }
0xdf: {  	[tilespmem:s5+$0x1560] =	vst v54  }
0xe0: {  	[tilespmem:s5+$0x1570] =	vst v35  }
0xe1: {  	v35 =	vld [tilespmem:$0x500]  }
0xe2: {  	v55 =	vadd.f32 v34, v43  }
0xe3: {  	v34 =	vadd.f32 v34, v42  }
0xe4: {  	[tilespmem:s5+$0x19C0] =	vst v55  }
0xe5: {  	[tilespmem:s5+$0x19D0] =	vst v34  }
0xe6: {  	v34 =	vld [tilespmem:$0x680];
	v56 =	vadd.f32 v35, v33  }
0xe7: {  	v35 =	vadd.f32 v35, v32  }
0xe8: {  	[tilespmem:s5+$0x1900] =	vst v56  }
0xe9: {  	[tilespmem:s5+$0x1910] =	vst v35  }
0xea: {  	v35 =	vld [tilespmem:$0x580]  }
0xeb: {  	v57 =	vadd.f32 v34, v43  }
0xec: {  	v34 =	vadd.f32 v34, v42  }
0xed: {  	[tilespmem:s5+$0x19E0] =	vst v57  }
0xee: {  	[tilespmem:s5+$0x19F0] =	vst v34  }
0xef: {  	v34 =	vld [tilespmem:$0x700];
	v58 =	vadd.f32 v35, v33  }
0xf0: {  	v35 =	vadd.f32 v35, v32  }
0xf1: {  	[tilespmem:s5+$0x1920] =	vst v58  }
0xf2: {  	[tilespmem:s5+$0x1930] =	vst v35  }
0xf3: {  	s9 =	simm.s32 $0x22;
	v35 =	vld [tilespmem:$0x600]  }
0xf4: {  	v62 =	vadd.s32 s9, v0;
	v59 =	vadd.f32 v34, v43  }
0xf5: {  	s11 =	simm.s32 $0x12;
	v34 =	vadd.f32 v34, v42  }
0xf6: {  	v39 =	vadd.s32 s11, v0;
	[tilespmem:s5+$0x1D80] =	vst v59  }
0xf7: {  	[tilespmem:s5+$0x1D90] =	vst v34  }
0xf8: {  	v34 =	vld [tilespmem:$0x780];
	v60 =	vadd.f32 v35, v33  }
0xf9: {  	s12 =	simm.s32 $0x21;
	v37 =	vld.idx.msk [tilespmem:v62+s10+$0x0], $0xffff;
	v35 =	vadd.f32 v35, v32  }
0xfa: {  	s13 =	simm.s32 $0x11;
	v63 =	vadd.s32 s12, v0;
	v44 =	vld [tilespmem:$0x100];
	[tilespmem:s5+$0x1940] =	vst v60  }
0xfb: {  	v41 =	vadd.s32 s13, v0;
	[tilespmem:s5+$0x1950] =	vst v35;
	v35 =	vld.idx.msk [tilespmem:v39+s10+$0x0], $0xffff  }
0xfc: {  	v38 =	vld [tilespmem:$0x680]  }
0xfd: {  	v61 =	vadd.f32 v34, v43  }
0xfe: {  	s14 =	simm.s32 $0x100;
	s15 =	simm.s32 $0x800;
	v34 =	vadd.f32 v34, v42  }
0xff: {  	s0 =	sand.u32 $0x300, s14;
	s2 =	sand.u32 $0x6000, s15;
	v36 =	vld.idx.msk [tilespmem:v63+s10+$0x0], $0xffff;
	v52 =	vadd.f32 v37, v44;
	[tilespmem:s5+$0x1DA0] =	vst v61  }
0x100: {  	s0 =	sor.u32 s0, s2;
	[tilespmem:s5+$0x1DB0] =	vst v34;
	v34 =	vld.idx.msk [tilespmem:v41+s10+$0x0], $0xffff;
	v53 =	vadd.f32 v35, v44  }
0x101: {  	[tilespmem:s0+$0x1180] =	vst v52;
	v40 =	vld [tilespmem:$0x800];
	v48 =	vadd.f32 v38, v33  }
0x102: {  	v38 =	vadd.f32 v38, v32;
	[tilespmem:s0+$0x1190] =	vst v53  }
0x103: {  	[tilespmem:s5+$0x1960] =	vst v48;
	v56 =	vld [tilespmem:$0x180]  }
0x104: {  	v54 =	vadd.f32 v44, v36;
	[tilespmem:s5+$0x1970] =	vst v38  }
0x105: {  	v55 =	vadd.f32 v44, v34;
	v51 =	vld [tilespmem:$0x700]  }
0x106: {  	[tilespmem:s0+$0x1100] =	vst v54;
	v49 =	vadd.f32 v40, v43  }
0x107: {  	v50 =	vadd.f32 v40, v42;
	[tilespmem:s0+$0x1110] =	vst v55  }
0x108: {  	[tilespmem:s5+$0x1DC0] =	vst v49;
	v39 =	vld [tilespmem:$0x180];
	v58 =	vadd.f32 v56, v37  }
0x109: {  	[tilespmem:s5+$0x1DD0] =	vst v50;
	v59 =	vadd.f32 v56, v35  }
0x10a: {  	v38 =	vld [tilespmem:$0x880];
	v45 =	vadd.f32 v51, v33;
	[tilespmem:s0+$0x11A0] =	vst v58  }
0x10b: {  	v40 =	vadd.f32 v51, v32;
	[tilespmem:s0+$0x11B0] =	vst v59  }
0x10c: {  	[tilespmem:s5+$0x1D00] =	vst v45;
	v41 =	vld [tilespmem:$0x200]  }
0x10d: {  	[tilespmem:s5+$0x1D10] =	vst v40;
	v60 =	vadd.f32 v39, v36  }
0x10e: {  	v39 =	vadd.f32 v39, v34;
	v40 =	vld [tilespmem:$0x780]  }
0x10f: {  	v57 =	vadd.f32 v38, v43;
	[tilespmem:s0+$0x1120] =	vst v60  }
0x110: {  	v38 =	vadd.f32 v38, v42;
	[tilespmem:s0+$0x1130] =	vst v39  }
0x111: {  	[tilespmem:s5+$0x1DE0] =	vst v57;
	v39 =	vld [tilespmem:$0x200];
	v63 =	vadd.f32 v41, v37  }
0x112: {  	[tilespmem:s5+$0x1DF0] =	vst v38;
	v41 =	vadd.f32 v41, v35  }
0x113: {  	v38 =	vld [tilespmem:$0x900];
	v61 =	vadd.f32 v40, v33;
	[tilespmem:s0+$0x11C0] =	vst v63  }
0x114: {  	v40 =	vadd.f32 v40, v32;
	[tilespmem:s0+$0x11D0] =	vst v41  }
0x115: {  	[tilespmem:s5+$0x1D20] =	vst v61;
	v41 =	vld [tilespmem:$0x280]  }
0x116: {  	[tilespmem:s5+$0x1D30] =	vst v40;
	v48 =	vadd.f32 v39, v36  }
0x117: {  	v39 =	vadd.f32 v39, v34;
	v40 =	vld [tilespmem:$0x800]  }
0x118: {  	v62 =	vadd.f32 v38, v43;
	[tilespmem:s0+$0x1140] =	vst v48  }
0x119: {  	v38 =	vadd.f32 v38, v42;
	[tilespmem:s0+$0x1150] =	vst v39  }
0x11a: {  	[tilespmem:s5+$0x2180] =	vst v62;
	v39 =	vld [tilespmem:$0x280];
	v51 =	vadd.f32 v41, v37  }
0x11b: {  	[tilespmem:s5+$0x2190] =	vst v38;
	v41 =	vadd.f32 v41, v35  }
0x11c: {  	v38 =	vld [tilespmem:$0x980];
	v49 =	vadd.f32 v40, v33;
	[tilespmem:s0+$0x11E0] =	vst v51  }
0x11d: {  	v40 =	vadd.f32 v40, v32;
	[tilespmem:s0+$0x11F0] =	vst v41  }
0x11e: {  	[tilespmem:s5+$0x1D40] =	vst v49;
	v41 =	vld [tilespmem:$0x300]  }
0x11f: {  	[tilespmem:s5+$0x1D50] =	vst v40;
	v52 =	vadd.f32 v39, v36  }
0x120: {  	v39 =	vadd.f32 v39, v34;
	v40 =	vld [tilespmem:$0x880]  }
0x121: {  	v50 =	vadd.f32 v38, v43;
	[tilespmem:s0+$0x1160] =	vst v52  }
0x122: {  	v38 =	vadd.f32 v38, v42;
	[tilespmem:s0+$0x1170] =	vst v39  }
0x123: {  	[tilespmem:s5+$0x21A0] =	vst v50;
	v39 =	vld [tilespmem:$0x300];
	v55 =	vadd.f32 v41, v37  }
0x124: {  	[tilespmem:s5+$0x21B0] =	vst v38;
	v41 =	vadd.f32 v41, v35  }
0x125: {  	v38 =	vld [tilespmem:$0xA00];
	v53 =	vadd.f32 v40, v33;
	[tilespmem:s0+$0x1580] =	vst v55  }
0x126: {  	v40 =	vadd.f32 v40, v32;
	[tilespmem:s0+$0x1590] =	vst v41  }
0x127: {  	[tilespmem:s5+$0x1D60] =	vst v53;
	v41 =	vld [tilespmem:$0x380]  }
0x128: {  	[tilespmem:s5+$0x1D70] =	vst v40;
	v56 =	vadd.f32 v39, v36  }
0x129: {  	v39 =	vadd.f32 v39, v34;
	v40 =	vld [tilespmem:$0x900]  }
0x12a: {  	v54 =	vadd.f32 v38, v43;
	[tilespmem:s0+$0x1500] =	vst v56  }
0x12b: {  	v38 =	vadd.f32 v38, v42;
	[tilespmem:s0+$0x1510] =	vst v39  }
0x12c: {  	[tilespmem:s5+$0x21C0] =	vst v54;
	v39 =	vld [tilespmem:$0x380];
	v59 =	vadd.f32 v41, v37  }
0x12d: {  	[tilespmem:s5+$0x21D0] =	vst v38;
	v41 =	vadd.f32 v41, v35  }
0x12e: {  	v38 =	vld [tilespmem:$0xA80];
	v57 =	vadd.f32 v40, v33;
	[tilespmem:s0+$0x15A0] =	vst v59  }
0x12f: {  	v40 =	vadd.f32 v40, v32;
	[tilespmem:s0+$0x15B0] =	vst v41  }
0x130: {  	[tilespmem:s5+$0x2100] =	vst v57;
	v41 =	vld [tilespmem:$0x400]  }
0x131: {  	[tilespmem:s5+$0x2110] =	vst v40;
	v60 =	vadd.f32 v39, v36  }
0x132: {  	v39 =	vadd.f32 v39, v34;
	v40 =	vld [tilespmem:$0x980]  }
0x133: {  	v58 =	vadd.f32 v38, v43;
	[tilespmem:s0+$0x1520] =	vst v60  }
0x134: {  	v38 =	vadd.f32 v38, v42;
	[tilespmem:s0+$0x1530] =	vst v39  }
0x135: {  	[tilespmem:s5+$0x21E0] =	vst v58;
	v39 =	vld [tilespmem:$0x400];
	v63 =	vadd.f32 v41, v37  }
0x136: {  	[tilespmem:s5+$0x21F0] =	vst v38;
	v41 =	vadd.f32 v41, v35  }
0x137: {  	v38 =	vld [tilespmem:$0xB00];
	v61 =	vadd.f32 v40, v33;
	[tilespmem:s0+$0x15C0] =	vst v63  }
0x138: {  	v40 =	vadd.f32 v40, v32;
	[tilespmem:s0+$0x15D0] =	vst v41  }
0x139: {  	[tilespmem:s5+$0x2120] =	vst v61;
	v41 =	vld [tilespmem:$0x480]  }
0x13a: {  	[tilespmem:s5+$0x2130] =	vst v40;
	v48 =	vadd.f32 v39, v36  }
0x13b: {  	v39 =	vadd.f32 v39, v34;
	v40 =	vld [tilespmem:$0xA00]  }
0x13c: {  	v62 =	vadd.f32 v38, v43;
	[tilespmem:s0+$0x1540] =	vst v48  }
0x13d: {  	v38 =	vadd.f32 v38, v42;
	[tilespmem:s0+$0x1550] =	vst v39  }
0x13e: {  	[tilespmem:s5+$0x2580] =	vst v62;
	v39 =	vld [tilespmem:$0x480];
	v51 =	vadd.f32 v41, v37  }
0x13f: {  	[tilespmem:s5+$0x2590] =	vst v38;
	v41 =	vadd.f32 v41, v35  }
0x140: {  	v38 =	vld [tilespmem:$0xB80];
	v49 =	vadd.f32 v40, v33;
	[tilespmem:s0+$0x15E0] =	vst v51  }
0x141: {  	v40 =	vadd.f32 v40, v32;
	[tilespmem:s0+$0x15F0] =	vst v41  }
0x142: {  	[tilespmem:s5+$0x2140] =	vst v49;
	v41 =	vld [tilespmem:$0x500]  }
0x143: {  	[tilespmem:s5+$0x2150] =	vst v40;
	v52 =	vadd.f32 v39, v36  }
0x144: {  	v39 =	vadd.f32 v39, v34;
	v40 =	vld [tilespmem:$0xA80]  }
0x145: {  	v50 =	vadd.f32 v38, v43;
	[tilespmem:s0+$0x1560] =	vst v52  }
0x146: {  	v38 =	vadd.f32 v38, v42;
	[tilespmem:s0+$0x1570] =	vst v39  }
0x147: {  	[tilespmem:s5+$0x25A0] =	vst v50;
	v39 =	vld [tilespmem:$0x500];
	v55 =	vadd.f32 v41, v37  }
0x148: {  	[tilespmem:s5+$0x25B0] =	vst v38;
	v41 =	vadd.f32 v41, v35  }
0x149: {  	v38 =	vld [tilespmem:$0xC00];
	v53 =	vadd.f32 v40, v33;
	[tilespmem:s0+$0x1980] =	vst v55  }
0x14a: {  	v40 =	vadd.f32 v40, v32;
	[tilespmem:s0+$0x1990] =	vst v41  }
0x14b: {  	[tilespmem:s5+$0x2160] =	vst v53;
	v41 =	vld [tilespmem:$0x580]  }
0x14c: {  	[tilespmem:s5+$0x2170] =	vst v40;
	v56 =	vadd.f32 v39, v36  }
0x14d: {  	v39 =	vadd.f32 v39, v34;
	v40 =	vld [tilespmem:$0xB00]  }
0x14e: {  	v54 =	vadd.f32 v38, v43;
	[tilespmem:s0+$0x1900] =	vst v56  }
0x14f: {  	v38 =	vadd.f32 v38, v42;
	[tilespmem:s0+$0x1910] =	vst v39  }
0x150: {  	[tilespmem:s5+$0x25C0] =	vst v54;
	v39 =	vld [tilespmem:$0x580];
	v59 =	vadd.f32 v41, v37  }
0x151: {  	[tilespmem:s5+$0x25D0] =	vst v38;
	v41 =	vadd.f32 v41, v35  }
0x152: {  	v38 =	vld [tilespmem:$0xC80];
	v57 =	vadd.f32 v40, v33;
	[tilespmem:s0+$0x19A0] =	vst v59  }
0x153: {  	v40 =	vadd.f32 v40, v32;
	[tilespmem:s0+$0x19B0] =	vst v41  }
0x154: {  	[tilespmem:s5+$0x2500] =	vst v57;
	v41 =	vld [tilespmem:$0x600]  }
0x155: {  	[tilespmem:s5+$0x2510] =	vst v40;
	v60 =	vadd.f32 v39, v36  }
0x156: {  	v39 =	vadd.f32 v39, v34;
	v40 =	vld [tilespmem:$0xB80]  }
0x157: {  	v58 =	vadd.f32 v38, v43;
	[tilespmem:s0+$0x1920] =	vst v60  }
0x158: {  	v38 =	vadd.f32 v38, v42;
	[tilespmem:s0+$0x1930] =	vst v39  }
0x159: {  	[tilespmem:s5+$0x25E0] =	vst v58;
	v39 =	vld [tilespmem:$0x600];
	v63 =	vadd.f32 v41, v37  }
0x15a: {  	[tilespmem:s5+$0x25F0] =	vst v38;
	v41 =	vadd.f32 v41, v35  }
0x15b: {  	v38 =	vld [tilespmem:$0xD00];
	v61 =	vadd.f32 v40, v33;
	[tilespmem:s0+$0x19C0] =	vst v63  }
0x15c: {  	v40 =	vadd.f32 v40, v32;
	[tilespmem:s0+$0x19D0] =	vst v41  }
0x15d: {  	s1 =	sand.u32 $0x3, s1;
	[tilespmem:s5+$0x2520] =	vst v61;
	v41 =	vld [tilespmem:$0x680]  }
0x15e: {  	s1 =	sshll.u32 s1, $0x8;
	[tilespmem:s5+$0x2530] =	vst v40;
	v48 =	vadd.f32 v39, v36  }
0x15f: {  	s1 =	sadd.s32 $0x0, s1;
	v39 =	vadd.f32 v39, v34;
	v40 =	vld [tilespmem:$0xC00]  }
0x160: {  	s2 =	sadd.s32 $0x80, s1;
	v62 =	vadd.f32 v38, v43;
	[tilespmem:s0+$0x1940] =	vst v48  }
0x161: {  	s4 =	sor.u32 $0x1800, s2;
	v38 =	vadd.f32 v38, v42;
	[tilespmem:s0+$0x1950] =	vst v39  }
0x162: {  	s16 =	sor.u32 $0x1810, s2;
	[tilespmem:s4+$0x1100] =	vst v62;
	v39 =	vld [tilespmem:$0x680];
	v51 =	vadd.f32 v41, v37  }
0x163: {  	[tilespmem:s16+$0x1100] =	vst v38;
	v41 =	vadd.f32 v41, v35  }
0x164: {  	v38 =	vld [tilespmem:$0xD80];
	v49 =	vadd.f32 v40, v33;
	[tilespmem:s0+$0x19E0] =	vst v51  }
0x165: {  	v40 =	vadd.f32 v40, v32;
	[tilespmem:s0+$0x19F0] =	vst v41  }
0x166: {  	[tilespmem:s5+$0x2540] =	vst v49;
	v41 =	vld [tilespmem:$0x700]  }
0x167: {  	[tilespmem:s5+$0x2550] =	vst v40;
	v52 =	vadd.f32 v39, v36  }
0x168: {  	v39 =	vadd.f32 v39, v34;
	v40 =	vld [tilespmem:$0xC80]  }
0x169: {  	v50 =	vadd.f32 v38, v43;
	[tilespmem:s0+$0x1960] =	vst v52  }
0x16a: {  	s18 =	sor.u32 $0x1820, s2;
	v38 =	vadd.f32 v38, v42;
	[tilespmem:s0+$0x1970] =	vst v39  }
0x16b: {  	s19 =	sor.u32 $0x1830, s2;
	v39 =	vld [tilespmem:$0x700];
	[tilespmem:s18+$0x1100] =	vst v50;
	v55 =	vadd.f32 v41, v37  }
0x16c: {  	[tilespmem:s19+$0x1100] =	vst v38;
	v41 =	vadd.f32 v41, v35  }
0x16d: {  	v38 =	vld [tilespmem:$0xE00];
	v53 =	vadd.f32 v40, v33;
	[tilespmem:s0+$0x1D80] =	vst v55  }
0x16e: {  	v40 =	vadd.f32 v40, v32;
	[tilespmem:s0+$0x1D90] =	vst v41  }
0x16f: {  	[tilespmem:s5+$0x2560] =	vst v53;
	v41 =	vld [tilespmem:$0x780]  }
0x170: {  	[tilespmem:s5+$0x2570] =	vst v40;
	v56 =	vadd.f32 v39, v36  }
0x171: {  	v39 =	vadd.f32 v39, v34;
	v40 =	vld [tilespmem:$0xD00]  }
0x172: {  	[tilespmem:s0+$0x1D00] =	vst v56;
	v54 =	vadd.f32 v38, v43  }
0x173: {  	s20 =	sor.u32 $0x1840, s2;
	[tilespmem:s0+$0x1D10] =	vst v39;
	v38 =	vadd.f32 v38, v42  }
0x174: {  	s21 =	sor.u32 $0x1850, s2;
	[tilespmem:s20+$0x1100] =	vst v54;
	v59 =	vadd.f32 v41, v37  }
0x175: {  	v39 =	vld [tilespmem:$0x780];
	v41 =	vadd.f32 v41, v35;
	[tilespmem:s21+$0x1100] =	vst v38  }
0x176: {  	v57 =	vadd.f32 v40, v33;
	v38 =	vld [tilespmem:$0xE80];
	[tilespmem:s0+$0x1DA0] =	vst v59  }
0x177: {  	s3 =	simm.s32 $0x14;
	s22 =	sor.u32 $0x1800, s1;
	v40 =	vadd.f32 v40, v32;
	[tilespmem:s0+$0x1DB0] =	vst v41  }
0x178: {  	s25 =	simm.s32 $0x24;
	s23 =	sor.u32 $0x1810, s1;
	v46 =	vadd.s32 s3, v0;
	[tilespmem:s22+$0x1100] =	vst v57  }
0x179: {  	s6 =	simm.s32 $0x23;
	v60 =	vadd.s32 s25, v0;
	v48 =	vld [tilespmem:$0x800];
	[tilespmem:s23+$0x1100] =	vst v40  }
0x17a: {  	v47 =	vadd.s32 s6, v0;
	v62 =	vadd.f32 v39, v36;
	v39 =	vadd.f32 v39, v34;
	v40 =	vld [tilespmem:$0xD80]  }
0x17b: {  	v58 =	vadd.f32 v38, v43  }
0x17c: {  	s7 =	simm.s32 $0x13;
	s24 =	sor.u32 $0x1860, s2;
	v49 =	vld [tilespmem:$0x100];
	[tilespmem:s0+$0x1D30] =	vst v39;
	v38 =	vadd.f32 v38, v42  }
0x17d: {  	s26 =	sor.u32 $0x1870, s2;
	v63 =	vadd.s32 s7, v0;
	v39 =	vld.idx.msk [tilespmem:v46+s10+$0x0], $0xffff;
	[tilespmem:s24+$0x1100] =	vst v58  }
0x17e: {  	v55 =	vadd.f32 v48, v37;
	[tilespmem:s26+$0x1100] =	vst v38;
	v38 =	vld.idx.msk [tilespmem:v60+s10+$0x0], $0xffff  }
0x17f: {  	v50 =	vadd.f32 v40, v33;
	v51 =	vadd.f32 v40, v32;
	v40 =	vld.idx.msk [tilespmem:v47+s10+$0x0], $0xffff  }
0x180: {  	[tilespmem:s0+$0x1D20] =	vst v62;
	v56 =	vadd.f32 v48, v35;
	v61 =	vld [tilespmem:$0xF00]  }
0x181: {  	s19 =	simm.s32 $0x200;
	s20 =	simm.s32 $0x1000;
	[tilespmem:s0+$0x1DC0] =	vst v55  }
0x182: {  	s8 =	sor.u32 $0x1820, s1;
	s14 =	sand.u32 $0x300, s19;
	s13 =	sand.u32 $0x6000, s20;
	v41 =	vld.idx.msk [tilespmem:v63+s10+$0x0], $0xffff;
	v59 =	vadd.f32 v39, v49;
	[tilespmem:s0+$0x1DD0] =	vst v56  }
0x183: {  	s18 =	sor.u32 s14, s13;
	[tilespmem:s8+$0x1100] =	vst v50;
	v57 =	vadd.f32 v38, v49  }
0x184: {  	v44 =	vld [tilespmem:$0x800];
	[tilespmem:s18+$0x1190] =	vst v59;
	v60 =	vadd.f32 v49, v40  }
0x185: {  	v54 =	vadd.f32 v61, v43;
	v45 =	vadd.f32 v61, v42;
	v61 =	vld [tilespmem:$0x880];
	[tilespmem:s18+$0x1180] =	vst v57  }
0x186: {  	s11 =	sor.u32 $0x1C00, s2;
	[tilespmem:s18+$0x1100] =	vst v60  }
0x187: {  	s12 =	sor.u32 $0x1C10, s2;
	v49 =	vadd.f32 v49, v41;
	[tilespmem:s11+$0x1100] =	vst v54  }
0x188: {  	v63 =	vld [tilespmem:$0x180];
	[tilespmem:s12+$0x1100] =	vst v45  }
0x189: {  	s9 =	sor.u32 $0x1830, s1;
	v62 =	vadd.f32 v44, v36;
	[tilespmem:s18+$0x1110] =	vst v49;
	v58 =	vld [tilespmem:$0xF80]  }
0x18a: {  	[tilespmem:s9+$0x1100] =	vst v51;
	v53 =	vld [tilespmem:$0x180];
	v54 =	vadd.f32 v61, v37  }
0x18b: {  	[tilespmem:s0+$0x1D40] =	vst v62;
	v45 =	vadd.f32 v61, v35  }
0x18c: {  	v44 =	vadd.f32 v44, v34;
	[tilespmem:s0+$0x1DE0] =	vst v54  }
0x18d: {  	v55 =	vadd.f32 v63, v38;
	v47 =	vadd.f32 v63, v39;
	[tilespmem:s0+$0x1DF0] =	vst v45  }
0x18e: {  	[tilespmem:s0+$0x1D50] =	vst v44;
	v52 =	vadd.f32 v58, v43;
	v46 =	vadd.f32 v58, v42;
	v58 =	vld [tilespmem:$0x900]  }
0x18f: {  	v57 =	vadd.f32 v53, v40;
	[tilespmem:s18+$0x11A0] =	vst v55  }
0x190: {  	v59 =	vadd.f32 v53, v41;
	[tilespmem:s18+$0x11B0] =	vst v47;
	v47 =	vld [tilespmem:$0x880]  }
0x191: {  	[tilespmem:s18+$0x1120] =	vst v57;
	v60 =	vld [tilespmem:$0x200]  }
0x192: {  	s15 =	sor.u32 $0x1C20, s2;
	[tilespmem:s18+$0x1130] =	vst v59  }
0x193: {  	s16 =	sor.u32 $0x1C30, s2;
	v49 =	vld [tilespmem:$0x200];
	[tilespmem:s15+$0x1100] =	vst v52;
	v63 =	vadd.f32 v58, v37  }
0x194: {  	[tilespmem:s16+$0x1100] =	vst v46;
	v46 =	vadd.f32 v58, v35  }
0x195: {  	v56 =	vld [tilespmem:$0x1000];
	v51 =	vadd.f32 v47, v34;
	[tilespmem:s0+$0x2180] =	vst v63  }
0x196: {  	v52 =	vadd.f32 v60, v38;
	[tilespmem:s0+$0x2190] =	vst v46  }
0x197: {  	v45 =	vadd.f32 v60, v39;
	[tilespmem:s0+$0x1D70] =	vst v51  }
0x198: {  	v54 =	vadd.f32 v49, v40;
	[tilespmem:s18+$0x11C0] =	vst v52;
	v55 =	vld [tilespmem:$0x980]  }
0x199: {  	v49 =	vadd.f32 v49, v41;
	[tilespmem:s18+$0x11D0] =	vst v45  }
0x19a: {  	[tilespmem:s18+$0x1140] =	vst v54;
	v61 =	vadd.f32 v56, v43;
	v57 =	vld [tilespmem:$0x280]  }
0x19b: {  	s21 =	sor.u32 $0x1C40, s2;
	[tilespmem:s18+$0x1150] =	vst v49;
	v62 =	vadd.f32 v56, v42  }
0x19c: {  	s22 =	sor.u32 $0x1C50, s2;
	v56 =	vadd.f32 v47, v36;
	v49 =	vld [tilespmem:$0x280];
	[tilespmem:s21+$0x1100] =	vst v61  }
0x19d: {  	[tilespmem:s22+$0x1100] =	vst v62;
	v58 =	vadd.f32 v55, v37  }
0x19e: {  	[tilespmem:s0+$0x1D60] =	vst v56;
	v53 =	vld [tilespmem:$0x1080];
	v59 =	vadd.f32 v55, v35  }
0x19f: {  	v61 =	vadd.f32 v57, v38;
	[tilespmem:s0+$0x21A0] =	vst v58  }
0x1a0: {  	v60 =	vld [tilespmem:$0xE00];
	v62 =	vadd.f32 v57, v39;
	[tilespmem:s0+$0x21B0] =	vst v59  }
0x1a1: {  	v63 =	vadd.f32 v49, v40;
	[tilespmem:s18+$0x11E0] =	vst v61  }
0x1a2: {  	v50 =	vadd.f32 v49, v41;
	v48 =	vld [tilespmem:$0xA00];
	[tilespmem:s18+$0x11F0] =	vst v62  }
0x1a3: {  	[tilespmem:s18+$0x1160] =	vst v63;
	v43 =	vadd.f32 v53, v43  }
0x1a4: {  	s23 =	sor.u32 $0x1C60, s2;
	[tilespmem:s18+$0x1170] =	vst v50;
	v52 =	vld [tilespmem:$0x300];
	v42 =	vadd.f32 v53, v42  }
0x1a5: {  	s2 =	sor.u32 $0x1C70, s2;
	v53 =	vadd.f32 v60, v33;
	[tilespmem:s23+$0x1100] =	vst v43  }
0x1a6: {  	s24 =	sor.u32 $0x1840, s1;
	v46 =	vld [tilespmem:$0x300];
	[tilespmem:s2+$0x1100] =	vst v42;
	v42 =	vadd.f32 v60, v32  }
0x1a7: {  	s25 =	sor.u32 $0x1850, s1;
	[tilespmem:s24+$0x1100] =	vst v53;
	v54 =	vadd.f32 v48, v37  }
0x1a8: {  	v55 =	vld [tilespmem:$0x900];
	v44 =	vadd.f32 v48, v35;
	[tilespmem:s25+$0x1100] =	vst v42  }
0x1a9: {  	v56 =	vadd.f32 v52, v38;
	[tilespmem:s0+$0x21C0] =	vst v54  }
0x1aa: {  	v43 =	vadd.f32 v52, v39;
	[tilespmem:s0+$0x21D0] =	vst v44;
	v57 =	vld [tilespmem:$0xE80]  }
0x1ab: {  	v58 =	vadd.f32 v46, v40;
	[tilespmem:s18+$0x1580] =	vst v56;
	v59 =	vld [tilespmem:$0xA80]  }
0x1ac: {  	v46 =	vadd.f32 v46, v41;
	[tilespmem:s18+$0x1590] =	vst v43  }
0x1ad: {  	v47 =	vadd.f32 v55, v34;
	[tilespmem:s18+$0x1500] =	vst v58;
	v61 =	vld [tilespmem:$0x380]  }
0x1ae: {  	v60 =	vadd.f32 v55, v36;
	[tilespmem:s18+$0x1510] =	vst v46  }
0x1af: {  	[tilespmem:s0+$0x2110] =	vst v47;
	v63 =	vld [tilespmem:$0x380];
	v62 =	vadd.f32 v57, v33  }
0x1b0: {  	s26 =	sor.u32 $0x1860, s1;
	[tilespmem:s0+$0x2100] =	vst v60;
	v49 =	vadd.f32 v59, v37  }
0x1b1: {  	v47 =	vld [tilespmem:$0x980];
	v42 =	vadd.f32 v59, v35;
	[tilespmem:s26+$0x1100] =	vst v62  }
0x1b2: {  	v50 =	vadd.f32 v61, v38;
	[tilespmem:s0+$0x21E0] =	vst v49  }
0x1b3: {  	v51 =	vadd.f32 v61, v39;
	[tilespmem:s0+$0x21F0] =	vst v42  }
0x1b4: {  	v52 =	vadd.f32 v63, v40;
	[tilespmem:s18+$0x15A0] =	vst v50;
	v53 =	vld [tilespmem:$0xB00]  }
0x1b5: {  	v54 =	vadd.f32 v63, v41;
	[tilespmem:s18+$0x15B0] =	vst v51  }
0x1b6: {  	v56 =	vadd.f32 v47, v36;
	[tilespmem:s18+$0x1520] =	vst v52;
	v55 =	vld [tilespmem:$0x400]  }
0x1b7: {  	v47 =	vadd.f32 v47, v34;
	[tilespmem:s18+$0x1530] =	vst v54  }
0x1b8: {  	v45 =	vadd.f32 v57, v32;
	[tilespmem:s0+$0x2120] =	vst v56;
	v46 =	vld [tilespmem:$0x400]  }
0x1b9: {  	s3 =	sor.u32 $0x1870, s1;
	[tilespmem:s0+$0x2130] =	vst v47;
	v57 =	vadd.f32 v53, v37  }
0x1ba: {  	v47 =	vld [tilespmem:$0xA00];
	[tilespmem:s3+$0x1100] =	vst v45;
	v44 =	vadd.f32 v53, v35  }
0x1bb: {  	v58 =	vadd.f32 v55, v38;
	[tilespmem:s0+$0x2580] =	vst v57  }
0x1bc: {  	v59 =	vld [tilespmem:$0xF00];
	v42 =	vadd.f32 v55, v39;
	[tilespmem:s0+$0x2590] =	vst v44  }
0x1bd: {  	v60 =	vadd.f32 v46, v40;
	[tilespmem:s18+$0x15C0] =	vst v58;
	v61 =	vld [tilespmem:$0xB80]  }
0x1be: {  	v46 =	vadd.f32 v46, v41;
	[tilespmem:s18+$0x15D0] =	vst v42  }
0x1bf: {  	v62 =	vadd.f32 v47, v36;
	[tilespmem:s18+$0x1540] =	vst v60;
	v42 =	vld [tilespmem:$0x480]  }
0x1c0: {  	v47 =	vadd.f32 v47, v34;
	[tilespmem:s18+$0x1550] =	vst v46  }
0x1c1: {  	v63 =	vadd.f32 v59, v33;
	[tilespmem:s0+$0x2140] =	vst v62;
	v52 =	vld [tilespmem:$0x480]  }
0x1c2: {  	s4 =	sor.u32 $0x1C00, s1;
	[tilespmem:s0+$0x2150] =	vst v47;
	v53 =	vadd.f32 v61, v37  }
0x1c3: {  	v47 =	vld [tilespmem:$0xA80];
	[tilespmem:s4+$0x1100] =	vst v63;
	v45 =	vadd.f32 v61, v35  }
0x1c4: {  	v54 =	vadd.f32 v42, v38;
	[tilespmem:s0+$0x25A0] =	vst v53  }
0x1c5: {  	v42 =	vadd.f32 v42, v39;
	[tilespmem:s0+$0x25B0] =	vst v45  }
0x1c6: {  	v55 =	vadd.f32 v52, v40;
	[tilespmem:s18+$0x15E0] =	vst v54;
	v45 =	vld [tilespmem:$0xC00]  }
0x1c7: {  	v56 =	vadd.f32 v52, v41;
	[tilespmem:s18+$0x15F0] =	vst v42  }
0x1c8: {  	v57 =	vadd.f32 v47, v36;
	[tilespmem:s18+$0x1560] =	vst v55;
	v42 =	vld [tilespmem:$0x500]  }
0x1c9: {  	v47 =	vadd.f32 v47, v34;
	[tilespmem:s18+$0x1570] =	vst v56  }
0x1ca: {  	v43 =	vadd.f32 v59, v32;
	[tilespmem:s0+$0x2160] =	vst v57;
	v46 =	vld [tilespmem:$0x500]  }
0x1cb: {  	s5 =	sor.u32 $0x1C10, s1;
	[tilespmem:s0+$0x2170] =	vst v47;
	v58 =	vadd.f32 v45, v37  }
0x1cc: {  	[tilespmem:s5+$0x1100] =	vst v43;
	v47 =	vld [tilespmem:$0xB00];
	v45 =	vadd.f32 v45, v35  }
0x1cd: {  	v59 =	vadd.f32 v42, v38;
	[tilespmem:s0+$0x25C0] =	vst v58  }
0x1ce: {  	v60 =	vld [tilespmem:$0xF80];
	v42 =	vadd.f32 v42, v39;
	[tilespmem:s0+$0x25D0] =	vst v45  }
0x1cf: {  	v61 =	vadd.f32 v46, v40;
	[tilespmem:s18+$0x1980] =	vst v59;
	v62 =	vld [tilespmem:$0xC80]  }
0x1d0: {  	v46 =	vadd.f32 v46, v41;
	[tilespmem:s18+$0x1990] =	vst v42  }
0x1d1: {  	v63 =	vadd.f32 v47, v36;
	[tilespmem:s18+$0x1900] =	vst v61;
	v42 =	vld [tilespmem:$0x580]  }
0x1d2: {  	v47 =	vadd.f32 v47, v34;
	[tilespmem:s18+$0x1910] =	vst v46  }
0x1d3: {  	v52 =	vadd.f32 v60, v33;
	[tilespmem:s0+$0x2500] =	vst v63;
	v53 =	vld [tilespmem:$0x580]  }
0x1d4: {  	s6 =	sor.u32 $0x1C20, s1;
	[tilespmem:s0+$0x2510] =	vst v47;
	v54 =	vadd.f32 v62, v37  }
0x1d5: {  	[tilespmem:s6+$0x1100] =	vst v52;
	v47 =	vld [tilespmem:$0xB80];
	v43 =	vadd.f32 v62, v35  }
0x1d6: {  	v55 =	vadd.f32 v42, v38;
	[tilespmem:s0+$0x25E0] =	vst v54  }
0x1d7: {  	v42 =	vadd.f32 v42, v39;
	[tilespmem:s0+$0x25F0] =	vst v43  }
0x1d8: {  	v56 =	vadd.f32 v53, v40;
	[tilespmem:s18+$0x19A0] =	vst v55;
	v45 =	vld [tilespmem:$0xD00]  }
0x1d9: {  	s26 =	simm.s32 $0x1;
	v57 =	vadd.f32 v53, v41;
	[tilespmem:s18+$0x19B0] =	vst v42  }
0x1da: {  	s7 =	sand.u32 $0x3, s26;
	v58 =	vadd.f32 v47, v36;
	[tilespmem:s18+$0x1920] =	vst v56;
	v42 =	vld [tilespmem:$0x600]  }
0x1db: {  	s2 =	sshll.u32 s7, $0x8;
	v47 =	vadd.f32 v47, v34;
	[tilespmem:s18+$0x1930] =	vst v57  }
0x1dc: {  	s9 =	sadd.s32 $0x800, s2;
	v44 =	vadd.f32 v60, v32;
	[tilespmem:s0+$0x2520] =	vst v58;
	v46 =	vld [tilespmem:$0x600]  }
0x1dd: {  	s8 =	sor.u32 $0x1C30, s1;
	s29 =	sadd.s32 $0x80, s9;
	[tilespmem:s0+$0x2530] =	vst v47;
	v59 =	vadd.f32 v45, v37  }
0x1de: {  	s11 =	sor.u32 $0x1800, s29;
	[tilespmem:s8+$0x1100] =	vst v44;
	v47 =	vld [tilespmem:$0xC00];
	v45 =	vadd.f32 v45, v35  }
0x1df: {  	s12 =	sor.u32 $0x1810, s29;
	v60 =	vadd.f32 v42, v38;
	[tilespmem:s11+$0x1100] =	vst v59  }
0x1e0: {  	v43 =	vld [tilespmem:$0x1000];
	v42 =	vadd.f32 v42, v39;
	[tilespmem:s12+$0x1100] =	vst v45  }
0x1e1: {  	v61 =	vadd.f32 v46, v40;
	[tilespmem:s18+$0x19C0] =	vst v60;
	v62 =	vld [tilespmem:$0xD80]  }
0x1e2: {  	v46 =	vadd.f32 v46, v41;
	[tilespmem:s18+$0x19D0] =	vst v42  }
0x1e3: {  	v63 =	vadd.f32 v47, v36;
	[tilespmem:s18+$0x1940] =	vst v61;
	v42 =	vld [tilespmem:$0x680]  }
0x1e4: {  	v47 =	vadd.f32 v47, v34;
	[tilespmem:s18+$0x1950] =	vst v46  }
0x1e5: {  	v52 =	vadd.f32 v43, v33;
	[tilespmem:s0+$0x2540] =	vst v63;
	v53 =	vld [tilespmem:$0x680]  }
0x1e6: {  	s13 =	sor.u32 $0x1C40, s1;
	[tilespmem:s0+$0x2550] =	vst v47;
	v54 =	vadd.f32 v62, v37  }
0x1e7: {  	s14 =	sor.u32 $0x1820, s29;
	[tilespmem:s13+$0x1100] =	vst v52;
	v47 =	vld [tilespmem:$0xC80];
	v44 =	vadd.f32 v62, v35  }
0x1e8: {  	s15 =	sor.u32 $0x1830, s29;
	v55 =	vadd.f32 v42, v38;
	[tilespmem:s14+$0x1100] =	vst v54  }
0x1e9: {  	v42 =	vadd.f32 v42, v39;
	[tilespmem:s15+$0x1100] =	vst v44  }
0x1ea: {  	v56 =	vadd.f32 v53, v40;
	[tilespmem:s18+$0x19E0] =	vst v55;
	v45 =	vld [tilespmem:$0xE00]  }
0x1eb: {  	v57 =	vadd.f32 v53, v41;
	[tilespmem:s18+$0x19F0] =	vst v42  }
0x1ec: {  	p0 =	por p2, p2;
	s31 =	simm.s32 $0x1000;
	s21 =	sor.u32 $0x1C70, s1;
	v59 =	vadd.f32 v47, v36;
	[tilespmem:s18+$0x1960] =	vst v56;
	v58 =	vld [tilespmem:$0x700]  }
0x1ed: {  	s22 =	sor.u32 $0x1C60, s1;
	s2 =	sor.u32 $0x1800, s9;
	s30 =	sor.u32 $0x1C10, s9;
	v60 =	vadd.f32 v47, v34;
	[tilespmem:s18+$0x1970] =	vst v57  }
0x1ee: {  	s28 =	sor.u32 $0x1C20, s9;
	s25 =	sor.u32 $0x1C30, s9;
	s24 =	sor.u32 $0x1C40, s9;
	v43 =	vadd.f32 v43, v32;
	[tilespmem:s0+$0x2560] =	vst v59;
	v61 =	vld [tilespmem:$0x700]  }
0x1ef: {  	s23 =	sor.u32 $0x1C50, s9;
	s16 =	sor.u32 $0x1850, s29;
	[tilespmem:s0+$0x2570] =	vst v60;
	s14 =	sor.u32 $0x1C50, s1;
	v62 =	vadd.f32 v45, v37  }
0x1f0: {  	s4 =	sor.u32 $0x1810, s9;
	s5 =	simm.s32 $0x4;
	s15 =	sor.u32 $0x1840, s29;
	[tilespmem:s14+$0x1100] =	vst v43;
	v44 =	vld [tilespmem:$0xD00];
	v45 =	vadd.f32 v45, v35  }
0x1f1: {  	s6 =	sor.u32 $0x1860, s9;
	s8 =	sor.u32 $0x1850, s9;
	s13 =	sor.u32 $0x1840, s9;
	v42 =	vld [tilespmem:$0x1080];
	v63 =	vadd.f32 v58, v38;
	[tilespmem:s15+$0x1100] =	vst v62  }
0x1f2: {  	s11 =	sor.u32 $0x1830, s9;
	s12 =	sor.u32 $0x1820, s9;
	s0 =	sor.u32 $0x1C00, s9;
	v47 =	vadd.f32 v58, v39;
	[tilespmem:s16+$0x1100] =	vst v45  }
0x1f3: {  	s1 =	sor.u32 $0x1870, s9;
	s14 =	sor.u32 $0x1C70, s9;
	v46 =	vadd.f32 v61, v40;
	[tilespmem:s18+$0x1D80] =	vst v63;
	s15 =	sor.u32 $0x1C60, s9;
	v45 =	vadd.f32 v61, v41;
	v43 =	vld [tilespmem:$0xE80]  }
.LBB2_3:
0x1f4: {  	s9 =	sadd.s32 $0x21, s5;
	[tilespmem:s18+$0x1D90] =	vst v47  }
0x1f5: {  	v47 =	vadd.s32 s9, v0;
	s9 =	sadd.s32 $0x11, s5;
	[tilespmem:s18+$0x1D00] =	vst v46;
	v46 =	vld [tilespmem:$0x780];
	v48 =	vadd.f32 v44, v36;
	v44 =	vadd.f32 v44, v34  }
0x1f6: {  	v49 =	vadd.s32 s9, v0;
	[tilespmem:s18+$0x1D10] =	vst v45;
	v45 =	vadd.f32 v42, v33;
	v42 =	vadd.f32 v42, v32;
	v33 =	vmovc v36  }
0x1f7: {  	v36 =	vmov v40;
	v32 =	vmov v34;
	v34 =	vmov v41;
	v50 =	vld [tilespmem:$0x780];
	[tilespmem:s2+$0x1100] =	vst v48  }
0x1f8: {  	[tilespmem:s4+$0x1100] =	vst v44;
	v41 =	vadd.f32 v43, v37  }
0x1f9: {  	s2 =	sadd.s32 $0x22, s5;
	s4 =	sor.u32 $0x1860, s29;
	v43 =	vadd.f32 v43, v35;
	v44 =	vld [tilespmem:$0xD80];
	[tilespmem:s22+$0x1100] =	vst v45;
	s22 =	smov.u32 s15  }
0x1fa: {  	v45 =	vadd.s32 s2, v0;
	s2 =	sadd.s32 $0x12, s5;
	v40 =	vld.idx.msk [tilespmem:v47+s10+$0x0], $0xffff;
	v47 =	vadd.f32 v46, v38;
	[tilespmem:s4+$0x1100] =	vst v41;
	s4 =	sor.u32 $0x1870, s29  }
0x1fb: {  	v48 =	vadd.s32 s2, v0;
	v46 =	vadd.f32 v46, v39;
	v41 =	vld.idx.msk [tilespmem:v49+s10+$0x0], $0xffff;
	[tilespmem:s4+$0x1100] =	vst v43  }
0x1fc: {  	v43 =	vadd.f32 v50, v36;
	v49 =	vadd.f32 v50, v34;
	[tilespmem:s18+$0x1DA0] =	vst v47;
	v47 =	vld [tilespmem:$0xF00]  }
0x1fd: {  	v50 =	vld [tilespmem:$0x100];
	[tilespmem:s18+$0x1DB0] =	vst v46  }
0x1fe: {  	[tilespmem:s18+$0x1D20] =	vst v43;
	v43 =	vld [tilespmem:$0x800];
	v46 =	vadd.f32 v44, v33;
	v44 =	vadd.f32 v44, v32  }
0x1ff: {  	v45 =	vld.idx.msk [tilespmem:v45+s10+$0x0], $0xffff;
	[tilespmem:s18+$0x1D30] =	vst v49  }
0x200: {  	v48 =	vld.idx.msk [tilespmem:v48+s10+$0x0], $0xffff;
	[tilespmem:s12+$0x1100] =	vst v46  }
0x201: {  	v46 =	vld [tilespmem:$0x800];
	[tilespmem:s11+$0x1100] =	vst v44;
	v44 =	vadd.f32 v47, v37  }
0x202: {  	s2 =	sor.u32 $0x1C00, s29;
	v47 =	vadd.f32 v47, v35;
	v49 =	vadd.f32 v50, v40;
	v51 =	vld [tilespmem:$0xE00];
	[tilespmem:s21+$0x1100] =	vst v42;
	s21 =	smov.u32 s14  }
0x203: {  	v42 =	vadd.f32 v50, v41;
	v52 =	vadd.f32 v43, v38;
	[tilespmem:s2+$0x1100] =	vst v44;
	s2 =	sor.u32 $0x1C10, s29  }
0x204: {  	s19 =	sadd.s32 $0x100, s19;
	s20 =	sadd.s32 $0x800, s20;
	v43 =	vadd.f32 v43, v39;
	[tilespmem:s2+$0x1100] =	vst v47  }
0x205: {  	s4 =	sand.u32 $0x300, s19;
	s2 =	sand.u32 $0x6000, s20;
	v44 =	vadd.f32 v45, v50;
	[tilespmem:s18+$0x1DC0] =	vst v52;
	v47 =	vld [tilespmem:$0xF80]  }
0x206: {  	s9 =	sor.u32 s4, s2;
	v50 =	vadd.f32 v48, v50;
	v52 =	vadd.f32 v46, v36;
	[tilespmem:s18+$0x1DD0] =	vst v43  }
0x207: {  	v43 =	vadd.f32 v46, v34;
	[tilespmem:s9+$0x1180] =	vst v44;
	v44 =	vld [tilespmem:$0x880];
	v46 =	vadd.f32 v51, v33  }
0x208: {  	[tilespmem:s9+$0x1190] =	vst v50;
	v50 =	vadd.f32 v51, v32  }
0x209: {  	[tilespmem:s9+$0x1100] =	vst v49;
	v49 =	vld [tilespmem:$0x180]  }
0x20a: {  	[tilespmem:s9+$0x1110] =	vst v42;
	v42 =	vadd.f32 v47, v37  }
0x20b: {  	s2 =	sor.u32 $0x1C20, s29;
	v47 =	vadd.f32 v47, v35;
	v51 =	vld [tilespmem:$0x180];
	[tilespmem:s18+$0x1D40] =	vst v52  }
0x20c: {  	v52 =	vadd.f32 v44, v38;
	[tilespmem:s2+$0x1100] =	vst v42;
	s2 =	sor.u32 $0x1C30, s29  }
0x20d: {  	v42 =	vadd.f32 v44, v39;
	[tilespmem:s2+$0x1100] =	vst v47  }
0x20e: {  	v44 =	vadd.f32 v49, v45;
	[tilespmem:s18+$0x1DE0] =	vst v52;
	v47 =	vld [tilespmem:$0x1000]  }
0x20f: {  	v49 =	vadd.f32 v49, v48;
	[tilespmem:s18+$0x1DF0] =	vst v42  }
0x210: {  	v42 =	vadd.f32 v51, v40;
	v51 =	vadd.f32 v51, v41;
	[tilespmem:s9+$0x11A0] =	vst v44;
	v44 =	vld [tilespmem:$0x900]  }
0x211: {  	[tilespmem:s9+$0x11B0] =	vst v49  }
0x212: {  	[tilespmem:s9+$0x1120] =	vst v42;
	v42 =	vld [tilespmem:$0x200]  }
0x213: {  	[tilespmem:s9+$0x1130] =	vst v51;
	v49 =	vadd.f32 v47, v37  }
0x214: {  	s2 =	sor.u32 $0x1C40, s29;
	v51 =	vld [tilespmem:$0x200];
	[tilespmem:s18+$0x1D50] =	vst v43;
	v43 =	vadd.f32 v47, v35  }
0x215: {  	v47 =	vld [tilespmem:$0x880];
	v52 =	vadd.f32 v44, v38;
	[tilespmem:s2+$0x1100] =	vst v49;
	s2 =	sor.u32 $0x1C50, s29  }
0x216: {  	v44 =	vadd.f32 v44, v39;
	[tilespmem:s2+$0x1100] =	vst v43  }
0x217: {  	v43 =	vadd.f32 v42, v45;
	[tilespmem:s18+$0x2180] =	vst v52;
	v49 =	vld [tilespmem:$0x1080]  }
0x218: {  	v42 =	vadd.f32 v42, v48;
	[tilespmem:s18+$0x2190] =	vst v44  }
0x219: {  	s5 =	sadd.s32 $0x2, s5;
	v44 =	vadd.f32 v51, v40;
	v51 =	vadd.f32 v51, v41;
	[tilespmem:s9+$0x11C0] =	vst v43;
	v43 =	vld [tilespmem:$0x980]  }
0x21a: {  	p2 =	slt.u32 s5, $0x1E;
	[tilespmem:s9+$0x11D0] =	vst v42;
	v42 =	vadd.f32 v47, v36;
	v47 =	vadd.f32 v47, v34  }
0x21b: {  	[tilespmem:s9+$0x1140] =	vst v44;
	v44 =	vld [tilespmem:$0x280]  }
0x21c: {  	[tilespmem:s9+$0x1150] =	vst v51;
	v51 =	vadd.f32 v49, v37;
	v37 =	vmov v38;
	v38 =	vmov v45  }
0x21d: {  	s2 =	sor.u32 $0x1C60, s29;
	v45 =	vld [tilespmem:$0x280];
	[tilespmem:s18+$0x1D60] =	vst v42;
	v42 =	vadd.f32 v49, v35;
	v35 =	vmov v39;
	v39 =	vmov v48  }
0x21e: {  	v48 =	vadd.f32 v43, v37;
	[tilespmem:s2+$0x1100] =	vst v51;
	s2 =	sor.u32 $0x1C70, s29  }
0x21f: {  	v43 =	vadd.f32 v43, v35;
	[tilespmem:s2+$0x1100] =	vst v42  }
0x220: {  	v42 =	vadd.f32 v44, v38;
	[tilespmem:s18+$0x21A0] =	vst v48  }
0x221: {  	v44 =	vadd.f32 v44, v39;
	[tilespmem:s18+$0x21B0] =	vst v43  }
0x222: {  	v43 =	vadd.f32 v45, v40;
	v45 =	vadd.f32 v45, v41;
	[tilespmem:s9+$0x11E0] =	vst v42;
	v42 =	vld [tilespmem:$0xA00]  }
0x223: {  	[tilespmem:s9+$0x11F0] =	vst v44  }
0x224: {  	[tilespmem:s9+$0x1160] =	vst v43;
	v43 =	vld [tilespmem:$0x300]  }
0x225: {  	[tilespmem:s9+$0x1170] =	vst v45  }
0x226: {  	v44 =	vld [tilespmem:$0x300];
	[tilespmem:s18+$0x1D70] =	vst v47  }
0x227: {  	v45 =	vld [tilespmem:$0x900];
	v47 =	vadd.f32 v42, v37;
	[tilespmem:s13+$0x1100] =	vst v46  }
0x228: {  	v42 =	vadd.f32 v42, v35;
	[tilespmem:s8+$0x1100] =	vst v50  }
0x229: {  	v46 =	vadd.f32 v43, v38;
	[tilespmem:s18+$0x21C0] =	vst v47;
	v47 =	vld [tilespmem:$0xE80]  }
0x22a: {  	v43 =	vadd.f32 v43, v39;
	[tilespmem:s18+$0x21D0] =	vst v42  }
0x22b: {  	v42 =	vadd.f32 v44, v40;
	v44 =	vadd.f32 v44, v41;
	[tilespmem:s9+$0x1580] =	vst v46;
	v46 =	vld [tilespmem:$0xA80]  }
0x22c: {  	[tilespmem:s9+$0x1590] =	vst v43;
	v43 =	vadd.f32 v45, v36;
	v45 =	vadd.f32 v45, v34  }
0x22d: {  	[tilespmem:s9+$0x1500] =	vst v42;
	v42 =	vld [tilespmem:$0x380]  }
0x22e: {  	[tilespmem:s9+$0x1510] =	vst v44;
	v44 =	vadd.f32 v47, v33;
	v47 =	vadd.f32 v47, v32  }
0x22f: {  	v48 =	vld [tilespmem:$0x380];
	[tilespmem:s18+$0x2100] =	vst v43  }
0x230: {  	[tilespmem:s18+$0x2110] =	vst v45;
	v43 =	vadd.f32 v46, v37  }
0x231: {  	v46 =	vadd.f32 v46, v35;
	v45 =	vld [tilespmem:$0x980];
	[tilespmem:s6+$0x1100] =	vst v44  }
0x232: {  	v44 =	vadd.f32 v42, v38;
	[tilespmem:s18+$0x21E0] =	vst v43  }
0x233: {  	v42 =	vadd.f32 v42, v39;
	[tilespmem:s18+$0x21F0] =	vst v46  }
0x234: {  	v43 =	vadd.f32 v48, v40;
	v46 =	vadd.f32 v48, v41;
	[tilespmem:s9+$0x15A0] =	vst v44;
	v44 =	vld [tilespmem:$0xB00]  }
0x235: {  	[tilespmem:s9+$0x15B0] =	vst v42  }
0x236: {  	[tilespmem:s9+$0x1520] =	vst v43;
	v42 =	vld [tilespmem:$0x400];
	v43 =	vadd.f32 v45, v36;
	v45 =	vadd.f32 v45, v34  }
0x237: {  	[tilespmem:s9+$0x1530] =	vst v46  }
0x238: {  	v46 =	vld [tilespmem:$0x400];
	[tilespmem:s18+$0x2120] =	vst v43  }
0x239: {  	[tilespmem:s18+$0x2130] =	vst v45;
	v43 =	vadd.f32 v44, v37  }
0x23a: {  	v44 =	vadd.f32 v44, v35;
	v45 =	vld [tilespmem:$0xA00];
	[tilespmem:s1+$0x1100] =	vst v47  }
0x23b: {  	v47 =	vadd.f32 v42, v38;
	[tilespmem:s18+$0x2580] =	vst v43;
	v43 =	vld [tilespmem:$0xF00]  }
0x23c: {  	v42 =	vadd.f32 v42, v39;
	[tilespmem:s18+$0x2590] =	vst v44  }
0x23d: {  	v44 =	vadd.f32 v46, v40;
	v46 =	vadd.f32 v46, v41;
	[tilespmem:s9+$0x15C0] =	vst v47;
	v47 =	vld [tilespmem:$0xB80]  }
0x23e: {  	[tilespmem:s9+$0x15D0] =	vst v42  }
0x23f: {  	[tilespmem:s9+$0x1540] =	vst v44;
	v42 =	vld [tilespmem:$0x480];
	v44 =	vadd.f32 v45, v36;
	v45 =	vadd.f32 v45, v34  }
0x240: {  	[tilespmem:s9+$0x1550] =	vst v46;
	v46 =	vadd.f32 v43, v33;
	v43 =	vadd.f32 v43, v32  }
0x241: {  	v48 =	vld [tilespmem:$0x480];
	[tilespmem:s18+$0x2140] =	vst v44  }
0x242: {  	[tilespmem:s18+$0x2150] =	vst v45;
	v44 =	vadd.f32 v47, v37  }
0x243: {  	v47 =	vadd.f32 v47, v35;
	v45 =	vld [tilespmem:$0xA80];
	[tilespmem:s0+$0x1100] =	vst v46  }
0x244: {  	v46 =	vadd.f32 v42, v38;
	[tilespmem:s18+$0x25A0] =	vst v44  }
0x245: {  	v42 =	vadd.f32 v42, v39;
	[tilespmem:s18+$0x25B0] =	vst v47  }
0x246: {  	v44 =	vadd.f32 v48, v40;
	v47 =	vadd.f32 v48, v41;
	[tilespmem:s9+$0x15E0] =	vst v46;
	v46 =	vld [tilespmem:$0xC00]  }
0x247: {  	[tilespmem:s9+$0x15F0] =	vst v42  }
0x248: {  	[tilespmem:s9+$0x1560] =	vst v44;
	v42 =	vld [tilespmem:$0x500];
	v44 =	vadd.f32 v45, v36;
	v45 =	vadd.f32 v45, v34  }
0x249: {  	[tilespmem:s9+$0x1570] =	vst v47  }
0x24a: {  	v47 =	vld [tilespmem:$0x500];
	[tilespmem:s18+$0x2160] =	vst v44  }
0x24b: {  	[tilespmem:s18+$0x2170] =	vst v45;
	v44 =	vadd.f32 v46, v37  }
0x24c: {  	v46 =	vadd.f32 v46, v35;
	v45 =	vld [tilespmem:$0xB00];
	[tilespmem:s30+$0x1100] =	vst v43  }
0x24d: {  	v43 =	vadd.f32 v42, v38;
	[tilespmem:s18+$0x25C0] =	vst v44;
	v44 =	vld [tilespmem:$0xF80]  }
0x24e: {  	v42 =	vadd.f32 v42, v39;
	[tilespmem:s18+$0x25D0] =	vst v46  }
0x24f: {  	v46 =	vadd.f32 v47, v40;
	v47 =	vadd.f32 v47, v41;
	[tilespmem:s9+$0x1980] =	vst v43;
	v43 =	vld [tilespmem:$0xC80]  }
0x250: {  	[tilespmem:s9+$0x1990] =	vst v42  }
0x251: {  	[tilespmem:s9+$0x1900] =	vst v46;
	v42 =	vld [tilespmem:$0x580];
	v46 =	vadd.f32 v45, v36;
	v45 =	vadd.f32 v45, v34  }
0x252: {  	[tilespmem:s9+$0x1910] =	vst v47;
	v47 =	vadd.f32 v44, v33;
	v44 =	vadd.f32 v44, v32  }
0x253: {  	v48 =	vld [tilespmem:$0x580];
	[tilespmem:s18+$0x2500] =	vst v46  }
0x254: {  	[tilespmem:s18+$0x2510] =	vst v45;
	v45 =	vadd.f32 v43, v37  }
0x255: {  	v43 =	vadd.f32 v43, v35;
	v46 =	vld [tilespmem:$0xB80];
	[tilespmem:s28+$0x1100] =	vst v47  }
0x256: {  	v47 =	vadd.f32 v42, v38;
	[tilespmem:s18+$0x25E0] =	vst v45  }
0x257: {  	v42 =	vadd.f32 v42, v39;
	[tilespmem:s18+$0x25F0] =	vst v43  }
0x258: {  	v43 =	vadd.f32 v48, v40;
	v45 =	vadd.f32 v48, v41;
	[tilespmem:s9+$0x19A0] =	vst v47;
	v47 =	vld [tilespmem:$0xD00]  }
0x259: {  	s26 =	sadd.s32 $0x1, s26;
	[tilespmem:s9+$0x19B0] =	vst v42  }
0x25a: {  	s0 =	sand.u32 $0x3, s26;
	[tilespmem:s9+$0x1920] =	vst v43;
	v42 =	vld [tilespmem:$0x600];
	v43 =	vadd.f32 v46, v36;
	v46 =	vadd.f32 v46, v34  }
0x25b: {  	s0 =	sshll.u32 s0, $0x8;
	[tilespmem:s9+$0x1930] =	vst v45  }
0x25c: {  	s14 =	sadd.s32 s0, s31;
	s31 =	smov.u32 s20;
	v45 =	vld [tilespmem:$0x600];
	[tilespmem:s18+$0x2520] =	vst v43  }
0x25d: {  	s2 =	sor.u32 $0x1800, s14;
	s4 =	sor.u32 $0x1810, s14;
	s29 =	sadd.s32 $0x80, s14;
	[tilespmem:s18+$0x2530] =	vst v46;
	v43 =	vadd.f32 v47, v37  }
0x25e: {  	s12 =	sor.u32 $0x1820, s14;
	s11 =	sor.u32 $0x1830, s14;
	s0 =	sor.u32 $0x1800, s29;
	v47 =	vadd.f32 v47, v35;
	v46 =	vld [tilespmem:$0xC00];
	[tilespmem:s25+$0x1100] =	vst v44  }
0x25f: {  	s13 =	sor.u32 $0x1840, s14;
	s8 =	sor.u32 $0x1850, s14;
	s15 =	sor.u32 $0x1810, s29;
	v44 =	vadd.f32 v42, v38;
	[tilespmem:s0+$0x1100] =	vst v43;
	v43 =	vld [tilespmem:$0x1000]  }
0x260: {  	s6 =	sor.u32 $0x1860, s14;
	s1 =	sor.u32 $0x1870, s14;
	v42 =	vadd.f32 v42, v39;
	s0 =	sor.u32 $0x1C00, s14;
	[tilespmem:s15+$0x1100] =	vst v47  }
0x261: {  	s30 =	sor.u32 $0x1C10, s14;
	s28 =	sor.u32 $0x1C20, s14;
	s25 =	sor.u32 $0x1C30, s14;
	v47 =	vadd.f32 v45, v40;
	v45 =	vadd.f32 v45, v41;
	[tilespmem:s9+$0x19C0] =	vst v44;
	v44 =	vld [tilespmem:$0xD80]  }
0x262: {  	s3 =	sor.u32 $0x1C40, s14;
	s7 =	sor.u32 $0x1C50, s14;
	s15 =	sor.u32 $0x1C60, s14;
	[tilespmem:s9+$0x19D0] =	vst v42  }
0x263: {  	s14 =	sor.u32 $0x1C70, s14;
	[tilespmem:s9+$0x1940] =	vst v47;
	v42 =	vld [tilespmem:$0x680];
	v47 =	vadd.f32 v46, v36;
	v46 =	vadd.f32 v46, v34  }
0x264: {  	[tilespmem:s9+$0x1950] =	vst v45;
	v45 =	vadd.f32 v43, v33;
	v43 =	vadd.f32 v43, v32  }
0x265: {  	v48 =	vld [tilespmem:$0x680];
	[tilespmem:s18+$0x2540] =	vst v47  }
0x266: {  	[tilespmem:s18+$0x2550] =	vst v46;
	v46 =	vadd.f32 v44, v37  }
0x267: {  	s16 =	sor.u32 $0x1820, s29;
	v44 =	vadd.f32 v44, v35;
	v47 =	vld [tilespmem:$0xC80];
	[tilespmem:s24+$0x1100] =	vst v45;
	s24 =	smov.u32 s3  }
0x268: {  	s3 =	sor.u32 $0x1830, s29;
	v45 =	vadd.f32 v42, v38;
	[tilespmem:s16+$0x1100] =	vst v46  }
0x269: {  	v42 =	vadd.f32 v42, v39;
	[tilespmem:s3+$0x1100] =	vst v44  }
0x26a: {  	v44 =	vadd.f32 v48, v40;
	v46 =	vadd.f32 v48, v41;
	[tilespmem:s9+$0x19E0] =	vst v45;
	v45 =	vld [tilespmem:$0xE00]  }
0x26b: {  	[tilespmem:s9+$0x19F0] =	vst v42  }
0x26c: {  	[tilespmem:s9+$0x1960] =	vst v44;
	v48 =	vld [tilespmem:$0x700];
	v42 =	vadd.f32 v47, v36;
	v44 =	vadd.f32 v47, v34  }
0x26d: {  	[tilespmem:s9+$0x1970] =	vst v46  }
0x26e: {  	v49 =	vld [tilespmem:$0x700];
	[tilespmem:s18+$0x2560] =	vst v42  }
.Ltmp0:
0x26f: {  	[tilespmem:s18+$0x2570] =	vst v44;
	v42 =	vadd.f32 v45, v37;
	s18 =	smov.u32 s9;
	(pc) =	sbr.rel @p2 .LBB2_3-.Ltmp0, $4  }
0x270: {  	s3 =	sor.u32 $0x1840, s29;
	v45 =	vadd.f32 v45, v35;
	v44 =	vld [tilespmem:$0xD00];
	[tilespmem:s23+$0x1100] =	vst v43;
	s23 =	smov.u32 s7  }
0x271: {  	v43 =	vadd.f32 v48, v38;
	[tilespmem:s3+$0x1100] =	vst v42;
	s3 =	sor.u32 $0x1850, s29;
	v42 =	vld [tilespmem:$0x1080]  }
0x272: {  	v47 =	vadd.f32 v48, v39;
	[tilespmem:s3+$0x1100] =	vst v45  }
0x273: {  	v46 =	vadd.f32 v49, v40;
	v45 =	vadd.f32 v49, v41;
	[tilespmem:s18+$0x1D80] =	vst v43;
	v43 =	vld [tilespmem:$0xE80]  }
0x274: {  	[tilespmem:s18+$0x1D90] =	vst v47  }
0x275: {  	v47 =	vld [tilespmem:$0x780];
	_ =	sdelay $0x4  }
0x276: {  	[tilespmem:s18+$0x1D00] =	vst v46;
	v48 =	vadd.f32 v47, v38  }
0x277: {  	[tilespmem:s18+$0x1D10] =	vst v45;
	v47 =	vadd.f32 v47, v39  }
0x278: {  	v45 =	vld [tilespmem:$0x780];
	[tilespmem:s18+$0x1DA0] =	vst v48  }
0x279: {  	[tilespmem:s18+$0x1DB0] =	vst v47  }
0x27a: {  	v50 =	vld [tilespmem:$0x800];
	_ =	sdelay $0x2  }
0x27b: {  	v52 =	vadd.f32 v45, v40  }
0x27c: {  	v45 =	vadd.f32 v45, v41  }
0x27d: {  	[tilespmem:s18+$0x1D20] =	vst v52;
	v51 =	vadd.f32 v50, v38  }
0x27e: {  	[tilespmem:s18+$0x1D30] =	vst v45;
	v46 =	vadd.f32 v50, v39  }
0x27f: {  	v45 =	vld [tilespmem:$0x800];
	[tilespmem:s18+$0x1DC0] =	vst v51  }
0x280: {  	[tilespmem:s18+$0x1DD0] =	vst v46  }
0x281: {  	v46 =	vld [tilespmem:$0x880];
	_ =	sdelay $0x2  }
0x282: {  	v54 =	vadd.f32 v45, v40  }
0x283: {  	v45 =	vadd.f32 v45, v41  }
0x284: {  	[tilespmem:s18+$0x1D40] =	vst v54;
	v53 =	vadd.f32 v46, v38  }
0x285: {  	[tilespmem:s18+$0x1D50] =	vst v45;
	v46 =	vadd.f32 v46, v39  }
0x286: {  	v45 =	vld [tilespmem:$0x880];
	[tilespmem:s18+$0x1DE0] =	vst v53  }
0x287: {  	[tilespmem:s18+$0x1DF0] =	vst v46  }
0x288: {  	v46 =	vld [tilespmem:$0x900];
	_ =	sdelay $0x2  }
0x289: {  	v56 =	vadd.f32 v45, v40  }
0x28a: {  	v45 =	vadd.f32 v45, v41  }
0x28b: {  	[tilespmem:s18+$0x1D60] =	vst v56;
	v55 =	vadd.f32 v46, v38  }
0x28c: {  	[tilespmem:s18+$0x1D70] =	vst v45;
	v46 =	vadd.f32 v46, v39  }
0x28d: {  	v45 =	vld [tilespmem:$0x900];
	[tilespmem:s18+$0x2180] =	vst v55  }
0x28e: {  	[tilespmem:s18+$0x2190] =	vst v46  }
0x28f: {  	v46 =	vld [tilespmem:$0x980];
	_ =	sdelay $0x2  }
0x290: {  	v58 =	vadd.f32 v45, v40  }
0x291: {  	v45 =	vadd.f32 v45, v41  }
0x292: {  	[tilespmem:s18+$0x2100] =	vst v58;
	v57 =	vadd.f32 v46, v38  }
0x293: {  	[tilespmem:s18+$0x2110] =	vst v45;
	v46 =	vadd.f32 v46, v39  }
0x294: {  	v45 =	vld [tilespmem:$0x980];
	[tilespmem:s18+$0x21A0] =	vst v57  }
0x295: {  	[tilespmem:s18+$0x21B0] =	vst v46  }
0x296: {  	v46 =	vld [tilespmem:$0xA00];
	_ =	sdelay $0x2  }
0x297: {  	v60 =	vadd.f32 v45, v40  }
0x298: {  	v45 =	vadd.f32 v45, v41  }
0x299: {  	[tilespmem:s18+$0x2120] =	vst v60;
	v59 =	vadd.f32 v46, v38  }
0x29a: {  	[tilespmem:s18+$0x2130] =	vst v45;
	v46 =	vadd.f32 v46, v39  }
0x29b: {  	v45 =	vld [tilespmem:$0xA00];
	[tilespmem:s18+$0x21C0] =	vst v59  }
0x29c: {  	[tilespmem:s18+$0x21D0] =	vst v46  }
0x29d: {  	v46 =	vld [tilespmem:$0xA80];
	_ =	sdelay $0x2  }
0x29e: {  	v62 =	vadd.f32 v45, v40  }
0x29f: {  	v45 =	vadd.f32 v45, v41  }
0x2a0: {  	[tilespmem:s18+$0x2140] =	vst v62;
	v61 =	vadd.f32 v46, v38  }
0x2a1: {  	[tilespmem:s18+$0x2150] =	vst v45;
	v46 =	vadd.f32 v46, v39  }
0x2a2: {  	v45 =	vld [tilespmem:$0xA80];
	[tilespmem:s18+$0x21E0] =	vst v61  }
0x2a3: {  	[tilespmem:s18+$0x21F0] =	vst v46  }
0x2a4: {  	v46 =	vld [tilespmem:$0xB00];
	_ =	sdelay $0x2  }
0x2a5: {  	v48 =	vadd.f32 v45, v40  }
0x2a6: {  	v45 =	vadd.f32 v45, v41  }
0x2a7: {  	[tilespmem:s18+$0x2160] =	vst v48;
	v63 =	vadd.f32 v46, v38  }
0x2a8: {  	[tilespmem:s18+$0x2170] =	vst v45;
	v46 =	vadd.f32 v46, v39  }
0x2a9: {  	v45 =	vld [tilespmem:$0xB00];
	[tilespmem:s18+$0x2580] =	vst v63  }
0x2aa: {  	[tilespmem:s18+$0x2590] =	vst v46  }
0x2ab: {  	v46 =	vld [tilespmem:$0xB80];
	_ =	sdelay $0x2  }
0x2ac: {  	v50 =	vadd.f32 v45, v40  }
0x2ad: {  	v45 =	vadd.f32 v45, v41  }
0x2ae: {  	[tilespmem:s18+$0x2500] =	vst v50;
	v49 =	vadd.f32 v46, v38  }
0x2af: {  	[tilespmem:s18+$0x2510] =	vst v45;
	v46 =	vadd.f32 v46, v39  }
0x2b0: {  	v45 =	vld [tilespmem:$0xB80];
	[tilespmem:s18+$0x25A0] =	vst v49  }
0x2b1: {  	[tilespmem:s18+$0x25B0] =	vst v46  }
0x2b2: {  	v46 =	vld [tilespmem:$0xC00];
	_ =	sdelay $0x2  }
0x2b3: {  	v52 =	vadd.f32 v45, v40  }
0x2b4: {  	v45 =	vadd.f32 v45, v41  }
0x2b5: {  	[tilespmem:s18+$0x2520] =	vst v52;
	v51 =	vadd.f32 v46, v38  }
0x2b6: {  	[tilespmem:s18+$0x2530] =	vst v45;
	v46 =	vadd.f32 v46, v39  }
0x2b7: {  	v45 =	vld [tilespmem:$0xC00];
	[tilespmem:s18+$0x25C0] =	vst v51  }
0x2b8: {  	[tilespmem:s18+$0x25D0] =	vst v46  }
0x2b9: {  	v46 =	vld [tilespmem:$0xC80]  }
0x2ba: {  	v55 =	vadd.f32 v44, v36  }
0x2bb: {  	v56 =	vadd.f32 v44, v34  }
0x2bc: {  	[tilespmem:s2+$0x1100] =	vst v55;
	v54 =	vadd.f32 v45, v40  }
0x2bd: {  	[tilespmem:s4+$0x1100] =	vst v56;
	v45 =	vadd.f32 v45, v41  }
0x2be: {  	[tilespmem:s18+$0x2540] =	vst v54;
	v53 =	vadd.f32 v46, v38  }
0x2bf: {  	v59 =	vld [tilespmem:$0xD80];
	[tilespmem:s18+$0x2550] =	vst v45;
	v46 =	vadd.f32 v46, v39  }
0x2c0: {  	v45 =	vld [tilespmem:$0xC80];
	[tilespmem:s18+$0x25E0] =	vst v53  }
0x2c1: {  	[tilespmem:s18+$0x25F0] =	vst v46  }
0x2c2: {  	v46 =	vld [tilespmem:$0xD00]  }
0x2c3: {  	s3 =	sadd.s32 $0x1, s26  }
0x2c4: {  	s3 =	sand.u32 $0x3, s3;
	v63 =	vadd.f32 v59, v36  }
0x2c5: {  	s3 =	sshll.u32 s3, $0x8;
	v60 =	vadd.f32 v45, v40  }
0x2c6: {  	s5 =	sadd.s32 s3, s31;
	[tilespmem:s12+$0x1100] =	vst v63;
	v61 =	vadd.f32 v45, v41  }
0x2c7: {  	s2 =	sadd.s32 $0x80, s5;
	[tilespmem:s18+$0x2560] =	vst v60;
	v57 =	vadd.f32 v46, v38  }
0x2c8: {  	s20 =	sor.u32 $0x1800, s2;
	[tilespmem:s18+$0x2570] =	vst v61;
	v58 =	vadd.f32 v46, v39;
	v46 =	vadd.f32 v59, v34  }
0x2c9: {  	v44 =	vld [tilespmem:$0xD00];
	[tilespmem:s20+$0x1100] =	vst v57  }
0x2ca: {  	s26 =	sor.u32 $0x1810, s2;
	[tilespmem:s11+$0x1100] =	vst v46  }
0x2cb: {  	[tilespmem:s26+$0x1100] =	vst v58;
	v46 =	vld [tilespmem:$0xE00]  }
0x2cc: {  	v62 =	vld [tilespmem:$0xD80];
	_ =	sdelay $0x1  }
0x2cd: {  	v49 =	vadd.f32 v44, v40  }
0x2ce: {  	s9 =	sor.u32 $0x1800, s5;
	v44 =	vadd.f32 v44, v41  }
0x2cf: {  	s11 =	sor.u32 $0x1810, s5;
	[tilespmem:s9+$0x1100] =	vst v49;
	v50 =	vadd.f32 v46, v36  }
0x2d0: {  	[tilespmem:s11+$0x1100] =	vst v44;
	v48 =	vadd.f32 v62, v38  }
0x2d1: {  	s4 =	sor.u32 $0x1820, s2;
	v46 =	vadd.f32 v46, v34;
	[tilespmem:s13+$0x1100] =	vst v50  }
0x2d2: {  	v44 =	vld [tilespmem:$0xD80];
	v45 =	vadd.f32 v62, v39;
	[tilespmem:s4+$0x1100] =	vst v48  }
0x2d3: {  	s7 =	sor.u32 $0x1830, s2;
	[tilespmem:s8+$0x1100] =	vst v46  }
0x2d4: {  	[tilespmem:s7+$0x1100] =	vst v45;
	v46 =	vld [tilespmem:$0xE80]  }
0x2d5: {  	v45 =	vld [tilespmem:$0xE00];
	_ =	sdelay $0x1  }
0x2d6: {  	v52 =	vadd.f32 v44, v40  }
0x2d7: {  	s16 =	sor.u32 $0x1820, s5;
	v44 =	vadd.f32 v44, v41  }
0x2d8: {  	s18 =	sor.u32 $0x1830, s5;
	[tilespmem:s16+$0x1100] =	vst v52;
	v55 =	vadd.f32 v46, v36  }
0x2d9: {  	[tilespmem:s18+$0x1100] =	vst v44;
	v51 =	vadd.f32 v45, v38  }
0x2da: {  	s12 =	sor.u32 $0x1840, s2;
	v56 =	vadd.f32 v46, v34;
	[tilespmem:s6+$0x1100] =	vst v55  }
0x2db: {  	v44 =	vld [tilespmem:$0xE00];
	v45 =	vadd.f32 v45, v39;
	[tilespmem:s12+$0x1100] =	vst v51  }
0x2dc: {  	s13 =	sor.u32 $0x1850, s2;
	[tilespmem:s1+$0x1100] =	vst v56  }
0x2dd: {  	[tilespmem:s13+$0x1100] =	vst v45;
	v60 =	vld [tilespmem:$0xF00]  }
0x2de: {  	v53 =	vadd.f32 v43, v37;
	v45 =	vld [tilespmem:$0xE80]  }
0x2df: {  	s19 =	sor.u32 $0x1860, s29;
	v54 =	vadd.f32 v43, v35  }
0x2e0: {  	[tilespmem:s19+$0x1100] =	vst v53;
	s20 =	sor.u32 $0x1870, s29;
	v61 =	vadd.f32 v44, v40  }
0x2e1: {  	[tilespmem:s20+$0x1100] =	vst v54;
	s4 =	sor.u32 $0x1840, s5;
	v62 =	vadd.f32 v44, v41  }
0x2e2: {  	v57 =	vld [tilespmem:$0xF00];
	s6 =	sor.u32 $0x1850, s5;
	[tilespmem:s4+$0x1100] =	vst v61;
	v51 =	vadd.f32 v60, v36  }
0x2e3: {  	[tilespmem:s6+$0x1100] =	vst v62;
	v58 =	vadd.f32 v45, v38  }
0x2e4: {  	s26 =	sor.u32 $0x1860, s2;
	v50 =	vld [tilespmem:$0xE80];
	v59 =	vadd.f32 v45, v39;
	[tilespmem:s0+$0x1100] =	vst v51  }
0x2e5: {  	s3 =	sor.u32 $0x1870, s2;
	v52 =	vadd.f32 v60, v34;
	[tilespmem:s26+$0x1100] =	vst v58  }
0x2e6: {  	[tilespmem:s3+$0x1100] =	vst v59  }
0x2e7: {  	v48 =	vadd.f32 v57, v37;
	[tilespmem:s30+$0x1100] =	vst v52;
	v63 =	vld [tilespmem:$0xF00]  }
0x2e8: {  	v49 =	vadd.f32 v57, v35;
	s7 =	sor.u32 $0x1C00, s29;
	v56 =	vld [tilespmem:$0xF80]  }
0x2e9: {  	s8 =	sor.u32 $0x1C10, s29;
	[tilespmem:s7+$0x1100] =	vst v48;
	v57 =	vadd.f32 v50, v40  }
0x2ea: {  	[tilespmem:s8+$0x1100] =	vst v49;
	s12 =	sor.u32 $0x1860, s5;
	v58 =	vadd.f32 v50, v41  }
0x2eb: {  	v53 =	vld [tilespmem:$0xF80];
	s13 =	sor.u32 $0x1870, s5;
	[tilespmem:s12+$0x1100] =	vst v57  }
0x2ec: {  	[tilespmem:s13+$0x1100] =	vst v58;
	v54 =	vadd.f32 v63, v38  }
0x2ed: {  	s9 =	sor.u32 $0x1C00, s2;
	v62 =	vld [tilespmem:$0xF00];
	v55 =	vadd.f32 v63, v39;
	v63 =	vadd.f32 v56, v36  }
0x2ee: {  	[tilespmem:s9+$0x1100] =	vst v54  }
0x2ef: {  	s11 =	sor.u32 $0x1C10, s2;
	v48 =	vadd.f32 v56, v34;
	[tilespmem:s28+$0x1100] =	vst v63  }
0x2f0: {  	v60 =	vadd.f32 v53, v37;
	[tilespmem:s11+$0x1100] =	vst v55  }
0x2f1: {  	s16 =	sor.u32 $0x1C20, s29;
	v61 =	vadd.f32 v53, v35;
	[tilespmem:s25+$0x1100] =	vst v48;
	v59 =	vld [tilespmem:$0xF80]  }
0x2f2: {  	s18 =	sor.u32 $0x1C30, s29;
	[tilespmem:s16+$0x1100] =	vst v60;
	v53 =	vadd.f32 v62, v40;
	v52 =	vld [tilespmem:$0x1000]  }
0x2f3: {  	[tilespmem:s18+$0x1100] =	vst v61;
	v54 =	vadd.f32 v62, v41;
	s25 =	sor.u32 $0x1C00, s5  }
0x2f4: {  	s26 =	sor.u32 $0x1C10, s5;
	[tilespmem:s25+$0x1100] =	vst v53  }
0x2f5: {  	v49 =	vld [tilespmem:$0x1000];
	[tilespmem:s26+$0x1100] =	vst v54  }
0x2f6: {  	v43 =	vld [tilespmem:$0xF80];
	v50 =	vadd.f32 v59, v38  }
0x2f7: {  	s19 =	sor.u32 $0x1C20, s2;
	v58 =	vadd.f32 v52, v36  }
0x2f8: {  	v51 =	vadd.f32 v59, v39;
	[tilespmem:s19+$0x1100] =	vst v50  }
0x2f9: {  	s20 =	sor.u32 $0x1C30, s2;
	v59 =	vadd.f32 v52, v34;
	[tilespmem:s24+$0x1100] =	vst v58  }
0x2fa: {  	[tilespmem:s20+$0x1100] =	vst v51  }
0x2fb: {  	v57 =	vadd.f32 v49, v35;
	v48 =	vadd.f32 v43, v40;
	[tilespmem:s23+$0x1100] =	vst v59;
	v55 =	vld [tilespmem:$0x1000]  }
0x2fc: {  	s7 =	sor.u32 $0x1C20, s5;
	v56 =	vadd.f32 v49, v37;
	v49 =	vadd.f32 v43, v41;
	v63 =	vld [tilespmem:$0x1080]  }
0x2fd: {  	v33 =	vadd.f32 v42, v33;
	s8 =	sor.u32 $0x1C30, s5;
	[tilespmem:s7+$0x1100] =	vst v48  }
0x2fe: {  	[tilespmem:s8+$0x1100] =	vst v49  }
0x2ff: {  	[tilespmem:s22+$0x1100] =	vst v33;
	s1 =	sor.u32 $0x1C40, s29;
	v33 =	vld [tilespmem:$0x1000]  }
0x300: {  	s3 =	sor.u32 $0x1C50, s29;
	[tilespmem:s1+$0x1100] =	vst v56;
	v61 =	vadd.f32 v55, v38  }
0x301: {  	s4 =	sor.u32 $0x1C40, s2;
	[tilespmem:s3+$0x1100] =	vst v57;
	v53 =	vadd.f32 v63, v36  }
0x302: {  	v62 =	vadd.f32 v55, v39;
	[tilespmem:s4+$0x1100] =	vst v61  }
0x303: {  	s6 =	sor.u32 $0x1C50, s2;
	v54 =	vadd.f32 v63, v34;
	[tilespmem:s15+$0x1100] =	vst v53  }
0x304: {  	v60 =	vld [tilespmem:$0x1080];
	v57 =	vadd.f32 v33, v40;
	[tilespmem:s6+$0x1100] =	vst v62  }
0x305: {  	v58 =	vadd.f32 v33, v41;
	[tilespmem:s14+$0x1100] =	vst v54;
	s14 =	sor.u32 $0x1C40, s5  }
0x306: {  	v32 =	vadd.f32 v42, v32;
	s15 =	sor.u32 $0x1C50, s5;
	v50 =	vld [tilespmem:$0x1080];
	[tilespmem:s14+$0x1100] =	vst v57  }
0x307: {  	[tilespmem:s15+$0x1100] =	vst v58  }
0x308: {  	[tilespmem:s21+$0x1100] =	vst v32;
	v32 =	vld [tilespmem:$0x1080]  }
0x309: {  	v51 =	vadd.f32 v60, v37  }
0x30a: {  	s9 =	sor.u32 $0x1C60, s29;
	v52 =	vadd.f32 v60, v35  }
0x30b: {  	s11 =	sor.u32 $0x1C70, s29;
	[tilespmem:s9+$0x1100] =	vst v51;
	v55 =	vadd.f32 v50, v38  }
0x30c: {  	s12 =	sor.u32 $0x1C60, s2;
	[tilespmem:s11+$0x1100] =	vst v52;
	v56 =	vadd.f32 v50, v39  }
0x30d: {  	s13 =	sor.u32 $0x1C70, s2;
	[tilespmem:s12+$0x1100] =	vst v55;
	v59 =	vadd.f32 v32, v40  }
0x30e: {  	s16 =	sshll.u32 s17, $0xF;
	s18 =	sor.u32 $0x1C60, s5;
	v32 =	vadd.f32 v32, v41;
	[tilespmem:s13+$0x1100] =	vst v56  }
0x30f: {  	s17 =	sor.u32 $0x20, s17;
	s19 =	sor.u32 $0x1C70, s5;
	s3 =	rddreg [dreg:$0x7];
	[tilespmem:s18+$0x1100] =	vst v59  }
0x310: {  	v60 =	vmov s17;
	s0 =	sor.u32 s3, s16;
	[tilespmem:s19+$0x1100] =	vst v32  }
0x311: {  	v61 =	vand.u32 $0xFFFFFFFE, v60;
	s0 =	sshrl.u32 s0, $0x3;
	s1 =	rddreg [dreg:$0x3]  }
0x312: {  	s20 =	simm.s32 $0x1100;
	v62 =	vbroadcast v61, $0x0;
	s16 =	simm.s32 $0x0;
	s0 =	sadd.s32 s1, s0  }
0x313: {  	[hbm4b:s0+s16] =	stream.linear.scatter [tilespmem:s20], [sflag:$0x1], $0x8000, $0x38;
	[tilespmem:$0x11100] =	vst v63  }
0x314: {  	s0 =	simm.s32 @p1 $0x2  }
0x315: {  	_ =	swait.ge @p1 [sflag:s0], $0x8000  }
0x316: {  	[sflag:s0] =	ssyncset.done @p1 $0x0  }
0x317: {  	s21 =	simm.s32 $0x0;
	[sflag:s0] =	ssyncadd.s32 @p1 $0xFFFF8000  }
0x318: {  	v32 =	vld.idx.msk [tilespmem:v62+s21+$0x0], $0xffff;
	_ =	sdelay $0x4  }
0x319: {  	[tilespmem:$0x100] =	vst v32  }
0x31a: {  	v1 =	vld.idx.msk [tilespmem:v1+s21+$0x0], $0xffff;
	_ =	sdelay $0x4  }
0x31b: {  	[tilespmem:$0x180] =	vst v1  }
0x31c: {  	v1 =	vld.idx.msk [tilespmem:v2+s21+$0x0], $0xffff;
	_ =	sdelay $0x4  }
0x31d: {  	[tilespmem:$0x200] =	vst v1  }
0x31e: {  	v1 =	vld.idx.msk [tilespmem:v3+s21+$0x0], $0xffff;
	_ =	sdelay $0x4  }
0x31f: {  	[tilespmem:$0x280] =	vst v1  }
0x320: {  	v1 =	vld.idx.msk [tilespmem:v4+s21+$0x0], $0xffff;
	_ =	sdelay $0x4  }
0x321: {  	[tilespmem:$0x300] =	vst v1  }
0x322: {  	v1 =	vld.idx.msk [tilespmem:v5+s21+$0x0], $0xffff;
	_ =	sdelay $0x4  }
0x323: {  	[tilespmem:$0x380] =	vst v1  }
0x324: {  	v1 =	vld.idx.msk [tilespmem:v6+s21+$0x0], $0xffff;
	_ =	sdelay $0x4  }
0x325: {  	[tilespmem:$0x400] =	vst v1  }
0x326: {  	v1 =	vld.idx.msk [tilespmem:v7+s21+$0x0], $0xffff;
	_ =	sdelay $0x4  }
0x327: {  	[tilespmem:$0x480] =	vst v1  }
0x328: {  	v1 =	vld.idx.msk [tilespmem:v8+s21+$0x0], $0xffff;
	_ =	sdelay $0x4  }
0x329: {  	[tilespmem:$0x500] =	vst v1  }
0x32a: {  	v1 =	vld.idx.msk [tilespmem:v9+s21+$0x0], $0xffff;
	_ =	sdelay $0x4  }
0x32b: {  	[tilespmem:$0x580] =	vst v1  }
0x32c: {  	v1 =	vld.idx.msk [tilespmem:v10+s21+$0x0], $0xffff;
	_ =	sdelay $0x4  }
0x32d: {  	[tilespmem:$0x600] =	vst v1  }
0x32e: {  	v1 =	vld.idx.msk [tilespmem:v11+s21+$0x0], $0xffff;
	_ =	sdelay $0x4  }
0x32f: {  	[tilespmem:$0x680] =	vst v1  }
0x330: {  	v1 =	vld.idx.msk [tilespmem:v12+s21+$0x0], $0xffff;
	_ =	sdelay $0x4  }
0x331: {  	[tilespmem:$0x700] =	vst v1  }
0x332: {  	v1 =	vld.idx.msk [tilespmem:v13+s21+$0x0], $0xffff;
	_ =	sdelay $0x4  }
0x333: {  	[tilespmem:$0x780] =	vst v1  }
0x334: {  	v1 =	vld.idx.msk [tilespmem:v14+s21+$0x0], $0xffff;
	_ =	sdelay $0x4  }
0x335: {  	[tilespmem:$0x800] =	vst v1  }
0x336: {  	v1 =	vld.idx.msk [tilespmem:v15+s21+$0x0], $0xffff;
	_ =	sdelay $0x4  }
0x337: {  	[tilespmem:$0x880] =	vst v1  }
0x338: {  	v1 =	vld.idx.msk [tilespmem:v16+s21+$0x0], $0xffff;
	_ =	sdelay $0x4  }
0x339: {  	[tilespmem:$0x900] =	vst v1  }
0x33a: {  	v1 =	vld.idx.msk [tilespmem:v17+s21+$0x0], $0xffff;
	_ =	sdelay $0x4  }
0x33b: {  	[tilespmem:$0x980] =	vst v1  }
0x33c: {  	v1 =	vld.idx.msk [tilespmem:v18+s21+$0x0], $0xffff;
	_ =	sdelay $0x4  }
0x33d: {  	[tilespmem:$0xA00] =	vst v1  }
0x33e: {  	v1 =	vld.idx.msk [tilespmem:v19+s21+$0x0], $0xffff;
	_ =	sdelay $0x4  }
0x33f: {  	[tilespmem:$0xA80] =	vst v1  }
0x340: {  	v1 =	vld.idx.msk [tilespmem:v20+s21+$0x0], $0xffff;
	_ =	sdelay $0x4  }
0x341: {  	[tilespmem:$0xB00] =	vst v1  }
0x342: {  	v1 =	vld.idx.msk [tilespmem:v21+s21+$0x0], $0xffff;
	_ =	sdelay $0x4  }
0x343: {  	[tilespmem:$0xB80] =	vst v1  }
0x344: {  	v1 =	vld.idx.msk [tilespmem:v22+s21+$0x0], $0xffff;
	_ =	sdelay $0x4  }
0x345: {  	[tilespmem:$0xC00] =	vst v1  }
0x346: {  	v1 =	vld.idx.msk [tilespmem:v23+s21+$0x0], $0xffff;
	_ =	sdelay $0x4  }
0x347: {  	[tilespmem:$0xC80] =	vst v1  }
0x348: {  	v1 =	vld.idx.msk [tilespmem:v24+s21+$0x0], $0xffff;
	_ =	sdelay $0x4  }
0x349: {  	[tilespmem:$0xD00] =	vst v1  }
0x34a: {  	v1 =	vld.idx.msk [tilespmem:v25+s21+$0x0], $0xffff;
	_ =	sdelay $0x4  }
0x34b: {  	[tilespmem:$0xD80] =	vst v1  }
0x34c: {  	v1 =	vld.idx.msk [tilespmem:v26+s21+$0x0], $0xffff;
	_ =	sdelay $0x4  }
0x34d: {  	[tilespmem:$0xE00] =	vst v1  }
0x34e: {  	v1 =	vld.idx.msk [tilespmem:v27+s21+$0x0], $0xffff;
	_ =	sdelay $0x4  }
0x34f: {  	[tilespmem:$0xE80] =	vst v1  }
0x350: {  	v1 =	vld.idx.msk [tilespmem:v28+s21+$0x0], $0xffff;
	_ =	sdelay $0x4  }
0x351: {  	[tilespmem:$0xF00] =	vst v1  }
0x352: {  	v1 =	vld.idx.msk [tilespmem:v29+s21+$0x0], $0xffff;
	_ =	sdelay $0x4  }
0x353: {  	[tilespmem:$0xF80] =	vst v1  }
0x354: {  	v1 =	vld.idx.msk [tilespmem:v30+s21+$0x0], $0xffff;
	_ =	sdelay $0x4  }
0x355: {  	[tilespmem:$0x1000] =	vst v1  }
0x356: {  	s22 =	simm.s32 $0x20;
	v1 =	vld.idx.msk [tilespmem:v31+s21+$0x0], $0xffff  }
0x357: {  	s23 =	simm.s32 $0x10;
	v2 =	vadd.s32 s22, v0  }
0x358: {  	v3 =	vadd.s32 s23, v0;
	_ =	sdelay $0x2  }
0x359: {  	v4 =	vld [tilespmem:$0x100];
	[tilespmem:$0x1080] =	vst v1  }
0x35a: {  	v12 =	vld.idx.msk [tilespmem:v2+s10+$0x0], $0xffff  }
0x35b: {  	v11 =	vld.idx.msk [tilespmem:v3+s10+$0x0], $0xffff;
	_ =	sdelay $0x3  }
0x35c: {  	s25 =	sand.u32 $0x300, s21;
	s24 =	sand.u32 $0x6000, s21;
	v1 =	vadd.f32 v12, v4  }
0x35d: {  	s26 =	sor.u32 s25, s24;
	v2 =	vadd.f32 v11, v4  }
0x35e: {  	[tilespmem:s26+$0x9180] =	vst v1  }
0x35f: {  	[tilespmem:s26+$0x9190] =	vst v2  }
0x360: {  	v1 =	vld [tilespmem:$0x180];
	_ =	sdelay $0x4  }
0x361: {  	v2 =	vadd.f32 v1, v12  }
0x362: {  	v1 =	vadd.f32 v1, v11  }
0x363: {  	[tilespmem:s26+$0x91A0] =	vst v2  }
0x364: {  	[tilespmem:s26+$0x91B0] =	vst v1  }
0x365: {  	v1 =	vld [tilespmem:$0x200]  }
0x366: {  	s3 =	simm.s32 $0x1F  }
0x367: {  	s4 =	simm.s32 $0xF;
	v2 =	vadd.s32 s3, v0  }
0x368: {  	v3 =	vadd.s32 s4, v0;
	_ =	sdelay $0x1  }
0x369: {  	v5 =	vadd.f32 v1, v12  }
0x36a: {  	v6 =	vadd.f32 v1, v11  }
0x36b: {  	v2 =	vld.idx.msk [tilespmem:v2+s10+$0x0], $0xffff;
	[tilespmem:s26+$0x91C0] =	vst v5  }
0x36c: {  	v1 =	vld.idx.msk [tilespmem:v3+s10+$0x0], $0xffff;
	[tilespmem:s26+$0x91D0] =	vst v6  }
0x36d: {  	v3 =	vld [tilespmem:$0x280];
	_ =	sdelay $0x2  }
0x36e: {  	v5 =	vadd.f32 v4, v2  }
0x36f: {  	v4 =	vadd.f32 v4, v1  }
0x370: {  	[tilespmem:s26+$0x9100] =	vst v5;
	v5 =	vadd.f32 v3, v12  }
0x371: {  	[tilespmem:s26+$0x9110] =	vst v4;
	v3 =	vadd.f32 v3, v11  }
0x372: {  	v4 =	vld [tilespmem:$0x180];
	[tilespmem:s26+$0x91E0] =	vst v5  }
0x373: {  	[tilespmem:s26+$0x91F0] =	vst v3  }
0x374: {  	v3 =	vld [tilespmem:$0x300];
	_ =	sdelay $0x2  }
0x375: {  	v5 =	vadd.f32 v4, v2  }
0x376: {  	v4 =	vadd.f32 v4, v1  }
0x377: {  	[tilespmem:s26+$0x9120] =	vst v5;
	v5 =	vadd.f32 v3, v12  }
0x378: {  	[tilespmem:s26+$0x9130] =	vst v4;
	v3 =	vadd.f32 v3, v11  }
0x379: {  	v4 =	vld [tilespmem:$0x200];
	[tilespmem:s26+$0x9580] =	vst v5  }
0x37a: {  	[tilespmem:s26+$0x9590] =	vst v3  }
0x37b: {  	v3 =	vld [tilespmem:$0x380];
	_ =	sdelay $0x2  }
0x37c: {  	v5 =	vadd.f32 v4, v2  }
0x37d: {  	v4 =	vadd.f32 v4, v1  }
0x37e: {  	[tilespmem:s26+$0x9140] =	vst v5;
	v5 =	vadd.f32 v3, v12  }
0x37f: {  	[tilespmem:s26+$0x9150] =	vst v4;
	v3 =	vadd.f32 v3, v11  }
0x380: {  	v4 =	vld [tilespmem:$0x280];
	[tilespmem:s26+$0x95A0] =	vst v5  }
0x381: {  	[tilespmem:s26+$0x95B0] =	vst v3  }
0x382: {  	v3 =	vld [tilespmem:$0x400];
	_ =	sdelay $0x2  }
0x383: {  	v5 =	vadd.f32 v4, v2  }
0x384: {  	v4 =	vadd.f32 v4, v1  }
0x385: {  	[tilespmem:s26+$0x9160] =	vst v5;
	v5 =	vadd.f32 v3, v12  }
0x386: {  	[tilespmem:s26+$0x9170] =	vst v4;
	v3 =	vadd.f32 v3, v11  }
0x387: {  	v4 =	vld [tilespmem:$0x300];
	[tilespmem:s26+$0x95C0] =	vst v5  }
0x388: {  	[tilespmem:s26+$0x95D0] =	vst v3  }
0x389: {  	v3 =	vld [tilespmem:$0x480];
	_ =	sdelay $0x2  }
0x38a: {  	v5 =	vadd.f32 v4, v2  }
0x38b: {  	v4 =	vadd.f32 v4, v1  }
0x38c: {  	[tilespmem:s26+$0x9500] =	vst v5;
	v5 =	vadd.f32 v3, v12  }
0x38d: {  	[tilespmem:s26+$0x9510] =	vst v4;
	v3 =	vadd.f32 v3, v11  }
0x38e: {  	v4 =	vld [tilespmem:$0x380];
	[tilespmem:s26+$0x95E0] =	vst v5  }
0x38f: {  	[tilespmem:s26+$0x95F0] =	vst v3  }
0x390: {  	v3 =	vld [tilespmem:$0x500];
	_ =	sdelay $0x2  }
0x391: {  	v5 =	vadd.f32 v4, v2  }
0x392: {  	v4 =	vadd.f32 v4, v1  }
0x393: {  	[tilespmem:s26+$0x9520] =	vst v5;
	v5 =	vadd.f32 v3, v12  }
0x394: {  	[tilespmem:s26+$0x9530] =	vst v4;
	v3 =	vadd.f32 v3, v11  }
0x395: {  	v4 =	vld [tilespmem:$0x400];
	[tilespmem:s26+$0x9980] =	vst v5  }
0x396: {  	[tilespmem:s26+$0x9990] =	vst v3  }
0x397: {  	v3 =	vld [tilespmem:$0x580];
	_ =	sdelay $0x2  }
0x398: {  	v5 =	vadd.f32 v4, v2  }
0x399: {  	v4 =	vadd.f32 v4, v1  }
0x39a: {  	[tilespmem:s26+$0x9540] =	vst v5;
	v5 =	vadd.f32 v3, v12  }
0x39b: {  	[tilespmem:s26+$0x9550] =	vst v4;
	v3 =	vadd.f32 v3, v11  }
0x39c: {  	v4 =	vld [tilespmem:$0x480];
	[tilespmem:s26+$0x99A0] =	vst v5  }
0x39d: {  	[tilespmem:s26+$0x99B0] =	vst v3  }
0x39e: {  	v3 =	vld [tilespmem:$0x600];
	_ =	sdelay $0x2  }
0x39f: {  	v5 =	vadd.f32 v4, v2  }
0x3a0: {  	v4 =	vadd.f32 v4, v1  }
0x3a1: {  	[tilespmem:s26+$0x9560] =	vst v5;
	v5 =	vadd.f32 v3, v12  }
0x3a2: {  	[tilespmem:s26+$0x9570] =	vst v4;
	v3 =	vadd.f32 v3, v11  }
0x3a3: {  	v4 =	vld [tilespmem:$0x500];
	[tilespmem:s26+$0x99C0] =	vst v5  }
0x3a4: {  	[tilespmem:s26+$0x99D0] =	vst v3  }
0x3a5: {  	v3 =	vld [tilespmem:$0x680];
	_ =	sdelay $0x2  }
0x3a6: {  	v5 =	vadd.f32 v4, v2  }
0x3a7: {  	v4 =	vadd.f32 v4, v1  }
0x3a8: {  	[tilespmem:s26+$0x9900] =	vst v5;
	v5 =	vadd.f32 v3, v12  }
0x3a9: {  	[tilespmem:s26+$0x9910] =	vst v4;
	v3 =	vadd.f32 v3, v11  }
0x3aa: {  	v4 =	vld [tilespmem:$0x580];
	[tilespmem:s26+$0x99E0] =	vst v5  }
0x3ab: {  	[tilespmem:s26+$0x99F0] =	vst v3  }
0x3ac: {  	v3 =	vld [tilespmem:$0x700];
	_ =	sdelay $0x2  }
0x3ad: {  	v5 =	vadd.f32 v4, v2  }
0x3ae: {  	v4 =	vadd.f32 v4, v1  }
0x3af: {  	[tilespmem:s26+$0x9920] =	vst v5;
	v5 =	vadd.f32 v3, v12  }
0x3b0: {  	[tilespmem:s26+$0x9930] =	vst v4;
	v3 =	vadd.f32 v3, v11  }
0x3b1: {  	v4 =	vld [tilespmem:$0x600];
	[tilespmem:s26+$0x9D80] =	vst v5  }
0x3b2: {  	[tilespmem:s26+$0x9D90] =	vst v3  }
0x3b3: {  	v3 =	vld [tilespmem:$0x780];
	_ =	sdelay $0x2  }
0x3b4: {  	v5 =	vadd.f32 v4, v2  }
0x3b5: {  	v4 =	vadd.f32 v4, v1  }
0x3b6: {  	s6 =	simm.s32 $0x22;
	[tilespmem:s26+$0x9940] =	vst v5;
	v5 =	vadd.f32 v3, v12  }
0x3b7: {  	s7 =	simm.s32 $0x12;
	[tilespmem:s26+$0x9950] =	vst v4;
	v4 =	vadd.s32 s6, v0;
	v3 =	vadd.f32 v3, v11  }
0x3b8: {  	v7 =	vadd.s32 s7, v0;
	v6 =	vld [tilespmem:$0x680];
	[tilespmem:s26+$0x9DA0] =	vst v5  }
0x3b9: {  	s8 =	simm.s32 $0x21;
	[tilespmem:s26+$0x9DB0] =	vst v3  }
0x3ba: {  	s9 =	simm.s32 $0x11;
	v3 =	vadd.s32 s8, v0;
	v8 =	vld [tilespmem:$0x800]  }
0x3bb: {  	v9 =	vadd.s32 s9, v0;
	v10 =	vld [tilespmem:$0x100]  }
0x3bc: {  	v5 =	vld.idx.msk [tilespmem:v4+s10+$0x0], $0xffff  }
0x3bd: {  	v4 =	vld.idx.msk [tilespmem:v7+s10+$0x0], $0xffff;
	v13 =	vadd.f32 v6, v2  }
0x3be: {  	v7 =	vadd.f32 v6, v1  }
0x3bf: {  	[tilespmem:s26+$0x9960] =	vst v13;
	v6 =	vld.idx.msk [tilespmem:v3+s10+$0x0], $0xffff;
	v13 =	vadd.f32 v8, v12  }
0x3c0: {  	s11 =	simm.s32 $0x100;
	s12 =	simm.s32 $0x800;
	[tilespmem:s26+$0x9970] =	vst v7;
	v3 =	vld.idx.msk [tilespmem:v9+s10+$0x0], $0xffff;
	v7 =	vadd.f32 v8, v11  }
0x3c1: {  	s2 =	sand.u32 $0x6000, s12;
	s0 =	sand.u32 $0x300, s11;
	v8 =	vld [tilespmem:$0x700];
	v9 =	vadd.f32 v5, v10;
	[tilespmem:s26+$0x9DC0] =	vst v13  }
0x3c2: {  	s0 =	sor.u32 s0, s2;
	v13 =	vadd.f32 v4, v10;
	[tilespmem:s26+$0x9DD0] =	vst v7  }
0x3c3: {  	[tilespmem:s0+$0x9180] =	vst v9;
	v7 =	vld [tilespmem:$0x880]  }
0x3c4: {  	v9 =	vadd.f32 v10, v6;
	[tilespmem:s0+$0x9190] =	vst v13  }
0x3c5: {  	v10 =	vadd.f32 v10, v3;
	v13 =	vld [tilespmem:$0x180]  }
0x3c6: {  	v14 =	vadd.f32 v8, v2;
	[tilespmem:s0+$0x9100] =	vst v9  }
0x3c7: {  	v8 =	vadd.f32 v8, v1;
	[tilespmem:s0+$0x9110] =	vst v10  }
0x3c8: {  	[tilespmem:s26+$0x9D00] =	vst v14;
	v9 =	vld [tilespmem:$0x180];
	v10 =	vadd.f32 v7, v12  }
0x3c9: {  	[tilespmem:s26+$0x9D10] =	vst v8;
	v7 =	vadd.f32 v7, v11  }
0x3ca: {  	v8 =	vld [tilespmem:$0x780];
	v14 =	vadd.f32 v13, v5;
	[tilespmem:s26+$0x9DE0] =	vst v10  }
0x3cb: {  	v10 =	vadd.f32 v13, v4;
	[tilespmem:s26+$0x9DF0] =	vst v7  }
0x3cc: {  	v7 =	vld [tilespmem:$0x900];
	[tilespmem:s0+$0x91A0] =	vst v14  }
0x3cd: {  	v13 =	vadd.f32 v9, v6;
	[tilespmem:s0+$0x91B0] =	vst v10  }
0x3ce: {  	v9 =	vadd.f32 v9, v3;
	v10 =	vld [tilespmem:$0x200]  }
0x3cf: {  	v14 =	vadd.f32 v8, v2;
	[tilespmem:s0+$0x9120] =	vst v13  }
0x3d0: {  	v8 =	vadd.f32 v8, v1;
	[tilespmem:s0+$0x9130] =	vst v9  }
0x3d1: {  	[tilespmem:s26+$0x9D20] =	vst v14;
	v9 =	vld [tilespmem:$0x200];
	v13 =	vadd.f32 v7, v12  }
0x3d2: {  	[tilespmem:s26+$0x9D30] =	vst v8;
	v7 =	vadd.f32 v7, v11  }
0x3d3: {  	v8 =	vld [tilespmem:$0x800];
	v14 =	vadd.f32 v10, v5;
	[tilespmem:s26+$0xA180] =	vst v13  }
0x3d4: {  	v10 =	vadd.f32 v10, v4;
	[tilespmem:s26+$0xA190] =	vst v7  }
0x3d5: {  	v7 =	vld [tilespmem:$0x980];
	[tilespmem:s0+$0x91C0] =	vst v14  }
0x3d6: {  	v13 =	vadd.f32 v9, v6;
	[tilespmem:s0+$0x91D0] =	vst v10  }
0x3d7: {  	v9 =	vadd.f32 v9, v3;
	v10 =	vld [tilespmem:$0x280]  }
0x3d8: {  	v14 =	vadd.f32 v8, v2;
	[tilespmem:s0+$0x9140] =	vst v13  }
0x3d9: {  	v8 =	vadd.f32 v8, v1;
	[tilespmem:s0+$0x9150] =	vst v9  }
0x3da: {  	[tilespmem:s26+$0x9D40] =	vst v14;
	v9 =	vld [tilespmem:$0x280];
	v13 =	vadd.f32 v7, v12  }
0x3db: {  	[tilespmem:s26+$0x9D50] =	vst v8;
	v7 =	vadd.f32 v7, v11  }
0x3dc: {  	v8 =	vld [tilespmem:$0x880];
	v14 =	vadd.f32 v10, v5;
	[tilespmem:s26+$0xA1A0] =	vst v13  }
0x3dd: {  	v10 =	vadd.f32 v10, v4;
	[tilespmem:s26+$0xA1B0] =	vst v7  }
0x3de: {  	v7 =	vld [tilespmem:$0xA00];
	[tilespmem:s0+$0x91E0] =	vst v14  }
0x3df: {  	v13 =	vadd.f32 v9, v6;
	[tilespmem:s0+$0x91F0] =	vst v10  }
0x3e0: {  	v9 =	vadd.f32 v9, v3;
	v10 =	vld [tilespmem:$0x300]  }
0x3e1: {  	v14 =	vadd.f32 v8, v2;
	[tilespmem:s0+$0x9160] =	vst v13  }
0x3e2: {  	v8 =	vadd.f32 v8, v1;
	[tilespmem:s0+$0x9170] =	vst v9  }
0x3e3: {  	[tilespmem:s26+$0x9D60] =	vst v14;
	v9 =	vld [tilespmem:$0x300];
	v13 =	vadd.f32 v7, v12  }
0x3e4: {  	[tilespmem:s26+$0x9D70] =	vst v8;
	v7 =	vadd.f32 v7, v11  }
0x3e5: {  	v8 =	vld [tilespmem:$0x900];
	v14 =	vadd.f32 v10, v5;
	[tilespmem:s26+$0xA1C0] =	vst v13  }
0x3e6: {  	v10 =	vadd.f32 v10, v4;
	[tilespmem:s26+$0xA1D0] =	vst v7  }
0x3e7: {  	v7 =	vld [tilespmem:$0xA80];
	[tilespmem:s0+$0x9580] =	vst v14  }
0x3e8: {  	v13 =	vadd.f32 v9, v6;
	[tilespmem:s0+$0x9590] =	vst v10  }
0x3e9: {  	v9 =	vadd.f32 v9, v3;
	v10 =	vld [tilespmem:$0x380]  }
0x3ea: {  	v14 =	vadd.f32 v8, v2;
	[tilespmem:s0+$0x9500] =	vst v13  }
0x3eb: {  	v8 =	vadd.f32 v8, v1;
	[tilespmem:s0+$0x9510] =	vst v9  }
0x3ec: {  	v9 =	vld [tilespmem:$0x380];
	[tilespmem:s26+$0xA100] =	vst v14;
	v13 =	vadd.f32 v7, v12  }
0x3ed: {  	[tilespmem:s26+$0xA110] =	vst v8;
	v7 =	vadd.f32 v7, v11  }
0x3ee: {  	v8 =	vld [tilespmem:$0x980];
	v14 =	vadd.f32 v10, v5;
	[tilespmem:s26+$0xA1E0] =	vst v13  }
0x3ef: {  	v10 =	vadd.f32 v10, v4;
	[tilespmem:s26+$0xA1F0] =	vst v7  }
0x3f0: {  	v7 =	vld [tilespmem:$0xB00];
	[tilespmem:s0+$0x95A0] =	vst v14  }
0x3f1: {  	v13 =	vadd.f32 v9, v6;
	[tilespmem:s0+$0x95B0] =	vst v10  }
0x3f2: {  	v9 =	vadd.f32 v9, v3;
	v10 =	vld [tilespmem:$0x400]  }
0x3f3: {  	[tilespmem:s0+$0x9520] =	vst v13;
	v13 =	vadd.f32 v8, v2  }
0x3f4: {  	v8 =	vadd.f32 v8, v1;
	[tilespmem:s0+$0x9530] =	vst v9  }
0x3f5: {  	v9 =	vld [tilespmem:$0x400];
	[tilespmem:s26+$0xA120] =	vst v13;
	v13 =	vadd.f32 v7, v12  }
0x3f6: {  	[tilespmem:s26+$0xA130] =	vst v8;
	v7 =	vadd.f32 v7, v11  }
0x3f7: {  	v8 =	vld [tilespmem:$0xA00];
	v14 =	vadd.f32 v10, v5;
	[tilespmem:s26+$0xA580] =	vst v13  }
0x3f8: {  	v10 =	vadd.f32 v10, v4;
	[tilespmem:s26+$0xA590] =	vst v7  }
0x3f9: {  	v7 =	vld [tilespmem:$0xB80];
	[tilespmem:s0+$0x95C0] =	vst v14  }
0x3fa: {  	v13 =	vadd.f32 v9, v6;
	[tilespmem:s0+$0x95D0] =	vst v10  }
0x3fb: {  	v9 =	vadd.f32 v9, v3;
	v10 =	vld [tilespmem:$0x480]  }
0x3fc: {  	[tilespmem:s0+$0x9540] =	vst v13;
	v13 =	vadd.f32 v8, v2  }
0x3fd: {  	v8 =	vadd.f32 v8, v1;
	[tilespmem:s0+$0x9550] =	vst v9  }
0x3fe: {  	v9 =	vld [tilespmem:$0x480];
	[tilespmem:s26+$0xA140] =	vst v13;
	v13 =	vadd.f32 v7, v12  }
0x3ff: {  	[tilespmem:s26+$0xA150] =	vst v8;
	v7 =	vadd.f32 v7, v11  }
0x400: {  	v8 =	vld [tilespmem:$0xA80];
	v14 =	vadd.f32 v10, v5;
	[tilespmem:s26+$0xA5A0] =	vst v13  }
0x401: {  	v10 =	vadd.f32 v10, v4;
	[tilespmem:s26+$0xA5B0] =	vst v7  }
0x402: {  	v7 =	vld [tilespmem:$0xC00];
	[tilespmem:s0+$0x95E0] =	vst v14  }
0x403: {  	v13 =	vadd.f32 v9, v6;
	[tilespmem:s0+$0x95F0] =	vst v10  }
0x404: {  	v9 =	vadd.f32 v9, v3;
	v10 =	vld [tilespmem:$0x500]  }
0x405: {  	[tilespmem:s0+$0x9560] =	vst v13;
	v13 =	vadd.f32 v8, v2  }
0x406: {  	v8 =	vadd.f32 v8, v1;
	[tilespmem:s0+$0x9570] =	vst v9  }
0x407: {  	v9 =	vld [tilespmem:$0x500];
	[tilespmem:s26+$0xA160] =	vst v13;
	v13 =	vadd.f32 v7, v12  }
0x408: {  	[tilespmem:s26+$0xA170] =	vst v8;
	v7 =	vadd.f32 v7, v11  }
0x409: {  	v8 =	vld [tilespmem:$0xB00];
	v14 =	vadd.f32 v10, v5;
	[tilespmem:s26+$0xA5C0] =	vst v13  }
0x40a: {  	v10 =	vadd.f32 v10, v4;
	[tilespmem:s26+$0xA5D0] =	vst v7  }
0x40b: {  	v7 =	vld [tilespmem:$0xC80];
	[tilespmem:s0+$0x9980] =	vst v14  }
0x40c: {  	v13 =	vadd.f32 v9, v6;
	[tilespmem:s0+$0x9990] =	vst v10  }
0x40d: {  	v9 =	vadd.f32 v9, v3;
	v10 =	vld [tilespmem:$0x580]  }
0x40e: {  	[tilespmem:s0+$0x9900] =	vst v13;
	v13 =	vadd.f32 v8, v2  }
0x40f: {  	v8 =	vadd.f32 v8, v1;
	[tilespmem:s0+$0x9910] =	vst v9  }
0x410: {  	v9 =	vld [tilespmem:$0x580];
	[tilespmem:s26+$0xA500] =	vst v13;
	v13 =	vadd.f32 v7, v12  }
0x411: {  	[tilespmem:s26+$0xA510] =	vst v8;
	v7 =	vadd.f32 v7, v11  }
0x412: {  	v8 =	vld [tilespmem:$0xB80];
	v14 =	vadd.f32 v10, v5;
	[tilespmem:s26+$0xA5E0] =	vst v13  }
0x413: {  	v10 =	vadd.f32 v10, v4;
	[tilespmem:s26+$0xA5F0] =	vst v7  }
0x414: {  	v7 =	vld [tilespmem:$0xD00];
	[tilespmem:s0+$0x99A0] =	vst v14  }
0x415: {  	v13 =	vadd.f32 v9, v6;
	[tilespmem:s0+$0x99B0] =	vst v10  }
0x416: {  	s1 =	sand.u32 $0x3, s21;
	v9 =	vadd.f32 v9, v3;
	v10 =	vld [tilespmem:$0x600]  }
0x417: {  	s1 =	sshll.u32 s1, $0x8;
	[tilespmem:s0+$0x9920] =	vst v13;
	v13 =	vadd.f32 v8, v2  }
0x418: {  	s1 =	sadd.s32 $0x0, s1;
	v8 =	vadd.f32 v8, v1;
	[tilespmem:s0+$0x9930] =	vst v9  }
0x419: {  	s2 =	sadd.s32 $0x80, s1;
	v9 =	vld [tilespmem:$0x600];
	[tilespmem:s26+$0xA520] =	vst v13;
	v13 =	vadd.f32 v7, v12  }
0x41a: {  	s13 =	sor.u32 $0x1800, s2;
	[tilespmem:s26+$0xA530] =	vst v8;
	v7 =	vadd.f32 v7, v11  }
0x41b: {  	s14 =	sor.u32 $0x1810, s2;
	v8 =	vld [tilespmem:$0xC00];
	v14 =	vadd.f32 v10, v5;
	[tilespmem:s13+$0x9100] =	vst v13  }
0x41c: {  	v10 =	vadd.f32 v10, v4;
	[tilespmem:s14+$0x9100] =	vst v7  }
0x41d: {  	[tilespmem:s0+$0x99C0] =	vst v14;
	v7 =	vld [tilespmem:$0xD80]  }
0x41e: {  	v13 =	vadd.f32 v9, v6;
	[tilespmem:s0+$0x99D0] =	vst v10  }
0x41f: {  	v9 =	vadd.f32 v9, v3;
	v10 =	vld [tilespmem:$0x680]  }
0x420: {  	[tilespmem:s0+$0x9940] =	vst v13;
	v13 =	vadd.f32 v8, v2  }
0x421: {  	v8 =	vadd.f32 v8, v1;
	[tilespmem:s0+$0x9950] =	vst v9  }
0x422: {  	v9 =	vld [tilespmem:$0x680];
	[tilespmem:s26+$0xA540] =	vst v13;
	v13 =	vadd.f32 v7, v12  }
0x423: {  	s15 =	sor.u32 $0x1820, s2;
	[tilespmem:s26+$0xA550] =	vst v8;
	v7 =	vadd.f32 v7, v11  }
0x424: {  	s17 =	sor.u32 $0x1830, s2;
	v8 =	vld [tilespmem:$0xC80];
	v14 =	vadd.f32 v10, v5;
	[tilespmem:s15+$0x9100] =	vst v13  }
0x425: {  	v10 =	vadd.f32 v10, v4;
	[tilespmem:s17+$0x9100] =	vst v7  }
0x426: {  	[tilespmem:s0+$0x99E0] =	vst v14;
	v7 =	vld [tilespmem:$0xE00]  }
0x427: {  	v13 =	vadd.f32 v9, v6;
	[tilespmem:s0+$0x99F0] =	vst v10  }
0x428: {  	v9 =	vadd.f32 v9, v3;
	v10 =	vld [tilespmem:$0x700]  }
0x429: {  	[tilespmem:s0+$0x9960] =	vst v13;
	v13 =	vadd.f32 v8, v2  }
0x42a: {  	v8 =	vadd.f32 v8, v1;
	[tilespmem:s0+$0x9970] =	vst v9  }
0x42b: {  	v9 =	vld [tilespmem:$0x700];
	[tilespmem:s26+$0xA560] =	vst v13;
	v13 =	vadd.f32 v7, v12  }
0x42c: {  	s18 =	sor.u32 $0x1840, s2;
	[tilespmem:s26+$0xA570] =	vst v8;
	v7 =	vadd.f32 v7, v11  }
0x42d: {  	s19 =	sor.u32 $0x1850, s2;
	v8 =	vld [tilespmem:$0xD00];
	v14 =	vadd.f32 v10, v5;
	[tilespmem:s18+$0x9100] =	vst v13  }
0x42e: {  	v10 =	vadd.f32 v10, v4;
	[tilespmem:s19+$0x9100] =	vst v7  }
0x42f: {  	[tilespmem:s0+$0x9D80] =	vst v14;
	v7 =	vld [tilespmem:$0xE80]  }
0x430: {  	v13 =	vadd.f32 v9, v6;
	[tilespmem:s0+$0x9D90] =	vst v10  }
0x431: {  	v9 =	vadd.f32 v9, v3;
	v10 =	vld [tilespmem:$0x780]  }
0x432: {  	[tilespmem:s0+$0x9D00] =	vst v13;
	v13 =	vadd.f32 v8, v2  }
0x433: {  	s20 =	sor.u32 $0x1800, s1;
	v8 =	vadd.f32 v8, v1;
	[tilespmem:s0+$0x9D10] =	vst v9  }
0x434: {  	s21 =	sor.u32 $0x1810, s1;
	v9 =	vld [tilespmem:$0x780];
	[tilespmem:s20+$0x9100] =	vst v13;
	v13 =	vadd.f32 v7, v12  }
0x435: {  	s22 =	sor.u32 $0x1860, s2;
	[tilespmem:s21+$0x9100] =	vst v8;
	v7 =	vadd.f32 v7, v11  }
0x436: {  	s24 =	sor.u32 $0x1870, s2;
	s23 =	simm.s32 $0x24;
	v8 =	vld [tilespmem:$0xD80];
	v14 =	vadd.f32 v10, v5;
	[tilespmem:s22+$0x9100] =	vst v13  }
0x437: {  	s25 =	simm.s32 $0x14;
	v10 =	vadd.f32 v10, v4;
	v13 =	vadd.s32 s23, v0;
	[tilespmem:s24+$0x9100] =	vst v7  }
0x438: {  	v15 =	vadd.s32 s25, v0;
	s26 =	simm.s32 $0x23;
	[tilespmem:s0+$0x9DA0] =	vst v14;
	v14 =	vld [tilespmem:$0xF00]  }
0x439: {  	s5 =	simm.s32 $0x13;
	v16 =	vadd.s32 s26, v0;
	[tilespmem:s0+$0x9DB0] =	vst v10;
	v7 =	vadd.f32 v9, v6  }
0x43a: {  	v10 =	vadd.s32 s5, v0;
	v17 =	vld [tilespmem:$0x800];
	v9 =	vadd.f32 v9, v3  }
0x43b: {  	v18 =	vld [tilespmem:$0x100];
	v19 =	vadd.f32 v8, v2;
	[tilespmem:s0+$0x9D20] =	vst v7  }
0x43c: {  	s6 =	sor.u32 $0x1820, s1;
	v63 =	vadd.f32 v8, v1;
	[tilespmem:s0+$0x9D30] =	vst v9;
	v7 =	vld.idx.msk [tilespmem:v13+s10+$0x0], $0xffff  }
0x43d: {  	s7 =	sor.u32 $0x1830, s1;
	v8 =	vld.idx.msk [tilespmem:v15+s10+$0x0], $0xffff;
	[tilespmem:s6+$0x9100] =	vst v19;
	v13 =	vadd.f32 v14, v12  }
0x43e: {  	s8 =	sor.u32 $0x1C00, s2;
	v9 =	vld.idx.msk [tilespmem:v16+s10+$0x0], $0xffff;
	[tilespmem:s7+$0x9100] =	vst v63;
	v14 =	vadd.f32 v14, v11  }
0x43f: {  	s9 =	sor.u32 $0x1C10, s2;
	v10 =	vld.idx.msk [tilespmem:v10+s10+$0x0], $0xffff;
	v15 =	vadd.f32 v17, v5;
	[tilespmem:s8+$0x9100] =	vst v13  }
0x440: {  	s18 =	simm.s32 $0x200;
	s19 =	simm.s32 $0x1000;
	v16 =	vadd.f32 v17, v4;
	v13 =	vld [tilespmem:$0x800];
	[tilespmem:s9+$0x9100] =	vst v14  }
0x441: {  	s12 =	sand.u32 $0x300, s18;
	s11 =	sand.u32 $0x6000, s19;
	[tilespmem:s0+$0x9DC0] =	vst v15;
	v14 =	vadd.f32 v7, v18;
	v15 =	vld [tilespmem:$0xF80]  }
0x442: {  	s17 =	sor.u32 s12, s11;
	v17 =	vadd.f32 v8, v18;
	[tilespmem:s0+$0x9DD0] =	vst v16  }
0x443: {  	v16 =	vadd.f32 v18, v9;
	[tilespmem:s17+$0x9180] =	vst v14;
	v14 =	vld [tilespmem:$0x880]  }
0x444: {  	[tilespmem:s17+$0x9190] =	vst v17;
	v18 =	vadd.f32 v18, v10  }
0x445: {  	[tilespmem:s17+$0x9100] =	vst v16;
	v16 =	vld [tilespmem:$0x180];
	v17 =	vadd.f32 v13, v6  }
0x446: {  	[tilespmem:s17+$0x9110] =	vst v18;
	v18 =	vadd.f32 v15, v12  }
0x447: {  	s13 =	sor.u32 $0x1C20, s2;
	v19 =	vld [tilespmem:$0x180];
	[tilespmem:s0+$0x9D40] =	vst v17;
	v15 =	vadd.f32 v15, v11  }
0x448: {  	s14 =	sor.u32 $0x1C30, s2;
	v17 =	vadd.f32 v14, v5;
	[tilespmem:s13+$0x9100] =	vst v18  }
0x449: {  	v14 =	vadd.f32 v14, v4;
	[tilespmem:s14+$0x9100] =	vst v15  }
0x44a: {  	v15 =	vadd.f32 v16, v7;
	[tilespmem:s0+$0x9DE0] =	vst v17;
	v17 =	vld [tilespmem:$0x1000]  }
0x44b: {  	v16 =	vadd.f32 v16, v8;
	[tilespmem:s0+$0x9DF0] =	vst v14  }
0x44c: {  	v14 =	vadd.f32 v19, v9;
	[tilespmem:s17+$0x91A0] =	vst v15;
	v15 =	vld [tilespmem:$0x900]  }
0x44d: {  	v18 =	vadd.f32 v19, v10;
	[tilespmem:s17+$0x91B0] =	vst v16  }
0x44e: {  	v13 =	vadd.f32 v13, v3;
	[tilespmem:s17+$0x9120] =	vst v14;
	v14 =	vld [tilespmem:$0x200]  }
0x44f: {  	[tilespmem:s17+$0x9130] =	vst v18;
	v16 =	vadd.f32 v17, v12  }
0x450: {  	s15 =	sor.u32 $0x1C40, s2;
	[tilespmem:s0+$0x9D50] =	vst v13;
	v18 =	vld [tilespmem:$0x200];
	v13 =	vadd.f32 v17, v11  }
0x451: {  	s20 =	sor.u32 $0x1C50, s2;
	v17 =	vadd.f32 v15, v5;
	[tilespmem:s15+$0x9100] =	vst v16  }
0x452: {  	v15 =	vadd.f32 v15, v4;
	v16 =	vld [tilespmem:$0x880];
	[tilespmem:s20+$0x9100] =	vst v13  }
0x453: {  	v13 =	vadd.f32 v14, v7;
	[tilespmem:s0+$0xA180] =	vst v17;
	v17 =	vld [tilespmem:$0x1080]  }
0x454: {  	v14 =	vadd.f32 v14, v8;
	[tilespmem:s0+$0xA190] =	vst v15  }
0x455: {  	v15 =	vadd.f32 v18, v9;
	[tilespmem:s17+$0x91C0] =	vst v13;
	v13 =	vld [tilespmem:$0x980]  }
0x456: {  	v18 =	vadd.f32 v18, v10;
	[tilespmem:s17+$0x91D0] =	vst v14  }
0x457: {  	[tilespmem:s17+$0x9140] =	vst v15;
	v15 =	vld [tilespmem:$0x280];
	v14 =	vadd.f32 v16, v6  }
0x458: {  	[tilespmem:s17+$0x9150] =	vst v18;
	v12 =	vadd.f32 v17, v12  }
0x459: {  	s21 =	sor.u32 $0x1C60, s2;
	v18 =	vld [tilespmem:$0x280];
	[tilespmem:s0+$0x9D60] =	vst v14;
	v11 =	vadd.f32 v17, v11  }
0x45a: {  	s2 =	sor.u32 $0x1C70, s2;
	v14 =	vadd.f32 v13, v5;
	[tilespmem:s21+$0x9100] =	vst v12  }
0x45b: {  	v12 =	vadd.f32 v13, v4;
	[tilespmem:s2+$0x9100] =	vst v11  }
0x45c: {  	v13 =	vadd.f32 v15, v7;
	v11 =	vld [tilespmem:$0xE00];
	[tilespmem:s0+$0xA1A0] =	vst v14  }
0x45d: {  	v14 =	vadd.f32 v15, v8;
	[tilespmem:s0+$0xA1B0] =	vst v12  }
0x45e: {  	v12 =	vadd.f32 v18, v9;
	[tilespmem:s17+$0x91E0] =	vst v13;
	v13 =	vld [tilespmem:$0xA00]  }
0x45f: {  	v15 =	vadd.f32 v18, v10;
	[tilespmem:s17+$0x91F0] =	vst v14  }
0x460: {  	v14 =	vadd.f32 v16, v3;
	[tilespmem:s17+$0x9160] =	vst v12;
	v12 =	vld [tilespmem:$0x300]  }
0x461: {  	[tilespmem:s17+$0x9170] =	vst v15;
	v16 =	vadd.f32 v11, v2  }
0x462: {  	s22 =	sor.u32 $0x1840, s1;
	v15 =	vld [tilespmem:$0x300];
	[tilespmem:s0+$0x9D70] =	vst v14;
	v11 =	vadd.f32 v11, v1  }
0x463: {  	s23 =	sor.u32 $0x1850, s1;
	v14 =	vadd.f32 v13, v5;
	[tilespmem:s22+$0x9100] =	vst v16  }
0x464: {  	v16 =	vld [tilespmem:$0x900];
	v13 =	vadd.f32 v13, v4;
	[tilespmem:s23+$0x9100] =	vst v11  }
0x465: {  	v11 =	vadd.f32 v12, v7;
	[tilespmem:s0+$0xA1C0] =	vst v14  }
0x466: {  	v12 =	vadd.f32 v12, v8;
	v14 =	vld [tilespmem:$0xE80];
	[tilespmem:s0+$0xA1D0] =	vst v13  }
0x467: {  	v13 =	vadd.f32 v15, v9;
	[tilespmem:s17+$0x9580] =	vst v11;
	v11 =	vld [tilespmem:$0xA80]  }
0x468: {  	v15 =	vadd.f32 v15, v10;
	[tilespmem:s17+$0x9590] =	vst v12  }
0x469: {  	[tilespmem:s17+$0x9500] =	vst v13;
	v13 =	vld [tilespmem:$0x380];
	v12 =	vadd.f32 v16, v6  }
0x46a: {  	[tilespmem:s17+$0x9510] =	vst v15;
	v16 =	vadd.f32 v16, v3  }
0x46b: {  	v17 =	vld [tilespmem:$0x380];
	v15 =	vadd.f32 v14, v2;
	[tilespmem:s0+$0xA100] =	vst v12  }
0x46c: {  	s24 =	sor.u32 $0x1860, s1;
	[tilespmem:s0+$0xA110] =	vst v16;
	v12 =	vadd.f32 v11, v5  }
0x46d: {  	v16 =	vld [tilespmem:$0x980];
	v11 =	vadd.f32 v11, v4;
	[tilespmem:s24+$0x9100] =	vst v15  }
0x46e: {  	v15 =	vadd.f32 v13, v7;
	[tilespmem:s0+$0xA1E0] =	vst v12  }
0x46f: {  	v12 =	vadd.f32 v13, v8;
	[tilespmem:s0+$0xA1F0] =	vst v11  }
0x470: {  	v11 =	vadd.f32 v17, v9;
	[tilespmem:s17+$0x95A0] =	vst v15;
	v13 =	vld [tilespmem:$0xB00]  }
0x471: {  	v15 =	vadd.f32 v17, v10;
	[tilespmem:s17+$0x95B0] =	vst v12  }
0x472: {  	[tilespmem:s17+$0x9520] =	vst v11;
	v11 =	vld [tilespmem:$0x400];
	v12 =	vadd.f32 v16, v6  }
0x473: {  	v16 =	vadd.f32 v16, v3;
	[tilespmem:s17+$0x9530] =	vst v15  }
0x474: {  	v14 =	vadd.f32 v14, v1;
	v15 =	vld [tilespmem:$0x400];
	[tilespmem:s0+$0xA120] =	vst v12  }
0x475: {  	s25 =	sor.u32 $0x1870, s1;
	[tilespmem:s0+$0xA130] =	vst v16;
	v12 =	vadd.f32 v13, v5  }
0x476: {  	[tilespmem:s25+$0x9100] =	vst v14;
	v16 =	vld [tilespmem:$0xA00];
	v13 =	vadd.f32 v13, v4  }
0x477: {  	v14 =	vadd.f32 v11, v7;
	[tilespmem:s0+$0xA580] =	vst v12  }
0x478: {  	v12 =	vld [tilespmem:$0xF00];
	v11 =	vadd.f32 v11, v8;
	[tilespmem:s0+$0xA590] =	vst v13  }
0x479: {  	v13 =	vadd.f32 v15, v9;
	[tilespmem:s17+$0x95C0] =	vst v14;
	v14 =	vld [tilespmem:$0xB80]  }
0x47a: {  	v15 =	vadd.f32 v15, v10;
	[tilespmem:s17+$0x95D0] =	vst v11  }
0x47b: {  	[tilespmem:s17+$0x9540] =	vst v13;
	v11 =	vld [tilespmem:$0x480];
	v13 =	vadd.f32 v16, v6  }
0x47c: {  	v16 =	vadd.f32 v16, v3;
	[tilespmem:s17+$0x9550] =	vst v15  }
0x47d: {  	v17 =	vld [tilespmem:$0x480];
	v15 =	vadd.f32 v12, v2;
	[tilespmem:s0+$0xA140] =	vst v13  }
0x47e: {  	s26 =	sor.u32 $0x1C00, s1;
	[tilespmem:s0+$0xA150] =	vst v16;
	v13 =	vadd.f32 v14, v5  }
0x47f: {  	v16 =	vld [tilespmem:$0xA80];
	v14 =	vadd.f32 v14, v4;
	[tilespmem:s26+$0x9100] =	vst v15  }
0x480: {  	v15 =	vadd.f32 v11, v7;
	[tilespmem:s0+$0xA5A0] =	vst v13  }
0x481: {  	v11 =	vadd.f32 v11, v8;
	[tilespmem:s0+$0xA5B0] =	vst v14  }
0x482: {  	v13 =	vadd.f32 v17, v9;
	[tilespmem:s17+$0x95E0] =	vst v15;
	v14 =	vld [tilespmem:$0xC00]  }
0x483: {  	v15 =	vadd.f32 v17, v10;
	[tilespmem:s17+$0x95F0] =	vst v11  }
0x484: {  	[tilespmem:s17+$0x9560] =	vst v13;
	v11 =	vld [tilespmem:$0x500];
	v13 =	vadd.f32 v16, v6  }
0x485: {  	v16 =	vadd.f32 v16, v3;
	[tilespmem:s17+$0x9570] =	vst v15  }
0x486: {  	v12 =	vadd.f32 v12, v1;
	v15 =	vld [tilespmem:$0x500];
	[tilespmem:s0+$0xA160] =	vst v13  }
0x487: {  	s3 =	sor.u32 $0x1C10, s1;
	[tilespmem:s0+$0xA170] =	vst v16;
	v13 =	vadd.f32 v14, v5  }
0x488: {  	[tilespmem:s3+$0x9100] =	vst v12;
	v16 =	vld [tilespmem:$0xB00];
	v14 =	vadd.f32 v14, v4  }
0x489: {  	v12 =	vadd.f32 v11, v7;
	[tilespmem:s0+$0xA5C0] =	vst v13  }
0x48a: {  	v11 =	vadd.f32 v11, v8;
	v13 =	vld [tilespmem:$0xF80];
	[tilespmem:s0+$0xA5D0] =	vst v14  }
0x48b: {  	v14 =	vadd.f32 v15, v9;
	[tilespmem:s17+$0x9980] =	vst v12;
	v12 =	vld [tilespmem:$0xC80]  }
0x48c: {  	v15 =	vadd.f32 v15, v10;
	[tilespmem:s17+$0x9990] =	vst v11  }
0x48d: {  	v11 =	vld [tilespmem:$0x580];
	[tilespmem:s17+$0x9900] =	vst v14;
	v14 =	vadd.f32 v16, v6  }
0x48e: {  	v16 =	vadd.f32 v16, v3;
	[tilespmem:s17+$0x9910] =	vst v15  }
0x48f: {  	v17 =	vld [tilespmem:$0x580];
	v15 =	vadd.f32 v13, v2;
	[tilespmem:s0+$0xA500] =	vst v14  }
0x490: {  	s4 =	sor.u32 $0x1C20, s1;
	[tilespmem:s0+$0xA510] =	vst v16;
	v14 =	vadd.f32 v12, v5  }
0x491: {  	v16 =	vld [tilespmem:$0xB80];
	v12 =	vadd.f32 v12, v4;
	[tilespmem:s4+$0x9100] =	vst v15  }
0x492: {  	v15 =	vadd.f32 v11, v7;
	[tilespmem:s0+$0xA5E0] =	vst v14  }
0x493: {  	v11 =	vadd.f32 v11, v8;
	[tilespmem:s0+$0xA5F0] =	vst v12  }
0x494: {  	v12 =	vadd.f32 v17, v9;
	[tilespmem:s17+$0x99A0] =	vst v15;
	v14 =	vld [tilespmem:$0xD00]  }
0x495: {  	s25 =	simm.s32 $0x1;
	v15 =	vadd.f32 v17, v10;
	[tilespmem:s17+$0x99B0] =	vst v11  }
0x496: {  	s5 =	sand.u32 $0x3, s25;
	v11 =	vld [tilespmem:$0x600];
	[tilespmem:s17+$0x9920] =	vst v12;
	v12 =	vadd.f32 v16, v6  }
0x497: {  	s2 =	sshll.u32 s5, $0x8;
	v16 =	vadd.f32 v16, v3;
	[tilespmem:s17+$0x9930] =	vst v15  }
0x498: {  	s2 =	sadd.s32 $0x800, s2;
	v13 =	vadd.f32 v13, v1;
	v15 =	vld [tilespmem:$0x600];
	[tilespmem:s0+$0xA520] =	vst v12  }
0x499: {  	s6 =	sor.u32 $0x1C30, s1;
	s28 =	sadd.s32 $0x80, s2;
	[tilespmem:s0+$0xA530] =	vst v16;
	v12 =	vadd.f32 v14, v5  }
0x49a: {  	s7 =	sor.u32 $0x1800, s28;
	[tilespmem:s6+$0x9100] =	vst v13;
	v16 =	vld [tilespmem:$0xC00];
	v14 =	vadd.f32 v14, v4  }
0x49b: {  	s8 =	sor.u32 $0x1810, s28;
	v13 =	vadd.f32 v11, v7;
	[tilespmem:s7+$0x9100] =	vst v12  }
0x49c: {  	v11 =	vadd.f32 v11, v8;
	v12 =	vld [tilespmem:$0x1000];
	[tilespmem:s8+$0x9100] =	vst v14  }
0x49d: {  	v14 =	vadd.f32 v15, v9;
	[tilespmem:s17+$0x99C0] =	vst v13;
	v13 =	vld [tilespmem:$0xD80]  }
0x49e: {  	v15 =	vadd.f32 v15, v10;
	[tilespmem:s17+$0x99D0] =	vst v11  }
0x49f: {  	v11 =	vld [tilespmem:$0x680];
	[tilespmem:s17+$0x9940] =	vst v14;
	v14 =	vadd.f32 v16, v6  }
0x4a0: {  	v16 =	vadd.f32 v16, v3;
	[tilespmem:s17+$0x9950] =	vst v15  }
0x4a1: {  	v17 =	vld [tilespmem:$0x680];
	v15 =	vadd.f32 v12, v2;
	[tilespmem:s0+$0xA540] =	vst v14  }
0x4a2: {  	s9 =	sor.u32 $0x1C40, s1;
	[tilespmem:s0+$0xA550] =	vst v16;
	v14 =	vadd.f32 v13, v5  }
0x4a3: {  	s11 =	sor.u32 $0x1820, s28;
	v16 =	vld [tilespmem:$0xC80];
	v13 =	vadd.f32 v13, v4;
	[tilespmem:s9+$0x9100] =	vst v15  }
0x4a4: {  	s12 =	sor.u32 $0x1830, s28;
	v15 =	vadd.f32 v11, v7;
	[tilespmem:s11+$0x9100] =	vst v14  }
0x4a5: {  	v11 =	vadd.f32 v11, v8;
	[tilespmem:s12+$0x9100] =	vst v13  }
0x4a6: {  	[tilespmem:s17+$0x99E0] =	vst v15;
	v15 =	vadd.f32 v17, v10;
	v14 =	vld [tilespmem:$0xE00]  }
0x4a7: {  	[tilespmem:s17+$0x99F0] =	vst v11;
	v13 =	vadd.f32 v17, v9  }
0x4a8: {  	s30 =	simm.s32 $0x1000;
	s13 =	sor.u32 $0x1C50, s1;
	v17 =	vld [tilespmem:$0x700];
	v11 =	vadd.f32 v16, v6;
	[tilespmem:s17+$0x9970] =	vst v15  }
0x4a9: {  	s20 =	sor.u32 $0x1C70, s1;
	s21 =	sor.u32 $0x1C60, s1;
	s1 =	simm.s32 $0x4;
	[tilespmem:s17+$0x9960] =	vst v13;
	v13 =	vadd.f32 v16, v3  }
0x4aa: {  	s15 =	sor.u32 $0x1830, s2;
	s5 =	sor.u32 $0x1860, s2;
	s31 =	sor.u32 $0x1C00, s2;
	v12 =	vadd.f32 v12, v1;
	v18 =	vld [tilespmem:$0x700];
	[tilespmem:s0+$0xA560] =	vst v11  }
0x4ab: {  	s29 =	sor.u32 $0x1C10, s2;
	s24 =	sor.u32 $0x1C30, s2;
	s23 =	sor.u32 $0x1C40, s2;
	[tilespmem:s0+$0xA570] =	vst v13;
	v11 =	vadd.f32 v14, v5  }
0x4ac: {  	s22 =	sor.u32 $0x1C50, s2;
	s14 =	sor.u32 $0x1850, s28;
	s7 =	sor.u32 $0x1840, s28;
	[tilespmem:s13+$0x9100] =	vst v12;
	v13 =	vld [tilespmem:$0xD00];
	v14 =	vadd.f32 v14, v4  }
0x4ad: {  	s26 =	sor.u32 $0x1C20, s2;
	s4 =	sor.u32 $0x1800, s2;
	s6 =	sor.u32 $0x1850, s2;
	v12 =	vadd.f32 v17, v7;
	[tilespmem:s7+$0x9100] =	vst v11;
	v11 =	vld [tilespmem:$0x1080]  }
0x4ae: {  	s8 =	sor.u32 $0x1840, s2;
	s13 =	sor.u32 $0x1C70, s2;
	s11 =	sor.u32 $0x1820, s2;
	v15 =	vadd.f32 v17, v8;
	[tilespmem:s14+$0x9100] =	vst v14  }
0x4af: {  	s12 =	sor.u32 $0x1810, s2;
	s0 =	sor.u32 $0x1870, s2;
	[tilespmem:s17+$0x9D80] =	vst v12;
	v16 =	vadd.f32 v18, v9;
	s14 =	sor.u32 $0x1C60, s2;
	v14 =	vadd.f32 v18, v10;
	v12 =	vld [tilespmem:$0xE80]  }
.LBB2_5:
0x4b0: {  	s2 =	sadd.s32 $0x21, s1;
	[tilespmem:s17+$0x9D90] =	vst v15  }
0x4b1: {  	v15 =	vadd.s32 s2, v0;
	s2 =	sadd.s32 $0x11, s1;
	[tilespmem:s17+$0x9D00] =	vst v16;
	v16 =	vld [tilespmem:$0x780];
	v17 =	vadd.f32 v13, v6;
	v13 =	vadd.f32 v13, v3  }
0x4b2: {  	v18 =	vadd.s32 s2, v0;
	[tilespmem:s17+$0x9D10] =	vst v14;
	v14 =	vadd.f32 v11, v2;
	v11 =	vadd.f32 v11, v1;
	v2 =	vmovc v6  }
0x4b3: {  	v6 =	vmov v9;
	v1 =	vmov v3;
	v3 =	vmov v10;
	v19 =	vld [tilespmem:$0x780];
	[tilespmem:s4+$0x9100] =	vst v17  }
0x4b4: {  	[tilespmem:s12+$0x9100] =	vst v13;
	v10 =	vadd.f32 v12, v5  }
0x4b5: {  	s3 =	sor.u32 $0x1860, s28;
	s2 =	sadd.s32 $0x22, s1;
	v12 =	vadd.f32 v12, v4;
	v13 =	vld [tilespmem:$0xD80];
	[tilespmem:s21+$0x9100] =	vst v14;
	s21 =	smov.u32 s14  }
0x4b6: {  	v14 =	vadd.s32 s2, v0;
	s2 =	sadd.s32 $0x12, s1;
	v9 =	vld.idx.msk [tilespmem:v15+s10+$0x0], $0xffff;
	v15 =	vadd.f32 v16, v7;
	[tilespmem:s3+$0x9100] =	vst v10;
	s3 =	sor.u32 $0x1870, s28  }
0x4b7: {  	v17 =	vadd.s32 s2, v0;
	v16 =	vadd.f32 v16, v8;
	v10 =	vld.idx.msk [tilespmem:v18+s10+$0x0], $0xffff;
	[tilespmem:s3+$0x9100] =	vst v12  }
0x4b8: {  	v12 =	vadd.f32 v19, v6;
	v18 =	vadd.f32 v19, v3;
	[tilespmem:s17+$0x9DA0] =	vst v15;
	v15 =	vld [tilespmem:$0xF00]  }
0x4b9: {  	v19 =	vld [tilespmem:$0x100];
	[tilespmem:s17+$0x9DB0] =	vst v16  }
0x4ba: {  	[tilespmem:s17+$0x9D20] =	vst v12;
	v12 =	vld [tilespmem:$0x800];
	v16 =	vadd.f32 v13, v2;
	v13 =	vadd.f32 v13, v1  }
0x4bb: {  	v14 =	vld.idx.msk [tilespmem:v14+s10+$0x0], $0xffff;
	[tilespmem:s17+$0x9D30] =	vst v18  }
0x4bc: {  	v17 =	vld.idx.msk [tilespmem:v17+s10+$0x0], $0xffff;
	[tilespmem:s11+$0x9100] =	vst v16  }
0x4bd: {  	v16 =	vld [tilespmem:$0x800];
	[tilespmem:s15+$0x9100] =	vst v13;
	v13 =	vadd.f32 v15, v5  }
0x4be: {  	s2 =	sor.u32 $0x1C00, s28;
	v15 =	vadd.f32 v15, v4;
	v18 =	vadd.f32 v19, v9;
	v20 =	vld [tilespmem:$0xE00];
	[tilespmem:s20+$0x9100] =	vst v11;
	s20 =	smov.u32 s13  }
0x4bf: {  	v11 =	vadd.f32 v19, v10;
	v21 =	vadd.f32 v12, v7;
	[tilespmem:s2+$0x9100] =	vst v13;
	s2 =	sor.u32 $0x1C10, s28  }
0x4c0: {  	s18 =	sadd.s32 $0x100, s18;
	s19 =	sadd.s32 $0x800, s19;
	v12 =	vadd.f32 v12, v8;
	[tilespmem:s2+$0x9100] =	vst v15  }
0x4c1: {  	s3 =	sand.u32 $0x300, s18;
	s2 =	sand.u32 $0x6000, s19;
	v13 =	vadd.f32 v14, v19;
	[tilespmem:s17+$0x9DC0] =	vst v21;
	v15 =	vld [tilespmem:$0xF80]  }
0x4c2: {  	s9 =	sor.u32 s3, s2;
	v19 =	vadd.f32 v17, v19;
	v21 =	vadd.f32 v16, v6;
	[tilespmem:s17+$0x9DD0] =	vst v12  }
0x4c3: {  	v12 =	vadd.f32 v16, v3;
	[tilespmem:s9+$0x9180] =	vst v13;
	v13 =	vld [tilespmem:$0x880];
	v16 =	vadd.f32 v20, v2  }
0x4c4: {  	[tilespmem:s9+$0x9190] =	vst v19;
	v19 =	vadd.f32 v20, v1  }
0x4c5: {  	[tilespmem:s9+$0x9100] =	vst v18;
	v18 =	vld [tilespmem:$0x180]  }
0x4c6: {  	[tilespmem:s9+$0x9110] =	vst v11;
	v11 =	vadd.f32 v15, v5  }
0x4c7: {  	s2 =	sor.u32 $0x1C20, s28;
	v15 =	vadd.f32 v15, v4;
	v20 =	vld [tilespmem:$0x180];
	[tilespmem:s17+$0x9D40] =	vst v21  }
0x4c8: {  	v21 =	vadd.f32 v13, v7;
	[tilespmem:s2+$0x9100] =	vst v11;
	s2 =	sor.u32 $0x1C30, s28  }
0x4c9: {  	v11 =	vadd.f32 v13, v8;
	[tilespmem:s2+$0x9100] =	vst v15  }
0x4ca: {  	v13 =	vadd.f32 v18, v14;
	[tilespmem:s17+$0x9DE0] =	vst v21;
	v15 =	vld [tilespmem:$0x1000]  }
0x4cb: {  	v18 =	vadd.f32 v18, v17;
	[tilespmem:s17+$0x9DF0] =	vst v11  }
0x4cc: {  	v11 =	vadd.f32 v20, v9;
	v20 =	vadd.f32 v20, v10;
	[tilespmem:s9+$0x91A0] =	vst v13;
	v13 =	vld [tilespmem:$0x900]  }
0x4cd: {  	[tilespmem:s9+$0x91B0] =	vst v18  }
0x4ce: {  	[tilespmem:s9+$0x9120] =	vst v11;
	v11 =	vld [tilespmem:$0x200]  }
0x4cf: {  	[tilespmem:s9+$0x9130] =	vst v20;
	v18 =	vadd.f32 v15, v5  }
0x4d0: {  	s2 =	sor.u32 $0x1C40, s28;
	v20 =	vld [tilespmem:$0x200];
	[tilespmem:s17+$0x9D50] =	vst v12;
	v12 =	vadd.f32 v15, v4  }
0x4d1: {  	v15 =	vld [tilespmem:$0x880];
	v21 =	vadd.f32 v13, v7;
	[tilespmem:s2+$0x9100] =	vst v18;
	s2 =	sor.u32 $0x1C50, s28  }
0x4d2: {  	v13 =	vadd.f32 v13, v8;
	[tilespmem:s2+$0x9100] =	vst v12  }
0x4d3: {  	v12 =	vadd.f32 v11, v14;
	[tilespmem:s17+$0xA180] =	vst v21;
	v18 =	vld [tilespmem:$0x1080]  }
0x4d4: {  	v11 =	vadd.f32 v11, v17;
	[tilespmem:s17+$0xA190] =	vst v13  }
0x4d5: {  	s1 =	sadd.s32 $0x2, s1;
	v13 =	vadd.f32 v20, v9;
	v20 =	vadd.f32 v20, v10;
	[tilespmem:s9+$0x91C0] =	vst v12;
	v12 =	vld [tilespmem:$0x980]  }
0x4d6: {  	p1 =	slt.u32 s1, $0x1E;
	[tilespmem:s9+$0x91D0] =	vst v11;
	v11 =	vadd.f32 v15, v6;
	v15 =	vadd.f32 v15, v3  }
0x4d7: {  	[tilespmem:s9+$0x9140] =	vst v13;
	v13 =	vld [tilespmem:$0x280]  }
0x4d8: {  	[tilespmem:s9+$0x9150] =	vst v20;
	v20 =	vadd.f32 v18, v5;
	v5 =	vmov v7;
	v7 =	vmov v14  }
0x4d9: {  	s2 =	sor.u32 $0x1C60, s28;
	v14 =	vld [tilespmem:$0x280];
	[tilespmem:s17+$0x9D60] =	vst v11;
	v11 =	vadd.f32 v18, v4;
	v4 =	vmov v8;
	v8 =	vmov v17  }
0x4da: {  	v17 =	vadd.f32 v12, v5;
	[tilespmem:s2+$0x9100] =	vst v20;
	s2 =	sor.u32 $0x1C70, s28  }
0x4db: {  	v12 =	vadd.f32 v12, v4;
	[tilespmem:s2+$0x9100] =	vst v11  }
0x4dc: {  	v11 =	vadd.f32 v13, v7;
	[tilespmem:s17+$0xA1A0] =	vst v17  }
0x4dd: {  	v13 =	vadd.f32 v13, v8;
	[tilespmem:s17+$0xA1B0] =	vst v12  }
0x4de: {  	v12 =	vadd.f32 v14, v9;
	v14 =	vadd.f32 v14, v10;
	[tilespmem:s9+$0x91E0] =	vst v11;
	v11 =	vld [tilespmem:$0xA00]  }
0x4df: {  	[tilespmem:s9+$0x91F0] =	vst v13  }
0x4e0: {  	[tilespmem:s9+$0x9160] =	vst v12;
	v12 =	vld [tilespmem:$0x300]  }
0x4e1: {  	[tilespmem:s9+$0x9170] =	vst v14  }
0x4e2: {  	v13 =	vld [tilespmem:$0x300];
	[tilespmem:s17+$0x9D70] =	vst v15  }
0x4e3: {  	v14 =	vld [tilespmem:$0x900];
	v15 =	vadd.f32 v11, v5;
	[tilespmem:s8+$0x9100] =	vst v16  }
0x4e4: {  	v11 =	vadd.f32 v11, v4;
	[tilespmem:s6+$0x9100] =	vst v19  }
0x4e5: {  	v16 =	vadd.f32 v12, v7;
	[tilespmem:s17+$0xA1C0] =	vst v15;
	v15 =	vld [tilespmem:$0xE80]  }
0x4e6: {  	v12 =	vadd.f32 v12, v8;
	[tilespmem:s17+$0xA1D0] =	vst v11  }
0x4e7: {  	v11 =	vadd.f32 v13, v9;
	v13 =	vadd.f32 v13, v10;
	[tilespmem:s9+$0x9580] =	vst v16;
	v16 =	vld [tilespmem:$0xA80]  }
0x4e8: {  	[tilespmem:s9+$0x9590] =	vst v12;
	v12 =	vadd.f32 v14, v6;
	v14 =	vadd.f32 v14, v3  }
0x4e9: {  	[tilespmem:s9+$0x9500] =	vst v11;
	v11 =	vld [tilespmem:$0x380]  }
0x4ea: {  	[tilespmem:s9+$0x9510] =	vst v13;
	v13 =	vadd.f32 v15, v2;
	v15 =	vadd.f32 v15, v1  }
0x4eb: {  	v17 =	vld [tilespmem:$0x380];
	[tilespmem:s17+$0xA100] =	vst v12  }
0x4ec: {  	[tilespmem:s17+$0xA110] =	vst v14;
	v12 =	vadd.f32 v16, v5  }
0x4ed: {  	v16 =	vadd.f32 v16, v4;
	v14 =	vld [tilespmem:$0x980];
	[tilespmem:s5+$0x9100] =	vst v13  }
0x4ee: {  	v13 =	vadd.f32 v11, v7;
	[tilespmem:s17+$0xA1E0] =	vst v12  }
0x4ef: {  	v11 =	vadd.f32 v11, v8;
	[tilespmem:s17+$0xA1F0] =	vst v16  }
0x4f0: {  	v12 =	vadd.f32 v17, v9;
	v16 =	vadd.f32 v17, v10;
	[tilespmem:s9+$0x95A0] =	vst v13;
	v13 =	vld [tilespmem:$0xB00]  }
0x4f1: {  	[tilespmem:s9+$0x95B0] =	vst v11  }
0x4f2: {  	[tilespmem:s9+$0x9520] =	vst v12;
	v11 =	vld [tilespmem:$0x400];
	v12 =	vadd.f32 v14, v6;
	v14 =	vadd.f32 v14, v3  }
0x4f3: {  	[tilespmem:s9+$0x9530] =	vst v16  }
0x4f4: {  	v16 =	vld [tilespmem:$0x400];
	[tilespmem:s17+$0xA120] =	vst v12  }
0x4f5: {  	[tilespmem:s17+$0xA130] =	vst v14;
	v12 =	vadd.f32 v13, v5  }
0x4f6: {  	v13 =	vadd.f32 v13, v4;
	v14 =	vld [tilespmem:$0xA00];
	[tilespmem:s0+$0x9100] =	vst v15  }
0x4f7: {  	v15 =	vadd.f32 v11, v7;
	[tilespmem:s17+$0xA580] =	vst v12;
	v12 =	vld [tilespmem:$0xF00]  }
0x4f8: {  	v11 =	vadd.f32 v11, v8;
	[tilespmem:s17+$0xA590] =	vst v13  }
0x4f9: {  	v13 =	vadd.f32 v16, v9;
	v16 =	vadd.f32 v16, v10;
	[tilespmem:s9+$0x95C0] =	vst v15;
	v15 =	vld [tilespmem:$0xB80]  }
0x4fa: {  	[tilespmem:s9+$0x95D0] =	vst v11  }
0x4fb: {  	[tilespmem:s9+$0x9540] =	vst v13;
	v11 =	vld [tilespmem:$0x480];
	v13 =	vadd.f32 v14, v6;
	v14 =	vadd.f32 v14, v3  }
0x4fc: {  	[tilespmem:s9+$0x9550] =	vst v16;
	v16 =	vadd.f32 v12, v2;
	v12 =	vadd.f32 v12, v1  }
0x4fd: {  	v17 =	vld [tilespmem:$0x480];
	[tilespmem:s17+$0xA140] =	vst v13  }
0x4fe: {  	[tilespmem:s17+$0xA150] =	vst v14;
	v13 =	vadd.f32 v15, v5  }
0x4ff: {  	v15 =	vadd.f32 v15, v4;
	v14 =	vld [tilespmem:$0xA80];
	[tilespmem:s31+$0x9100] =	vst v16  }
0x500: {  	v16 =	vadd.f32 v11, v7;
	[tilespmem:s17+$0xA5A0] =	vst v13  }
0x501: {  	v11 =	vadd.f32 v11, v8;
	[tilespmem:s17+$0xA5B0] =	vst v15  }
0x502: {  	v13 =	vadd.f32 v17, v9;
	v15 =	vadd.f32 v17, v10;
	[tilespmem:s9+$0x95E0] =	vst v16;
	v16 =	vld [tilespmem:$0xC00]  }
0x503: {  	[tilespmem:s9+$0x95F0] =	vst v11  }
0x504: {  	[tilespmem:s9+$0x9560] =	vst v13;
	v11 =	vld [tilespmem:$0x500];
	v13 =	vadd.f32 v14, v6;
	v14 =	vadd.f32 v14, v3  }
0x505: {  	[tilespmem:s9+$0x9570] =	vst v15  }
0x506: {  	v15 =	vld [tilespmem:$0x500];
	[tilespmem:s17+$0xA160] =	vst v13  }
0x507: {  	[tilespmem:s17+$0xA170] =	vst v14;
	v13 =	vadd.f32 v16, v5  }
0x508: {  	v16 =	vadd.f32 v16, v4;
	v14 =	vld [tilespmem:$0xB00];
	[tilespmem:s29+$0x9100] =	vst v12  }
0x509: {  	v12 =	vadd.f32 v11, v7;
	[tilespmem:s17+$0xA5C0] =	vst v13;
	v13 =	vld [tilespmem:$0xF80]  }
0x50a: {  	v11 =	vadd.f32 v11, v8;
	[tilespmem:s17+$0xA5D0] =	vst v16  }
0x50b: {  	v16 =	vadd.f32 v15, v9;
	v15 =	vadd.f32 v15, v10;
	[tilespmem:s9+$0x9980] =	vst v12;
	v12 =	vld [tilespmem:$0xC80]  }
0x50c: {  	[tilespmem:s9+$0x9990] =	vst v11  }
0x50d: {  	[tilespmem:s9+$0x9900] =	vst v16;
	v11 =	vld [tilespmem:$0x580];
	v16 =	vadd.f32 v14, v6;
	v14 =	vadd.f32 v14, v3  }
0x50e: {  	[tilespmem:s9+$0x9910] =	vst v15;
	v15 =	vadd.f32 v13, v2;
	v13 =	vadd.f32 v13, v1  }
0x50f: {  	v17 =	vld [tilespmem:$0x580];
	[tilespmem:s17+$0xA500] =	vst v16  }
0x510: {  	[tilespmem:s17+$0xA510] =	vst v14;
	v14 =	vadd.f32 v12, v5  }
0x511: {  	v12 =	vadd.f32 v12, v4;
	v16 =	vld [tilespmem:$0xB80];
	[tilespmem:s26+$0x9100] =	vst v15  }
0x512: {  	v15 =	vadd.f32 v11, v7;
	[tilespmem:s17+$0xA5E0] =	vst v14  }
0x513: {  	v11 =	vadd.f32 v11, v8;
	[tilespmem:s17+$0xA5F0] =	vst v12  }
0x514: {  	v12 =	vadd.f32 v17, v9;
	v14 =	vadd.f32 v17, v10;
	[tilespmem:s9+$0x99A0] =	vst v15;
	v15 =	vld [tilespmem:$0xD00]  }
0x515: {  	s25 =	sadd.s32 $0x1, s25;
	[tilespmem:s9+$0x99B0] =	vst v11  }
0x516: {  	s0 =	sand.u32 $0x3, s25;
	[tilespmem:s9+$0x9920] =	vst v12;
	v11 =	vld [tilespmem:$0x600];
	v12 =	vadd.f32 v16, v6;
	v16 =	vadd.f32 v16, v3  }
0x517: {  	s0 =	sshll.u32 s0, $0x8;
	[tilespmem:s9+$0x9930] =	vst v14  }
0x518: {  	s2 =	sadd.s32 s0, s30;
	s30 =	smov.u32 s19;
	v14 =	vld [tilespmem:$0x600];
	[tilespmem:s17+$0xA520] =	vst v12  }
0x519: {  	s4 =	sor.u32 $0x1800, s2;
	s12 =	sor.u32 $0x1810, s2;
	s28 =	sadd.s32 $0x80, s2;
	[tilespmem:s17+$0xA530] =	vst v16;
	v12 =	vadd.f32 v15, v5  }
0x51a: {  	s11 =	sor.u32 $0x1820, s2;
	s15 =	sor.u32 $0x1830, s2;
	s0 =	sor.u32 $0x1800, s28;
	v15 =	vadd.f32 v15, v4;
	v16 =	vld [tilespmem:$0xC00];
	[tilespmem:s24+$0x9100] =	vst v13  }
0x51b: {  	s8 =	sor.u32 $0x1840, s2;
	s6 =	sor.u32 $0x1850, s2;
	s3 =	sor.u32 $0x1810, s28;
	v13 =	vadd.f32 v11, v7;
	[tilespmem:s0+$0x9100] =	vst v12;
	v12 =	vld [tilespmem:$0x1000]  }
0x51c: {  	s5 =	sor.u32 $0x1860, s2;
	s31 =	sor.u32 $0x1C00, s2;
	v11 =	vadd.f32 v11, v8;
	s0 =	sor.u32 $0x1870, s2;
	[tilespmem:s3+$0x9100] =	vst v15  }
0x51d: {  	s29 =	sor.u32 $0x1C10, s2;
	s26 =	sor.u32 $0x1C20, s2;
	s24 =	sor.u32 $0x1C30, s2;
	v15 =	vadd.f32 v14, v9;
	v14 =	vadd.f32 v14, v10;
	[tilespmem:s9+$0x99C0] =	vst v13;
	v13 =	vld [tilespmem:$0xD80]  }
0x51e: {  	s7 =	sor.u32 $0x1C50, s2;
	s14 =	sor.u32 $0x1C60, s2;
	s3 =	sor.u32 $0x1C40, s2;
	[tilespmem:s9+$0x99D0] =	vst v11  }
0x51f: {  	s13 =	sor.u32 $0x1C70, s2;
	[tilespmem:s9+$0x9940] =	vst v15;
	v11 =	vld [tilespmem:$0x680];
	v15 =	vadd.f32 v16, v6;
	v16 =	vadd.f32 v16, v3  }
0x520: {  	[tilespmem:s9+$0x9950] =	vst v14;
	v14 =	vadd.f32 v12, v2;
	v12 =	vadd.f32 v12, v1  }
0x521: {  	v17 =	vld [tilespmem:$0x680];
	[tilespmem:s17+$0xA540] =	vst v15  }
0x522: {  	[tilespmem:s17+$0xA550] =	vst v16;
	v15 =	vadd.f32 v13, v5  }
0x523: {  	s2 =	sor.u32 $0x1820, s28;
	v13 =	vadd.f32 v13, v4;
	v16 =	vld [tilespmem:$0xC80];
	[tilespmem:s23+$0x9100] =	vst v14;
	s23 =	smov.u32 s3  }
0x524: {  	v14 =	vadd.f32 v11, v7;
	[tilespmem:s2+$0x9100] =	vst v15;
	s2 =	sor.u32 $0x1830, s28  }
0x525: {  	v11 =	vadd.f32 v11, v8;
	[tilespmem:s2+$0x9100] =	vst v13  }
0x526: {  	v13 =	vadd.f32 v17, v9;
	v15 =	vadd.f32 v17, v10;
	[tilespmem:s9+$0x99E0] =	vst v14;
	v14 =	vld [tilespmem:$0xE00]  }
0x527: {  	[tilespmem:s9+$0x99F0] =	vst v11  }
0x528: {  	[tilespmem:s9+$0x9960] =	vst v13;
	v17 =	vld [tilespmem:$0x700];
	v11 =	vadd.f32 v16, v6;
	v13 =	vadd.f32 v16, v3  }
0x529: {  	[tilespmem:s9+$0x9970] =	vst v15  }
0x52a: {  	v18 =	vld [tilespmem:$0x700];
	[tilespmem:s17+$0xA560] =	vst v11  }
.Ltmp1:
0x52b: {  	[tilespmem:s17+$0xA570] =	vst v13;
	v11 =	vadd.f32 v14, v5;
	s17 =	smov.u32 s9;
	(pc) =	sbr.rel @p1 .LBB2_5-.Ltmp1, $4  }
0x52c: {  	s2 =	sor.u32 $0x1840, s28;
	v14 =	vadd.f32 v14, v4;
	v13 =	vld [tilespmem:$0xD00];
	[tilespmem:s22+$0x9100] =	vst v12;
	s22 =	smov.u32 s7  }
0x52d: {  	v12 =	vadd.f32 v17, v7;
	[tilespmem:s2+$0x9100] =	vst v11;
	s2 =	sor.u32 $0x1850, s28;
	v11 =	vld [tilespmem:$0x1080]  }
0x52e: {  	v15 =	vadd.f32 v17, v8;
	[tilespmem:s2+$0x9100] =	vst v14  }
0x52f: {  	v16 =	vadd.f32 v18, v9;
	v14 =	vadd.f32 v18, v10;
	[tilespmem:s17+$0x9D80] =	vst v12;
	v12 =	vld [tilespmem:$0xE80]  }
0x530: {  	[tilespmem:s17+$0x9D90] =	vst v15  }
0x531: {  	[tilespmem:s17+$0x9D00] =	vst v16;
	v15 =	vld [tilespmem:$0x780]  }
0x532: {  	[tilespmem:s17+$0x9D10] =	vst v14  }
0x533: {  	v14 =	vld [tilespmem:$0x780];
	_ =	sdelay $0x2  }
0x534: {  	v28 =	vadd.f32 v15, v7  }
0x535: {  	v15 =	vadd.f32 v15, v8  }
0x536: {  	v29 =	vadd.f32 v14, v9;
	[tilespmem:s17+$0x9DA0] =	vst v28  }
0x537: {  	v14 =	vadd.f32 v14, v10;
	[tilespmem:s17+$0x9DB0] =	vst v15  }
0x538: {  	[tilespmem:s17+$0x9D20] =	vst v29;
	v15 =	vld [tilespmem:$0x800]  }
0x539: {  	[tilespmem:s17+$0x9D30] =	vst v14  }
0x53a: {  	v14 =	vld [tilespmem:$0x800];
	_ =	sdelay $0x2  }
0x53b: {  	v30 =	vadd.f32 v15, v7  }
0x53c: {  	v15 =	vadd.f32 v15, v8  }
0x53d: {  	v31 =	vadd.f32 v14, v9;
	[tilespmem:s17+$0x9DC0] =	vst v30  }
0x53e: {  	v14 =	vadd.f32 v14, v10;
	[tilespmem:s17+$0x9DD0] =	vst v15  }
0x53f: {  	v15 =	vld [tilespmem:$0x880];
	[tilespmem:s17+$0x9D40] =	vst v31  }
0x540: {  	[tilespmem:s17+$0x9D50] =	vst v14  }
0x541: {  	v14 =	vld [tilespmem:$0x880];
	_ =	sdelay $0x2  }
0x542: {  	v32 =	vadd.f32 v15, v7  }
0x543: {  	v15 =	vadd.f32 v15, v8  }
0x544: {  	v33 =	vadd.f32 v14, v9;
	[tilespmem:s17+$0x9DE0] =	vst v32  }
0x545: {  	v14 =	vadd.f32 v14, v10;
	[tilespmem:s17+$0x9DF0] =	vst v15  }
0x546: {  	v15 =	vld [tilespmem:$0x900];
	[tilespmem:s17+$0x9D60] =	vst v33  }
0x547: {  	[tilespmem:s17+$0x9D70] =	vst v14  }
0x548: {  	v14 =	vld [tilespmem:$0x900];
	_ =	sdelay $0x2  }
0x549: {  	v34 =	vadd.f32 v15, v7  }
0x54a: {  	v15 =	vadd.f32 v15, v8  }
0x54b: {  	v35 =	vadd.f32 v14, v9;
	[tilespmem:s17+$0xA180] =	vst v34  }
0x54c: {  	v14 =	vadd.f32 v14, v10;
	[tilespmem:s17+$0xA190] =	vst v15  }
0x54d: {  	v15 =	vld [tilespmem:$0x980];
	[tilespmem:s17+$0xA100] =	vst v35  }
0x54e: {  	[tilespmem:s17+$0xA110] =	vst v14  }
0x54f: {  	v14 =	vld [tilespmem:$0x980];
	_ =	sdelay $0x2  }
0x550: {  	v36 =	vadd.f32 v15, v7  }
0x551: {  	v15 =	vadd.f32 v15, v8  }
0x552: {  	v37 =	vadd.f32 v14, v9;
	[tilespmem:s17+$0xA1A0] =	vst v36  }
0x553: {  	v14 =	vadd.f32 v14, v10;
	[tilespmem:s17+$0xA1B0] =	vst v15  }
0x554: {  	v15 =	vld [tilespmem:$0xA00];
	[tilespmem:s17+$0xA120] =	vst v37  }
0x555: {  	[tilespmem:s17+$0xA130] =	vst v14  }
0x556: {  	v14 =	vld [tilespmem:$0xA00];
	_ =	sdelay $0x2  }
0x557: {  	v38 =	vadd.f32 v15, v7  }
0x558: {  	v15 =	vadd.f32 v15, v8  }
0x559: {  	v39 =	vadd.f32 v14, v9;
	[tilespmem:s17+$0xA1C0] =	vst v38  }
0x55a: {  	v14 =	vadd.f32 v14, v10;
	[tilespmem:s17+$0xA1D0] =	vst v15  }
0x55b: {  	v15 =	vld [tilespmem:$0xA80];
	[tilespmem:s17+$0xA140] =	vst v39  }
0x55c: {  	[tilespmem:s17+$0xA150] =	vst v14  }
0x55d: {  	v14 =	vld [tilespmem:$0xA80];
	_ =	sdelay $0x2  }
0x55e: {  	v40 =	vadd.f32 v15, v7  }
0x55f: {  	v15 =	vadd.f32 v15, v8  }
0x560: {  	v41 =	vadd.f32 v14, v9;
	[tilespmem:s17+$0xA1E0] =	vst v40  }
0x561: {  	v14 =	vadd.f32 v14, v10;
	[tilespmem:s17+$0xA1F0] =	vst v15  }
0x562: {  	v15 =	vld [tilespmem:$0xB00];
	[tilespmem:s17+$0xA160] =	vst v41  }
0x563: {  	[tilespmem:s17+$0xA170] =	vst v14  }
0x564: {  	v14 =	vld [tilespmem:$0xB00];
	_ =	sdelay $0x2  }
0x565: {  	v42 =	vadd.f32 v15, v7  }
0x566: {  	v15 =	vadd.f32 v15, v8  }
0x567: {  	v43 =	vadd.f32 v14, v9;
	[tilespmem:s17+$0xA580] =	vst v42  }
0x568: {  	v14 =	vadd.f32 v14, v10;
	[tilespmem:s17+$0xA590] =	vst v15  }
0x569: {  	v15 =	vld [tilespmem:$0xB80];
	[tilespmem:s17+$0xA500] =	vst v43  }
0x56a: {  	[tilespmem:s17+$0xA510] =	vst v14  }
0x56b: {  	v14 =	vld [tilespmem:$0xB80];
	_ =	sdelay $0x2  }
0x56c: {  	v44 =	vadd.f32 v15, v7  }
0x56d: {  	v15 =	vadd.f32 v15, v8  }
0x56e: {  	v45 =	vadd.f32 v14, v9;
	[tilespmem:s17+$0xA5A0] =	vst v44  }
0x56f: {  	v14 =	vadd.f32 v14, v10;
	[tilespmem:s17+$0xA5B0] =	vst v15  }
0x570: {  	v15 =	vld [tilespmem:$0xC00];
	[tilespmem:s17+$0xA520] =	vst v45  }
0x571: {  	[tilespmem:s17+$0xA530] =	vst v14  }
0x572: {  	v14 =	vld [tilespmem:$0xC00];
	_ =	sdelay $0x2  }
0x573: {  	v46 =	vadd.f32 v15, v7  }
0x574: {  	v15 =	vadd.f32 v15, v8  }
0x575: {  	v47 =	vadd.f32 v14, v9;
	[tilespmem:s17+$0xA5C0] =	vst v46  }
0x576: {  	v14 =	vadd.f32 v14, v10;
	[tilespmem:s17+$0xA5D0] =	vst v15  }
0x577: {  	v15 =	vld [tilespmem:$0xC80];
	[tilespmem:s17+$0xA540] =	vst v47  }
0x578: {  	[tilespmem:s17+$0xA550] =	vst v14  }
0x579: {  	v14 =	vld [tilespmem:$0xC80];
	_ =	sdelay $0x2  }
0x57a: {  	v48 =	vadd.f32 v15, v7  }
0x57b: {  	v15 =	vadd.f32 v15, v8  }
0x57c: {  	v49 =	vadd.f32 v14, v9;
	[tilespmem:s17+$0xA5E0] =	vst v48  }
0x57d: {  	v14 =	vadd.f32 v14, v10;
	[tilespmem:s17+$0xA5F0] =	vst v15  }
0x57e: {  	v15 =	vld [tilespmem:$0xD00];
	[tilespmem:s17+$0xA560] =	vst v49  }
0x57f: {  	s1 =	sadd.s32 $0x1, s25;
	[tilespmem:s17+$0xA570] =	vst v14  }
0x580: {  	s1 =	sand.u32 $0x3, s1;
	v14 =	vld [tilespmem:$0xD00]  }
0x581: {  	v50 =	vadd.f32 v13, v6;
	s1 =	sshll.u32 s1, $0x8  }
0x582: {  	v51 =	vadd.f32 v13, v3;
	s1 =	sadd.s32 s1, s30  }
0x583: {  	[tilespmem:s4+$0x9100] =	vst v50;
	s2 =	sadd.s32 $0x80, s1;
	v52 =	vadd.f32 v15, v7  }
0x584: {  	[tilespmem:s12+$0x9100] =	vst v51;
	s3 =	sor.u32 $0x1800, s2;
	v53 =	vadd.f32 v15, v8  }
0x585: {  	v54 =	vld [tilespmem:$0xD80];
	s9 =	sor.u32 $0x1810, s2;
	v55 =	vadd.f32 v14, v9;
	[tilespmem:s3+$0x9100] =	vst v52  }
0x586: {  	s12 =	sor.u32 $0x1800, s1;
	v56 =	vadd.f32 v14, v10;
	[tilespmem:s9+$0x9100] =	vst v53  }
0x587: {  	s17 =	sor.u32 $0x1810, s1;
	[tilespmem:s12+$0x9100] =	vst v55;
	v57 =	vld [tilespmem:$0xD80]  }
0x588: {  	[tilespmem:s17+$0x9100] =	vst v56  }
0x589: {  	v13 =	vld [tilespmem:$0xD80]  }
0x58a: {  	v58 =	vadd.f32 v54, v6  }
0x58b: {  	v15 =	vadd.f32 v54, v3  }
0x58c: {  	[tilespmem:s11+$0x9100] =	vst v58;
	v59 =	vadd.f32 v57, v7  }
0x58d: {  	s18 =	sor.u32 $0x1820, s2;
	[tilespmem:s15+$0x9100] =	vst v15;
	v14 =	vadd.f32 v57, v8  }
0x58e: {  	s19 =	sor.u32 $0x1830, s2;
	v15 =	vld [tilespmem:$0xE00];
	v60 =	vadd.f32 v13, v9;
	[tilespmem:s18+$0x9100] =	vst v59  }
0x58f: {  	s25 =	sor.u32 $0x1820, s1;
	v13 =	vadd.f32 v13, v10;
	[tilespmem:s19+$0x9100] =	vst v14  }
0x590: {  	s30 =	sor.u32 $0x1830, s1;
	[tilespmem:s25+$0x9100] =	vst v60;
	v14 =	vld [tilespmem:$0xE00]  }
0x591: {  	[tilespmem:s30+$0x9100] =	vst v13  }
0x592: {  	v13 =	vld [tilespmem:$0xE00]  }
0x593: {  	v61 =	vadd.f32 v15, v6  }
0x594: {  	v15 =	vadd.f32 v15, v3  }
0x595: {  	[tilespmem:s8+$0x9100] =	vst v61;
	v62 =	vadd.f32 v14, v7  }
0x596: {  	s4 =	sor.u32 $0x1840, s2;
	[tilespmem:s6+$0x9100] =	vst v15;
	v14 =	vadd.f32 v14, v8  }
0x597: {  	s6 =	sor.u32 $0x1850, s2;
	v15 =	vld [tilespmem:$0xE80];
	v63 =	vadd.f32 v13, v9;
	[tilespmem:s4+$0x9100] =	vst v62  }
0x598: {  	s7 =	sor.u32 $0x1840, s1;
	v13 =	vadd.f32 v13, v10;
	[tilespmem:s6+$0x9100] =	vst v14  }
0x599: {  	s8 =	sor.u32 $0x1850, s1;
	[tilespmem:s7+$0x9100] =	vst v63;
	v14 =	vld [tilespmem:$0xE80]  }
0x59a: {  	v20 =	vadd.f32 v12, v5;
	[tilespmem:s8+$0x9100] =	vst v13  }
0x59b: {  	v21 =	vadd.f32 v12, v4;
	s9 =	sor.u32 $0x1860, s28;
	v13 =	vld [tilespmem:$0xE80]  }
0x59c: {  	s11 =	sor.u32 $0x1870, s28;
	[tilespmem:s9+$0x9100] =	vst v20;
	v22 =	vadd.f32 v15, v6  }
0x59d: {  	[tilespmem:s11+$0x9100] =	vst v21;
	v23 =	vadd.f32 v15, v3  }
0x59e: {  	v24 =	vld [tilespmem:$0xF00];
	[tilespmem:s5+$0x9100] =	vst v22;
	v25 =	vadd.f32 v14, v7  }
0x59f: {  	s12 =	sor.u32 $0x1860, s2;
	[tilespmem:s0+$0x9100] =	vst v23;
	v26 =	vadd.f32 v14, v8  }
0x5a0: {  	s15 =	sor.u32 $0x1870, s2;
	v27 =	vld [tilespmem:$0xF00];
	v28 =	vadd.f32 v13, v9;
	[tilespmem:s12+$0x9100] =	vst v25  }
0x5a1: {  	s17 =	sor.u32 $0x1860, s1;
	v29 =	vadd.f32 v13, v10;
	[tilespmem:s15+$0x9100] =	vst v26  }
0x5a2: {  	s18 =	sor.u32 $0x1870, s1;
	[tilespmem:s17+$0x9100] =	vst v28;
	v30 =	vld [tilespmem:$0xF00]  }
0x5a3: {  	v31 =	vadd.f32 v24, v5;
	[tilespmem:s18+$0x9100] =	vst v29  }
0x5a4: {  	v32 =	vadd.f32 v24, v4;
	s19 =	sor.u32 $0x1C00, s28;
	v33 =	vld [tilespmem:$0xF00]  }
0x5a5: {  	s25 =	sor.u32 $0x1C10, s28;
	[tilespmem:s19+$0x9100] =	vst v31;
	v34 =	vadd.f32 v27, v6  }
0x5a6: {  	[tilespmem:s25+$0x9100] =	vst v32;
	v35 =	vadd.f32 v27, v3  }
0x5a7: {  	v36 =	vld [tilespmem:$0xF80];
	[tilespmem:s31+$0x9100] =	vst v34;
	v37 =	vadd.f32 v30, v7  }
0x5a8: {  	s30 =	sor.u32 $0x1C00, s2;
	[tilespmem:s29+$0x9100] =	vst v35;
	v38 =	vadd.f32 v30, v8  }
0x5a9: {  	s31 =	sor.u32 $0x1C10, s2;
	v39 =	vld [tilespmem:$0xF80];
	v40 =	vadd.f32 v33, v9;
	[tilespmem:s30+$0x9100] =	vst v37  }
0x5aa: {  	s3 =	sor.u32 $0x1C00, s1;
	v41 =	vadd.f32 v33, v10;
	[tilespmem:s31+$0x9100] =	vst v38  }
0x5ab: {  	s4 =	sor.u32 $0x1C10, s1;
	[tilespmem:s3+$0x9100] =	vst v40;
	v42 =	vld [tilespmem:$0xF80]  }
0x5ac: {  	v43 =	vadd.f32 v36, v5;
	[tilespmem:s4+$0x9100] =	vst v41  }
0x5ad: {  	s5 =	sor.u32 $0x1C20, s28;
	v44 =	vadd.f32 v36, v4;
	v45 =	vld [tilespmem:$0xF80]  }
0x5ae: {  	s6 =	sor.u32 $0x1C30, s28;
	[tilespmem:s5+$0x9100] =	vst v43;
	v46 =	vadd.f32 v39, v6  }
0x5af: {  	[tilespmem:s6+$0x9100] =	vst v44;
	v47 =	vadd.f32 v39, v3  }
0x5b0: {  	v48 =	vld [tilespmem:$0x1000];
	[tilespmem:s26+$0x9100] =	vst v46;
	v49 =	vadd.f32 v42, v7  }
0x5b1: {  	s7 =	sor.u32 $0x1C20, s2;
	[tilespmem:s24+$0x9100] =	vst v47;
	v50 =	vadd.f32 v42, v8  }
0x5b2: {  	s8 =	sor.u32 $0x1C30, s2;
	v51 =	vld [tilespmem:$0x1000];
	v52 =	vadd.f32 v45, v9;
	[tilespmem:s7+$0x9100] =	vst v49  }
0x5b3: {  	s9 =	sor.u32 $0x1C20, s1;
	v53 =	vadd.f32 v45, v10;
	[tilespmem:s8+$0x9100] =	vst v50  }
0x5b4: {  	v2 =	vadd.f32 v11, v2;
	s11 =	sor.u32 $0x1C30, s1;
	[tilespmem:s9+$0x9100] =	vst v52;
	v54 =	vld [tilespmem:$0x1000]  }
0x5b5: {  	v55 =	vadd.f32 v48, v5;
	[tilespmem:s11+$0x9100] =	vst v53  }
0x5b6: {  	[tilespmem:s21+$0x9100] =	vst v2;
	s12 =	sor.u32 $0x1C40, s28;
	v2 =	vadd.f32 v48, v4;
	v56 =	vld [tilespmem:$0x1000]  }
0x5b7: {  	s15 =	sor.u32 $0x1C50, s28;
	[tilespmem:s12+$0x9100] =	vst v55;
	v57 =	vadd.f32 v51, v6  }
0x5b8: {  	[tilespmem:s15+$0x9100] =	vst v2;
	v2 =	vadd.f32 v51, v3  }
0x5b9: {  	v58 =	vld [tilespmem:$0x1080];
	[tilespmem:s23+$0x9100] =	vst v57;
	v59 =	vadd.f32 v54, v7  }
0x5ba: {  	s17 =	sor.u32 $0x1C40, s2;
	[tilespmem:s22+$0x9100] =	vst v2;
	v2 =	vadd.f32 v54, v8  }
0x5bb: {  	s18 =	sor.u32 $0x1C50, s2;
	v60 =	vld [tilespmem:$0x1080];
	v61 =	vadd.f32 v56, v9;
	[tilespmem:s17+$0x9100] =	vst v59  }
0x5bc: {  	s19 =	sor.u32 $0x1C40, s1;
	[tilespmem:s18+$0x9100] =	vst v2;
	v2 =	vadd.f32 v56, v10  }
0x5bd: {  	v1 =	vadd.f32 v11, v1;
	s21 =	sor.u32 $0x1C50, s1;
	[tilespmem:s19+$0x9100] =	vst v61;
	v62 =	vld [tilespmem:$0x1080]  }
0x5be: {  	[tilespmem:s21+$0x9100] =	vst v2;
	v2 =	vadd.f32 v58, v5  }
0x5bf: {  	[tilespmem:s20+$0x9100] =	vst v1;
	v1 =	vadd.f32 v58, v4;
	s22 =	sor.u32 $0x1C60, s28;
	v63 =	vld [tilespmem:$0x1080]  }
0x5c0: {  	s23 =	sor.u32 $0x1C70, s28;
	[tilespmem:s22+$0x9100] =	vst v2;
	v2 =	vadd.f32 v60, v6  }
0x5c1: {  	[tilespmem:s23+$0x9100] =	vst v1;
	v1 =	vadd.f32 v60, v3  }
0x5c2: {  	[tilespmem:s14+$0x9100] =	vst v2;
	v2 =	vadd.f32 v62, v7  }
0x5c3: {  	s24 =	sor.u32 $0x1C60, s2;
	[tilespmem:s13+$0x9100] =	vst v1;
	v1 =	vadd.f32 v62, v8  }
0x5c4: {  	s25 =	sor.u32 $0x1C70, s2;
	[tilespmem:s24+$0x9100] =	vst v2;
	v2 =	vadd.f32 v63, v9  }
0x5c5: {  	s28 =	sor.u32 $0x1C60, s1;
	s26 =	rddreg [dreg:$0xa];
	[tilespmem:s25+$0x9100] =	vst v1;
	v1 =	vadd.f32 v63, v10  }
0x5c6: {  	s29 =	sor.u32 $0x1C70, s1;
	s2 =	sshll.u32 s26, $0xF;
	s3 =	rddreg [dreg:$0x7];
	[tilespmem:s28+$0x9100] =	vst v2  }
.Ltmp2:
0x5c7: {  	s2 =	sor.u32 s3, s2;
	[tilespmem:s29+$0x9100] =	vst v1;
	(pc) =	sbr.rel @p0 .LBB2_2-.Ltmp2, $4  }
0x5c8: {  	s30 =	sshrl.u32 s2, $0x3;
	s0 =	rddreg [dreg:$0x3]  }
0x5c9: {  	s31 =	simm.s32 $0x9100;
	s0 =	sadd.s32 s0, s30  }
0x5ca: {  	[hbm4b:s0+s16] =	stream.linear.scatter [tilespmem:s31], [sflag:$0x2], $0x8000, $0x38;
	[tilespmem:$0x11100] =	vst v63  }
0x5cb: {  	p2 =	por $0x0, $0x0;
	p1 =	por $0x1, $0x1;
	s0 =	simm.s32 $0x2  }
0x5cc: {  	s0 =	simm.s32 $0x1  }
0x5cd: {  	_ =	swait.ge [sflag:s0], $0x8000  }
0x5ce: {  	[sflag:s0] =	ssyncset.done $0x0  }
0x5cf: {  	s1 =	simm.s32 $0x2;
	[sflag:s0] =	ssyncadd.s32 $0xFFFF8000  }
0x5d0: {  	_ =	swait.ge [sflag:s1], $0x8000  }
0x5d1: {  	s2 =	rddreg [dreg:$0x9]  }
0x5d2: {  	s31 =	rddreg [dreg:$0x8];
	s2 =	sadd.s32 $0x1, s2  }
0x5d3: {  	p0 =	sne.s32 s2, s31  }
.Ltmp3:
0x5d4: {  	_ = 	snop;
	(pc) =	sbr.rel @p0 .LBB2_1-.Ltmp3, $3  }
0x5d5: {  	_ =	sdelay $0x1  }
0x5d6: {  	[sflag:s1] =	ssyncset.done $0x0  }
0x5d7: {  	[sflag:s1] =	ssyncadd.s32 $0xFFFF8000  }
0x5d8: {  	_ =	sfence.sel $0x180000  }
0x5d9: {  	[bflag:$0x0] =	sbarrier.arrive $0xFFFF  }
0x5da: {  	_ =	strace $0x90000047  }
0x5db: {  	s0 =	stileid.u32;
	[bflag:$0x2] =	sbarrier.arrive $0xFFFF  }
0x5dc: {  	p0 =	sne.s32 s0, $0x0;
	s0 =	rddreg [dreg:$0x2]  }
0x5dd: {  	s0 =	sadd.s32 @!p0 $0x100000, s0  }
0x5de: {  	[sflag:s0] =	ssyncadd.tile.s32 @!p0 $0x1;
	_ =	shalt  }
.Lfunc_end2:
_tile_overlayer_lowered:
.L_overlay_start_2:
0x5df: {  	(tag) =	ssettag $0x2  }
0x5e0: {  	s0 =	rddreg [dreg:$0x0];
	s2 =	stileid.u32  }
0x5e1: {  	s1 =	rddreg [dreg:$0x1];
	p0 =	sne.s32 s2, $0x0  }
0x5e2: {  	s3 =	rddreg [dreg:$0x2];
	[bflag:$0x3] =	sbarrier.arrive $0xFFFF;
	s2 =	simm.s32 @!p0 $0x1C03  }
0x5e3: {  	[timem:s3], [sflag:s2] =	dma.local @!p0 [hbm:s0], s1  }
0x5e4: {  	s0 =	simm.s32 @!p0 $0x3  }
0x5e5: {  	_ =	swait.ge @!p0 [sflag:s0], s1  }
0x5e6: {  	s1 =	ssub.s32 @!p0 $0x0, s1;
	[sflag:s0] =	ssyncset.done @!p0 $0x0  }
0x5e7: {  	[sflag:s0] =	ssyncadd.s32 @!p0 s1  }
0x5e8: {  	[bflag:$0x3] =	sbarrier.arrive $0xFFFF  }
0x5e9: {  	_ =	shalt  }

</sc_bundles>
